<compile_context>
chip_gen: v7x
topology: tpu7x:2x2x1
jax: 0.10.2.dev20260603
libtpu: 0.0.44.dev20260713+nightly
codegen_flags: <defaults>
</compile_context>

<pallas_src>
import functools

import numpy as np

import jax
import jax.numpy as jnp
from jax import lax
from jax.experimental import pallas as pl
from jax.experimental.pallas import tpu as pltpu
from jax.experimental.pallas import tpu_sc as plsc

N_NODES = 10000
N_EDGES = 320000
N_PAD = 10016
RPT = N_PAD // 16
CH = 80
TW = 96
C = 128
CPW1 = 168
CPW2 = 84
NBUF = 2
E_PAD = 16 * CPW1 * C
BLK = 2504
BLKA = 5008


def _unpack2(w):
    lo = lax.bitcast_convert_type(w << 16, jnp.float32)
    hi = lax.bitcast_convert_type(w & jnp.int32(-65536), jnp.float32)
    return lo, hi


_EV = np.concatenate([np.arange(32 * j, 32 * j + 16) for j in range(TW // 32)])
_OD = _EV + 16


def _pack_bf16(ta, tb):
    ua = lax.bitcast_convert_type(ta, jnp.uint32)
    ub = lax.bitcast_convert_type(tb, jnp.uint32)
    lo = (ua + jnp.uint32(0x8000)) >> jnp.uint32(16)
    hi = (ub + jnp.uint32(0x8000)) & jnp.uint32(0xFFFF0000)
    return lax.bitcast_convert_type(lo | hi, jnp.int32)


def _leaky_exp(v):
    return jnp.exp(jnp.where(v > 0, v, v * 0.2))


def _zero_stripe(buf, acc_sh, sid, width):
    zero16 = jnp.zeros((16,), jnp.float32)

    def zrow(r, carry):
        for j in range(width // 16):
            buf[r, pl.ds(j * 16, 16)] = zero16
        return carry

    lax.fori_loop(0, C, zrow, 0)
    base = sid * RPT
    for t in range(RPT // C):
        pltpu.sync_copy(buf, acc_sh.at[pl.ds(base + t * C, C)])
    rem = RPT % C
    if rem:
        pltpu.sync_copy(buf.at[pl.ds(0, rem)],
                        acc_sh.at[pl.ds(base + (RPT // C) * C, rem)])


def _sc_scratch(cpw):
    return [
        pltpu.VMEM((cpw, C), jnp.int32),
        pltpu.VMEM((cpw, C), jnp.int32),
        *[pltpu.VMEM((C, TW // 2), jnp.int32) for _ in range(NBUF)],
        *[pltpu.VMEM((C, 16), jnp.float32) for _ in range(NBUF)],
        *[pltpu.VMEM((C, CH), jnp.float32) for _ in range(NBUF)],
        pltpu.VMEM_SHARED((N_PAD, CH), jnp.float32),
        *[pltpu.SemaphoreType.DMA for _ in range(3 * NBUF)],
    ]


def _sc_edge_body(compute_fn, cpw, src_base_fn, tab_hbm, adst_hbm, out_hbm,
                  src_v, dst_v, rest, cid, sid):
    gs = rest[0:NBUF]
    as_ = rest[NBUF:2 * NBUF]
    ss = rest[2 * NBUF:3 * NBUF]
    acc_sh = rest[3 * NBUF]
    sems = rest[3 * NBUF + 1:]

    _zero_stripe(ss[0], acc_sh, sid, CH)
    plsc.subcore_barrier()

    def issue(k, g, a, sg, sa):
        pltpu.async_copy(tab_hbm.at[src_v.at[k]], g, sg)
        pltpu.async_copy(adst_hbm.at[dst_v.at[k]], a, sa)

    def wait(k, g, a, sg, sa):
        pltpu.make_async_copy(tab_hbm.at[src_v.at[k]], g, sg).wait()
        pltpu.make_async_copy(adst_hbm.at[dst_v.at[k]], a, sa).wait()

    bufs = tuple((gs[b], as_[b], ss[b], sems[3 * b], sems[3 * b + 1],
                  sems[3 * b + 2]) for b in range(NBUF))
    for b in range(NBUF):
        issue(b, bufs[b][0], bufs[b][1], bufs[b][3], bufs[b][4])

    def outer(j, carry):
        for b in range(NBUF):
            k = NBUF * j + b
            g, a, s, sg, sa, sc = bufs[b]
            wait(k, g, a, sg, sa)

            @pl.when(j > 0)
            def _():
                pltpu.make_async_copy(
                    s, acc_sh.at[dst_v.at[k]], sc).wait()

            compute_fn(g, a, s)
            pltpu.async_copy(s, acc_sh.at[dst_v.at[k]], sc, add=True)

            @pl.when(j < cpw // NBUF - 1)
            def _():
                issue(k + NBUF, g, a, sg, sa)
        return carry

    lax.fori_loop(0, cpw // NBUF, outer, 0)
    for b in range(NBUF):
        k = cpw - NBUF + b
        g, a, s, sg, sa, sc = bufs[b]
        pltpu.make_async_copy(s, acc_sh.at[dst_v.at[k]], sc).wait()
    plsc.subcore_barrier()
    base = sid * RPT
    pltpu.sync_copy(acc_sh.at[pl.ds(base, RPT)],
                    out_hbm.at[cid, pl.ds(base, RPT)])


def _sc_edge1():
    mesh = plsc.VectorSubcoreMesh(core_axis_name="c", subcore_axis_name="s")

    @functools.partial(
        pl.kernel,
        out_type=jax.ShapeDtypeStruct((2, N_PAD, CH), jnp.float32),
        mesh=mesh,
        scratch_types=_sc_scratch(CPW1),
        compiler_params=pltpu.CompilerParams(use_tc_tiling_on_sc=False),
    )
    def kern(src_hbm, dst_hbm, tab_hbm, adst_hbm, out_hbm,
             src_v, dst_v, *rest):
        cid = lax.axis_index("c")
        sid = lax.axis_index("s")

        pltpu.sync_copy(src_hbm.at[sid], src_v)
        pltpu.sync_copy(dst_hbm.at[sid], dst_v)

        off = jnp.zeros((16,), jnp.int32) + cid * N_PAD

        def adj(r, carry):
            for j in range(C // 16):
                src_v[r, pl.ds(j * 16, 16)] = src_v[r, pl.ds(j * 16, 16)] + off
            return carry

        lax.fori_loop(0, CPW1, adj, 0)

        j_den = lax.iota(jnp.int32, 16) % 4 + (8 + cid * 4)
        j_head = [jnp.full((16,), 8 + h, jnp.int32) + cid * 4 for h in range(4)]

        def compute(g, a, s):
            def edge(c, carry):
                m0, m1 = _unpack2(g[c, pl.ds(0, 16)])
                m2, m3 = _unpack2(g[c, pl.ds(16, 16)])
                meta, _ = _unpack2(g[c, pl.ds(32, 16)])
                alpha = meta + a[c, pl.ds(0, 16)]
                ex = _leaky_exp(alpha)
                sden = ex.at[j_den].get(mode="promise_in_bounds")
                s[c, pl.ds(64, 16)] = meta * sden
                for h, m in enumerate((m0, m1, m2, m3)):
                    sv = ex.at[j_head[h]].get(mode="promise_in_bounds")
                    s[c, pl.ds(h * 16, 16)] = m * sv
                return carry

            lax.fori_loop(0, C, edge, 0, unroll=4)

        _sc_edge_body(compute, CPW1, None, tab_hbm, adst_hbm, out_hbm,
                      src_v, dst_v, rest, cid, sid)

    return kern


def _sc_edge2():
    mesh = plsc.VectorSubcoreMesh(core_axis_name="c", subcore_axis_name="s")

    @functools.partial(
        pl.kernel,
        out_type=jax.ShapeDtypeStruct((2, N_PAD, CH), jnp.float32),
        mesh=mesh,
        scratch_types=_sc_scratch(CPW2),
        compiler_params=pltpu.CompilerParams(use_tc_tiling_on_sc=False),
    )
    def kern(src_hbm, dst_hbm, tab_hbm, adst_hbm, out_hbm,
             src_v, dst_v, *rest):
        cid = lax.axis_index("c")
        sid = lax.axis_index("s")
        wid = sid * 2 + cid

        pltpu.sync_copy(src_hbm.at[wid], src_v)
        pltpu.sync_copy(dst_hbm.at[wid], dst_v)

        j1 = jnp.full((16,), 1, jnp.int32)

        def compute(g, a, s):
            def edge(c, carry):
                m0, m1 = _unpack2(g[c, pl.ds(0, 16)])
                m2, m3 = _unpack2(g[c, pl.ds(16, 16)])
                meta, _ = _unpack2(g[c, pl.ds(32, 16)])
                alpha = meta + a[c, pl.ds(0, 16)]
                ex = _leaky_exp(alpha)
                sv = ex.at[j1].get(mode="promise_in_bounds")
                s[c, pl.ds(64, 16)] = meta * sv
                for h, m in enumerate((m0, m1, m2, m3)):
                    s[c, pl.ds(h * 16, 16)] = m * sv
                return carry

            lax.fori_loop(0, C, edge, 0, unroll=4)

        _sc_edge_body(compute, CPW2, None, tab_hbm, adst_hbm, out_hbm,
                      src_v, dst_v, rest, cid, sid)

    return kern


def _stage_a(x, we, wo, oe, oo, wd):
    def body(x_ref, we_ref, wo_ref, oe_ref, oo_ref, wd_ref, tab_ref, adst_ref):
        xb = x_ref[...]
        ta = jnp.dot(xb, we_ref[0], preferred_element_type=jnp.float32)
        tb = jnp.dot(xb, wo_ref[0], preferred_element_type=jnp.float32)
        tab_ref[0] = _pack_bf16(ta + oe_ref[...], tb + oo_ref[...])
        adst_ref[...] = jnp.dot(xb, wd_ref[...],
                                preferred_element_type=jnp.float32)

    hw = TW // 2
    return pl.pallas_call(
        body,
        grid=(2, N_NODES // 1000),
        in_specs=[
            pl.BlockSpec((1000, 128), lambda c, i: (i, 0)),
            pl.BlockSpec((1, 128, hw), lambda c, i: (c, 0, 0)),
            pl.BlockSpec((1, 128, hw), lambda c, i: (c, 0, 0)),
            pl.BlockSpec((1, hw), lambda c, i: (0, 0)),
            pl.BlockSpec((1, hw), lambda c, i: (0, 0)),
            pl.BlockSpec((128, 16), lambda c, i: (0, 0)),
        ],
        out_shape=[
            jax.ShapeDtypeStruct((2, N_PAD, hw), jnp.int32),
            jax.ShapeDtypeStruct((N_PAD, 16), jnp.float32),
        ],
        out_specs=[
            pl.BlockSpec((1, 1000, hw), lambda c, i: (c, i, 0)),
            pl.BlockSpec((1000, 16), lambda c, i: (i, 0)),
        ],
    )(x, we, wo, oe, oo, wd)


def _stage_c(acc1, b1r, w2e, w2o, o2e, o2o, wd2, rrep):
    def body(acc_ref, b1_ref, w2e_ref, w2o_ref, o2e_ref, o2o_ref, wd_ref,
             r_ref, tab_ref, adst_ref):
        p0 = acc_ref[0]
        p1 = acc_ref[1]
        num = jnp.concatenate([p0[:, 0:64], p1[:, 0:64]], axis=1)
        den8 = jnp.concatenate([p0[:, 64:68], p1[:, 64:68]], axis=1)
        den = jnp.dot(den8, r_ref[...], preferred_element_type=jnp.float32)
        h1 = num / den + b1_ref[...]
        h1 = jnp.where(h1 > 0, h1, jnp.exp(jnp.minimum(h1, 0.0)) - 1.0)
        ta = jnp.dot(h1, w2e_ref[...], preferred_element_type=jnp.float32)
        tb = jnp.dot(h1, w2o_ref[...], preferred_element_type=jnp.float32)
        tab_ref[...] = _pack_bf16(ta + o2e_ref[...], tb + o2o_ref[...])
        adst_ref[...] = jnp.dot(h1, wd_ref[...],
                                preferred_element_type=jnp.float32)

    hw = TW // 2
    return pl.pallas_call(
        body,
        grid=(N_PAD // BLKA,),
        in_specs=[
            pl.BlockSpec((2, BLKA, CH), lambda i: (0, i, 0)),
            pl.BlockSpec((1, 128), lambda i: (0, 0)),
            pl.BlockSpec((128, hw), lambda i: (0, 0)),
            pl.BlockSpec((128, hw), lambda i: (0, 0)),
            pl.BlockSpec((1, hw), lambda i: (0, 0)),
            pl.BlockSpec((1, hw), lambda i: (0, 0)),
            pl.BlockSpec((128, 16), lambda i: (0, 0)),
            pl.BlockSpec((8, 128), lambda i: (0, 0)),
        ],
        out_shape=[
            jax.ShapeDtypeStruct((N_PAD, hw), jnp.int32),
            jax.ShapeDtypeStruct((N_PAD, 16), jnp.float32),
        ],
        out_specs=[
            pl.BlockSpec((BLKA, hw), lambda i: (i, 0)),
            pl.BlockSpec((BLKA, 16), lambda i: (i, 0)),
        ],
    )(acc1, b1r, w2e, w2o, o2e, o2o, wd2, rrep)


def _stage_e(acc2, b2r, wm1, bm1r, wm2, bm2r):
    def body(acc_ref, b2_ref, wm1_ref, bm1_ref, wm2_ref, bm2_ref, s_ref, emb_ref):
        p = acc_ref[0] + acc_ref[1]
        emb = p[:, 0:64] / p[:, 64:65] + b2_ref[...]
        z = jnp.dot(emb, wm1_ref[...],
                    preferred_element_type=jnp.float32) + bm1_ref[...]
        z = jnp.maximum(z, 0.0)
        logits = jnp.dot(z, wm2_ref[...],
                         preferred_element_type=jnp.float32) + bm2_ref[...]
        m = jnp.max(logits, axis=1, keepdims=True)
        e = jnp.exp(logits - m)
        s_ref[...] = e / jnp.sum(e, axis=1, keepdims=True)
        emb_ref[...] = emb

    return pl.pallas_call(
        body,
        grid=(N_NODES // 1000,),
        in_specs=[
            pl.BlockSpec((2, 1000, CH), lambda i: (0, i, 0)),
            pl.BlockSpec((1, 64), lambda i: (0, 0)),
            pl.BlockSpec((64, 128), lambda i: (0, 0)),
            pl.BlockSpec((1, 128), lambda i: (0, 0)),
            pl.BlockSpec((128, 16), lambda i: (0, 0)),
            pl.BlockSpec((1, 16), lambda i: (0, 0)),
        ],
        out_shape=[
            jax.ShapeDtypeStruct((N_NODES, 16), jnp.float32),
            jax.ShapeDtypeStruct((N_NODES, 64), jnp.float32),
        ],
        out_specs=[
            pl.BlockSpec((1000, 16), lambda i: (i, 0)),
            pl.BlockSpec((1000, 64), lambda i: (i, 0)),
        ],
    )(acc2, b2r, wm1, bm1r, wm2, bm2r)


def kernel(x, edge_index, W1, att_src1, att_dst1, b1, W2, att_src2, att_dst2,
           b2, Wm1, bm1, Wm2, bm2):
    f32 = jnp.float32
    lanes = jnp.arange(128)
    abd_src = jnp.zeros((128, 8), f32).at[lanes, lanes // 16].set(att_src1.reshape(-1))
    abd_dst = jnp.zeros((128, 8), f32).at[lanes, lanes // 16].set(att_dst1.reshape(-1))
    wsrc = W1 @ abd_src
    wdst = W1 @ abd_dst
    z4 = jnp.zeros((128, 4), f32)
    z8 = jnp.zeros((128, 8), f32)
    z16 = jnp.zeros((128, 16), f32)
    wtab = jnp.stack([
        jnp.concatenate([W1[:, 0:64], z8, wsrc[:, 0:4], z4, z16], axis=1),
        jnp.concatenate([W1[:, 64:128], z8, z4, wsrc[:, 4:8], z16], axis=1),
    ])
    onesrow = jnp.concatenate(
        [jnp.zeros((1, 64), f32), jnp.ones((1, 4), f32), jnp.zeros((1, 28), f32)],
        axis=1)
    wd = jnp.concatenate([z8, wdst], axis=1)

    w2big = jnp.concatenate(
        [W2, jnp.zeros((128, 1), f32), W2 @ att_src2.T, jnp.zeros((128, 30), f32)],
        axis=1)
    ones2 = jnp.concatenate(
        [jnp.zeros((1, 64), f32), jnp.ones((1, 1), f32), jnp.zeros((1, 31), f32)],
        axis=1)
    wd2 = jnp.concatenate(
        [jnp.zeros((128, 1), f32), W2 @ att_dst2.T, jnp.zeros((128, 14), f32)],
        axis=1)
    rrep = jnp.kron(jnp.eye(8, dtype=f32), jnp.ones((1, 16), f32))

    loops = jnp.arange(N_NODES, dtype=jnp.int32)
    n_fill = E_PAD - N_EDGES - N_NODES
    src = jnp.concatenate([edge_index[0], loops,
                           jnp.zeros((n_fill,), jnp.int32)])
    dst = jnp.concatenate([edge_index[1], loops,
                           jnp.full((n_fill,), N_NODES, jnp.int32)])
    src1 = src.reshape(16, CPW1, C)
    dst1 = dst.reshape(16, CPW1, C)
    src2 = src.reshape(32, CPW2, C)
    dst2 = dst.reshape(32, CPW2, C)

    b1r = b1.reshape(1, 128)
    b2r = b2.reshape(1, 64)
    bm1r = bm1.reshape(1, 128)
    bm2r = bm2.reshape(1, 16)

    tab1, adst1p = _stage_a(x, wtab[:, :, _EV], wtab[:, :, _OD],
                            onesrow[:, _EV], onesrow[:, _OD], wd)
    acc1 = _sc_edge1()(src1, dst1, tab1.reshape(2 * N_PAD, TW // 2), adst1p)
    tab2, adst2p = _stage_c(acc1, b1r, w2big[:, _EV], w2big[:, _OD],
                            ones2[:, _EV], ones2[:, _OD], wd2, rrep)
    acc2 = _sc_edge2()(src2, dst2, tab2, adst2p)
    s, emb = _stage_e(acc2, b2r, Wm1, bm1r, Wm2, bm2r)
    return (s, emb)

# --- scband reference (transcript-rebuilt; emitter-appended) ---
"""Pipeline reference for scband-deep-module-net-14963666059384 (READ-ONLY COPY).

The authoritative reference and input builder live on the scoring server;
editing this copy changes nothing except your own understanding.
"""

import jax, jax.numpy as jnp
import numpy as np

N_NODES = 10000
N_EDGES = 320000
IN_CH = 128
HID = 16
HEADS = 8
OUT_CH = 64
N_CLUSTERS = 16


def setup_inputs(seed: int = 0):
    key = jax.random.key(seed)
    ks = jax.random.split(key, 12)
    x = jax.random.normal(ks[0], (N_NODES, IN_CH), dtype=jnp.float32)
    edge_index = jax.random.randint(ks[1], (2, N_EDGES), 0, N_NODES, dtype=jnp.int32)
    W1 = jax.random.normal(ks[2], (IN_CH, HEADS * HID), dtype=jnp.float32) / np.sqrt(IN_CH)
    att_src1 = jax.random.normal(ks[3], (HEADS, HID), dtype=jnp.float32) * 0.1
    att_dst1 = jax.random.normal(ks[4], (HEADS, HID), dtype=jnp.float32) * 0.1
    b1 = jnp.zeros((HEADS * HID,), dtype=jnp.float32)
    W2 = jax.random.normal(ks[5], (HEADS * HID, OUT_CH), dtype=jnp.float32) / np.sqrt(HEADS * HID)
    att_src2 = jax.random.normal(ks[6], (1, OUT_CH), dtype=jnp.float32) * 0.1
    att_dst2 = jax.random.normal(ks[7], (1, OUT_CH), dtype=jnp.float32) * 0.1
    b2 = jnp.zeros((OUT_CH,), dtype=jnp.float32)
    Wm1 = jax.random.normal(ks[8], (OUT_CH, 128), dtype=jnp.float32) / np.sqrt(OUT_CH)
    bm1 = jnp.zeros((128,), dtype=jnp.float32)
    Wm2 = jax.random.normal(ks[9], (128, N_CLUSTERS), dtype=jnp.float32) / np.sqrt(128.0)
    bm2 = jnp.zeros((N_CLUSTERS,), dtype=jnp.float32)
    return {"x": x, "edge_index": edge_index, "W1": W1, "att_src1": att_src1,
            "att_dst1": att_dst1, "b1": b1, "W2": W2, "att_src2": att_src2,
            "att_dst2": att_dst2, "b2": b2, "Wm1": Wm1, "bm1": bm1,
            "Wm2": Wm2, "bm2": bm2}


def _gat_layer(x, edge_index, W, att_src, att_dst, bias, heads, out_ch, concat):
    N = x.shape[0]
    h = (x @ W).reshape(N, heads, out_ch)
    src = edge_index[0]
    dst = edge_index[1]
    a_src = (h * att_src[None, :, :]).sum(-1)  # [N, heads]
    a_dst = (h * att_dst[None, :, :]).sum(-1)  # [N, heads]
    alpha = a_src[src] + a_dst[dst]            # [E, heads]
    alpha = jax.nn.leaky_relu(alpha, 0.2)
    amax = jax.ops.segment_max(alpha, dst, num_segments=N)
    amax = jnp.where(jnp.isfinite(amax), amax, 0.0)
    ex = jnp.exp(alpha - amax[dst])
    denom = jax.ops.segment_sum(ex, dst, num_segments=N)
    attn = ex / (denom[dst] + 1e-16)
    msg = h[src] * attn[:, :, None]            # [E, heads, out_ch]
    out = jax.ops.segment_sum(msg, dst, num_segments=N)
    if concat:
        out = out.reshape(N, heads * out_ch)
    else:
        out = out.mean(axis=1)
    return out + bias


def reference(x, edge_index, W1, att_src1, att_dst1, b1, W2, att_src2, att_dst2, b2, Wm1, bm1, Wm2, bm2):
    # eval mode: dropout(p=0.6) is identity
    N = x.shape[0]
    loops = jnp.arange(N, dtype=edge_index.dtype)
    ei = jnp.concatenate([edge_index, jnp.stack([loops, loops])], axis=1)
    h1 = jax.nn.elu(_gat_layer(x, ei, W1, att_src1, att_dst1, b1, HEADS, HID, True))
    emb = _gat_layer(h1, ei, W2, att_src2, att_dst2, b2, 1, OUT_CH, False)
    logits = jax.nn.relu(emb @ Wm1 + bm1) @ Wm2 + bm2
    s = jax.nn.softmax(logits, axis=1)
    return (s, emb)

if __name__ == "__main__":
    import jax
    _d = setup_inputs()
    print(jax.jit(kernel)(*tuple(_d.values())))

</pallas_src>

<mosaic_0001>
#map = affine_map<(d0, d1) -> (0, 0, 0)>
#map1 = affine_map<(d0, d1) -> (0, 0)>
module attributes {stable_mosaic.version = 14 : i64} {
  func.func @kern(%arg0: i32, %arg1: i32, %arg2: memref<32x84x128xi32, #tpu.memory_space<hbm>>, %arg3: memref<32x84x128xi32, #tpu.memory_space<hbm>>, %arg4: memref<10016x48xi32, #tpu.memory_space<hbm>>, %arg5: memref<10016x16xf32, #tpu.memory_space<hbm>>, %arg6: memref<2x10016x80xf32, #tpu.memory_space<hbm>>, %arg7: memref<84x128xi32, #tpu.memory_space<vmem>>, %arg8: memref<84x128xi32, #tpu.memory_space<vmem>>, %arg9: memref<128x48xi32, #tpu.memory_space<vmem>>, %arg10: memref<128x48xi32, #tpu.memory_space<vmem>>, %arg11: memref<128x16xf32, #tpu.memory_space<vmem>>, %arg12: memref<128x16xf32, #tpu.memory_space<vmem>>, %arg13: memref<128x80xf32, #tpu.memory_space<vmem>>, %arg14: memref<128x80xf32, #tpu.memory_space<vmem>>, %arg15: memref<10016x80xf32, #tpu.memory_space<vmem_shared>>, %arg16: memref<!tpu.dma_semaphore, #tpu.memory_space<semaphore_mem>>, %arg17: memref<!tpu.dma_semaphore, #tpu.memory_space<semaphore_mem>>, %arg18: memref<!tpu.dma_semaphore, #tpu.memory_space<semaphore_mem>>, %arg19: memref<!tpu.dma_semaphore, #tpu.memory_space<semaphore_mem>>, %arg20: memref<!tpu.dma_semaphore, #tpu.memory_space<semaphore_mem>>, %arg21: memref<!tpu.dma_semaphore, #tpu.memory_space<semaphore_mem>>) attributes {dimension_semantics = [#tpu.dimension_semantics<core_parallel>, #tpu.dimension_semantics<subcore_parallel>], iteration_bounds = array<i64: 2, 16>, scalar_prefetch = 0 : i64, scratch_operands = 15 : i64, tpu.core_type = #tpu.core_type<sc_vector_subcore>, window_params = [{transform_indices = #map}, {transform_indices = #map}, {transform_indices = #map1}, {transform_indices = #map1}, {transform_indices = #map}]} {
    %mul3A = arith.constant 2 : i32
    %mul3A_0 = arith.muli %arg1, %mul3A : i32
    %add3A = arith.addi %mul3A_0, %arg0 : i32
    "tpu.region"() ({
      %run_scoped3A = tpu.sem_alloc : memref<!tpu.dma_semaphore, #tpu.memory_space<semaphore_mem>>
      %dma_start3A_70 = arith.constant 0 : i32
      %dma_start3A_71 = arith.constant 0 : i32
      %dma_start3A_72 = tpu.memref_slice %arg2[%add3A, %dma_start3A_70, %dma_start3A_71] : memref<32x84x128xi32, #tpu.memory_space<hbm>> -> memref<1x84x128xi32, #tpu.memory_space<hbm>>
      %dma_start3A_73 = tpu.memref_squeeze %dma_start3A_72 : memref<1x84x128xi32, #tpu.memory_space<hbm>> -> memref<84x128xi32, #tpu.memory_space<hbm>>
      %dma_start3A_74 = arith.constant 0 : i32
      %dma_start3A_75 = arith.constant 0 : i32
      %dma_start3A_76 = tpu.memref_slice %arg2[%add3A, %dma_start3A_74, %dma_start3A_75] : memref<32x84x128xi32, #tpu.memory_space<hbm>> -> memref<1x84x128xi32, #tpu.memory_space<hbm>>
      %dma_start3A_77 = tpu.memref_squeeze %dma_start3A_76 : memref<1x84x128xi32, #tpu.memory_space<hbm>> -> memref<84x128xi32, #tpu.memory_space<hbm>>
      tpu.enqueue_dma source(%dma_start3A_77 : memref<84x128xi32, #tpu.memory_space<hbm>>) target(%arg7 : memref<84x128xi32, #tpu.memory_space<vmem>>) target_semaphore(%run_scoped3A : memref<!tpu.dma_semaphore, #tpu.memory_space<semaphore_mem>>)
      %dma_wait3A_78 = arith.constant 0 : i32
      %dma_wait3A_79 = arith.constant 0 : i32
      %dma_wait3A_80 = tpu.memref_slice %arg2[%add3A, %dma_wait3A_78, %dma_wait3A_79] : memref<32x84x128xi32, #tpu.memory_space<hbm>> -> memref<1x84x128xi32, #tpu.memory_space<hbm>>
      %dma_wait3A_81 = tpu.memref_squeeze %dma_wait3A_80 : memref<1x84x128xi32, #tpu.memory_space<hbm>> -> memref<84x128xi32, #tpu.memory_space<hbm>>
      %dma_wait3A_82 = arith.constant 0 : i32
      %dma_wait3A_83 = arith.constant 0 : i32
      %dma_wait3A_84 = tpu.memref_slice %arg2[%add3A, %dma_wait3A_82, %dma_wait3A_83] : memref<32x84x128xi32, #tpu.memory_space<hbm>> -> memref<1x84x128xi32, #tpu.memory_space<hbm>>
      %dma_wait3A_85 = tpu.memref_squeeze %dma_wait3A_84 : memref<1x84x128xi32, #tpu.memory_space<hbm>> -> memref<84x128xi32, #tpu.memory_space<hbm>>
      tpu.wait_dma2 semaphore(%run_scoped3A : memref<!tpu.dma_semaphore, #tpu.memory_space<semaphore_mem>>) src(%dma_wait3A_85 : memref<84x128xi32, #tpu.memory_space<hbm>>) dst(%arg7 : memref<84x128xi32, #tpu.memory_space<vmem>>)
      tpu.yield
    }) : () -> ()
    "tpu.region"() ({
      %run_scoped3A = tpu.sem_alloc : memref<!tpu.dma_semaphore, #tpu.memory_space<semaphore_mem>>
      %dma_start3A_70 = arith.constant 0 : i32
      %dma_start3A_71 = arith.constant 0 : i32
      %dma_start3A_72 = tpu.memref_slice %arg3[%add3A, %dma_start3A_70, %dma_start3A_71] : memref<32x84x128xi32, #tpu.memory_space<hbm>> -> memref<1x84x128xi32, #tpu.memory_space<hbm>>
      %dma_start3A_73 = tpu.memref_squeeze %dma_start3A_72 : memref<1x84x128xi32, #tpu.memory_space<hbm>> -> memref<84x128xi32, #tpu.memory_space<hbm>>
      %dma_start3A_74 = arith.constant 0 : i32
      %dma_start3A_75 = arith.constant 0 : i32
      %dma_start3A_76 = tpu.memref_slice %arg3[%add3A, %dma_start3A_74, %dma_start3A_75] : memref<32x84x128xi32, #tpu.memory_space<hbm>> -> memref<1x84x128xi32, #tpu.memory_space<hbm>>
      %dma_start3A_77 = tpu.memref_squeeze %dma_start3A_76 : memref<1x84x128xi32, #tpu.memory_space<hbm>> -> memref<84x128xi32, #tpu.memory_space<hbm>>
      tpu.enqueue_dma source(%dma_start3A_77 : memref<84x128xi32, #tpu.memory_space<hbm>>) target(%arg8 : memref<84x128xi32, #tpu.memory_space<vmem>>) target_semaphore(%run_scoped3A : memref<!tpu.dma_semaphore, #tpu.memory_space<semaphore_mem>>)
      %dma_wait3A_78 = arith.constant 0 : i32
      %dma_wait3A_79 = arith.constant 0 : i32
      %dma_wait3A_80 = tpu.memref_slice %arg3[%add3A, %dma_wait3A_78, %dma_wait3A_79] : memref<32x84x128xi32, #tpu.memory_space<hbm>> -> memref<1x84x128xi32, #tpu.memory_space<hbm>>
      %dma_wait3A_81 = tpu.memref_squeeze %dma_wait3A_80 : memref<1x84x128xi32, #tpu.memory_space<hbm>> -> memref<84x128xi32, #tpu.memory_space<hbm>>
      %dma_wait3A_82 = arith.constant 0 : i32
      %dma_wait3A_83 = arith.constant 0 : i32
      %dma_wait3A_84 = tpu.memref_slice %arg3[%add3A, %dma_wait3A_82, %dma_wait3A_83] : memref<32x84x128xi32, #tpu.memory_space<hbm>> -> memref<1x84x128xi32, #tpu.memory_space<hbm>>
      %dma_wait3A_85 = tpu.memref_squeeze %dma_wait3A_84 : memref<1x84x128xi32, #tpu.memory_space<hbm>> -> memref<84x128xi32, #tpu.memory_space<hbm>>
      tpu.wait_dma2 semaphore(%run_scoped3A : memref<!tpu.dma_semaphore, #tpu.memory_space<semaphore_mem>>) src(%dma_wait3A_85 : memref<84x128xi32, #tpu.memory_space<hbm>>) dst(%arg8 : memref<84x128xi32, #tpu.memory_space<vmem>>)
      tpu.yield
    }) : () -> ()
    %broadcast_in_dim3A = arith.constant 1 : i32
    %broadcast_in_dim3A_1 = vector.broadcast %broadcast_in_dim3A : i32 to vector<16xi32>
    %broadcast_in_dim3A_2 = arith.constant 0.000000e+00 : f32
    %broadcast_in_dim3A_3 = vector.broadcast %broadcast_in_dim3A_2 : f32 to vector<16xf32>
    %scan3A = arith.constant 0 : i32
    %scan3A_4 = arith.constant 0 : i32
    %scan3A_5 = arith.constant 128 : i32
    %scan3A_6 = arith.addi %scan3A_4, %scan3A_5 : i32
    %scan3A_7 = arith.constant 1 : i32
    scf.for %scan3A_70 = %scan3A_4 to %scan3A_6 step %scan3A_7  : i32 {
      %swap3A = arith.index_cast %scan3A_70 : i32 to index
      %swap3A_71 = arith.constant 0 : index
      %swap3A_72 = tpu.vector_load %arg13[%swap3A, %swap3A_71] {strides = array<i32>} : memref<128x80xf32, #tpu.memory_space<vmem>>, vector<1x16xf32>,
      %swap3A_73 = vector.shape_cast %swap3A_72 : vector<1x16xf32> to vector<16xf32>
      %swap3A_74 = vector.shape_cast %broadcast_in_dim3A_3 : vector<16xf32> to vector<1x16xf32>
      tpu.vector_store %arg13[%swap3A, %swap3A_71], %swap3A_74 {strides = array<i32>} : memref<128x80xf32, #tpu.memory_space<vmem>>, vector<1x16xf32>,
      %swap3A_75 = arith.index_cast %scan3A_70 : i32 to index
      %swap3A_76 = arith.constant 16 : index
      %swap3A_77 = tpu.vector_load %arg13[%swap3A_75, %swap3A_76] {strides = array<i32>} : memref<128x80xf32, #tpu.memory_space<vmem>>, vector<1x16xf32>,
      %swap3A_78 = vector.shape_cast %swap3A_77 : vector<1x16xf32> to vector<16xf32>
      %swap3A_79 = vector.shape_cast %broadcast_in_dim3A_3 : vector<16xf32> to vector<1x16xf32>
      tpu.vector_store %arg13[%swap3A_75, %swap3A_76], %swap3A_79 {strides = array<i32>} : memref<128x80xf32, #tpu.memory_space<vmem>>, vector<1x16xf32>,
      %swap3A_80 = arith.index_cast %scan3A_70 : i32 to index
      %swap3A_81 = arith.constant 32 : index
      %swap3A_82 = tpu.vector_load %arg13[%swap3A_80, %swap3A_81] {strides = array<i32>} : memref<128x80xf32, #tpu.memory_space<vmem>>, vector<1x16xf32>,
      %swap3A_83 = vector.shape_cast %swap3A_82 : vector<1x16xf32> to vector<16xf32>
      %swap3A_84 = vector.shape_cast %broadcast_in_dim3A_3 : vector<16xf32> to vector<1x16xf32>
      tpu.vector_store %arg13[%swap3A_80, %swap3A_81], %swap3A_84 {strides = array<i32>} : memref<128x80xf32, #tpu.memory_space<vmem>>, vector<1x16xf32>,
      %swap3A_85 = arith.index_cast %scan3A_70 : i32 to index
      %swap3A_86 = arith.constant 48 : index
      %swap3A_87 = tpu.vector_load %arg13[%swap3A_85, %swap3A_86] {strides = array<i32>} : memref<128x80xf32, #tpu.memory_space<vmem>>, vector<1x16xf32>,
      %swap3A_88 = vector.shape_cast %swap3A_87 : vector<1x16xf32> to vector<16xf32>
      %swap3A_89 = vector.shape_cast %broadcast_in_dim3A_3 : vector<16xf32> to vector<1x16xf32>
      tpu.vector_store %arg13[%swap3A_85, %swap3A_86], %swap3A_89 {strides = array<i32>} : memref<128x80xf32, #tpu.memory_space<vmem>>, vector<1x16xf32>,
      %swap3A_90 = arith.index_cast %scan3A_70 : i32 to index
      %swap3A_91 = arith.constant 64 : index
      %swap3A_92 = tpu.vector_load %arg13[%swap3A_90, %swap3A_91] {strides = array<i32>} : memref<128x80xf32, #tpu.memory_space<vmem>>, vector<1x16xf32>,
      %swap3A_93 = vector.shape_cast %swap3A_92 : vector<1x16xf32> to vector<16xf32>
      %swap3A_94 = vector.shape_cast %broadcast_in_dim3A_3 : vector<16xf32> to vector<1x16xf32>
      tpu.vector_store %arg13[%swap3A_90, %swap3A_91], %swap3A_94 {strides = array<i32>} : memref<128x80xf32, #tpu.memory_space<vmem>>, vector<1x16xf32>,
    }
    %scan3A_8 = arith.constant 128 : i32
    %mul3A_9 = arith.constant 626 : i32
    %mul3A_10 = arith.muli %arg1, %mul3A_9 : i32
    %add3A_11 = arith.constant 0 : i32
    %add3A_12 = arith.addi %mul3A_10, %add3A_11 : i32
    "tpu.region"() ({
      %run_scoped3A = tpu.sem_alloc : memref<!tpu.dma_semaphore, #tpu.memory_space<semaphore_mem>>
      %dma_start3A_70 = arith.constant 0 : i32
      %dma_start3A_71 = tpu.memref_slice %arg15[%add3A_12, %dma_start3A_70] : memref<10016x80xf32, #tpu.memory_space<vmem_shared>> -> memref<128x80xf32, #tpu.memory_space<vmem_shared>>
      %dma_start3A_72 = arith.constant 0 : i32
      %dma_start3A_73 = tpu.memref_slice %arg15[%add3A_12, %dma_start3A_72] : memref<10016x80xf32, #tpu.memory_space<vmem_shared>> -> memref<128x80xf32, #tpu.memory_space<vmem_shared>>
      tpu.enqueue_dma source(%arg13 : memref<128x80xf32, #tpu.memory_space<vmem>>) target(%dma_start3A_73 : memref<128x80xf32, #tpu.memory_space<vmem_shared>>) target_semaphore(%run_scoped3A : memref<!tpu.dma_semaphore, #tpu.memory_space<semaphore_mem>>)
      %dma_wait3A_74 = arith.constant 0 : i32
      %dma_wait3A_75 = tpu.memref_slice %arg15[%add3A_12, %dma_wait3A_74] : memref<10016x80xf32, #tpu.memory_space<vmem_shared>> -> memref<128x80xf32, #tpu.memory_space<vmem_shared>>
      %dma_wait3A_76 = arith.constant 0 : i32
      %dma_wait3A_77 = tpu.memref_slice %arg15[%add3A_12, %dma_wait3A_76] : memref<10016x80xf32, #tpu.memory_space<vmem_shared>> -> memref<128x80xf32, #tpu.memory_space<vmem_shared>>
      tpu.wait_dma2 semaphore(%run_scoped3A : memref<!tpu.dma_semaphore, #tpu.memory_space<semaphore_mem>>) src(%arg13 : memref<128x80xf32, #tpu.memory_space<vmem>>) dst(%dma_wait3A_77 : memref<128x80xf32, #tpu.memory_space<vmem_shared>>)
      tpu.yield
    }) : () -> ()
    %add3A_13 = arith.constant 128 : i32
    %add3A_14 = arith.addi %mul3A_10, %add3A_13 : i32
    "tpu.region"() ({
      %run_scoped3A = tpu.sem_alloc : memref<!tpu.dma_semaphore, #tpu.memory_space<semaphore_mem>>
      %dma_start3A_70 = arith.constant 0 : i32
      %dma_start3A_71 = tpu.memref_slice %arg15[%add3A_14, %dma_start3A_70] : memref<10016x80xf32, #tpu.memory_space<vmem_shared>> -> memref<128x80xf32, #tpu.memory_space<vmem_shared>>
      %dma_start3A_72 = arith.constant 0 : i32
      %dma_start3A_73 = tpu.memref_slice %arg15[%add3A_14, %dma_start3A_72] : memref<10016x80xf32, #tpu.memory_space<vmem_shared>> -> memref<128x80xf32, #tpu.memory_space<vmem_shared>>
      tpu.enqueue_dma source(%arg13 : memref<128x80xf32, #tpu.memory_space<vmem>>) target(%dma_start3A_73 : memref<128x80xf32, #tpu.memory_space<vmem_shared>>) target_semaphore(%run_scoped3A : memref<!tpu.dma_semaphore, #tpu.memory_space<semaphore_mem>>)
      %dma_wait3A_74 = arith.constant 0 : i32
      %dma_wait3A_75 = tpu.memref_slice %arg15[%add3A_14, %dma_wait3A_74] : memref<10016x80xf32, #tpu.memory_space<vmem_shared>> -> memref<128x80xf32, #tpu.memory_space<vmem_shared>>
      %dma_wait3A_76 = arith.constant 0 : i32
      %dma_wait3A_77 = tpu.memref_slice %arg15[%add3A_14, %dma_wait3A_76] : memref<10016x80xf32, #tpu.memory_space<vmem_shared>> -> memref<128x80xf32, #tpu.memory_space<vmem_shared>>
      tpu.wait_dma2 semaphore(%run_scoped3A : memref<!tpu.dma_semaphore, #tpu.memory_space<semaphore_mem>>) src(%arg13 : memref<128x80xf32, #tpu.memory_space<vmem>>) dst(%dma_wait3A_77 : memref<128x80xf32, #tpu.memory_space<vmem_shared>>)
      tpu.yield
    }) : () -> ()
    %add3A_15 = arith.constant 256 : i32
    %add3A_16 = arith.addi %mul3A_10, %add3A_15 : i32
    "tpu.region"() ({
      %run_scoped3A = tpu.sem_alloc : memref<!tpu.dma_semaphore, #tpu.memory_space<semaphore_mem>>
      %dma_start3A_70 = arith.constant 0 : i32
      %dma_start3A_71 = tpu.memref_slice %arg15[%add3A_16, %dma_start3A_70] : memref<10016x80xf32, #tpu.memory_space<vmem_shared>> -> memref<128x80xf32, #tpu.memory_space<vmem_shared>>
      %dma_start3A_72 = arith.constant 0 : i32
      %dma_start3A_73 = tpu.memref_slice %arg15[%add3A_16, %dma_start3A_72] : memref<10016x80xf32, #tpu.memory_space<vmem_shared>> -> memref<128x80xf32, #tpu.memory_space<vmem_shared>>
      tpu.enqueue_dma source(%arg13 : memref<128x80xf32, #tpu.memory_space<vmem>>) target(%dma_start3A_73 : memref<128x80xf32, #tpu.memory_space<vmem_shared>>) target_semaphore(%run_scoped3A : memref<!tpu.dma_semaphore, #tpu.memory_space<semaphore_mem>>)
      %dma_wait3A_74 = arith.constant 0 : i32
      %dma_wait3A_75 = tpu.memref_slice %arg15[%add3A_16, %dma_wait3A_74] : memref<10016x80xf32, #tpu.memory_space<vmem_shared>> -> memref<128x80xf32, #tpu.memory_space<vmem_shared>>
      %dma_wait3A_76 = arith.constant 0 : i32
      %dma_wait3A_77 = tpu.memref_slice %arg15[%add3A_16, %dma_wait3A_76] : memref<10016x80xf32, #tpu.memory_space<vmem_shared>> -> memref<128x80xf32, #tpu.memory_space<vmem_shared>>
      tpu.wait_dma2 semaphore(%run_scoped3A : memref<!tpu.dma_semaphore, #tpu.memory_space<semaphore_mem>>) src(%arg13 : memref<128x80xf32, #tpu.memory_space<vmem>>) dst(%dma_wait3A_77 : memref<128x80xf32, #tpu.memory_space<vmem_shared>>)
      tpu.yield
    }) : () -> ()
    %add3A_17 = arith.constant 384 : i32
    %add3A_18 = arith.addi %mul3A_10, %add3A_17 : i32
    "tpu.region"() ({
      %run_scoped3A = tpu.sem_alloc : memref<!tpu.dma_semaphore, #tpu.memory_space<semaphore_mem>>
      %dma_start3A_70 = arith.constant 0 : i32
      %dma_start3A_71 = tpu.memref_slice %arg15[%add3A_18, %dma_start3A_70] : memref<10016x80xf32, #tpu.memory_space<vmem_shared>> -> memref<128x80xf32, #tpu.memory_space<vmem_shared>>
      %dma_start3A_72 = arith.constant 0 : i32
      %dma_start3A_73 = tpu.memref_slice %arg15[%add3A_18, %dma_start3A_72] : memref<10016x80xf32, #tpu.memory_space<vmem_shared>> -> memref<128x80xf32, #tpu.memory_space<vmem_shared>>
      tpu.enqueue_dma source(%arg13 : memref<128x80xf32, #tpu.memory_space<vmem>>) target(%dma_start3A_73 : memref<128x80xf32, #tpu.memory_space<vmem_shared>>) target_semaphore(%run_scoped3A : memref<!tpu.dma_semaphore, #tpu.memory_space<semaphore_mem>>)
      %dma_wait3A_74 = arith.constant 0 : i32
      %dma_wait3A_75 = tpu.memref_slice %arg15[%add3A_18, %dma_wait3A_74] : memref<10016x80xf32, #tpu.memory_space<vmem_shared>> -> memref<128x80xf32, #tpu.memory_space<vmem_shared>>
      %dma_wait3A_76 = arith.constant 0 : i32
      %dma_wait3A_77 = tpu.memref_slice %arg15[%add3A_18, %dma_wait3A_76] : memref<10016x80xf32, #tpu.memory_space<vmem_shared>> -> memref<128x80xf32, #tpu.memory_space<vmem_shared>>
      tpu.wait_dma2 semaphore(%run_scoped3A : memref<!tpu.dma_semaphore, #tpu.memory_space<semaphore_mem>>) src(%arg13 : memref<128x80xf32, #tpu.memory_space<vmem>>) dst(%dma_wait3A_77 : memref<128x80xf32, #tpu.memory_space<vmem_shared>>)
      tpu.yield
    }) : () -> ()
    %add3A_19 = arith.constant 512 : i32
    %add3A_20 = arith.addi %mul3A_10, %add3A_19 : i32
    "tpu.region"() ({
      %run_scoped3A = tpu.sem_alloc : memref<!tpu.dma_semaphore, #tpu.memory_space<semaphore_mem>>
      %dma_start3A_70 = arith.constant 0 : i32
      %dma_start3A_71 = arith.constant 0 : i32
      %dma_start3A_72 = tpu.memref_slice %arg13[%dma_start3A_70, %dma_start3A_71] : memref<128x80xf32, #tpu.memory_space<vmem>> -> memref<114x80xf32, #tpu.memory_space<vmem>>
      %dma_start3A_73 = arith.constant 0 : i32
      %dma_start3A_74 = tpu.memref_slice %arg15[%add3A_20, %dma_start3A_73] : memref<10016x80xf32, #tpu.memory_space<vmem_shared>> -> memref<114x80xf32, #tpu.memory_space<vmem_shared>>
      %dma_start3A_75 = arith.constant 0 : i32
      %dma_start3A_76 = tpu.memref_slice %arg15[%add3A_20, %dma_start3A_75] : memref<10016x80xf32, #tpu.memory_space<vmem_shared>> -> memref<114x80xf32, #tpu.memory_space<vmem_shared>>
      %dma_start3A_77 = arith.constant 0 : i32
      %dma_start3A_78 = arith.constant 0 : i32
      %dma_start3A_79 = tpu.memref_slice %arg13[%dma_start3A_77, %dma_start3A_78] : memref<128x80xf32, #tpu.memory_space<vmem>> -> memref<114x80xf32, #tpu.memory_space<vmem>>
      tpu.enqueue_dma source(%dma_start3A_79 : memref<114x80xf32, #tpu.memory_space<vmem>>) target(%dma_start3A_76 : memref<114x80xf32, #tpu.memory_space<vmem_shared>>) target_semaphore(%run_scoped3A : memref<!tpu.dma_semaphore, #tpu.memory_space<semaphore_mem>>)
      %dma_wait3A_80 = arith.constant 0 : i32
      %dma_wait3A_81 = arith.constant 0 : i32
      %dma_wait3A_82 = tpu.memref_slice %arg13[%dma_wait3A_80, %dma_wait3A_81] : memref<128x80xf32, #tpu.memory_space<vmem>> -> memref<114x80xf32, #tpu.memory_space<vmem>>
      %dma_wait3A_83 = arith.constant 0 : i32
      %dma_wait3A_84 = tpu.memref_slice %arg15[%add3A_20, %dma_wait3A_83] : memref<10016x80xf32, #tpu.memory_space<vmem_shared>> -> memref<114x80xf32, #tpu.memory_space<vmem_shared>>
      %dma_wait3A_85 = arith.constant 0 : i32
      %dma_wait3A_86 = tpu.memref_slice %arg15[%add3A_20, %dma_wait3A_85] : memref<10016x80xf32, #tpu.memory_space<vmem_shared>> -> memref<114x80xf32, #tpu.memory_space<vmem_shared>>
      %dma_wait3A_87 = arith.constant 0 : i32
      %dma_wait3A_88 = arith.constant 0 : i32
      %dma_wait3A_89 = tpu.memref_slice %arg13[%dma_wait3A_87, %dma_wait3A_88] : memref<128x80xf32, #tpu.memory_space<vmem>> -> memref<114x80xf32, #tpu.memory_space<vmem>>
      tpu.wait_dma2 semaphore(%run_scoped3A : memref<!tpu.dma_semaphore, #tpu.memory_space<semaphore_mem>>) src(%dma_wait3A_89 : memref<114x80xf32, #tpu.memory_space<vmem>>) dst(%dma_wait3A_86 : memref<114x80xf32, #tpu.memory_space<vmem_shared>>)
      tpu.yield
    }) : () -> ()
    %barrier3A = arith.constant 0 : index
    tpu.barrier barrier_id(%barrier3A)
    %dma_start3A = arith.constant 0 : i32
    %dma_start3A_21 = arith.constant 0 : i32
    %dma_start3A_22 = tpu.memref_slice %arg7[%dma_start3A, %dma_start3A_21] : memref<84x128xi32, #tpu.memory_space<vmem>> -> memref<1x128xi32, #tpu.memory_space<vmem>>
    %dma_start3A_23 = tpu.memref_squeeze %dma_start3A_22 : memref<1x128xi32, #tpu.memory_space<vmem>> -> memref<128xi32, #tpu.memory_space<vmem>>
    %dma_start3A_24 = arith.constant 0 : i32
    %dma_start3A_25 = arith.constant 0 : i32
    %dma_start3A_26 = tpu.memref_slice %arg4[%dma_start3A_24, %dma_start3A_25] : memref<10016x48xi32, #tpu.memory_space<hbm>> -> memref<10016x48xi32, #tpu.memory_space<hbm>>
    tpu.enqueue_indirect_dma source(%dma_start3A_26 : memref<10016x48xi32, #tpu.memory_space<hbm>>) target(%arg9 : memref<128x48xi32, #tpu.memory_space<vmem>>) offsets(%dma_start3A_23 : memref<128xi32, #tpu.memory_space<vmem>>) semaphore(%arg16 : memref<!tpu.dma_semaphore, #tpu.memory_space<semaphore_mem>>)
    %dma_start3A_27 = arith.constant 0 : i32
    %dma_start3A_28 = arith.constant 0 : i32
    %dma_start3A_29 = tpu.memref_slice %arg8[%dma_start3A_27, %dma_start3A_28] : memref<84x128xi32, #tpu.memory_space<vmem>> -> memref<1x128xi32, #tpu.memory_space<vmem>>
    %dma_start3A_30 = tpu.memref_squeeze %dma_start3A_29 : memref<1x128xi32, #tpu.memory_space<vmem>> -> memref<128xi32, #tpu.memory_space<vmem>>
    %dma_start3A_31 = arith.constant 0 : i32
    %dma_start3A_32 = arith.constant 0 : i32
    %dma_start3A_33 = tpu.memref_slice %arg5[%dma_start3A_31, %dma_start3A_32] : memref<10016x16xf32, #tpu.memory_space<hbm>> -> memref<10016x16xf32, #tpu.memory_space<hbm>>
    tpu.enqueue_indirect_dma source(%dma_start3A_33 : memref<10016x16xf32, #tpu.memory_space<hbm>>) target(%arg11 : memref<128x16xf32, #tpu.memory_space<vmem>>) offsets(%dma_start3A_30 : memref<128xi32, #tpu.memory_space<vmem>>) semaphore(%arg17 : memref<!tpu.dma_semaphore, #tpu.memory_space<semaphore_mem>>)
    %dma_start3A_34 = arith.constant 1 : i32
    %dma_start3A_35 = arith.constant 0 : i32
    %dma_start3A_36 = tpu.memref_slice %arg7[%dma_start3A_34, %dma_start3A_35] : memref<84x128xi32, #tpu.memory_space<vmem>> -> memref<1x128xi32, #tpu.memory_space<vmem>>
    %dma_start3A_37 = tpu.memref_squeeze %dma_start3A_36 : memref<1x128xi32, #tpu.memory_space<vmem>> -> memref<128xi32, #tpu.memory_space<vmem>>
    %dma_start3A_38 = arith.constant 0 : i32
    %dma_start3A_39 = arith.constant 0 : i32
    %dma_start3A_40 = tpu.memref_slice %arg4[%dma_start3A_38, %dma_start3A_39] : memref<10016x48xi32, #tpu.memory_space<hbm>> -> memref<10016x48xi32, #tpu.memory_space<hbm>>
    tpu.enqueue_indirect_dma source(%dma_start3A_40 : memref<10016x48xi32, #tpu.memory_space<hbm>>) target(%arg10 : memref<128x48xi32, #tpu.memory_space<vmem>>) offsets(%dma_start3A_37 : memref<128xi32, #tpu.memory_space<vmem>>) semaphore(%arg19 : memref<!tpu.dma_semaphore, #tpu.memory_space<semaphore_mem>>)
    %dma_start3A_41 = arith.constant 1 : i32
    %dma_start3A_42 = arith.constant 0 : i32
    %dma_start3A_43 = tpu.memref_slice %arg8[%dma_start3A_41, %dma_start3A_42] : memref<84x128xi32, #tpu.memory_space<vmem>> -> memref<1x128xi32, #tpu.memory_space<vmem>>
    %dma_start3A_44 = tpu.memref_squeeze %dma_start3A_43 : memref<1x128xi32, #tpu.memory_space<vmem>> -> memref<128xi32, #tpu.memory_space<vmem>>
    %dma_start3A_45 = arith.constant 0 : i32
    %dma_start3A_46 = arith.constant 0 : i32
    %dma_start3A_47 = tpu.memref_slice %arg5[%dma_start3A_45, %dma_start3A_46] : memref<10016x16xf32, #tpu.memory_space<hbm>> -> memref<10016x16xf32, #tpu.memory_space<hbm>>
    tpu.enqueue_indirect_dma source(%dma_start3A_47 : memref<10016x16xf32, #tpu.memory_space<hbm>>) target(%arg12 : memref<128x16xf32, #tpu.memory_space<vmem>>) offsets(%dma_start3A_44 : memref<128xi32, #tpu.memory_space<vmem>>) semaphore(%arg20 : memref<!tpu.dma_semaphore, #tpu.memory_space<semaphore_mem>>)
    %scan3A_48 = arith.constant 0 : i32
    %scan3A_49 = arith.constant 0 : i32
    %scan3A_50 = arith.constant 42 : i32
    %scan3A_51 = arith.addi %scan3A_49, %scan3A_50 : i32
    %scan3A_52 = arith.constant 1 : i32
    scf.for %scan3A_70 = %scan3A_49 to %scan3A_51 step %scan3A_52  : i32 {
      %mul3A_71 = arith.constant 2 : i32
      %mul3A_72 = arith.muli %mul3A_71, %scan3A_70 : i32
      %add3A_73 = arith.constant 0 : i32
      %add3A_74 = arith.addi %mul3A_72, %add3A_73 : i32
      %dma_wait3A_75 = arith.constant 0 : i32
      %dma_wait3A_76 = tpu.memref_slice %arg7[%add3A_74, %dma_wait3A_75] : memref<84x128xi32, #tpu.memory_space<vmem>> -> memref<1x128xi32, #tpu.memory_space<vmem>>
      %dma_wait3A_77 = tpu.memref_squeeze %dma_wait3A_76 : memref<1x128xi32, #tpu.memory_space<vmem>> -> memref<128xi32, #tpu.memory_space<vmem>>
      %dma_wait3A_78 = arith.constant 0 : i32
      %dma_wait3A_79 = arith.constant 0 : i32
      %dma_wait3A_80 = tpu.memref_slice %arg4[%dma_wait3A_78, %dma_wait3A_79] : memref<10016x48xi32, #tpu.memory_space<hbm>> -> memref<10016x48xi32, #tpu.memory_space<hbm>>
      tpu.wait_indirect_dma semaphore(%arg16 : memref<!tpu.dma_semaphore, #tpu.memory_space<semaphore_mem>>) src(%dma_wait3A_80 : memref<10016x48xi32, #tpu.memory_space<hbm>>) dst(%arg9 : memref<128x48xi32, #tpu.memory_space<vmem>>)
      %dma_wait3A_81 = arith.constant 0 : i32
      %dma_wait3A_82 = tpu.memref_slice %arg8[%add3A_74, %dma_wait3A_81] : memref<84x128xi32, #tpu.memory_space<vmem>> -> memref<1x128xi32, #tpu.memory_space<vmem>>
      %dma_wait3A_83 = tpu.memref_squeeze %dma_wait3A_82 : memref<1x128xi32, #tpu.memory_space<vmem>> -> memref<128xi32, #tpu.memory_space<vmem>>
      %dma_wait3A_84 = arith.constant 0 : i32
      %dma_wait3A_85 = arith.constant 0 : i32
      %dma_wait3A_86 = tpu.memref_slice %arg5[%dma_wait3A_84, %dma_wait3A_85] : memref<10016x16xf32, #tpu.memory_space<hbm>> -> memref<10016x16xf32, #tpu.memory_space<hbm>>
      tpu.wait_indirect_dma semaphore(%arg17 : memref<!tpu.dma_semaphore, #tpu.memory_space<semaphore_mem>>) src(%dma_wait3A_86 : memref<10016x16xf32, #tpu.memory_space<hbm>>) dst(%arg11 : memref<128x16xf32, #tpu.memory_space<vmem>>)
      %gt3A = arith.constant 0 : i32
      %gt3A_87 = arith.cmpi sgt, %scan3A_70, %gt3A : i32
      %convert_element_type3A = arith.extui %gt3A_87 : i1 to i32
      %cond3A = arith.constant 0 : i32
      %cond3A_88 = arith.cmpi ne, %convert_element_type3A, %cond3A : i32
      scf.if %cond3A_88 {
        %dma_wait3A_143 = arith.constant 0 : i32
        %dma_wait3A_144 = tpu.memref_slice %arg8[%add3A_74, %dma_wait3A_143] : memref<84x128xi32, #tpu.memory_space<vmem>> -> memref<1x128xi32, #tpu.memory_space<vmem>>
        %dma_wait3A_145 = tpu.memref_squeeze %dma_wait3A_144 : memref<1x128xi32, #tpu.memory_space<vmem>> -> memref<128xi32, #tpu.memory_space<vmem>>
        %dma_wait3A_146 = arith.constant 0 : i32
        %dma_wait3A_147 = arith.constant 0 : i32
        %dma_wait3A_148 = tpu.memref_slice %arg15[%dma_wait3A_146, %dma_wait3A_147] : memref<10016x80xf32, #tpu.memory_space<vmem_shared>> -> memref<10016x80xf32, #tpu.memory_space<vmem_shared>>
        tpu.wait_indirect_dma semaphore(%arg18 : memref<!tpu.dma_semaphore, #tpu.memory_space<semaphore_mem>>) src(%arg13 : memref<128x80xf32, #tpu.memory_space<vmem>>) dst(%dma_wait3A_148 : memref<10016x80xf32, #tpu.memory_space<vmem_shared>>)
      } else {
      }
      %scan3A_89 = arith.constant 0 : i32
      %scan3A_90 = arith.constant 0 : i32
      %scan3A_91 = arith.constant 128 : i32
      %scan3A_92 = arith.addi %scan3A_90, %scan3A_91 : i32
      %scan3A_93 = arith.constant 4 : i32
      scf.for %scan3A_143 = %scan3A_90 to %scan3A_92 step %scan3A_93  : i32 {
        %get3A = arith.index_cast %scan3A_143 : i32 to index
        %get3A_144 = arith.constant 0 : index
        %get3A_145 = tpu.vector_load %arg9[%get3A, %get3A_144] {strides = array<i32>} : memref<128x48xi32, #tpu.memory_space<vmem>>, vector<1x16xi32>,
        %get3A_146 = vector.shape_cast %get3A_145 : vector<1x16xi32> to vector<16xi32>
        %shift_left3A = arith.constant 16 : i32
        %shift_left3A_147 = vector.broadcast %shift_left3A : i32 to vector<16xi32>
        %shift_left3A_148 = arith.shli %get3A_146, %shift_left3A_147 : vector<16xi32>
        %bitcast_convert_type3A = tpu.bitcast %shift_left3A_148 : vector<16xi32> -> vector<16xf32>
        %and3A = arith.constant -65536 : i32
        %and3A_149 = vector.broadcast %and3A : i32 to vector<16xi32>
        %and3A_150 = arith.andi %get3A_146, %and3A_149 : vector<16xi32>
        %bitcast_convert_type3A_151 = tpu.bitcast %and3A_150 : vector<16xi32> -> vector<16xf32>
        %get3A_152 = arith.index_cast %scan3A_143 : i32 to index
        %get3A_153 = arith.constant 16 : index
        %get3A_154 = tpu.vector_load %arg9[%get3A_152, %get3A_153] {strides = array<i32>} : memref<128x48xi32, #tpu.memory_space<vmem>>, vector<1x16xi32>,
        %get3A_155 = vector.shape_cast %get3A_154 : vector<1x16xi32> to vector<16xi32>
        %shift_left3A_156 = arith.constant 16 : i32
        %shift_left3A_157 = vector.broadcast %shift_left3A_156 : i32 to vector<16xi32>
        %shift_left3A_158 = arith.shli %get3A_155, %shift_left3A_157 : vector<16xi32>
        %bitcast_convert_type3A_159 = tpu.bitcast %shift_left3A_158 : vector<16xi32> -> vector<16xf32>
        %and3A_160 = arith.constant -65536 : i32
        %and3A_161 = vector.broadcast %and3A_160 : i32 to vector<16xi32>
        %and3A_162 = arith.andi %get3A_155, %and3A_161 : vector<16xi32>
        %bitcast_convert_type3A_163 = tpu.bitcast %and3A_162 : vector<16xi32> -> vector<16xf32>
        %get3A_164 = arith.index_cast %scan3A_143 : i32 to index
        %get3A_165 = arith.constant 32 : index
        %get3A_166 = tpu.vector_load %arg9[%get3A_164, %get3A_165] {strides = array<i32>} : memref<128x48xi32, #tpu.memory_space<vmem>>, vector<1x16xi32>,
        %get3A_167 = vector.shape_cast %get3A_166 : vector<1x16xi32> to vector<16xi32>
        %shift_left3A_168 = arith.constant 16 : i32
        %shift_left3A_169 = vector.broadcast %shift_left3A_168 : i32 to vector<16xi32>
        %shift_left3A_170 = arith.shli %get3A_167, %shift_left3A_169 : vector<16xi32>
        %bitcast_convert_type3A_171 = tpu.bitcast %shift_left3A_170 : vector<16xi32> -> vector<16xf32>
        %and3A_172 = arith.constant -65536 : i32
        %and3A_173 = vector.broadcast %and3A_172 : i32 to vector<16xi32>
        %and3A_174 = arith.andi %get3A_167, %and3A_173 : vector<16xi32>
        %bitcast_convert_type3A_175 = tpu.bitcast %and3A_174 : vector<16xi32> -> vector<16xf32>
        %get3A_176 = arith.index_cast %scan3A_143 : i32 to index
        %get3A_177 = arith.constant 0 : index
        %get3A_178 = tpu.vector_load %arg11[%get3A_176, %get3A_177] {strides = array<i32>} : memref<128x16xf32, #tpu.memory_space<vmem>>, vector<1x16xf32>,
        %get3A_179 = vector.shape_cast %get3A_178 : vector<1x16xf32> to vector<16xf32>
        %add3A_180 = arith.addf %bitcast_convert_type3A_171, %get3A_179 : vector<16xf32>
        %gt3A_181 = arith.constant 0.000000e+00 : f32
        %gt3A_182 = vector.broadcast %gt3A_181 : f32 to vector<16xf32>
        %gt3A_183 = arith.cmpf ogt, %add3A_180, %gt3A_182 : vector<16xf32>
        %mul3A_184 = arith.constant 2.000000e-01 : f32
        %mul3A_185 = vector.broadcast %mul3A_184 : f32 to vector<16xf32>
        %mul3A_186 = arith.mulf %add3A_180, %mul3A_185 : vector<16xf32>
        %select_n3A = arith.select %gt3A_183, %add3A_180, %mul3A_186 : vector<16xi1>, vector<16xf32>
        %exp3A = math.exp %select_n3A : vector<16xf32>
        %lt3A_187 = arith.constant 0 : i32
        %lt3A_188 = vector.broadcast %lt3A_187 : i32 to vector<16xi32>
        %lt3A_189 = arith.cmpi slt, %broadcast_in_dim3A_1, %lt3A_188 : vector<16xi32>
        %add3A_190 = arith.constant 16 : i32
        %add3A_191 = vector.broadcast %add3A_190 : i32 to vector<16xi32>
        %add3A_192 = arith.addi %broadcast_in_dim3A_1, %add3A_191 : vector<16xi32>
        %select_n3A_193 = arith.select %lt3A_189, %add3A_192, %broadcast_in_dim3A_1 : vector<16xi1>, vector<16xi32>
        %broadcast_in_dim3A_194 = vector.shape_cast %select_n3A_193 : vector<16xi32> to vector<16x1xi32>
        %gather3A = vector.shape_cast %broadcast_in_dim3A_194 : vector<16x1xi32> to vector<16xi32>
        %gather3A_195 = tpu.dynamic_gather %exp3A[%gather3A] in [0] : vector<16xf32>, vector<16xi32> -> vector<16xf32>
        %mul3A_196 = arith.mulf %bitcast_convert_type3A_171, %gather3A_195 : vector<16xf32>
        %swap3A = arith.index_cast %scan3A_143 : i32 to index
        %swap3A_197 = arith.constant 64 : index
        %swap3A_198 = tpu.vector_load %arg13[%swap3A, %swap3A_197] {strides = array<i32>} : memref<128x80xf32, #tpu.memory_space<vmem>>, vector<1x16xf32>,
        %swap3A_199 = vector.shape_cast %swap3A_198 : vector<1x16xf32> to vector<16xf32>
        %swap3A_200 = vector.shape_cast %mul3A_196 : vector<16xf32> to vector<1x16xf32>
        tpu.vector_store %arg13[%swap3A, %swap3A_197], %swap3A_200 {strides = array<i32>} : memref<128x80xf32, #tpu.memory_space<vmem>>, vector<1x16xf32>,
        %mul3A_201 = arith.mulf %bitcast_convert_type3A, %gather3A_195 : vector<16xf32>
        %swap3A_202 = arith.index_cast %scan3A_143 : i32 to index
        %swap3A_203 = arith.constant 0 : index
        %swap3A_204 = tpu.vector_load %arg13[%swap3A_202, %swap3A_203] {strides = array<i32>} : memref<128x80xf32, #tpu.memory_space<vmem>>, vector<1x16xf32>,
        %swap3A_205 = vector.shape_cast %swap3A_204 : vector<1x16xf32> to vector<16xf32>
        %swap3A_206 = vector.shape_cast %mul3A_201 : vector<16xf32> to vector<1x16xf32>
        tpu.vector_store %arg13[%swap3A_202, %swap3A_203], %swap3A_206 {strides = array<i32>} : memref<128x80xf32, #tpu.memory_space<vmem>>, vector<1x16xf32>,
        %mul3A_207 = arith.mulf %bitcast_convert_type3A_151, %gather3A_195 : vector<16xf32>
        %swap3A_208 = arith.index_cast %scan3A_143 : i32 to index
        %swap3A_209 = arith.constant 16 : index
        %swap3A_210 = tpu.vector_load %arg13[%swap3A_208, %swap3A_209] {strides = array<i32>} : memref<128x80xf32, #tpu.memory_space<vmem>>, vector<1x16xf32>,
        %swap3A_211 = vector.shape_cast %swap3A_210 : vector<1x16xf32> to vector<16xf32>
        %swap3A_212 = vector.shape_cast %mul3A_207 : vector<16xf32> to vector<1x16xf32>
        tpu.vector_store %arg13[%swap3A_208, %swap3A_209], %swap3A_212 {strides = array<i32>} : memref<128x80xf32, #tpu.memory_space<vmem>>, vector<1x16xf32>,
        %mul3A_213 = arith.mulf %bitcast_convert_type3A_159, %gather3A_195 : vector<16xf32>
        %swap3A_214 = arith.index_cast %scan3A_143 : i32 to index
        %swap3A_215 = arith.constant 32 : index
        %swap3A_216 = tpu.vector_load %arg13[%swap3A_214, %swap3A_215] {strides = array<i32>} : memref<128x80xf32, #tpu.memory_space<vmem>>, vector<1x16xf32>,
        %swap3A_217 = vector.shape_cast %swap3A_216 : vector<1x16xf32> to vector<16xf32>
        %swap3A_218 = vector.shape_cast %mul3A_213 : vector<16xf32> to vector<1x16xf32>
        tpu.vector_store %arg13[%swap3A_214, %swap3A_215], %swap3A_218 {strides = array<i32>} : memref<128x80xf32, #tpu.memory_space<vmem>>, vector<1x16xf32>,
        %mul3A_219 = arith.mulf %bitcast_convert_type3A_163, %gather3A_195 : vector<16xf32>
        %swap3A_220 = arith.index_cast %scan3A_143 : i32 to index
        %swap3A_221 = arith.constant 48 : index
        %swap3A_222 = tpu.vector_load %arg13[%swap3A_220, %swap3A_221] {strides = array<i32>} : memref<128x80xf32, #tpu.memory_space<vmem>>, vector<1x16xf32>,
        %swap3A_223 = vector.shape_cast %swap3A_222 : vector<1x16xf32> to vector<16xf32>
        %swap3A_224 = vector.shape_cast %mul3A_219 : vector<16xf32> to vector<1x16xf32>
        tpu.vector_store %arg13[%swap3A_220, %swap3A_221], %swap3A_224 {strides = array<i32>} : memref<128x80xf32, #tpu.memory_space<vmem>>, vector<1x16xf32>,
        %scan3A_225 = arith.constant 1 : i32
        %scan3A_226 = arith.addi %scan3A_143, %scan3A_225 : i32
        %get3A_227 = arith.index_cast %scan3A_226 : i32 to index
        %get3A_228 = arith.constant 0 : index
        %get3A_229 = tpu.vector_load %arg9[%get3A_227, %get3A_228] {strides = array<i32>} : memref<128x48xi32, #tpu.memory_space<vmem>>, vector<1x16xi32>,
        %get3A_230 = vector.shape_cast %get3A_229 : vector<1x16xi32> to vector<16xi32>
        %shift_left3A_231 = arith.constant 16 : i32
        %shift_left3A_232 = vector.broadcast %shift_left3A_231 : i32 to vector<16xi32>
        %shift_left3A_233 = arith.shli %get3A_230, %shift_left3A_232 : vector<16xi32>
        %bitcast_convert_type3A_234 = tpu.bitcast %shift_left3A_233 : vector<16xi32> -> vector<16xf32>
        %and3A_235 = arith.constant -65536 : i32
        %and3A_236 = vector.broadcast %and3A_235 : i32 to vector<16xi32>
        %and3A_237 = arith.andi %get3A_230, %and3A_236 : vector<16xi32>
        %bitcast_convert_type3A_238 = tpu.bitcast %and3A_237 : vector<16xi32> -> vector<16xf32>
        %get3A_239 = arith.index_cast %scan3A_226 : i32 to index
        %get3A_240 = arith.constant 16 : index
        %get3A_241 = tpu.vector_load %arg9[%get3A_239, %get3A_240] {strides = array<i32>} : memref<128x48xi32, #tpu.memory_space<vmem>>, vector<1x16xi32>,
        %get3A_242 = vector.shape_cast %get3A_241 : vector<1x16xi32> to vector<16xi32>
        %shift_left3A_243 = arith.constant 16 : i32
        %shift_left3A_244 = vector.broadcast %shift_left3A_243 : i32 to vector<16xi32>
        %shift_left3A_245 = arith.shli %get3A_242, %shift_left3A_244 : vector<16xi32>
        %bitcast_convert_type3A_246 = tpu.bitcast %shift_left3A_245 : vector<16xi32> -> vector<16xf32>
        %and3A_247 = arith.constant -65536 : i32
        %and3A_248 = vector.broadcast %and3A_247 : i32 to vector<16xi32>
        %and3A_249 = arith.andi %get3A_242, %and3A_248 : vector<16xi32>
        %bitcast_convert_type3A_250 = tpu.bitcast %and3A_249 : vector<16xi32> -> vector<16xf32>
        %get3A_251 = arith.index_cast %scan3A_226 : i32 to index
        %get3A_252 = arith.constant 32 : index
        %get3A_253 = tpu.vector_load %arg9[%get3A_251, %get3A_252] {strides = array<i32>} : memref<128x48xi32, #tpu.memory_space<vmem>>, vector<1x16xi32>,
        %get3A_254 = vector.shape_cast %get3A_253 : vector<1x16xi32> to vector<16xi32>
        %shift_left3A_255 = arith.constant 16 : i32
        %shift_left3A_256 = vector.broadcast %shift_left3A_255 : i32 to vector<16xi32>
        %shift_left3A_257 = arith.shli %get3A_254, %shift_left3A_256 : vector<16xi32>
        %bitcast_convert_type3A_258 = tpu.bitcast %shift_left3A_257 : vector<16xi32> -> vector<16xf32>
        %and3A_259 = arith.constant -65536 : i32
        %and3A_260 = vector.broadcast %and3A_259 : i32 to vector<16xi32>
        %and3A_261 = arith.andi %get3A_254, %and3A_260 : vector<16xi32>
        %bitcast_convert_type3A_262 = tpu.bitcast %and3A_261 : vector<16xi32> -> vector<16xf32>
        %get3A_263 = arith.index_cast %scan3A_226 : i32 to index
        %get3A_264 = arith.constant 0 : index
        %get3A_265 = tpu.vector_load %arg11[%get3A_263, %get3A_264] {strides = array<i32>} : memref<128x16xf32, #tpu.memory_space<vmem>>, vector<1x16xf32>,
        %get3A_266 = vector.shape_cast %get3A_265 : vector<1x16xf32> to vector<16xf32>
        %add3A_267 = arith.addf %bitcast_convert_type3A_258, %get3A_266 : vector<16xf32>
        %gt3A_268 = arith.constant 0.000000e+00 : f32
        %gt3A_269 = vector.broadcast %gt3A_268 : f32 to vector<16xf32>
        %gt3A_270 = arith.cmpf ogt, %add3A_267, %gt3A_269 : vector<16xf32>
        %mul3A_271 = arith.constant 2.000000e-01 : f32
        %mul3A_272 = vector.broadcast %mul3A_271 : f32 to vector<16xf32>
        %mul3A_273 = arith.mulf %add3A_267, %mul3A_272 : vector<16xf32>
        %select_n3A_274 = arith.select %gt3A_270, %add3A_267, %mul3A_273 : vector<16xi1>, vector<16xf32>
        %exp3A_275 = math.exp %select_n3A_274 : vector<16xf32>
        %lt3A_276 = arith.constant 0 : i32
        %lt3A_277 = vector.broadcast %lt3A_276 : i32 to vector<16xi32>
        %lt3A_278 = arith.cmpi slt, %broadcast_in_dim3A_1, %lt3A_277 : vector<16xi32>
        %add3A_279 = arith.constant 16 : i32
        %add3A_280 = vector.broadcast %add3A_279 : i32 to vector<16xi32>
        %add3A_281 = arith.addi %broadcast_in_dim3A_1, %add3A_280 : vector<16xi32>
        %select_n3A_282 = arith.select %lt3A_278, %add3A_281, %broadcast_in_dim3A_1 : vector<16xi1>, vector<16xi32>
        %broadcast_in_dim3A_283 = vector.shape_cast %select_n3A_282 : vector<16xi32> to vector<16x1xi32>
        %gather3A_284 = vector.shape_cast %broadcast_in_dim3A_283 : vector<16x1xi32> to vector<16xi32>
        %gather3A_285 = tpu.dynamic_gather %exp3A_275[%gather3A_284] in [0] : vector<16xf32>, vector<16xi32> -> vector<16xf32>
        %mul3A_286 = arith.mulf %bitcast_convert_type3A_258, %gather3A_285 : vector<16xf32>
        %swap3A_287 = arith.index_cast %scan3A_226 : i32 to index
        %swap3A_288 = arith.constant 64 : index
        %swap3A_289 = tpu.vector_load %arg13[%swap3A_287, %swap3A_288] {strides = array<i32>} : memref<128x80xf32, #tpu.memory_space<vmem>>, vector<1x16xf32>,
        %swap3A_290 = vector.shape_cast %swap3A_289 : vector<1x16xf32> to vector<16xf32>
        %swap3A_291 = vector.shape_cast %mul3A_286 : vector<16xf32> to vector<1x16xf32>
        tpu.vector_store %arg13[%swap3A_287, %swap3A_288], %swap3A_291 {strides = array<i32>} : memref<128x80xf32, #tpu.memory_space<vmem>>, vector<1x16xf32>,
        %mul3A_292 = arith.mulf %bitcast_convert_type3A_234, %gather3A_285 : vector<16xf32>
        %swap3A_293 = arith.index_cast %scan3A_226 : i32 to index
        %swap3A_294 = arith.constant 0 : index
        %swap3A_295 = tpu.vector_load %arg13[%swap3A_293, %swap3A_294] {strides = array<i32>} : memref<128x80xf32, #tpu.memory_space<vmem>>, vector<1x16xf32>,
        %swap3A_296 = vector.shape_cast %swap3A_295 : vector<1x16xf32> to vector<16xf32>
        %swap3A_297 = vector.shape_cast %mul3A_292 : vector<16xf32> to vector<1x16xf32>
        tpu.vector_store %arg13[%swap3A_293, %swap3A_294], %swap3A_297 {strides = array<i32>} : memref<128x80xf32, #tpu.memory_space<vmem>>, vector<1x16xf32>,
        %mul3A_298 = arith.mulf %bitcast_convert_type3A_238, %gather3A_285 : vector<16xf32>
        %swap3A_299 = arith.index_cast %scan3A_226 : i32 to index
        %swap3A_300 = arith.constant 16 : index
        %swap3A_301 = tpu.vector_load %arg13[%swap3A_299, %swap3A_300] {strides = array<i32>} : memref<128x80xf32, #tpu.memory_space<vmem>>, vector<1x16xf32>,
        %swap3A_302 = vector.shape_cast %swap3A_301 : vector<1x16xf32> to vector<16xf32>
        %swap3A_303 = vector.shape_cast %mul3A_298 : vector<16xf32> to vector<1x16xf32>
        tpu.vector_store %arg13[%swap3A_299, %swap3A_300], %swap3A_303 {strides = array<i32>} : memref<128x80xf32, #tpu.memory_space<vmem>>, vector<1x16xf32>,
        %mul3A_304 = arith.mulf %bitcast_convert_type3A_246, %gather3A_285 : vector<16xf32>
        %swap3A_305 = arith.index_cast %scan3A_226 : i32 to index
        %swap3A_306 = arith.constant 32 : index
        %swap3A_307 = tpu.vector_load %arg13[%swap3A_305, %swap3A_306] {strides = array<i32>} : memref<128x80xf32, #tpu.memory_space<vmem>>, vector<1x16xf32>,
        %swap3A_308 = vector.shape_cast %swap3A_307 : vector<1x16xf32> to vector<16xf32>
        %swap3A_309 = vector.shape_cast %mul3A_304 : vector<16xf32> to vector<1x16xf32>
        tpu.vector_store %arg13[%swap3A_305, %swap3A_306], %swap3A_309 {strides = array<i32>} : memref<128x80xf32, #tpu.memory_space<vmem>>, vector<1x16xf32>,
        %mul3A_310 = arith.mulf %bitcast_convert_type3A_250, %gather3A_285 : vector<16xf32>
        %swap3A_311 = arith.index_cast %scan3A_226 : i32 to index
        %swap3A_312 = arith.constant 48 : index
        %swap3A_313 = tpu.vector_load %arg13[%swap3A_311, %swap3A_312] {strides = array<i32>} : memref<128x80xf32, #tpu.memory_space<vmem>>, vector<1x16xf32>,
        %swap3A_314 = vector.shape_cast %swap3A_313 : vector<1x16xf32> to vector<16xf32>
        %swap3A_315 = vector.shape_cast %mul3A_310 : vector<16xf32> to vector<1x16xf32>
        tpu.vector_store %arg13[%swap3A_311, %swap3A_312], %swap3A_315 {strides = array<i32>} : memref<128x80xf32, #tpu.memory_space<vmem>>, vector<1x16xf32>,
        %scan3A_316 = arith.constant 2 : i32
        %scan3A_317 = arith.addi %scan3A_143, %scan3A_316 : i32
        %get3A_318 = arith.index_cast %scan3A_317 : i32 to index
        %get3A_319 = arith.constant 0 : index
        %get3A_320 = tpu.vector_load %arg9[%get3A_318, %get3A_319] {strides = array<i32>} : memref<128x48xi32, #tpu.memory_space<vmem>>, vector<1x16xi32>,
        %get3A_321 = vector.shape_cast %get3A_320 : vector<1x16xi32> to vector<16xi32>
        %shift_left3A_322 = arith.constant 16 : i32
        %shift_left3A_323 = vector.broadcast %shift_left3A_322 : i32 to vector<16xi32>
        %shift_left3A_324 = arith.shli %get3A_321, %shift_left3A_323 : vector<16xi32>
        %bitcast_convert_type3A_325 = tpu.bitcast %shift_left3A_324 : vector<16xi32> -> vector<16xf32>
        %and3A_326 = arith.constant -65536 : i32
        %and3A_327 = vector.broadcast %and3A_326 : i32 to vector<16xi32>
        %and3A_328 = arith.andi %get3A_321, %and3A_327 : vector<16xi32>
        %bitcast_convert_type3A_329 = tpu.bitcast %and3A_328 : vector<16xi32> -> vector<16xf32>
        %get3A_330 = arith.index_cast %scan3A_317 : i32 to index
        %get3A_331 = arith.constant 16 : index
        %get3A_332 = tpu.vector_load %arg9[%get3A_330, %get3A_331] {strides = array<i32>} : memref<128x48xi32, #tpu.memory_space<vmem>>, vector<1x16xi32>,
        %get3A_333 = vector.shape_cast %get3A_332 : vector<1x16xi32> to vector<16xi32>
        %shift_left3A_334 = arith.constant 16 : i32
        %shift_left3A_335 = vector.broadcast %shift_left3A_334 : i32 to vector<16xi32>
        %shift_left3A_336 = arith.shli %get3A_333, %shift_left3A_335 : vector<16xi32>
        %bitcast_convert_type3A_337 = tpu.bitcast %shift_left3A_336 : vector<16xi32> -> vector<16xf32>
        %and3A_338 = arith.constant -65536 : i32
        %and3A_339 = vector.broadcast %and3A_338 : i32 to vector<16xi32>
        %and3A_340 = arith.andi %get3A_333, %and3A_339 : vector<16xi32>
        %bitcast_convert_type3A_341 = tpu.bitcast %and3A_340 : vector<16xi32> -> vector<16xf32>
        %get3A_342 = arith.index_cast %scan3A_317 : i32 to index
        %get3A_343 = arith.constant 32 : index
        %get3A_344 = tpu.vector_load %arg9[%get3A_342, %get3A_343] {strides = array<i32>} : memref<128x48xi32, #tpu.memory_space<vmem>>, vector<1x16xi32>,
        %get3A_345 = vector.shape_cast %get3A_344 : vector<1x16xi32> to vector<16xi32>
        %shift_left3A_346 = arith.constant 16 : i32
        %shift_left3A_347 = vector.broadcast %shift_left3A_346 : i32 to vector<16xi32>
        %shift_left3A_348 = arith.shli %get3A_345, %shift_left3A_347 : vector<16xi32>
        %bitcast_convert_type3A_349 = tpu.bitcast %shift_left3A_348 : vector<16xi32> -> vector<16xf32>
        %and3A_350 = arith.constant -65536 : i32
        %and3A_351 = vector.broadcast %and3A_350 : i32 to vector<16xi32>
        %and3A_352 = arith.andi %get3A_345, %and3A_351 : vector<16xi32>
        %bitcast_convert_type3A_353 = tpu.bitcast %and3A_352 : vector<16xi32> -> vector<16xf32>
        %get3A_354 = arith.index_cast %scan3A_317 : i32 to index
        %get3A_355 = arith.constant 0 : index
        %get3A_356 = tpu.vector_load %arg11[%get3A_354, %get3A_355] {strides = array<i32>} : memref<128x16xf32, #tpu.memory_space<vmem>>, vector<1x16xf32>,
        %get3A_357 = vector.shape_cast %get3A_356 : vector<1x16xf32> to vector<16xf32>
        %add3A_358 = arith.addf %bitcast_convert_type3A_349, %get3A_357 : vector<16xf32>
        %gt3A_359 = arith.constant 0.000000e+00 : f32
        %gt3A_360 = vector.broadcast %gt3A_359 : f32 to vector<16xf32>
        %gt3A_361 = arith.cmpf ogt, %add3A_358, %gt3A_360 : vector<16xf32>
        %mul3A_362 = arith.constant 2.000000e-01 : f32
        %mul3A_363 = vector.broadcast %mul3A_362 : f32 to vector<16xf32>
        %mul3A_364 = arith.mulf %add3A_358, %mul3A_363 : vector<16xf32>
        %select_n3A_365 = arith.select %gt3A_361, %add3A_358, %mul3A_364 : vector<16xi1>, vector<16xf32>
        %exp3A_366 = math.exp %select_n3A_365 : vector<16xf32>
        %lt3A_367 = arith.constant 0 : i32
        %lt3A_368 = vector.broadcast %lt3A_367 : i32 to vector<16xi32>
        %lt3A_369 = arith.cmpi slt, %broadcast_in_dim3A_1, %lt3A_368 : vector<16xi32>
        %add3A_370 = arith.constant 16 : i32
        %add3A_371 = vector.broadcast %add3A_370 : i32 to vector<16xi32>
        %add3A_372 = arith.addi %broadcast_in_dim3A_1, %add3A_371 : vector<16xi32>
        %select_n3A_373 = arith.select %lt3A_369, %add3A_372, %broadcast_in_dim3A_1 : vector<16xi1>, vector<16xi32>
        %broadcast_in_dim3A_374 = vector.shape_cast %select_n3A_373 : vector<16xi32> to vector<16x1xi32>
        %gather3A_375 = vector.shape_cast %broadcast_in_dim3A_374 : vector<16x1xi32> to vector<16xi32>
        %gather3A_376 = tpu.dynamic_gather %exp3A_366[%gather3A_375] in [0] : vector<16xf32>, vector<16xi32> -> vector<16xf32>
        %mul3A_377 = arith.mulf %bitcast_convert_type3A_349, %gather3A_376 : vector<16xf32>
        %swap3A_378 = arith.index_cast %scan3A_317 : i32 to index
        %swap3A_379 = arith.constant 64 : index
        %swap3A_380 = tpu.vector_load %arg13[%swap3A_378, %swap3A_379] {strides = array<i32>} : memref<128x80xf32, #tpu.memory_space<vmem>>, vector<1x16xf32>,
        %swap3A_381 = vector.shape_cast %swap3A_380 : vector<1x16xf32> to vector<16xf32>
        %swap3A_382 = vector.shape_cast %mul3A_377 : vector<16xf32> to vector<1x16xf32>
        tpu.vector_store %arg13[%swap3A_378, %swap3A_379], %swap3A_382 {strides = array<i32>} : memref<128x80xf32, #tpu.memory_space<vmem>>, vector<1x16xf32>,
        %mul3A_383 = arith.mulf %bitcast_convert_type3A_325, %gather3A_376 : vector<16xf32>
        %swap3A_384 = arith.index_cast %scan3A_317 : i32 to index
        %swap3A_385 = arith.constant 0 : index
        %swap3A_386 = tpu.vector_load %arg13[%swap3A_384, %swap3A_385] {strides = array<i32>} : memref<128x80xf32, #tpu.memory_space<vmem>>, vector<1x16xf32>,
        %swap3A_387 = vector.shape_cast %swap3A_386 : vector<1x16xf32> to vector<16xf32>
        %swap3A_388 = vector.shape_cast %mul3A_383 : vector<16xf32> to vector<1x16xf32>
        tpu.vector_store %arg13[%swap3A_384, %swap3A_385], %swap3A_388 {strides = array<i32>} : memref<128x80xf32, #tpu.memory_space<vmem>>, vector<1x16xf32>,
        %mul3A_389 = arith.mulf %bitcast_convert_type3A_329, %gather3A_376 : vector<16xf32>
        %swap3A_390 = arith.index_cast %scan3A_317 : i32 to index
        %swap3A_391 = arith.constant 16 : index
        %swap3A_392 = tpu.vector_load %arg13[%swap3A_390, %swap3A_391] {strides = array<i32>} : memref<128x80xf32, #tpu.memory_space<vmem>>, vector<1x16xf32>,
        %swap3A_393 = vector.shape_cast %swap3A_392 : vector<1x16xf32> to vector<16xf32>
        %swap3A_394 = vector.shape_cast %mul3A_389 : vector<16xf32> to vector<1x16xf32>
        tpu.vector_store %arg13[%swap3A_390, %swap3A_391], %swap3A_394 {strides = array<i32>} : memref<128x80xf32, #tpu.memory_space<vmem>>, vector<1x16xf32>,
        %mul3A_395 = arith.mulf %bitcast_convert_type3A_337, %gather3A_376 : vector<16xf32>
        %swap3A_396 = arith.index_cast %scan3A_317 : i32 to index
        %swap3A_397 = arith.constant 32 : index
        %swap3A_398 = tpu.vector_load %arg13[%swap3A_396, %swap3A_397] {strides = array<i32>} : memref<128x80xf32, #tpu.memory_space<vmem>>, vector<1x16xf32>,
        %swap3A_399 = vector.shape_cast %swap3A_398 : vector<1x16xf32> to vector<16xf32>
        %swap3A_400 = vector.shape_cast %mul3A_395 : vector<16xf32> to vector<1x16xf32>
        tpu.vector_store %arg13[%swap3A_396, %swap3A_397], %swap3A_400 {strides = array<i32>} : memref<128x80xf32, #tpu.memory_space<vmem>>, vector<1x16xf32>,
        %mul3A_401 = arith.mulf %bitcast_convert_type3A_341, %gather3A_376 : vector<16xf32>
        %swap3A_402 = arith.index_cast %scan3A_317 : i32 to index
        %swap3A_403 = arith.constant 48 : index
        %swap3A_404 = tpu.vector_load %arg13[%swap3A_402, %swap3A_403] {strides = array<i32>} : memref<128x80xf32, #tpu.memory_space<vmem>>, vector<1x16xf32>,
        %swap3A_405 = vector.shape_cast %swap3A_404 : vector<1x16xf32> to vector<16xf32>
        %swap3A_406 = vector.shape_cast %mul3A_401 : vector<16xf32> to vector<1x16xf32>
        tpu.vector_store %arg13[%swap3A_402, %swap3A_403], %swap3A_406 {strides = array<i32>} : memref<128x80xf32, #tpu.memory_space<vmem>>, vector<1x16xf32>,
        %scan3A_407 = arith.constant 3 : i32
        %scan3A_408 = arith.addi %scan3A_143, %scan3A_407 : i32
        %get3A_409 = arith.index_cast %scan3A_408 : i32 to index
        %get3A_410 = arith.constant 0 : index
        %get3A_411 = tpu.vector_load %arg9[%get3A_409, %get3A_410] {strides = array<i32>} : memref<128x48xi32, #tpu.memory_space<vmem>>, vector<1x16xi32>,
        %get3A_412 = vector.shape_cast %get3A_411 : vector<1x16xi32> to vector<16xi32>
        %shift_left3A_413 = arith.constant 16 : i32
        %shift_left3A_414 = vector.broadcast %shift_left3A_413 : i32 to vector<16xi32>
        %shift_left3A_415 = arith.shli %get3A_412, %shift_left3A_414 : vector<16xi32>
        %bitcast_convert_type3A_416 = tpu.bitcast %shift_left3A_415 : vector<16xi32> -> vector<16xf32>
        %and3A_417 = arith.constant -65536 : i32
        %and3A_418 = vector.broadcast %and3A_417 : i32 to vector<16xi32>
        %and3A_419 = arith.andi %get3A_412, %and3A_418 : vector<16xi32>
        %bitcast_convert_type3A_420 = tpu.bitcast %and3A_419 : vector<16xi32> -> vector<16xf32>
        %get3A_421 = arith.index_cast %scan3A_408 : i32 to index
        %get3A_422 = arith.constant 16 : index
        %get3A_423 = tpu.vector_load %arg9[%get3A_421, %get3A_422] {strides = array<i32>} : memref<128x48xi32, #tpu.memory_space<vmem>>, vector<1x16xi32>,
        %get3A_424 = vector.shape_cast %get3A_423 : vector<1x16xi32> to vector<16xi32>
        %shift_left3A_425 = arith.constant 16 : i32
        %shift_left3A_426 = vector.broadcast %shift_left3A_425 : i32 to vector<16xi32>
        %shift_left3A_427 = arith.shli %get3A_424, %shift_left3A_426 : vector<16xi32>
        %bitcast_convert_type3A_428 = tpu.bitcast %shift_left3A_427 : vector<16xi32> -> vector<16xf32>
        %and3A_429 = arith.constant -65536 : i32
        %and3A_430 = vector.broadcast %and3A_429 : i32 to vector<16xi32>
        %and3A_431 = arith.andi %get3A_424, %and3A_430 : vector<16xi32>
        %bitcast_convert_type3A_432 = tpu.bitcast %and3A_431 : vector<16xi32> -> vector<16xf32>
        %get3A_433 = arith.index_cast %scan3A_408 : i32 to index
        %get3A_434 = arith.constant 32 : index
        %get3A_435 = tpu.vector_load %arg9[%get3A_433, %get3A_434] {strides = array<i32>} : memref<128x48xi32, #tpu.memory_space<vmem>>, vector<1x16xi32>,
        %get3A_436 = vector.shape_cast %get3A_435 : vector<1x16xi32> to vector<16xi32>
        %shift_left3A_437 = arith.constant 16 : i32
        %shift_left3A_438 = vector.broadcast %shift_left3A_437 : i32 to vector<16xi32>
        %shift_left3A_439 = arith.shli %get3A_436, %shift_left3A_438 : vector<16xi32>
        %bitcast_convert_type3A_440 = tpu.bitcast %shift_left3A_439 : vector<16xi32> -> vector<16xf32>
        %and3A_441 = arith.constant -65536 : i32
        %and3A_442 = vector.broadcast %and3A_441 : i32 to vector<16xi32>
        %and3A_443 = arith.andi %get3A_436, %and3A_442 : vector<16xi32>
        %bitcast_convert_type3A_444 = tpu.bitcast %and3A_443 : vector<16xi32> -> vector<16xf32>
        %get3A_445 = arith.index_cast %scan3A_408 : i32 to index
        %get3A_446 = arith.constant 0 : index
        %get3A_447 = tpu.vector_load %arg11[%get3A_445, %get3A_446] {strides = array<i32>} : memref<128x16xf32, #tpu.memory_space<vmem>>, vector<1x16xf32>,
        %get3A_448 = vector.shape_cast %get3A_447 : vector<1x16xf32> to vector<16xf32>
        %add3A_449 = arith.addf %bitcast_convert_type3A_440, %get3A_448 : vector<16xf32>
        %gt3A_450 = arith.constant 0.000000e+00 : f32
        %gt3A_451 = vector.broadcast %gt3A_450 : f32 to vector<16xf32>
        %gt3A_452 = arith.cmpf ogt, %add3A_449, %gt3A_451 : vector<16xf32>
        %mul3A_453 = arith.constant 2.000000e-01 : f32
        %mul3A_454 = vector.broadcast %mul3A_453 : f32 to vector<16xf32>
        %mul3A_455 = arith.mulf %add3A_449, %mul3A_454 : vector<16xf32>
        %select_n3A_456 = arith.select %gt3A_452, %add3A_449, %mul3A_455 : vector<16xi1>, vector<16xf32>
        %exp3A_457 = math.exp %select_n3A_456 : vector<16xf32>
        %lt3A_458 = arith.constant 0 : i32
        %lt3A_459 = vector.broadcast %lt3A_458 : i32 to vector<16xi32>
        %lt3A_460 = arith.cmpi slt, %broadcast_in_dim3A_1, %lt3A_459 : vector<16xi32>
        %add3A_461 = arith.constant 16 : i32
        %add3A_462 = vector.broadcast %add3A_461 : i32 to vector<16xi32>
        %add3A_463 = arith.addi %broadcast_in_dim3A_1, %add3A_462 : vector<16xi32>
        %select_n3A_464 = arith.select %lt3A_460, %add3A_463, %broadcast_in_dim3A_1 : vector<16xi1>, vector<16xi32>
        %broadcast_in_dim3A_465 = vector.shape_cast %select_n3A_464 : vector<16xi32> to vector<16x1xi32>
        %gather3A_466 = vector.shape_cast %broadcast_in_dim3A_465 : vector<16x1xi32> to vector<16xi32>
        %gather3A_467 = tpu.dynamic_gather %exp3A_457[%gather3A_466] in [0] : vector<16xf32>, vector<16xi32> -> vector<16xf32>
        %mul3A_468 = arith.mulf %bitcast_convert_type3A_440, %gather3A_467 : vector<16xf32>
        %swap3A_469 = arith.index_cast %scan3A_408 : i32 to index
        %swap3A_470 = arith.constant 64 : index
        %swap3A_471 = tpu.vector_load %arg13[%swap3A_469, %swap3A_470] {strides = array<i32>} : memref<128x80xf32, #tpu.memory_space<vmem>>, vector<1x16xf32>,
        %swap3A_472 = vector.shape_cast %swap3A_471 : vector<1x16xf32> to vector<16xf32>
        %swap3A_473 = vector.shape_cast %mul3A_468 : vector<16xf32> to vector<1x16xf32>
        tpu.vector_store %arg13[%swap3A_469, %swap3A_470], %swap3A_473 {strides = array<i32>} : memref<128x80xf32, #tpu.memory_space<vmem>>, vector<1x16xf32>,
        %mul3A_474 = arith.mulf %bitcast_convert_type3A_416, %gather3A_467 : vector<16xf32>
        %swap3A_475 = arith.index_cast %scan3A_408 : i32 to index
        %swap3A_476 = arith.constant 0 : index
        %swap3A_477 = tpu.vector_load %arg13[%swap3A_475, %swap3A_476] {strides = array<i32>} : memref<128x80xf32, #tpu.memory_space<vmem>>, vector<1x16xf32>,
        %swap3A_478 = vector.shape_cast %swap3A_477 : vector<1x16xf32> to vector<16xf32>
        %swap3A_479 = vector.shape_cast %mul3A_474 : vector<16xf32> to vector<1x16xf32>
        tpu.vector_store %arg13[%swap3A_475, %swap3A_476], %swap3A_479 {strides = array<i32>} : memref<128x80xf32, #tpu.memory_space<vmem>>, vector<1x16xf32>,
        %mul3A_480 = arith.mulf %bitcast_convert_type3A_420, %gather3A_467 : vector<16xf32>
        %swap3A_481 = arith.index_cast %scan3A_408 : i32 to index
        %swap3A_482 = arith.constant 16 : index
        %swap3A_483 = tpu.vector_load %arg13[%swap3A_481, %swap3A_482] {strides = array<i32>} : memref<128x80xf32, #tpu.memory_space<vmem>>, vector<1x16xf32>,
        %swap3A_484 = vector.shape_cast %swap3A_483 : vector<1x16xf32> to vector<16xf32>
        %swap3A_485 = vector.shape_cast %mul3A_480 : vector<16xf32> to vector<1x16xf32>
        tpu.vector_store %arg13[%swap3A_481, %swap3A_482], %swap3A_485 {strides = array<i32>} : memref<128x80xf32, #tpu.memory_space<vmem>>, vector<1x16xf32>,
        %mul3A_486 = arith.mulf %bitcast_convert_type3A_428, %gather3A_467 : vector<16xf32>
        %swap3A_487 = arith.index_cast %scan3A_408 : i32 to index
        %swap3A_488 = arith.constant 32 : index
        %swap3A_489 = tpu.vector_load %arg13[%swap3A_487, %swap3A_488] {strides = array<i32>} : memref<128x80xf32, #tpu.memory_space<vmem>>, vector<1x16xf32>,
        %swap3A_490 = vector.shape_cast %swap3A_489 : vector<1x16xf32> to vector<16xf32>
        %swap3A_491 = vector.shape_cast %mul3A_486 : vector<16xf32> to vector<1x16xf32>
        tpu.vector_store %arg13[%swap3A_487, %swap3A_488], %swap3A_491 {strides = array<i32>} : memref<128x80xf32, #tpu.memory_space<vmem>>, vector<1x16xf32>,
        %mul3A_492 = arith.mulf %bitcast_convert_type3A_432, %gather3A_467 : vector<16xf32>
        %swap3A_493 = arith.index_cast %scan3A_408 : i32 to index
        %swap3A_494 = arith.constant 48 : index
        %swap3A_495 = tpu.vector_load %arg13[%swap3A_493, %swap3A_494] {strides = array<i32>} : memref<128x80xf32, #tpu.memory_space<vmem>>, vector<1x16xf32>,
        %swap3A_496 = vector.shape_cast %swap3A_495 : vector<1x16xf32> to vector<16xf32>
        %swap3A_497 = vector.shape_cast %mul3A_492 : vector<16xf32> to vector<1x16xf32>
        tpu.vector_store %arg13[%swap3A_493, %swap3A_494], %swap3A_497 {strides = array<i32>} : memref<128x80xf32, #tpu.memory_space<vmem>>, vector<1x16xf32>,
      }
      %scan3A_94 = arith.constant 128 : i32
      %dma_start3A_95 = arith.constant 0 : i32
      %dma_start3A_96 = tpu.memref_slice %arg8[%add3A_74, %dma_start3A_95] : memref<84x128xi32, #tpu.memory_space<vmem>> -> memref<1x128xi32, #tpu.memory_space<vmem>>
      %dma_start3A_97 = tpu.memref_squeeze %dma_start3A_96 : memref<1x128xi32, #tpu.memory_space<vmem>> -> memref<128xi32, #tpu.memory_space<vmem>>
      %dma_start3A_98 = arith.constant 0 : i32
      %dma_start3A_99 = arith.constant 0 : i32
      %dma_start3A_100 = tpu.memref_slice %arg15[%dma_start3A_98, %dma_start3A_99] : memref<10016x80xf32, #tpu.memory_space<vmem_shared>> -> memref<10016x80xf32, #tpu.memory_space<vmem_shared>>
      tpu.enqueue_indirect_dma source(%arg13 : memref<128x80xf32, #tpu.memory_space<vmem>>) target(%dma_start3A_100 : memref<10016x80xf32, #tpu.memory_space<vmem_shared>>) offsets(%dma_start3A_97 : memref<128xi32, #tpu.memory_space<vmem>>) semaphore(%arg18 : memref<!tpu.dma_semaphore, #tpu.memory_space<semaphore_mem>>) {add = true}
      %lt3A = arith.constant 41 : i32
      %lt3A_101 = arith.cmpi slt, %scan3A_70, %lt3A : i32
      %convert_element_type3A_102 = arith.extui %lt3A_101 : i1 to i32
      %cond3A_103 = arith.constant 0 : i32
      %cond3A_104 = arith.cmpi ne, %convert_element_type3A_102, %cond3A_103 : i32
      scf.if %cond3A_104 {
        %add3A_143 = arith.constant 2 : i32
        %add3A_144 = arith.addi %add3A_74, %add3A_143 : i32
        %dma_start3A_145 = arith.constant 0 : i32
        %dma_start3A_146 = tpu.memref_slice %arg7[%add3A_144, %dma_start3A_145] : memref<84x128xi32, #tpu.memory_space<vmem>> -> memref<1x128xi32, #tpu.memory_space<vmem>>
        %dma_start3A_147 = tpu.memref_squeeze %dma_start3A_146 : memref<1x128xi32, #tpu.memory_space<vmem>> -> memref<128xi32, #tpu.memory_space<vmem>>
        %dma_start3A_148 = arith.constant 0 : i32
        %dma_start3A_149 = arith.constant 0 : i32
        %dma_start3A_150 = tpu.memref_slice %arg4[%dma_start3A_148, %dma_start3A_149] : memref<10016x48xi32, #tpu.memory_space<hbm>> -> memref<10016x48xi32, #tpu.memory_space<hbm>>
        tpu.enqueue_indirect_dma source(%dma_start3A_150 : memref<10016x48xi32, #tpu.memory_space<hbm>>) target(%arg9 : memref<128x48xi32, #tpu.memory_space<vmem>>) offsets(%dma_start3A_147 : memref<128xi32, #tpu.memory_space<vmem>>) semaphore(%arg16 : memref<!tpu.dma_semaphore, #tpu.memory_space<semaphore_mem>>)
        %dma_start3A_151 = arith.constant 0 : i32
        %dma_start3A_152 = tpu.memref_slice %arg8[%add3A_144, %dma_start3A_151] : memref<84x128xi32, #tpu.memory_space<vmem>> -> memref<1x128xi32, #tpu.memory_space<vmem>>
        %dma_start3A_153 = tpu.memref_squeeze %dma_start3A_152 : memref<1x128xi32, #tpu.memory_space<vmem>> -> memref<128xi32, #tpu.memory_space<vmem>>
        %dma_start3A_154 = arith.constant 0 : i32
        %dma_start3A_155 = arith.constant 0 : i32
        %dma_start3A_156 = tpu.memref_slice %arg5[%dma_start3A_154, %dma_start3A_155] : memref<10016x16xf32, #tpu.memory_space<hbm>> -> memref<10016x16xf32, #tpu.memory_space<hbm>>
        tpu.enqueue_indirect_dma source(%dma_start3A_156 : memref<10016x16xf32, #tpu.memory_space<hbm>>) target(%arg11 : memref<128x16xf32, #tpu.memory_space<vmem>>) offsets(%dma_start3A_153 : memref<128xi32, #tpu.memory_space<vmem>>) semaphore(%arg17 : memref<!tpu.dma_semaphore, #tpu.memory_space<semaphore_mem>>)
      } else {
      }
      %mul3A_105 = arith.constant 2 : i32
      %mul3A_106 = arith.muli %mul3A_105, %scan3A_70 : i32
      %add3A_107 = arith.constant 1 : i32
      %add3A_108 = arith.addi %mul3A_106, %add3A_107 : i32
      %dma_wait3A_109 = arith.constant 0 : i32
      %dma_wait3A_110 = tpu.memref_slice %arg7[%add3A_108, %dma_wait3A_109] : memref<84x128xi32, #tpu.memory_space<vmem>> -> memref<1x128xi32, #tpu.memory_space<vmem>>
      %dma_wait3A_111 = tpu.memref_squeeze %dma_wait3A_110 : memref<1x128xi32, #tpu.memory_space<vmem>> -> memref<128xi32, #tpu.memory_space<vmem>>
      %dma_wait3A_112 = arith.constant 0 : i32
      %dma_wait3A_113 = arith.constant 0 : i32
      %dma_wait3A_114 = tpu.memref_slice %arg4[%dma_wait3A_112, %dma_wait3A_113] : memref<10016x48xi32, #tpu.memory_space<hbm>> -> memref<10016x48xi32, #tpu.memory_space<hbm>>
      tpu.wait_indirect_dma semaphore(%arg19 : memref<!tpu.dma_semaphore, #tpu.memory_space<semaphore_mem>>) src(%dma_wait3A_114 : memref<10016x48xi32, #tpu.memory_space<hbm>>) dst(%arg10 : memref<128x48xi32, #tpu.memory_space<vmem>>)
      %dma_wait3A_115 = arith.constant 0 : i32
      %dma_wait3A_116 = tpu.memref_slice %arg8[%add3A_108, %dma_wait3A_115] : memref<84x128xi32, #tpu.memory_space<vmem>> -> memref<1x128xi32, #tpu.memory_space<vmem>>
      %dma_wait3A_117 = tpu.memref_squeeze %dma_wait3A_116 : memref<1x128xi32, #tpu.memory_space<vmem>> -> memref<128xi32, #tpu.memory_space<vmem>>
      %dma_wait3A_118 = arith.constant 0 : i32
      %dma_wait3A_119 = arith.constant 0 : i32
      %dma_wait3A_120 = tpu.memref_slice %arg5[%dma_wait3A_118, %dma_wait3A_119] : memref<10016x16xf32, #tpu.memory_space<hbm>> -> memref<10016x16xf32, #tpu.memory_space<hbm>>
      tpu.wait_indirect_dma semaphore(%arg20 : memref<!tpu.dma_semaphore, #tpu.memory_space<semaphore_mem>>) src(%dma_wait3A_120 : memref<10016x16xf32, #tpu.memory_space<hbm>>) dst(%arg12 : memref<128x16xf32, #tpu.memory_space<vmem>>)
      %gt3A_121 = arith.constant 0 : i32
      %gt3A_122 = arith.cmpi sgt, %scan3A_70, %gt3A_121 : i32
      %convert_element_type3A_123 = arith.extui %gt3A_122 : i1 to i32
      %cond3A_124 = arith.constant 0 : i32
      %cond3A_125 = arith.cmpi ne, %convert_element_type3A_123, %cond3A_124 : i32
      scf.if %cond3A_125 {
        %dma_wait3A_143 = arith.constant 0 : i32
        %dma_wait3A_144 = tpu.memref_slice %arg8[%add3A_108, %dma_wait3A_143] : memref<84x128xi32, #tpu.memory_space<vmem>> -> memref<1x128xi32, #tpu.memory_space<vmem>>
        %dma_wait3A_145 = tpu.memref_squeeze %dma_wait3A_144 : memref<1x128xi32, #tpu.memory_space<vmem>> -> memref<128xi32, #tpu.memory_space<vmem>>
        %dma_wait3A_146 = arith.constant 0 : i32
        %dma_wait3A_147 = arith.constant 0 : i32
        %dma_wait3A_148 = tpu.memref_slice %arg15[%dma_wait3A_146, %dma_wait3A_147] : memref<10016x80xf32, #tpu.memory_space<vmem_shared>> -> memref<10016x80xf32, #tpu.memory_space<vmem_shared>>
        tpu.wait_indirect_dma semaphore(%arg21 : memref<!tpu.dma_semaphore, #tpu.memory_space<semaphore_mem>>) src(%arg14 : memref<128x80xf32, #tpu.memory_space<vmem>>) dst(%dma_wait3A_148 : memref<10016x80xf32, #tpu.memory_space<vmem_shared>>)
      } else {
      }
      %scan3A_126 = arith.constant 0 : i32
      %scan3A_127 = arith.constant 0 : i32
      %scan3A_128 = arith.constant 128 : i32
      %scan3A_129 = arith.addi %scan3A_127, %scan3A_128 : i32
      %scan3A_130 = arith.constant 4 : i32
      scf.for %scan3A_143 = %scan3A_127 to %scan3A_129 step %scan3A_130  : i32 {
        %get3A = arith.index_cast %scan3A_143 : i32 to index
        %get3A_144 = arith.constant 0 : index
        %get3A_145 = tpu.vector_load %arg10[%get3A, %get3A_144] {strides = array<i32>} : memref<128x48xi32, #tpu.memory_space<vmem>>, vector<1x16xi32>,
        %get3A_146 = vector.shape_cast %get3A_145 : vector<1x16xi32> to vector<16xi32>
        %shift_left3A = arith.constant 16 : i32
        %shift_left3A_147 = vector.broadcast %shift_left3A : i32 to vector<16xi32>
        %shift_left3A_148 = arith.shli %get3A_146, %shift_left3A_147 : vector<16xi32>
        %bitcast_convert_type3A = tpu.bitcast %shift_left3A_148 : vector<16xi32> -> vector<16xf32>
        %and3A = arith.constant -65536 : i32
        %and3A_149 = vector.broadcast %and3A : i32 to vector<16xi32>
        %and3A_150 = arith.andi %get3A_146, %and3A_149 : vector<16xi32>
        %bitcast_convert_type3A_151 = tpu.bitcast %and3A_150 : vector<16xi32> -> vector<16xf32>
        %get3A_152 = arith.index_cast %scan3A_143 : i32 to index
        %get3A_153 = arith.constant 16 : index
        %get3A_154 = tpu.vector_load %arg10[%get3A_152, %get3A_153] {strides = array<i32>} : memref<128x48xi32, #tpu.memory_space<vmem>>, vector<1x16xi32>,
        %get3A_155 = vector.shape_cast %get3A_154 : vector<1x16xi32> to vector<16xi32>
        %shift_left3A_156 = arith.constant 16 : i32
        %shift_left3A_157 = vector.broadcast %shift_left3A_156 : i32 to vector<16xi32>
        %shift_left3A_158 = arith.shli %get3A_155, %shift_left3A_157 : vector<16xi32>
        %bitcast_convert_type3A_159 = tpu.bitcast %shift_left3A_158 : vector<16xi32> -> vector<16xf32>
        %and3A_160 = arith.constant -65536 : i32
        %and3A_161 = vector.broadcast %and3A_160 : i32 to vector<16xi32>
        %and3A_162 = arith.andi %get3A_155, %and3A_161 : vector<16xi32>
        %bitcast_convert_type3A_163 = tpu.bitcast %and3A_162 : vector<16xi32> -> vector<16xf32>
        %get3A_164 = arith.index_cast %scan3A_143 : i32 to index
        %get3A_165 = arith.constant 32 : index
        %get3A_166 = tpu.vector_load %arg10[%get3A_164, %get3A_165] {strides = array<i32>} : memref<128x48xi32, #tpu.memory_space<vmem>>, vector<1x16xi32>,
        %get3A_167 = vector.shape_cast %get3A_166 : vector<1x16xi32> to vector<16xi32>
        %shift_left3A_168 = arith.constant 16 : i32
        %shift_left3A_169 = vector.broadcast %shift_left3A_168 : i32 to vector<16xi32>
        %shift_left3A_170 = arith.shli %get3A_167, %shift_left3A_169 : vector<16xi32>
        %bitcast_convert_type3A_171 = tpu.bitcast %shift_left3A_170 : vector<16xi32> -> vector<16xf32>
        %and3A_172 = arith.constant -65536 : i32
        %and3A_173 = vector.broadcast %and3A_172 : i32 to vector<16xi32>
        %and3A_174 = arith.andi %get3A_167, %and3A_173 : vector<16xi32>
        %bitcast_convert_type3A_175 = tpu.bitcast %and3A_174 : vector<16xi32> -> vector<16xf32>
        %get3A_176 = arith.index_cast %scan3A_143 : i32 to index
        %get3A_177 = arith.constant 0 : index
        %get3A_178 = tpu.vector_load %arg12[%get3A_176, %get3A_177] {strides = array<i32>} : memref<128x16xf32, #tpu.memory_space<vmem>>, vector<1x16xf32>,
        %get3A_179 = vector.shape_cast %get3A_178 : vector<1x16xf32> to vector<16xf32>
        %add3A_180 = arith.addf %bitcast_convert_type3A_171, %get3A_179 : vector<16xf32>
        %gt3A_181 = arith.constant 0.000000e+00 : f32
        %gt3A_182 = vector.broadcast %gt3A_181 : f32 to vector<16xf32>
        %gt3A_183 = arith.cmpf ogt, %add3A_180, %gt3A_182 : vector<16xf32>
        %mul3A_184 = arith.constant 2.000000e-01 : f32
        %mul3A_185 = vector.broadcast %mul3A_184 : f32 to vector<16xf32>
        %mul3A_186 = arith.mulf %add3A_180, %mul3A_185 : vector<16xf32>
        %select_n3A = arith.select %gt3A_183, %add3A_180, %mul3A_186 : vector<16xi1>, vector<16xf32>
        %exp3A = math.exp %select_n3A : vector<16xf32>
        %lt3A_187 = arith.constant 0 : i32
        %lt3A_188 = vector.broadcast %lt3A_187 : i32 to vector<16xi32>
        %lt3A_189 = arith.cmpi slt, %broadcast_in_dim3A_1, %lt3A_188 : vector<16xi32>
        %add3A_190 = arith.constant 16 : i32
        %add3A_191 = vector.broadcast %add3A_190 : i32 to vector<16xi32>
        %add3A_192 = arith.addi %broadcast_in_dim3A_1, %add3A_191 : vector<16xi32>
        %select_n3A_193 = arith.select %lt3A_189, %add3A_192, %broadcast_in_dim3A_1 : vector<16xi1>, vector<16xi32>
        %broadcast_in_dim3A_194 = vector.shape_cast %select_n3A_193 : vector<16xi32> to vector<16x1xi32>
        %gather3A = vector.shape_cast %broadcast_in_dim3A_194 : vector<16x1xi32> to vector<16xi32>
        %gather3A_195 = tpu.dynamic_gather %exp3A[%gather3A] in [0] : vector<16xf32>, vector<16xi32> -> vector<16xf32>
        %mul3A_196 = arith.mulf %bitcast_convert_type3A_171, %gather3A_195 : vector<16xf32>
        %swap3A = arith.index_cast %scan3A_143 : i32 to index
        %swap3A_197 = arith.constant 64 : index
        %swap3A_198 = tpu.vector_load %arg14[%swap3A, %swap3A_197] {strides = array<i32>} : memref<128x80xf32, #tpu.memory_space<vmem>>, vector<1x16xf32>,
        %swap3A_199 = vector.shape_cast %swap3A_198 : vector<1x16xf32> to vector<16xf32>
        %swap3A_200 = vector.shape_cast %mul3A_196 : vector<16xf32> to vector<1x16xf32>
        tpu.vector_store %arg14[%swap3A, %swap3A_197], %swap3A_200 {strides = array<i32>} : memref<128x80xf32, #tpu.memory_space<vmem>>, vector<1x16xf32>,
        %mul3A_201 = arith.mulf %bitcast_convert_type3A, %gather3A_195 : vector<16xf32>
        %swap3A_202 = arith.index_cast %scan3A_143 : i32 to index
        %swap3A_203 = arith.constant 0 : index
        %swap3A_204 = tpu.vector_load %arg14[%swap3A_202, %swap3A_203] {strides = array<i32>} : memref<128x80xf32, #tpu.memory_space<vmem>>, vector<1x16xf32>,
        %swap3A_205 = vector.shape_cast %swap3A_204 : vector<1x16xf32> to vector<16xf32>
        %swap3A_206 = vector.shape_cast %mul3A_201 : vector<16xf32> to vector<1x16xf32>
        tpu.vector_store %arg14[%swap3A_202, %swap3A_203], %swap3A_206 {strides = array<i32>} : memref<128x80xf32, #tpu.memory_space<vmem>>, vector<1x16xf32>,
        %mul3A_207 = arith.mulf %bitcast_convert_type3A_151, %gather3A_195 : vector<16xf32>
        %swap3A_208 = arith.index_cast %scan3A_143 : i32 to index
        %swap3A_209 = arith.constant 16 : index
        %swap3A_210 = tpu.vector_load %arg14[%swap3A_208, %swap3A_209] {strides = array<i32>} : memref<128x80xf32, #tpu.memory_space<vmem>>, vector<1x16xf32>,
        %swap3A_211 = vector.shape_cast %swap3A_210 : vector<1x16xf32> to vector<16xf32>
        %swap3A_212 = vector.shape_cast %mul3A_207 : vector<16xf32> to vector<1x16xf32>
        tpu.vector_store %arg14[%swap3A_208, %swap3A_209], %swap3A_212 {strides = array<i32>} : memref<128x80xf32, #tpu.memory_space<vmem>>, vector<1x16xf32>,
        %mul3A_213 = arith.mulf %bitcast_convert_type3A_159, %gather3A_195 : vector<16xf32>
        %swap3A_214 = arith.index_cast %scan3A_143 : i32 to index
        %swap3A_215 = arith.constant 32 : index
        %swap3A_216 = tpu.vector_load %arg14[%swap3A_214, %swap3A_215] {strides = array<i32>} : memref<128x80xf32, #tpu.memory_space<vmem>>, vector<1x16xf32>,
        %swap3A_217 = vector.shape_cast %swap3A_216 : vector<1x16xf32> to vector<16xf32>
        %swap3A_218 = vector.shape_cast %mul3A_213 : vector<16xf32> to vector<1x16xf32>
        tpu.vector_store %arg14[%swap3A_214, %swap3A_215], %swap3A_218 {strides = array<i32>} : memref<128x80xf32, #tpu.memory_space<vmem>>, vector<1x16xf32>,
        %mul3A_219 = arith.mulf %bitcast_convert_type3A_163, %gather3A_195 : vector<16xf32>
        %swap3A_220 = arith.index_cast %scan3A_143 : i32 to index
        %swap3A_221 = arith.constant 48 : index
        %swap3A_222 = tpu.vector_load %arg14[%swap3A_220, %swap3A_221] {strides = array<i32>} : memref<128x80xf32, #tpu.memory_space<vmem>>, vector<1x16xf32>,
        %swap3A_223 = vector.shape_cast %swap3A_222 : vector<1x16xf32> to vector<16xf32>
        %swap3A_224 = vector.shape_cast %mul3A_219 : vector<16xf32> to vector<1x16xf32>
        tpu.vector_store %arg14[%swap3A_220, %swap3A_221], %swap3A_224 {strides = array<i32>} : memref<128x80xf32, #tpu.memory_space<vmem>>, vector<1x16xf32>,
        %scan3A_225 = arith.constant 1 : i32
        %scan3A_226 = arith.addi %scan3A_143, %scan3A_225 : i32
        %get3A_227 = arith.index_cast %scan3A_226 : i32 to index
        %get3A_228 = arith.constant 0 : index
        %get3A_229 = tpu.vector_load %arg10[%get3A_227, %get3A_228] {strides = array<i32>} : memref<128x48xi32, #tpu.memory_space<vmem>>, vector<1x16xi32>,
        %get3A_230 = vector.shape_cast %get3A_229 : vector<1x16xi32> to vector<16xi32>
        %shift_left3A_231 = arith.constant 16 : i32
        %shift_left3A_232 = vector.broadcast %shift_left3A_231 : i32 to vector<16xi32>
        %shift_left3A_233 = arith.shli %get3A_230, %shift_left3A_232 : vector<16xi32>
        %bitcast_convert_type3A_234 = tpu.bitcast %shift_left3A_233 : vector<16xi32> -> vector<16xf32>
        %and3A_235 = arith.constant -65536 : i32
        %and3A_236 = vector.broadcast %and3A_235 : i32 to vector<16xi32>
        %and3A_237 = arith.andi %get3A_230, %and3A_236 : vector<16xi32>
        %bitcast_convert_type3A_238 = tpu.bitcast %and3A_237 : vector<16xi32> -> vector<16xf32>
        %get3A_239 = arith.index_cast %scan3A_226 : i32 to index
        %get3A_240 = arith.constant 16 : index
        %get3A_241 = tpu.vector_load %arg10[%get3A_239, %get3A_240] {strides = array<i32>} : memref<128x48xi32, #tpu.memory_space<vmem>>, vector<1x16xi32>,
        %get3A_242 = vector.shape_cast %get3A_241 : vector<1x16xi32> to vector<16xi32>
        %shift_left3A_243 = arith.constant 16 : i32
        %shift_left3A_244 = vector.broadcast %shift_left3A_243 : i32 to vector<16xi32>
        %shift_left3A_245 = arith.shli %get3A_242, %shift_left3A_244 : vector<16xi32>
        %bitcast_convert_type3A_246 = tpu.bitcast %shift_left3A_245 : vector<16xi32> -> vector<16xf32>
        %and3A_247 = arith.constant -65536 : i32
        %and3A_248 = vector.broadcast %and3A_247 : i32 to vector<16xi32>
        %and3A_249 = arith.andi %get3A_242, %and3A_248 : vector<16xi32>
        %bitcast_convert_type3A_250 = tpu.bitcast %and3A_249 : vector<16xi32> -> vector<16xf32>
        %get3A_251 = arith.index_cast %scan3A_226 : i32 to index
        %get3A_252 = arith.constant 32 : index
        %get3A_253 = tpu.vector_load %arg10[%get3A_251, %get3A_252] {strides = array<i32>} : memref<128x48xi32, #tpu.memory_space<vmem>>, vector<1x16xi32>,
        %get3A_254 = vector.shape_cast %get3A_253 : vector<1x16xi32> to vector<16xi32>
        %shift_left3A_255 = arith.constant 16 : i32
        %shift_left3A_256 = vector.broadcast %shift_left3A_255 : i32 to vector<16xi32>
        %shift_left3A_257 = arith.shli %get3A_254, %shift_left3A_256 : vector<16xi32>
        %bitcast_convert_type3A_258 = tpu.bitcast %shift_left3A_257 : vector<16xi32> -> vector<16xf32>
        %and3A_259 = arith.constant -65536 : i32
        %and3A_260 = vector.broadcast %and3A_259 : i32 to vector<16xi32>
        %and3A_261 = arith.andi %get3A_254, %and3A_260 : vector<16xi32>
        %bitcast_convert_type3A_262 = tpu.bitcast %and3A_261 : vector<16xi32> -> vector<16xf32>
        %get3A_263 = arith.index_cast %scan3A_226 : i32 to index
        %get3A_264 = arith.constant 0 : index
        %get3A_265 = tpu.vector_load %arg12[%get3A_263, %get3A_264] {strides = array<i32>} : memref<128x16xf32, #tpu.memory_space<vmem>>, vector<1x16xf32>,
        %get3A_266 = vector.shape_cast %get3A_265 : vector<1x16xf32> to vector<16xf32>
        %add3A_267 = arith.addf %bitcast_convert_type3A_258, %get3A_266 : vector<16xf32>
        %gt3A_268 = arith.constant 0.000000e+00 : f32
        %gt3A_269 = vector.broadcast %gt3A_268 : f32 to vector<16xf32>
        %gt3A_270 = arith.cmpf ogt, %add3A_267, %gt3A_269 : vector<16xf32>
        %mul3A_271 = arith.constant 2.000000e-01 : f32
        %mul3A_272 = vector.broadcast %mul3A_271 : f32 to vector<16xf32>
        %mul3A_273 = arith.mulf %add3A_267, %mul3A_272 : vector<16xf32>
        %select_n3A_274 = arith.select %gt3A_270, %add3A_267, %mul3A_273 : vector<16xi1>, vector<16xf32>
        %exp3A_275 = math.exp %select_n3A_274 : vector<16xf32>
        %lt3A_276 = arith.constant 0 : i32
        %lt3A_277 = vector.broadcast %lt3A_276 : i32 to vector<16xi32>
        %lt3A_278 = arith.cmpi slt, %broadcast_in_dim3A_1, %lt3A_277 : vector<16xi32>
        %add3A_279 = arith.constant 16 : i32
        %add3A_280 = vector.broadcast %add3A_279 : i32 to vector<16xi32>
        %add3A_281 = arith.addi %broadcast_in_dim3A_1, %add3A_280 : vector<16xi32>
        %select_n3A_282 = arith.select %lt3A_278, %add3A_281, %broadcast_in_dim3A_1 : vector<16xi1>, vector<16xi32>
        %broadcast_in_dim3A_283 = vector.shape_cast %select_n3A_282 : vector<16xi32> to vector<16x1xi32>
        %gather3A_284 = vector.shape_cast %broadcast_in_dim3A_283 : vector<16x1xi32> to vector<16xi32>
        %gather3A_285 = tpu.dynamic_gather %exp3A_275[%gather3A_284] in [0] : vector<16xf32>, vector<16xi32> -> vector<16xf32>
        %mul3A_286 = arith.mulf %bitcast_convert_type3A_258, %gather3A_285 : vector<16xf32>
        %swap3A_287 = arith.index_cast %scan3A_226 : i32 to index
        %swap3A_288 = arith.constant 64 : index
        %swap3A_289 = tpu.vector_load %arg14[%swap3A_287, %swap3A_288] {strides = array<i32>} : memref<128x80xf32, #tpu.memory_space<vmem>>, vector<1x16xf32>,
        %swap3A_290 = vector.shape_cast %swap3A_289 : vector<1x16xf32> to vector<16xf32>
        %swap3A_291 = vector.shape_cast %mul3A_286 : vector<16xf32> to vector<1x16xf32>
        tpu.vector_store %arg14[%swap3A_287, %swap3A_288], %swap3A_291 {strides = array<i32>} : memref<128x80xf32, #tpu.memory_space<vmem>>, vector<1x16xf32>,
        %mul3A_292 = arith.mulf %bitcast_convert_type3A_234, %gather3A_285 : vector<16xf32>
        %swap3A_293 = arith.index_cast %scan3A_226 : i32 to index
        %swap3A_294 = arith.constant 0 : index
        %swap3A_295 = tpu.vector_load %arg14[%swap3A_293, %swap3A_294] {strides = array<i32>} : memref<128x80xf32, #tpu.memory_space<vmem>>, vector<1x16xf32>,
        %swap3A_296 = vector.shape_cast %swap3A_295 : vector<1x16xf32> to vector<16xf32>
        %swap3A_297 = vector.shape_cast %mul3A_292 : vector<16xf32> to vector<1x16xf32>
        tpu.vector_store %arg14[%swap3A_293, %swap3A_294], %swap3A_297 {strides = array<i32>} : memref<128x80xf32, #tpu.memory_space<vmem>>, vector<1x16xf32>,
        %mul3A_298 = arith.mulf %bitcast_convert_type3A_238, %gather3A_285 : vector<16xf32>
        %swap3A_299 = arith.index_cast %scan3A_226 : i32 to index
        %swap3A_300 = arith.constant 16 : index
        %swap3A_301 = tpu.vector_load %arg14[%swap3A_299, %swap3A_300] {strides = array<i32>} : memref<128x80xf32, #tpu.memory_space<vmem>>, vector<1x16xf32>,
        %swap3A_302 = vector.shape_cast %swap3A_301 : vector<1x16xf32> to vector<16xf32>
        %swap3A_303 = vector.shape_cast %mul3A_298 : vector<16xf32> to vector<1x16xf32>
        tpu.vector_store %arg14[%swap3A_299, %swap3A_300], %swap3A_303 {strides = array<i32>} : memref<128x80xf32, #tpu.memory_space<vmem>>, vector<1x16xf32>,
        %mul3A_304 = arith.mulf %bitcast_convert_type3A_246, %gather3A_285 : vector<16xf32>
        %swap3A_305 = arith.index_cast %scan3A_226 : i32 to index
        %swap3A_306 = arith.constant 32 : index
        %swap3A_307 = tpu.vector_load %arg14[%swap3A_305, %swap3A_306] {strides = array<i32>} : memref<128x80xf32, #tpu.memory_space<vmem>>, vector<1x16xf32>,
        %swap3A_308 = vector.shape_cast %swap3A_307 : vector<1x16xf32> to vector<16xf32>
        %swap3A_309 = vector.shape_cast %mul3A_304 : vector<16xf32> to vector<1x16xf32>
        tpu.vector_store %arg14[%swap3A_305, %swap3A_306], %swap3A_309 {strides = array<i32>} : memref<128x80xf32, #tpu.memory_space<vmem>>, vector<1x16xf32>,
        %mul3A_310 = arith.mulf %bitcast_convert_type3A_250, %gather3A_285 : vector<16xf32>
        %swap3A_311 = arith.index_cast %scan3A_226 : i32 to index
        %swap3A_312 = arith.constant 48 : index
        %swap3A_313 = tpu.vector_load %arg14[%swap3A_311, %swap3A_312] {strides = array<i32>} : memref<128x80xf32, #tpu.memory_space<vmem>>, vector<1x16xf32>,
        %swap3A_314 = vector.shape_cast %swap3A_313 : vector<1x16xf32> to vector<16xf32>
        %swap3A_315 = vector.shape_cast %mul3A_310 : vector<16xf32> to vector<1x16xf32>
        tpu.vector_store %arg14[%swap3A_311, %swap3A_312], %swap3A_315 {strides = array<i32>} : memref<128x80xf32, #tpu.memory_space<vmem>>, vector<1x16xf32>,
        %scan3A_316 = arith.constant 2 : i32
        %scan3A_317 = arith.addi %scan3A_143, %scan3A_316 : i32
        %get3A_318 = arith.index_cast %scan3A_317 : i32 to index
        %get3A_319 = arith.constant 0 : index
        %get3A_320 = tpu.vector_load %arg10[%get3A_318, %get3A_319] {strides = array<i32>} : memref<128x48xi32, #tpu.memory_space<vmem>>, vector<1x16xi32>,
        %get3A_321 = vector.shape_cast %get3A_320 : vector<1x16xi32> to vector<16xi32>
        %shift_left3A_322 = arith.constant 16 : i32
        %shift_left3A_323 = vector.broadcast %shift_left3A_322 : i32 to vector<16xi32>
        %shift_left3A_324 = arith.shli %get3A_321, %shift_left3A_323 : vector<16xi32>
        %bitcast_convert_type3A_325 = tpu.bitcast %shift_left3A_324 : vector<16xi32> -> vector<16xf32>
        %and3A_326 = arith.constant -65536 : i32
        %and3A_327 = vector.broadcast %and3A_326 : i32 to vector<16xi32>
        %and3A_328 = arith.andi %get3A_321, %and3A_327 : vector<16xi32>
        %bitcast_convert_type3A_329 = tpu.bitcast %and3A_328 : vector<16xi32> -> vector<16xf32>
        %get3A_330 = arith.index_cast %scan3A_317 : i32 to index
        %get3A_331 = arith.constant 16 : index
        %get3A_332 = tpu.vector_load %arg10[%get3A_330, %get3A_331] {strides = array<i32>} : memref<128x48xi32, #tpu.memory_space<vmem>>, vector<1x16xi32>,
        %get3A_333 = vector.shape_cast %get3A_332 : vector<1x16xi32> to vector<16xi32>
        %shift_left3A_334 = arith.constant 16 : i32
        %shift_left3A_335 = vector.broadcast %shift_left3A_334 : i32 to vector<16xi32>
        %shift_left3A_336 = arith.shli %get3A_333, %shift_left3A_335 : vector<16xi32>
        %bitcast_convert_type3A_337 = tpu.bitcast %shift_left3A_336 : vector<16xi32> -> vector<16xf32>
        %and3A_338 = arith.constant -65536 : i32
        %and3A_339 = vector.broadcast %and3A_338 : i32 to vector<16xi32>
        %and3A_340 = arith.andi %get3A_333, %and3A_339 : vector<16xi32>
        %bitcast_convert_type3A_341 = tpu.bitcast %and3A_340 : vector<16xi32> -> vector<16xf32>
        %get3A_342 = arith.index_cast %scan3A_317 : i32 to index
        %get3A_343 = arith.constant 32 : index
        %get3A_344 = tpu.vector_load %arg10[%get3A_342, %get3A_343] {strides = array<i32>} : memref<128x48xi32, #tpu.memory_space<vmem>>, vector<1x16xi32>,
        %get3A_345 = vector.shape_cast %get3A_344 : vector<1x16xi32> to vector<16xi32>
        %shift_left3A_346 = arith.constant 16 : i32
        %shift_left3A_347 = vector.broadcast %shift_left3A_346 : i32 to vector<16xi32>
        %shift_left3A_348 = arith.shli %get3A_345, %shift_left3A_347 : vector<16xi32>
        %bitcast_convert_type3A_349 = tpu.bitcast %shift_left3A_348 : vector<16xi32> -> vector<16xf32>
        %and3A_350 = arith.constant -65536 : i32
        %and3A_351 = vector.broadcast %and3A_350 : i32 to vector<16xi32>
        %and3A_352 = arith.andi %get3A_345, %and3A_351 : vector<16xi32>
        %bitcast_convert_type3A_353 = tpu.bitcast %and3A_352 : vector<16xi32> -> vector<16xf32>
        %get3A_354 = arith.index_cast %scan3A_317 : i32 to index
        %get3A_355 = arith.constant 0 : index
        %get3A_356 = tpu.vector_load %arg12[%get3A_354, %get3A_355] {strides = array<i32>} : memref<128x16xf32, #tpu.memory_space<vmem>>, vector<1x16xf32>,
        %get3A_357 = vector.shape_cast %get3A_356 : vector<1x16xf32> to vector<16xf32>
        %add3A_358 = arith.addf %bitcast_convert_type3A_349, %get3A_357 : vector<16xf32>
        %gt3A_359 = arith.constant 0.000000e+00 : f32
        %gt3A_360 = vector.broadcast %gt3A_359 : f32 to vector<16xf32>
        %gt3A_361 = arith.cmpf ogt, %add3A_358, %gt3A_360 : vector<16xf32>
        %mul3A_362 = arith.constant 2.000000e-01 : f32
        %mul3A_363 = vector.broadcast %mul3A_362 : f32 to vector<16xf32>
        %mul3A_364 = arith.mulf %add3A_358, %mul3A_363 : vector<16xf32>
        %select_n3A_365 = arith.select %gt3A_361, %add3A_358, %mul3A_364 : vector<16xi1>, vector<16xf32>
        %exp3A_366 = math.exp %select_n3A_365 : vector<16xf32>
        %lt3A_367 = arith.constant 0 : i32
        %lt3A_368 = vector.broadcast %lt3A_367 : i32 to vector<16xi32>
        %lt3A_369 = arith.cmpi slt, %broadcast_in_dim3A_1, %lt3A_368 : vector<16xi32>
        %add3A_370 = arith.constant 16 : i32
        %add3A_371 = vector.broadcast %add3A_370 : i32 to vector<16xi32>
        %add3A_372 = arith.addi %broadcast_in_dim3A_1, %add3A_371 : vector<16xi32>
        %select_n3A_373 = arith.select %lt3A_369, %add3A_372, %broadcast_in_dim3A_1 : vector<16xi1>, vector<16xi32>
        %broadcast_in_dim3A_374 = vector.shape_cast %select_n3A_373 : vector<16xi32> to vector<16x1xi32>
        %gather3A_375 = vector.shape_cast %broadcast_in_dim3A_374 : vector<16x1xi32> to vector<16xi32>
        %gather3A_376 = tpu.dynamic_gather %exp3A_366[%gather3A_375] in [0] : vector<16xf32>, vector<16xi32> -> vector<16xf32>
        %mul3A_377 = arith.mulf %bitcast_convert_type3A_349, %gather3A_376 : vector<16xf32>
        %swap3A_378 = arith.index_cast %scan3A_317 : i32 to index
        %swap3A_379 = arith.constant 64 : index
        %swap3A_380 = tpu.vector_load %arg14[%swap3A_378, %swap3A_379] {strides = array<i32>} : memref<128x80xf32, #tpu.memory_space<vmem>>, vector<1x16xf32>,
        %swap3A_381 = vector.shape_cast %swap3A_380 : vector<1x16xf32> to vector<16xf32>
        %swap3A_382 = vector.shape_cast %mul3A_377 : vector<16xf32> to vector<1x16xf32>
        tpu.vector_store %arg14[%swap3A_378, %swap3A_379], %swap3A_382 {strides = array<i32>} : memref<128x80xf32, #tpu.memory_space<vmem>>, vector<1x16xf32>,
        %mul3A_383 = arith.mulf %bitcast_convert_type3A_325, %gather3A_376 : vector<16xf32>
        %swap3A_384 = arith.index_cast %scan3A_317 : i32 to index
        %swap3A_385 = arith.constant 0 : index
        %swap3A_386 = tpu.vector_load %arg14[%swap3A_384, %swap3A_385] {strides = array<i32>} : memref<128x80xf32, #tpu.memory_space<vmem>>, vector<1x16xf32>,
        %swap3A_387 = vector.shape_cast %swap3A_386 : vector<1x16xf32> to vector<16xf32>
        %swap3A_388 = vector.shape_cast %mul3A_383 : vector<16xf32> to vector<1x16xf32>
        tpu.vector_store %arg14[%swap3A_384, %swap3A_385], %swap3A_388 {strides = array<i32>} : memref<128x80xf32, #tpu.memory_space<vmem>>, vector<1x16xf32>,
        %mul3A_389 = arith.mulf %bitcast_convert_type3A_329, %gather3A_376 : vector<16xf32>
        %swap3A_390 = arith.index_cast %scan3A_317 : i32 to index
        %swap3A_391 = arith.constant 16 : index
        %swap3A_392 = tpu.vector_load %arg14[%swap3A_390, %swap3A_391] {strides = array<i32>} : memref<128x80xf32, #tpu.memory_space<vmem>>, vector<1x16xf32>,
        %swap3A_393 = vector.shape_cast %swap3A_392 : vector<1x16xf32> to vector<16xf32>
        %swap3A_394 = vector.shape_cast %mul3A_389 : vector<16xf32> to vector<1x16xf32>
        tpu.vector_store %arg14[%swap3A_390, %swap3A_391], %swap3A_394 {strides = array<i32>} : memref<128x80xf32, #tpu.memory_space<vmem>>, vector<1x16xf32>,
        %mul3A_395 = arith.mulf %bitcast_convert_type3A_337, %gather3A_376 : vector<16xf32>
        %swap3A_396 = arith.index_cast %scan3A_317 : i32 to index
        %swap3A_397 = arith.constant 32 : index
        %swap3A_398 = tpu.vector_load %arg14[%swap3A_396, %swap3A_397] {strides = array<i32>} : memref<128x80xf32, #tpu.memory_space<vmem>>, vector<1x16xf32>,
        %swap3A_399 = vector.shape_cast %swap3A_398 : vector<1x16xf32> to vector<16xf32>
        %swap3A_400 = vector.shape_cast %mul3A_395 : vector<16xf32> to vector<1x16xf32>
        tpu.vector_store %arg14[%swap3A_396, %swap3A_397], %swap3A_400 {strides = array<i32>} : memref<128x80xf32, #tpu.memory_space<vmem>>, vector<1x16xf32>,
        %mul3A_401 = arith.mulf %bitcast_convert_type3A_341, %gather3A_376 : vector<16xf32>
        %swap3A_402 = arith.index_cast %scan3A_317 : i32 to index
        %swap3A_403 = arith.constant 48 : index
        %swap3A_404 = tpu.vector_load %arg14[%swap3A_402, %swap3A_403] {strides = array<i32>} : memref<128x80xf32, #tpu.memory_space<vmem>>, vector<1x16xf32>,
        %swap3A_405 = vector.shape_cast %swap3A_404 : vector<1x16xf32> to vector<16xf32>
        %swap3A_406 = vector.shape_cast %mul3A_401 : vector<16xf32> to vector<1x16xf32>
        tpu.vector_store %arg14[%swap3A_402, %swap3A_403], %swap3A_406 {strides = array<i32>} : memref<128x80xf32, #tpu.memory_space<vmem>>, vector<1x16xf32>,
        %scan3A_407 = arith.constant 3 : i32
        %scan3A_408 = arith.addi %scan3A_143, %scan3A_407 : i32
        %get3A_409 = arith.index_cast %scan3A_408 : i32 to index
        %get3A_410 = arith.constant 0 : index
        %get3A_411 = tpu.vector_load %arg10[%get3A_409, %get3A_410] {strides = array<i32>} : memref<128x48xi32, #tpu.memory_space<vmem>>, vector<1x16xi32>,
        %get3A_412 = vector.shape_cast %get3A_411 : vector<1x16xi32> to vector<16xi32>
        %shift_left3A_413 = arith.constant 16 : i32
        %shift_left3A_414 = vector.broadcast %shift_left3A_413 : i32 to vector<16xi32>
        %shift_left3A_415 = arith.shli %get3A_412, %shift_left3A_414 : vector<16xi32>
        %bitcast_convert_type3A_416 = tpu.bitcast %shift_left3A_415 : vector<16xi32> -> vector<16xf32>
        %and3A_417 = arith.constant -65536 : i32
        %and3A_418 = vector.broadcast %and3A_417 : i32 to vector<16xi32>
        %and3A_419 = arith.andi %get3A_412, %and3A_418 : vector<16xi32>
        %bitcast_convert_type3A_420 = tpu.bitcast %and3A_419 : vector<16xi32> -> vector<16xf32>
        %get3A_421 = arith.index_cast %scan3A_408 : i32 to index
        %get3A_422 = arith.constant 16 : index
        %get3A_423 = tpu.vector_load %arg10[%get3A_421, %get3A_422] {strides = array<i32>} : memref<128x48xi32, #tpu.memory_space<vmem>>, vector<1x16xi32>,
        %get3A_424 = vector.shape_cast %get3A_423 : vector<1x16xi32> to vector<16xi32>
        %shift_left3A_425 = arith.constant 16 : i32
        %shift_left3A_426 = vector.broadcast %shift_left3A_425 : i32 to vector<16xi32>
        %shift_left3A_427 = arith.shli %get3A_424, %shift_left3A_426 : vector<16xi32>
        %bitcast_convert_type3A_428 = tpu.bitcast %shift_left3A_427 : vector<16xi32> -> vector<16xf32>
        %and3A_429 = arith.constant -65536 : i32
        %and3A_430 = vector.broadcast %and3A_429 : i32 to vector<16xi32>
        %and3A_431 = arith.andi %get3A_424, %and3A_430 : vector<16xi32>
        %bitcast_convert_type3A_432 = tpu.bitcast %and3A_431 : vector<16xi32> -> vector<16xf32>
        %get3A_433 = arith.index_cast %scan3A_408 : i32 to index
        %get3A_434 = arith.constant 32 : index
        %get3A_435 = tpu.vector_load %arg10[%get3A_433, %get3A_434] {strides = array<i32>} : memref<128x48xi32, #tpu.memory_space<vmem>>, vector<1x16xi32>,
        %get3A_436 = vector.shape_cast %get3A_435 : vector<1x16xi32> to vector<16xi32>
        %shift_left3A_437 = arith.constant 16 : i32
        %shift_left3A_438 = vector.broadcast %shift_left3A_437 : i32 to vector<16xi32>
        %shift_left3A_439 = arith.shli %get3A_436, %shift_left3A_438 : vector<16xi32>
        %bitcast_convert_type3A_440 = tpu.bitcast %shift_left3A_439 : vector<16xi32> -> vector<16xf32>
        %and3A_441 = arith.constant -65536 : i32
        %and3A_442 = vector.broadcast %and3A_441 : i32 to vector<16xi32>
        %and3A_443 = arith.andi %get3A_436, %and3A_442 : vector<16xi32>
        %bitcast_convert_type3A_444 = tpu.bitcast %and3A_443 : vector<16xi32> -> vector<16xf32>
        %get3A_445 = arith.index_cast %scan3A_408 : i32 to index
        %get3A_446 = arith.constant 0 : index
        %get3A_447 = tpu.vector_load %arg12[%get3A_445, %get3A_446] {strides = array<i32>} : memref<128x16xf32, #tpu.memory_space<vmem>>, vector<1x16xf32>,
        %get3A_448 = vector.shape_cast %get3A_447 : vector<1x16xf32> to vector<16xf32>
        %add3A_449 = arith.addf %bitcast_convert_type3A_440, %get3A_448 : vector<16xf32>
        %gt3A_450 = arith.constant 0.000000e+00 : f32
        %gt3A_451 = vector.broadcast %gt3A_450 : f32 to vector<16xf32>
        %gt3A_452 = arith.cmpf ogt, %add3A_449, %gt3A_451 : vector<16xf32>
        %mul3A_453 = arith.constant 2.000000e-01 : f32
        %mul3A_454 = vector.broadcast %mul3A_453 : f32 to vector<16xf32>
        %mul3A_455 = arith.mulf %add3A_449, %mul3A_454 : vector<16xf32>
        %select_n3A_456 = arith.select %gt3A_452, %add3A_449, %mul3A_455 : vector<16xi1>, vector<16xf32>
        %exp3A_457 = math.exp %select_n3A_456 : vector<16xf32>
        %lt3A_458 = arith.constant 0 : i32
        %lt3A_459 = vector.broadcast %lt3A_458 : i32 to vector<16xi32>
        %lt3A_460 = arith.cmpi slt, %broadcast_in_dim3A_1, %lt3A_459 : vector<16xi32>
        %add3A_461 = arith.constant 16 : i32
        %add3A_462 = vector.broadcast %add3A_461 : i32 to vector<16xi32>
        %add3A_463 = arith.addi %broadcast_in_dim3A_1, %add3A_462 : vector<16xi32>
        %select_n3A_464 = arith.select %lt3A_460, %add3A_463, %broadcast_in_dim3A_1 : vector<16xi1>, vector<16xi32>
        %broadcast_in_dim3A_465 = vector.shape_cast %select_n3A_464 : vector<16xi32> to vector<16x1xi32>
        %gather3A_466 = vector.shape_cast %broadcast_in_dim3A_465 : vector<16x1xi32> to vector<16xi32>
        %gather3A_467 = tpu.dynamic_gather %exp3A_457[%gather3A_466] in [0] : vector<16xf32>, vector<16xi32> -> vector<16xf32>
        %mul3A_468 = arith.mulf %bitcast_convert_type3A_440, %gather3A_467 : vector<16xf32>
        %swap3A_469 = arith.index_cast %scan3A_408 : i32 to index
        %swap3A_470 = arith.constant 64 : index
        %swap3A_471 = tpu.vector_load %arg14[%swap3A_469, %swap3A_470] {strides = array<i32>} : memref<128x80xf32, #tpu.memory_space<vmem>>, vector<1x16xf32>,
        %swap3A_472 = vector.shape_cast %swap3A_471 : vector<1x16xf32> to vector<16xf32>
        %swap3A_473 = vector.shape_cast %mul3A_468 : vector<16xf32> to vector<1x16xf32>
        tpu.vector_store %arg14[%swap3A_469, %swap3A_470], %swap3A_473 {strides = array<i32>} : memref<128x80xf32, #tpu.memory_space<vmem>>, vector<1x16xf32>,
        %mul3A_474 = arith.mulf %bitcast_convert_type3A_416, %gather3A_467 : vector<16xf32>
        %swap3A_475 = arith.index_cast %scan3A_408 : i32 to index
        %swap3A_476 = arith.constant 0 : index
        %swap3A_477 = tpu.vector_load %arg14[%swap3A_475, %swap3A_476] {strides = array<i32>} : memref<128x80xf32, #tpu.memory_space<vmem>>, vector<1x16xf32>,
        %swap3A_478 = vector.shape_cast %swap3A_477 : vector<1x16xf32> to vector<16xf32>
        %swap3A_479 = vector.shape_cast %mul3A_474 : vector<16xf32> to vector<1x16xf32>
        tpu.vector_store %arg14[%swap3A_475, %swap3A_476], %swap3A_479 {strides = array<i32>} : memref<128x80xf32, #tpu.memory_space<vmem>>, vector<1x16xf32>,
        %mul3A_480 = arith.mulf %bitcast_convert_type3A_420, %gather3A_467 : vector<16xf32>
        %swap3A_481 = arith.index_cast %scan3A_408 : i32 to index
        %swap3A_482 = arith.constant 16 : index
        %swap3A_483 = tpu.vector_load %arg14[%swap3A_481, %swap3A_482] {strides = array<i32>} : memref<128x80xf32, #tpu.memory_space<vmem>>, vector<1x16xf32>,
        %swap3A_484 = vector.shape_cast %swap3A_483 : vector<1x16xf32> to vector<16xf32>
        %swap3A_485 = vector.shape_cast %mul3A_480 : vector<16xf32> to vector<1x16xf32>
        tpu.vector_store %arg14[%swap3A_481, %swap3A_482], %swap3A_485 {strides = array<i32>} : memref<128x80xf32, #tpu.memory_space<vmem>>, vector<1x16xf32>,
        %mul3A_486 = arith.mulf %bitcast_convert_type3A_428, %gather3A_467 : vector<16xf32>
        %swap3A_487 = arith.index_cast %scan3A_408 : i32 to index
        %swap3A_488 = arith.constant 32 : index
        %swap3A_489 = tpu.vector_load %arg14[%swap3A_487, %swap3A_488] {strides = array<i32>} : memref<128x80xf32, #tpu.memory_space<vmem>>, vector<1x16xf32>,
        %swap3A_490 = vector.shape_cast %swap3A_489 : vector<1x16xf32> to vector<16xf32>
        %swap3A_491 = vector.shape_cast %mul3A_486 : vector<16xf32> to vector<1x16xf32>
        tpu.vector_store %arg14[%swap3A_487, %swap3A_488], %swap3A_491 {strides = array<i32>} : memref<128x80xf32, #tpu.memory_space<vmem>>, vector<1x16xf32>,
        %mul3A_492 = arith.mulf %bitcast_convert_type3A_432, %gather3A_467 : vector<16xf32>
        %swap3A_493 = arith.index_cast %scan3A_408 : i32 to index
        %swap3A_494 = arith.constant 48 : index
        %swap3A_495 = tpu.vector_load %arg14[%swap3A_493, %swap3A_494] {strides = array<i32>} : memref<128x80xf32, #tpu.memory_space<vmem>>, vector<1x16xf32>,
        %swap3A_496 = vector.shape_cast %swap3A_495 : vector<1x16xf32> to vector<16xf32>
        %swap3A_497 = vector.shape_cast %mul3A_492 : vector<16xf32> to vector<1x16xf32>
        tpu.vector_store %arg14[%swap3A_493, %swap3A_494], %swap3A_497 {strides = array<i32>} : memref<128x80xf32, #tpu.memory_space<vmem>>, vector<1x16xf32>,
      }
      %scan3A_131 = arith.constant 128 : i32
      %dma_start3A_132 = arith.constant 0 : i32
      %dma_start3A_133 = tpu.memref_slice %arg8[%add3A_108, %dma_start3A_132] : memref<84x128xi32, #tpu.memory_space<vmem>> -> memref<1x128xi32, #tpu.memory_space<vmem>>
      %dma_start3A_134 = tpu.memref_squeeze %dma_start3A_133 : memref<1x128xi32, #tpu.memory_space<vmem>> -> memref<128xi32, #tpu.memory_space<vmem>>
      %dma_start3A_135 = arith.constant 0 : i32
      %dma_start3A_136 = arith.constant 0 : i32
      %dma_start3A_137 = tpu.memref_slice %arg15[%dma_start3A_135, %dma_start3A_136] : memref<10016x80xf32, #tpu.memory_space<vmem_shared>> -> memref<10016x80xf32, #tpu.memory_space<vmem_shared>>
      tpu.enqueue_indirect_dma source(%arg14 : memref<128x80xf32, #tpu.memory_space<vmem>>) target(%dma_start3A_137 : memref<10016x80xf32, #tpu.memory_space<vmem_shared>>) offsets(%dma_start3A_134 : memref<128xi32, #tpu.memory_space<vmem>>) semaphore(%arg21 : memref<!tpu.dma_semaphore, #tpu.memory_space<semaphore_mem>>) {add = true}
      %lt3A_138 = arith.constant 41 : i32
      %lt3A_139 = arith.cmpi slt, %scan3A_70, %lt3A_138 : i32
      %convert_element_type3A_140 = arith.extui %lt3A_139 : i1 to i32
      %cond3A_141 = arith.constant 0 : i32
      %cond3A_142 = arith.cmpi ne, %convert_element_type3A_140, %cond3A_141 : i32
      scf.if %cond3A_142 {
        %add3A_143 = arith.constant 2 : i32
        %add3A_144 = arith.addi %add3A_108, %add3A_143 : i32
        %dma_start3A_145 = arith.constant 0 : i32
        %dma_start3A_146 = tpu.memref_slice %arg7[%add3A_144, %dma_start3A_145] : memref<84x128xi32, #tpu.memory_space<vmem>> -> memref<1x128xi32, #tpu.memory_space<vmem>>
        %dma_start3A_147 = tpu.memref_squeeze %dma_start3A_146 : memref<1x128xi32, #tpu.memory_space<vmem>> -> memref<128xi32, #tpu.memory_space<vmem>>
        %dma_start3A_148 = arith.constant 0 : i32
        %dma_start3A_149 = arith.constant 0 : i32
        %dma_start3A_150 = tpu.memref_slice %arg4[%dma_start3A_148, %dma_start3A_149] : memref<10016x48xi32, #tpu.memory_space<hbm>> -> memref<10016x48xi32, #tpu.memory_space<hbm>>
        tpu.enqueue_indirect_dma source(%dma_start3A_150 : memref<10016x48xi32, #tpu.memory_space<hbm>>) target(%arg10 : memref<128x48xi32, #tpu.memory_space<vmem>>) offsets(%dma_start3A_147 : memref<128xi32, #tpu.memory_space<vmem>>) semaphore(%arg19 : memref<!tpu.dma_semaphore, #tpu.memory_space<semaphore_mem>>)
        %dma_start3A_151 = arith.constant 0 : i32
        %dma_start3A_152 = tpu.memref_slice %arg8[%add3A_144, %dma_start3A_151] : memref<84x128xi32, #tpu.memory_space<vmem>> -> memref<1x128xi32, #tpu.memory_space<vmem>>
        %dma_start3A_153 = tpu.memref_squeeze %dma_start3A_152 : memref<1x128xi32, #tpu.memory_space<vmem>> -> memref<128xi32, #tpu.memory_space<vmem>>
        %dma_start3A_154 = arith.constant 0 : i32
        %dma_start3A_155 = arith.constant 0 : i32
        %dma_start3A_156 = tpu.memref_slice %arg5[%dma_start3A_154, %dma_start3A_155] : memref<10016x16xf32, #tpu.memory_space<hbm>> -> memref<10016x16xf32, #tpu.memory_space<hbm>>
        tpu.enqueue_indirect_dma source(%dma_start3A_156 : memref<10016x16xf32, #tpu.memory_space<hbm>>) target(%arg12 : memref<128x16xf32, #tpu.memory_space<vmem>>) offsets(%dma_start3A_153 : memref<128xi32, #tpu.memory_space<vmem>>) semaphore(%arg20 : memref<!tpu.dma_semaphore, #tpu.memory_space<semaphore_mem>>)
      } else {
      }
    }
    %scan3A_53 = arith.constant 42 : i32
    %dma_wait3A = arith.constant 82 : i32
    %dma_wait3A_54 = arith.constant 0 : i32
    %dma_wait3A_55 = tpu.memref_slice %arg8[%dma_wait3A, %dma_wait3A_54] : memref<84x128xi32, #tpu.memory_space<vmem>> -> memref<1x128xi32, #tpu.memory_space<vmem>>
    %dma_wait3A_56 = tpu.memref_squeeze %dma_wait3A_55 : memref<1x128xi32, #tpu.memory_space<vmem>> -> memref<128xi32, #tpu.memory_space<vmem>>
    %dma_wait3A_57 = arith.constant 0 : i32
    %dma_wait3A_58 = arith.constant 0 : i32
    %dma_wait3A_59 = tpu.memref_slice %arg15[%dma_wait3A_57, %dma_wait3A_58] : memref<10016x80xf32, #tpu.memory_space<vmem_shared>> -> memref<10016x80xf32, #tpu.memory_space<vmem_shared>>
    tpu.wait_indirect_dma semaphore(%arg18 : memref<!tpu.dma_semaphore, #tpu.memory_space<semaphore_mem>>) src(%arg13 : memref<128x80xf32, #tpu.memory_space<vmem>>) dst(%dma_wait3A_59 : memref<10016x80xf32, #tpu.memory_space<vmem_shared>>)
    %dma_wait3A_60 = arith.constant 83 : i32
    %dma_wait3A_61 = arith.constant 0 : i32
    %dma_wait3A_62 = tpu.memref_slice %arg8[%dma_wait3A_60, %dma_wait3A_61] : memref<84x128xi32, #tpu.memory_space<vmem>> -> memref<1x128xi32, #tpu.memory_space<vmem>>
    %dma_wait3A_63 = tpu.memref_squeeze %dma_wait3A_62 : memref<1x128xi32, #tpu.memory_space<vmem>> -> memref<128xi32, #tpu.memory_space<vmem>>
    %dma_wait3A_64 = arith.constant 0 : i32
    %dma_wait3A_65 = arith.constant 0 : i32
    %dma_wait3A_66 = tpu.memref_slice %arg15[%dma_wait3A_64, %dma_wait3A_65] : memref<10016x80xf32, #tpu.memory_space<vmem_shared>> -> memref<10016x80xf32, #tpu.memory_space<vmem_shared>>
    tpu.wait_indirect_dma semaphore(%arg21 : memref<!tpu.dma_semaphore, #tpu.memory_space<semaphore_mem>>) src(%arg14 : memref<128x80xf32, #tpu.memory_space<vmem>>) dst(%dma_wait3A_66 : memref<10016x80xf32, #tpu.memory_space<vmem_shared>>)
    %barrier3A_67 = arith.constant 0 : index
    tpu.barrier barrier_id(%barrier3A_67)
    %mul3A_68 = arith.constant 626 : i32
    %mul3A_69 = arith.muli %arg1, %mul3A_68 : i32
    "tpu.region"() ({
      %run_scoped3A = tpu.sem_alloc : memref<!tpu.dma_semaphore, #tpu.memory_space<semaphore_mem>>
      %dma_start3A_70 = arith.constant 0 : i32
      %dma_start3A_71 = tpu.memref_slice %arg6[%arg0, %mul3A_69, %dma_start3A_70] : memref<2x10016x80xf32, #tpu.memory_space<hbm>> -> memref<1x626x80xf32, #tpu.memory_space<hbm>>
      %dma_start3A_72 = tpu.memref_squeeze %dma_start3A_71 : memref<1x626x80xf32, #tpu.memory_space<hbm>> -> memref<626x80xf32, #tpu.memory_space<hbm>>
      %dma_start3A_73 = arith.constant 0 : i32
      %dma_start3A_74 = tpu.memref_slice %arg15[%mul3A_69, %dma_start3A_73] : memref<10016x80xf32, #tpu.memory_space<vmem_shared>> -> memref<626x80xf32, #tpu.memory_space<vmem_shared>>
      tpu.enqueue_dma source(%dma_start3A_74 : memref<626x80xf32, #tpu.memory_space<vmem_shared>>) target(%dma_start3A_72 : memref<626x80xf32, #tpu.memory_space<hbm>>) target_semaphore(%run_scoped3A : memref<!tpu.dma_semaphore, #tpu.memory_space<semaphore_mem>>)
      %dma_wait3A_75 = arith.constant 0 : i32
      %dma_wait3A_76 = tpu.memref_slice %arg6[%arg0, %mul3A_69, %dma_wait3A_75] : memref<2x10016x80xf32, #tpu.memory_space<hbm>> -> memref<1x626x80xf32, #tpu.memory_space<hbm>>
      %dma_wait3A_77 = tpu.memref_squeeze %dma_wait3A_76 : memref<1x626x80xf32, #tpu.memory_space<hbm>> -> memref<626x80xf32, #tpu.memory_space<hbm>>
      %dma_wait3A_78 = arith.constant 0 : i32
      %dma_wait3A_79 = tpu.memref_slice %arg15[%mul3A_69, %dma_wait3A_78] : memref<10016x80xf32, #tpu.memory_space<vmem_shared>> -> memref<626x80xf32, #tpu.memory_space<vmem_shared>>
      tpu.wait_dma2 semaphore(%run_scoped3A : memref<!tpu.dma_semaphore, #tpu.memory_space<semaphore_mem>>) src(%dma_wait3A_79 : memref<626x80xf32, #tpu.memory_space<vmem_shared>>) dst(%dma_wait3A_77 : memref<626x80xf32, #tpu.memory_space<hbm>>)
      tpu.yield
    }) : () -> ()
    return
  }
}

#map = affine_map<(d0, d1) -> (0, 0, 0)>
#map1 = affine_map<(d0, d1) -> (0, 0)>
module attributes {stable_mosaic.version = 14 : i64} {
  func.func @kern(%arg0: i32, %arg1: i32, %arg2: memref<16x168x128xi32, #tpu.memory_space<hbm>>, %arg3: memref<16x168x128xi32, #tpu.memory_space<hbm>>, %arg4: memref<20032x48xi32, #tpu.memory_space<hbm>>, %arg5: memref<10016x16xf32, #tpu.memory_space<hbm>>, %arg6: memref<2x10016x80xf32, #tpu.memory_space<hbm>>, %arg7: memref<168x128xi32, #tpu.memory_space<vmem>>, %arg8: memref<168x128xi32, #tpu.memory_space<vmem>>, %arg9: memref<128x48xi32, #tpu.memory_space<vmem>>, %arg10: memref<128x48xi32, #tpu.memory_space<vmem>>, %arg11: memref<128x16xf32, #tpu.memory_space<vmem>>, %arg12: memref<128x16xf32, #tpu.memory_space<vmem>>, %arg13: memref<128x80xf32, #tpu.memory_space<vmem>>, %arg14: memref<128x80xf32, #tpu.memory_space<vmem>>, %arg15: memref<10016x80xf32, #tpu.memory_space<vmem_shared>>, %arg16: memref<!tpu.dma_semaphore, #tpu.memory_space<semaphore_mem>>, %arg17: memref<!tpu.dma_semaphore, #tpu.memory_space<semaphore_mem>>, %arg18: memref<!tpu.dma_semaphore, #tpu.memory_space<semaphore_mem>>, %arg19: memref<!tpu.dma_semaphore, #tpu.memory_space<semaphore_mem>>, %arg20: memref<!tpu.dma_semaphore, #tpu.memory_space<semaphore_mem>>, %arg21: memref<!tpu.dma_semaphore, #tpu.memory_space<semaphore_mem>>) attributes {dimension_semantics = [#tpu.dimension_semantics<core_parallel>, #tpu.dimension_semantics<subcore_parallel>], iteration_bounds = array<i64: 2, 16>, scalar_prefetch = 0 : i64, scratch_operands = 15 : i64, tpu.core_type = #tpu.core_type<sc_vector_subcore>, window_params = [{transform_indices = #map}, {transform_indices = #map}, {transform_indices = #map1}, {transform_indices = #map1}, {transform_indices = #map}]} {
    "tpu.region"() ({
      %run_scoped3A = tpu.sem_alloc : memref<!tpu.dma_semaphore, #tpu.memory_space<semaphore_mem>>
      %dma_start3A_122 = arith.constant 0 : i32
      %dma_start3A_123 = arith.constant 0 : i32
      %dma_start3A_124 = tpu.memref_slice %arg2[%arg1, %dma_start3A_122, %dma_start3A_123] : memref<16x168x128xi32, #tpu.memory_space<hbm>> -> memref<1x168x128xi32, #tpu.memory_space<hbm>>
      %dma_start3A_125 = tpu.memref_squeeze %dma_start3A_124 : memref<1x168x128xi32, #tpu.memory_space<hbm>> -> memref<168x128xi32, #tpu.memory_space<hbm>>
      %dma_start3A_126 = arith.constant 0 : i32
      %dma_start3A_127 = arith.constant 0 : i32
      %dma_start3A_128 = tpu.memref_slice %arg2[%arg1, %dma_start3A_126, %dma_start3A_127] : memref<16x168x128xi32, #tpu.memory_space<hbm>> -> memref<1x168x128xi32, #tpu.memory_space<hbm>>
      %dma_start3A_129 = tpu.memref_squeeze %dma_start3A_128 : memref<1x168x128xi32, #tpu.memory_space<hbm>> -> memref<168x128xi32, #tpu.memory_space<hbm>>
      tpu.enqueue_dma source(%dma_start3A_129 : memref<168x128xi32, #tpu.memory_space<hbm>>) target(%arg7 : memref<168x128xi32, #tpu.memory_space<vmem>>) target_semaphore(%run_scoped3A : memref<!tpu.dma_semaphore, #tpu.memory_space<semaphore_mem>>)
      %dma_wait3A_130 = arith.constant 0 : i32
      %dma_wait3A_131 = arith.constant 0 : i32
      %dma_wait3A_132 = tpu.memref_slice %arg2[%arg1, %dma_wait3A_130, %dma_wait3A_131] : memref<16x168x128xi32, #tpu.memory_space<hbm>> -> memref<1x168x128xi32, #tpu.memory_space<hbm>>
      %dma_wait3A_133 = tpu.memref_squeeze %dma_wait3A_132 : memref<1x168x128xi32, #tpu.memory_space<hbm>> -> memref<168x128xi32, #tpu.memory_space<hbm>>
      %dma_wait3A_134 = arith.constant 0 : i32
      %dma_wait3A_135 = arith.constant 0 : i32
      %dma_wait3A_136 = tpu.memref_slice %arg2[%arg1, %dma_wait3A_134, %dma_wait3A_135] : memref<16x168x128xi32, #tpu.memory_space<hbm>> -> memref<1x168x128xi32, #tpu.memory_space<hbm>>
      %dma_wait3A_137 = tpu.memref_squeeze %dma_wait3A_136 : memref<1x168x128xi32, #tpu.memory_space<hbm>> -> memref<168x128xi32, #tpu.memory_space<hbm>>
      tpu.wait_dma2 semaphore(%run_scoped3A : memref<!tpu.dma_semaphore, #tpu.memory_space<semaphore_mem>>) src(%dma_wait3A_137 : memref<168x128xi32, #tpu.memory_space<hbm>>) dst(%arg7 : memref<168x128xi32, #tpu.memory_space<vmem>>)
      tpu.yield
    }) : () -> ()
    "tpu.region"() ({
      %run_scoped3A = tpu.sem_alloc : memref<!tpu.dma_semaphore, #tpu.memory_space<semaphore_mem>>
      %dma_start3A_122 = arith.constant 0 : i32
      %dma_start3A_123 = arith.constant 0 : i32
      %dma_start3A_124 = tpu.memref_slice %arg3[%arg1, %dma_start3A_122, %dma_start3A_123] : memref<16x168x128xi32, #tpu.memory_space<hbm>> -> memref<1x168x128xi32, #tpu.memory_space<hbm>>
      %dma_start3A_125 = tpu.memref_squeeze %dma_start3A_124 : memref<1x168x128xi32, #tpu.memory_space<hbm>> -> memref<168x128xi32, #tpu.memory_space<hbm>>
      %dma_start3A_126 = arith.constant 0 : i32
      %dma_start3A_127 = arith.constant 0 : i32
      %dma_start3A_128 = tpu.memref_slice %arg3[%arg1, %dma_start3A_126, %dma_start3A_127] : memref<16x168x128xi32, #tpu.memory_space<hbm>> -> memref<1x168x128xi32, #tpu.memory_space<hbm>>
      %dma_start3A_129 = tpu.memref_squeeze %dma_start3A_128 : memref<1x168x128xi32, #tpu.memory_space<hbm>> -> memref<168x128xi32, #tpu.memory_space<hbm>>
      tpu.enqueue_dma source(%dma_start3A_129 : memref<168x128xi32, #tpu.memory_space<hbm>>) target(%arg8 : memref<168x128xi32, #tpu.memory_space<vmem>>) target_semaphore(%run_scoped3A : memref<!tpu.dma_semaphore, #tpu.memory_space<semaphore_mem>>)
      %dma_wait3A_130 = arith.constant 0 : i32
      %dma_wait3A_131 = arith.constant 0 : i32
      %dma_wait3A_132 = tpu.memref_slice %arg3[%arg1, %dma_wait3A_130, %dma_wait3A_131] : memref<16x168x128xi32, #tpu.memory_space<hbm>> -> memref<1x168x128xi32, #tpu.memory_space<hbm>>
      %dma_wait3A_133 = tpu.memref_squeeze %dma_wait3A_132 : memref<1x168x128xi32, #tpu.memory_space<hbm>> -> memref<168x128xi32, #tpu.memory_space<hbm>>
      %dma_wait3A_134 = arith.constant 0 : i32
      %dma_wait3A_135 = arith.constant 0 : i32
      %dma_wait3A_136 = tpu.memref_slice %arg3[%arg1, %dma_wait3A_134, %dma_wait3A_135] : memref<16x168x128xi32, #tpu.memory_space<hbm>> -> memref<1x168x128xi32, #tpu.memory_space<hbm>>
      %dma_wait3A_137 = tpu.memref_squeeze %dma_wait3A_136 : memref<1x168x128xi32, #tpu.memory_space<hbm>> -> memref<168x128xi32, #tpu.memory_space<hbm>>
      tpu.wait_dma2 semaphore(%run_scoped3A : memref<!tpu.dma_semaphore, #tpu.memory_space<semaphore_mem>>) src(%dma_wait3A_137 : memref<168x128xi32, #tpu.memory_space<hbm>>) dst(%arg8 : memref<168x128xi32, #tpu.memory_space<vmem>>)
      tpu.yield
    }) : () -> ()
    %broadcast_in_dim3A = arith.constant 0 : i32
    %broadcast_in_dim3A_0 = vector.broadcast %broadcast_in_dim3A : i32 to vector<16xi32>
    %mul3A = arith.constant 10016 : i32
    %mul3A_1 = arith.muli %arg0, %mul3A : i32
    %add3A = vector.broadcast %mul3A_1 : i32 to vector<16xi32>
    %add3A_2 = arith.addi %broadcast_in_dim3A_0, %add3A : vector<16xi32>
    %scan3A = arith.constant 0 : i32
    %scan3A_3 = arith.constant 0 : i32
    %scan3A_4 = arith.constant 168 : i32
    %scan3A_5 = arith.addi %scan3A_3, %scan3A_4 : i32
    %scan3A_6 = arith.constant 1 : i32
    scf.for %scan3A_122 = %scan3A_3 to %scan3A_5 step %scan3A_6  : i32 {
      %get3A = arith.index_cast %scan3A_122 : i32 to index
      %get3A_123 = arith.constant 0 : index
      %get3A_124 = tpu.vector_load %arg7[%get3A, %get3A_123] {strides = array<i32>} : memref<168x128xi32, #tpu.memory_space<vmem>>, vector<1x16xi32>,
      %get3A_125 = vector.shape_cast %get3A_124 : vector<1x16xi32> to vector<16xi32>
      %add3A_126 = arith.addi %get3A_125, %add3A_2 : vector<16xi32>
      %swap3A = arith.index_cast %scan3A_122 : i32 to index
      %swap3A_127 = arith.constant 0 : index
      %swap3A_128 = tpu.vector_load %arg7[%swap3A, %swap3A_127] {strides = array<i32>} : memref<168x128xi32, #tpu.memory_space<vmem>>, vector<1x16xi32>,
      %swap3A_129 = vector.shape_cast %swap3A_128 : vector<1x16xi32> to vector<16xi32>
      %swap3A_130 = vector.shape_cast %add3A_126 : vector<16xi32> to vector<1x16xi32>
      tpu.vector_store %arg7[%swap3A, %swap3A_127], %swap3A_130 {strides = array<i32>} : memref<168x128xi32, #tpu.memory_space<vmem>>, vector<1x16xi32>,
      %get3A_131 = arith.index_cast %scan3A_122 : i32 to index
      %get3A_132 = arith.constant 16 : index
      %get3A_133 = tpu.vector_load %arg7[%get3A_131, %get3A_132] {strides = array<i32>} : memref<168x128xi32, #tpu.memory_space<vmem>>, vector<1x16xi32>,
      %get3A_134 = vector.shape_cast %get3A_133 : vector<1x16xi32> to vector<16xi32>
      %add3A_135 = arith.addi %get3A_134, %add3A_2 : vector<16xi32>
      %swap3A_136 = arith.index_cast %scan3A_122 : i32 to index
      %swap3A_137 = arith.constant 16 : index
      %swap3A_138 = tpu.vector_load %arg7[%swap3A_136, %swap3A_137] {strides = array<i32>} : memref<168x128xi32, #tpu.memory_space<vmem>>, vector<1x16xi32>,
      %swap3A_139 = vector.shape_cast %swap3A_138 : vector<1x16xi32> to vector<16xi32>
      %swap3A_140 = vector.shape_cast %add3A_135 : vector<16xi32> to vector<1x16xi32>
      tpu.vector_store %arg7[%swap3A_136, %swap3A_137], %swap3A_140 {strides = array<i32>} : memref<168x128xi32, #tpu.memory_space<vmem>>, vector<1x16xi32>,
      %get3A_141 = arith.index_cast %scan3A_122 : i32 to index
      %get3A_142 = arith.constant 32 : index
      %get3A_143 = tpu.vector_load %arg7[%get3A_141, %get3A_142] {strides = array<i32>} : memref<168x128xi32, #tpu.memory_space<vmem>>, vector<1x16xi32>,
      %get3A_144 = vector.shape_cast %get3A_143 : vector<1x16xi32> to vector<16xi32>
      %add3A_145 = arith.addi %get3A_144, %add3A_2 : vector<16xi32>
      %swap3A_146 = arith.index_cast %scan3A_122 : i32 to index
      %swap3A_147 = arith.constant 32 : index
      %swap3A_148 = tpu.vector_load %arg7[%swap3A_146, %swap3A_147] {strides = array<i32>} : memref<168x128xi32, #tpu.memory_space<vmem>>, vector<1x16xi32>,
      %swap3A_149 = vector.shape_cast %swap3A_148 : vector<1x16xi32> to vector<16xi32>
      %swap3A_150 = vector.shape_cast %add3A_145 : vector<16xi32> to vector<1x16xi32>
      tpu.vector_store %arg7[%swap3A_146, %swap3A_147], %swap3A_150 {strides = array<i32>} : memref<168x128xi32, #tpu.memory_space<vmem>>, vector<1x16xi32>,
      %get3A_151 = arith.index_cast %scan3A_122 : i32 to index
      %get3A_152 = arith.constant 48 : index
      %get3A_153 = tpu.vector_load %arg7[%get3A_151, %get3A_152] {strides = array<i32>} : memref<168x128xi32, #tpu.memory_space<vmem>>, vector<1x16xi32>,
      %get3A_154 = vector.shape_cast %get3A_153 : vector<1x16xi32> to vector<16xi32>
      %add3A_155 = arith.addi %get3A_154, %add3A_2 : vector<16xi32>
      %swap3A_156 = arith.index_cast %scan3A_122 : i32 to index
      %swap3A_157 = arith.constant 48 : index
      %swap3A_158 = tpu.vector_load %arg7[%swap3A_156, %swap3A_157] {strides = array<i32>} : memref<168x128xi32, #tpu.memory_space<vmem>>, vector<1x16xi32>,
      %swap3A_159 = vector.shape_cast %swap3A_158 : vector<1x16xi32> to vector<16xi32>
      %swap3A_160 = vector.shape_cast %add3A_155 : vector<16xi32> to vector<1x16xi32>
      tpu.vector_store %arg7[%swap3A_156, %swap3A_157], %swap3A_160 {strides = array<i32>} : memref<168x128xi32, #tpu.memory_space<vmem>>, vector<1x16xi32>,
      %get3A_161 = arith.index_cast %scan3A_122 : i32 to index
      %get3A_162 = arith.constant 64 : index
      %get3A_163 = tpu.vector_load %arg7[%get3A_161, %get3A_162] {strides = array<i32>} : memref<168x128xi32, #tpu.memory_space<vmem>>, vector<1x16xi32>,
      %get3A_164 = vector.shape_cast %get3A_163 : vector<1x16xi32> to vector<16xi32>
      %add3A_165 = arith.addi %get3A_164, %add3A_2 : vector<16xi32>
      %swap3A_166 = arith.index_cast %scan3A_122 : i32 to index
      %swap3A_167 = arith.constant 64 : index
      %swap3A_168 = tpu.vector_load %arg7[%swap3A_166, %swap3A_167] {strides = array<i32>} : memref<168x128xi32, #tpu.memory_space<vmem>>, vector<1x16xi32>,
      %swap3A_169 = vector.shape_cast %swap3A_168 : vector<1x16xi32> to vector<16xi32>
      %swap3A_170 = vector.shape_cast %add3A_165 : vector<16xi32> to vector<1x16xi32>
      tpu.vector_store %arg7[%swap3A_166, %swap3A_167], %swap3A_170 {strides = array<i32>} : memref<168x128xi32, #tpu.memory_space<vmem>>, vector<1x16xi32>,
      %get3A_171 = arith.index_cast %scan3A_122 : i32 to index
      %get3A_172 = arith.constant 80 : index
      %get3A_173 = tpu.vector_load %arg7[%get3A_171, %get3A_172] {strides = array<i32>} : memref<168x128xi32, #tpu.memory_space<vmem>>, vector<1x16xi32>,
      %get3A_174 = vector.shape_cast %get3A_173 : vector<1x16xi32> to vector<16xi32>
      %add3A_175 = arith.addi %get3A_174, %add3A_2 : vector<16xi32>
      %swap3A_176 = arith.index_cast %scan3A_122 : i32 to index
      %swap3A_177 = arith.constant 80 : index
      %swap3A_178 = tpu.vector_load %arg7[%swap3A_176, %swap3A_177] {strides = array<i32>} : memref<168x128xi32, #tpu.memory_space<vmem>>, vector<1x16xi32>,
      %swap3A_179 = vector.shape_cast %swap3A_178 : vector<1x16xi32> to vector<16xi32>
      %swap3A_180 = vector.shape_cast %add3A_175 : vector<16xi32> to vector<1x16xi32>
      tpu.vector_store %arg7[%swap3A_176, %swap3A_177], %swap3A_180 {strides = array<i32>} : memref<168x128xi32, #tpu.memory_space<vmem>>, vector<1x16xi32>,
      %get3A_181 = arith.index_cast %scan3A_122 : i32 to index
      %get3A_182 = arith.constant 96 : index
      %get3A_183 = tpu.vector_load %arg7[%get3A_181, %get3A_182] {strides = array<i32>} : memref<168x128xi32, #tpu.memory_space<vmem>>, vector<1x16xi32>,
      %get3A_184 = vector.shape_cast %get3A_183 : vector<1x16xi32> to vector<16xi32>
      %add3A_185 = arith.addi %get3A_184, %add3A_2 : vector<16xi32>
      %swap3A_186 = arith.index_cast %scan3A_122 : i32 to index
      %swap3A_187 = arith.constant 96 : index
      %swap3A_188 = tpu.vector_load %arg7[%swap3A_186, %swap3A_187] {strides = array<i32>} : memref<168x128xi32, #tpu.memory_space<vmem>>, vector<1x16xi32>,
      %swap3A_189 = vector.shape_cast %swap3A_188 : vector<1x16xi32> to vector<16xi32>
      %swap3A_190 = vector.shape_cast %add3A_185 : vector<16xi32> to vector<1x16xi32>
      tpu.vector_store %arg7[%swap3A_186, %swap3A_187], %swap3A_190 {strides = array<i32>} : memref<168x128xi32, #tpu.memory_space<vmem>>, vector<1x16xi32>,
      %get3A_191 = arith.index_cast %scan3A_122 : i32 to index
      %get3A_192 = arith.constant 112 : index
      %get3A_193 = tpu.vector_load %arg7[%get3A_191, %get3A_192] {strides = array<i32>} : memref<168x128xi32, #tpu.memory_space<vmem>>, vector<1x16xi32>,
      %get3A_194 = vector.shape_cast %get3A_193 : vector<1x16xi32> to vector<16xi32>
      %add3A_195 = arith.addi %get3A_194, %add3A_2 : vector<16xi32>
      %swap3A_196 = arith.index_cast %scan3A_122 : i32 to index
      %swap3A_197 = arith.constant 112 : index
      %swap3A_198 = tpu.vector_load %arg7[%swap3A_196, %swap3A_197] {strides = array<i32>} : memref<168x128xi32, #tpu.memory_space<vmem>>, vector<1x16xi32>,
      %swap3A_199 = vector.shape_cast %swap3A_198 : vector<1x16xi32> to vector<16xi32>
      %swap3A_200 = vector.shape_cast %add3A_195 : vector<16xi32> to vector<1x16xi32>
      tpu.vector_store %arg7[%swap3A_196, %swap3A_197], %swap3A_200 {strides = array<i32>} : memref<168x128xi32, #tpu.memory_space<vmem>>, vector<1x16xi32>,
    }
    %scan3A_7 = arith.constant 168 : i32
    %iota3A = tpu.iota {dimensions = array<i32: 0>} : vector<16xi32>
    %jit3A = arith.constant 4 : i32
    %eq3A = arith.constant 0 : i32
    %eq3A_8 = arith.cmpi eq, %jit3A, %eq3A : i32
    %jit3A_9 = arith.constant 1 : i32
    %select_n3A = arith.select %eq3A_8, %jit3A_9, %jit3A : i32
    %rem3A = vector.broadcast %select_n3A : i32 to vector<16xi32>
    %rem3A_10 = arith.remsi %iota3A, %rem3A : vector<16xi32>
    %ne3A = arith.constant 0 : i32
    %ne3A_11 = vector.broadcast %ne3A : i32 to vector<16xi32>
    %ne3A_12 = arith.cmpi ne, %rem3A_10, %ne3A_11 : vector<16xi32>
    %lt3A = arith.constant 0 : i32
    %lt3A_13 = vector.broadcast %lt3A : i32 to vector<16xi32>
    %lt3A_14 = arith.cmpi slt, %rem3A_10, %lt3A_13 : vector<16xi32>
    %lt3A_15 = arith.constant 0 : i32
    %lt3A_16 = arith.cmpi slt, %select_n3A, %lt3A_15 : i32
    %ne3A_17 = vector.broadcast %lt3A_16 : i1 to vector<16xi1>
    %ne3A_18 = vector.broadcast %ne3A_17 : vector<16xi1> to vector<16xi1>
    %ne3A_19 = arith.xori %lt3A_14, %ne3A_18 : vector<16xi1>
    %and3A = arith.andi %ne3A_19, %ne3A_12 : vector<16xi1>
    %add3A_20 = vector.broadcast %select_n3A : i32 to vector<16xi32>
    %add3A_21 = arith.addi %rem3A_10, %add3A_20 : vector<16xi32>
    %select_n3A_22 = arith.select %and3A, %add3A_21, %rem3A_10 : vector<16xi1>, vector<16xi32>
    %mul3A_23 = arith.constant 4 : i32
    %mul3A_24 = arith.muli %arg0, %mul3A_23 : i32
    %add3A_25 = arith.constant 8 : i32
    %add3A_26 = arith.addi %add3A_25, %mul3A_24 : i32
    %add3A_27 = vector.broadcast %add3A_26 : i32 to vector<16xi32>
    %add3A_28 = arith.addi %select_n3A_22, %add3A_27 : vector<16xi32>
    %broadcast_in_dim3A_29 = arith.constant 8 : i32
    %broadcast_in_dim3A_30 = vector.broadcast %broadcast_in_dim3A_29 : i32 to vector<16xi32>
    %mul3A_31 = arith.constant 4 : i32
    %mul3A_32 = arith.muli %arg0, %mul3A_31 : i32
    %add3A_33 = vector.broadcast %mul3A_32 : i32 to vector<16xi32>
    %add3A_34 = arith.addi %broadcast_in_dim3A_30, %add3A_33 : vector<16xi32>
    %broadcast_in_dim3A_35 = arith.constant 9 : i32
    %broadcast_in_dim3A_36 = vector.broadcast %broadcast_in_dim3A_35 : i32 to vector<16xi32>
    %mul3A_37 = arith.constant 4 : i32
    %mul3A_38 = arith.muli %arg0, %mul3A_37 : i32
    %add3A_39 = vector.broadcast %mul3A_38 : i32 to vector<16xi32>
    %add3A_40 = arith.addi %broadcast_in_dim3A_36, %add3A_39 : vector<16xi32>
    %broadcast_in_dim3A_41 = arith.constant 10 : i32
    %broadcast_in_dim3A_42 = vector.broadcast %broadcast_in_dim3A_41 : i32 to vector<16xi32>
    %mul3A_43 = arith.constant 4 : i32
    %mul3A_44 = arith.muli %arg0, %mul3A_43 : i32
    %add3A_45 = vector.broadcast %mul3A_44 : i32 to vector<16xi32>
    %add3A_46 = arith.addi %broadcast_in_dim3A_42, %add3A_45 : vector<16xi32>
    %broadcast_in_dim3A_47 = arith.constant 11 : i32
    %broadcast_in_dim3A_48 = vector.broadcast %broadcast_in_dim3A_47 : i32 to vector<16xi32>
    %mul3A_49 = arith.constant 4 : i32
    %mul3A_50 = arith.muli %arg0, %mul3A_49 : i32
    %add3A_51 = vector.broadcast %mul3A_50 : i32 to vector<16xi32>
    %add3A_52 = arith.addi %broadcast_in_dim3A_48, %add3A_51 : vector<16xi32>
    %broadcast_in_dim3A_53 = arith.constant 0.000000e+00 : f32
    %broadcast_in_dim3A_54 = vector.broadcast %broadcast_in_dim3A_53 : f32 to vector<16xf32>
    %scan3A_55 = arith.constant 0 : i32
    %scan3A_56 = arith.constant 0 : i32
    %scan3A_57 = arith.constant 128 : i32
    %scan3A_58 = arith.addi %scan3A_56, %scan3A_57 : i32
    %scan3A_59 = arith.constant 1 : i32
    scf.for %scan3A_122 = %scan3A_56 to %scan3A_58 step %scan3A_59  : i32 {
      %swap3A = arith.index_cast %scan3A_122 : i32 to index
      %swap3A_123 = arith.constant 0 : index
      %swap3A_124 = tpu.vector_load %arg13[%swap3A, %swap3A_123] {strides = array<i32>} : memref<128x80xf32, #tpu.memory_space<vmem>>, vector<1x16xf32>,
      %swap3A_125 = vector.shape_cast %swap3A_124 : vector<1x16xf32> to vector<16xf32>
      %swap3A_126 = vector.shape_cast %broadcast_in_dim3A_54 : vector<16xf32> to vector<1x16xf32>
      tpu.vector_store %arg13[%swap3A, %swap3A_123], %swap3A_126 {strides = array<i32>} : memref<128x80xf32, #tpu.memory_space<vmem>>, vector<1x16xf32>,
      %swap3A_127 = arith.index_cast %scan3A_122 : i32 to index
      %swap3A_128 = arith.constant 16 : index
      %swap3A_129 = tpu.vector_load %arg13[%swap3A_127, %swap3A_128] {strides = array<i32>} : memref<128x80xf32, #tpu.memory_space<vmem>>, vector<1x16xf32>,
      %swap3A_130 = vector.shape_cast %swap3A_129 : vector<1x16xf32> to vector<16xf32>
      %swap3A_131 = vector.shape_cast %broadcast_in_dim3A_54 : vector<16xf32> to vector<1x16xf32>
      tpu.vector_store %arg13[%swap3A_127, %swap3A_128], %swap3A_131 {strides = array<i32>} : memref<128x80xf32, #tpu.memory_space<vmem>>, vector<1x16xf32>,
      %swap3A_132 = arith.index_cast %scan3A_122 : i32 to index
      %swap3A_133 = arith.constant 32 : index
      %swap3A_134 = tpu.vector_load %arg13[%swap3A_132, %swap3A_133] {strides = array<i32>} : memref<128x80xf32, #tpu.memory_space<vmem>>, vector<1x16xf32>,
      %swap3A_135 = vector.shape_cast %swap3A_134 : vector<1x16xf32> to vector<16xf32>
      %swap3A_136 = vector.shape_cast %broadcast_in_dim3A_54 : vector<16xf32> to vector<1x16xf32>
      tpu.vector_store %arg13[%swap3A_132, %swap3A_133], %swap3A_136 {strides = array<i32>} : memref<128x80xf32, #tpu.memory_space<vmem>>, vector<1x16xf32>,
      %swap3A_137 = arith.index_cast %scan3A_122 : i32 to index
      %swap3A_138 = arith.constant 48 : index
      %swap3A_139 = tpu.vector_load %arg13[%swap3A_137, %swap3A_138] {strides = array<i32>} : memref<128x80xf32, #tpu.memory_space<vmem>>, vector<1x16xf32>,
      %swap3A_140 = vector.shape_cast %swap3A_139 : vector<1x16xf32> to vector<16xf32>
      %swap3A_141 = vector.shape_cast %broadcast_in_dim3A_54 : vector<16xf32> to vector<1x16xf32>
      tpu.vector_store %arg13[%swap3A_137, %swap3A_138], %swap3A_141 {strides = array<i32>} : memref<128x80xf32, #tpu.memory_space<vmem>>, vector<1x16xf32>,
      %swap3A_142 = arith.index_cast %scan3A_122 : i32 to index
      %swap3A_143 = arith.constant 64 : index
      %swap3A_144 = tpu.vector_load %arg13[%swap3A_142, %swap3A_143] {strides = array<i32>} : memref<128x80xf32, #tpu.memory_space<vmem>>, vector<1x16xf32>,
      %swap3A_145 = vector.shape_cast %swap3A_144 : vector<1x16xf32> to vector<16xf32>
      %swap3A_146 = vector.shape_cast %broadcast_in_dim3A_54 : vector<16xf32> to vector<1x16xf32>
      tpu.vector_store %arg13[%swap3A_142, %swap3A_143], %swap3A_146 {strides = array<i32>} : memref<128x80xf32, #tpu.memory_space<vmem>>, vector<1x16xf32>,
    }
    %scan3A_60 = arith.constant 128 : i32
    %mul3A_61 = arith.constant 626 : i32
    %mul3A_62 = arith.muli %arg1, %mul3A_61 : i32
    %add3A_63 = arith.constant 0 : i32
    %add3A_64 = arith.addi %mul3A_62, %add3A_63 : i32
    "tpu.region"() ({
      %run_scoped3A = tpu.sem_alloc : memref<!tpu.dma_semaphore, #tpu.memory_space<semaphore_mem>>
      %dma_start3A_122 = arith.constant 0 : i32
      %dma_start3A_123 = tpu.memref_slice %arg15[%add3A_64, %dma_start3A_122] : memref<10016x80xf32, #tpu.memory_space<vmem_shared>> -> memref<128x80xf32, #tpu.memory_space<vmem_shared>>
      %dma_start3A_124 = arith.constant 0 : i32
      %dma_start3A_125 = tpu.memref_slice %arg15[%add3A_64, %dma_start3A_124] : memref<10016x80xf32, #tpu.memory_space<vmem_shared>> -> memref<128x80xf32, #tpu.memory_space<vmem_shared>>
      tpu.enqueue_dma source(%arg13 : memref<128x80xf32, #tpu.memory_space<vmem>>) target(%dma_start3A_125 : memref<128x80xf32, #tpu.memory_space<vmem_shared>>) target_semaphore(%run_scoped3A : memref<!tpu.dma_semaphore, #tpu.memory_space<semaphore_mem>>)
      %dma_wait3A_126 = arith.constant 0 : i32
      %dma_wait3A_127 = tpu.memref_slice %arg15[%add3A_64, %dma_wait3A_126] : memref<10016x80xf32, #tpu.memory_space<vmem_shared>> -> memref<128x80xf32, #tpu.memory_space<vmem_shared>>
      %dma_wait3A_128 = arith.constant 0 : i32
      %dma_wait3A_129 = tpu.memref_slice %arg15[%add3A_64, %dma_wait3A_128] : memref<10016x80xf32, #tpu.memory_space<vmem_shared>> -> memref<128x80xf32, #tpu.memory_space<vmem_shared>>
      tpu.wait_dma2 semaphore(%run_scoped3A : memref<!tpu.dma_semaphore, #tpu.memory_space<semaphore_mem>>) src(%arg13 : memref<128x80xf32, #tpu.memory_space<vmem>>) dst(%dma_wait3A_129 : memref<128x80xf32, #tpu.memory_space<vmem_shared>>)
      tpu.yield
    }) : () -> ()
    %add3A_65 = arith.constant 128 : i32
    %add3A_66 = arith.addi %mul3A_62, %add3A_65 : i32
    "tpu.region"() ({
      %run_scoped3A = tpu.sem_alloc : memref<!tpu.dma_semaphore, #tpu.memory_space<semaphore_mem>>
      %dma_start3A_122 = arith.constant 0 : i32
      %dma_start3A_123 = tpu.memref_slice %arg15[%add3A_66, %dma_start3A_122] : memref<10016x80xf32, #tpu.memory_space<vmem_shared>> -> memref<128x80xf32, #tpu.memory_space<vmem_shared>>
      %dma_start3A_124 = arith.constant 0 : i32
      %dma_start3A_125 = tpu.memref_slice %arg15[%add3A_66, %dma_start3A_124] : memref<10016x80xf32, #tpu.memory_space<vmem_shared>> -> memref<128x80xf32, #tpu.memory_space<vmem_shared>>
      tpu.enqueue_dma source(%arg13 : memref<128x80xf32, #tpu.memory_space<vmem>>) target(%dma_start3A_125 : memref<128x80xf32, #tpu.memory_space<vmem_shared>>) target_semaphore(%run_scoped3A : memref<!tpu.dma_semaphore, #tpu.memory_space<semaphore_mem>>)
      %dma_wait3A_126 = arith.constant 0 : i32
      %dma_wait3A_127 = tpu.memref_slice %arg15[%add3A_66, %dma_wait3A_126] : memref<10016x80xf32, #tpu.memory_space<vmem_shared>> -> memref<128x80xf32, #tpu.memory_space<vmem_shared>>
      %dma_wait3A_128 = arith.constant 0 : i32
      %dma_wait3A_129 = tpu.memref_slice %arg15[%add3A_66, %dma_wait3A_128] : memref<10016x80xf32, #tpu.memory_space<vmem_shared>> -> memref<128x80xf32, #tpu.memory_space<vmem_shared>>
      tpu.wait_dma2 semaphore(%run_scoped3A : memref<!tpu.dma_semaphore, #tpu.memory_space<semaphore_mem>>) src(%arg13 : memref<128x80xf32, #tpu.memory_space<vmem>>) dst(%dma_wait3A_129 : memref<128x80xf32, #tpu.memory_space<vmem_shared>>)
      tpu.yield
    }) : () -> ()
    %add3A_67 = arith.constant 256 : i32
    %add3A_68 = arith.addi %mul3A_62, %add3A_67 : i32
    "tpu.region"() ({
      %run_scoped3A = tpu.sem_alloc : memref<!tpu.dma_semaphore, #tpu.memory_space<semaphore_mem>>
      %dma_start3A_122 = arith.constant 0 : i32
      %dma_start3A_123 = tpu.memref_slice %arg15[%add3A_68, %dma_start3A_122] : memref<10016x80xf32, #tpu.memory_space<vmem_shared>> -> memref<128x80xf32, #tpu.memory_space<vmem_shared>>
      %dma_start3A_124 = arith.constant 0 : i32
      %dma_start3A_125 = tpu.memref_slice %arg15[%add3A_68, %dma_start3A_124] : memref<10016x80xf32, #tpu.memory_space<vmem_shared>> -> memref<128x80xf32, #tpu.memory_space<vmem_shared>>
      tpu.enqueue_dma source(%arg13 : memref<128x80xf32, #tpu.memory_space<vmem>>) target(%dma_start3A_125 : memref<128x80xf32, #tpu.memory_space<vmem_shared>>) target_semaphore(%run_scoped3A : memref<!tpu.dma_semaphore, #tpu.memory_space<semaphore_mem>>)
      %dma_wait3A_126 = arith.constant 0 : i32
      %dma_wait3A_127 = tpu.memref_slice %arg15[%add3A_68, %dma_wait3A_126] : memref<10016x80xf32, #tpu.memory_space<vmem_shared>> -> memref<128x80xf32, #tpu.memory_space<vmem_shared>>
      %dma_wait3A_128 = arith.constant 0 : i32
      %dma_wait3A_129 = tpu.memref_slice %arg15[%add3A_68, %dma_wait3A_128] : memref<10016x80xf32, #tpu.memory_space<vmem_shared>> -> memref<128x80xf32, #tpu.memory_space<vmem_shared>>
      tpu.wait_dma2 semaphore(%run_scoped3A : memref<!tpu.dma_semaphore, #tpu.memory_space<semaphore_mem>>) src(%arg13 : memref<128x80xf32, #tpu.memory_space<vmem>>) dst(%dma_wait3A_129 : memref<128x80xf32, #tpu.memory_space<vmem_shared>>)
      tpu.yield
    }) : () -> ()
    %add3A_69 = arith.constant 384 : i32
    %add3A_70 = arith.addi %mul3A_62, %add3A_69 : i32
    "tpu.region"() ({
      %run_scoped3A = tpu.sem_alloc : memref<!tpu.dma_semaphore, #tpu.memory_space<semaphore_mem>>
      %dma_start3A_122 = arith.constant 0 : i32
      %dma_start3A_123 = tpu.memref_slice %arg15[%add3A_70, %dma_start3A_122] : memref<10016x80xf32, #tpu.memory_space<vmem_shared>> -> memref<128x80xf32, #tpu.memory_space<vmem_shared>>
      %dma_start3A_124 = arith.constant 0 : i32
      %dma_start3A_125 = tpu.memref_slice %arg15[%add3A_70, %dma_start3A_124] : memref<10016x80xf32, #tpu.memory_space<vmem_shared>> -> memref<128x80xf32, #tpu.memory_space<vmem_shared>>
      tpu.enqueue_dma source(%arg13 : memref<128x80xf32, #tpu.memory_space<vmem>>) target(%dma_start3A_125 : memref<128x80xf32, #tpu.memory_space<vmem_shared>>) target_semaphore(%run_scoped3A : memref<!tpu.dma_semaphore, #tpu.memory_space<semaphore_mem>>)
      %dma_wait3A_126 = arith.constant 0 : i32
      %dma_wait3A_127 = tpu.memref_slice %arg15[%add3A_70, %dma_wait3A_126] : memref<10016x80xf32, #tpu.memory_space<vmem_shared>> -> memref<128x80xf32, #tpu.memory_space<vmem_shared>>
      %dma_wait3A_128 = arith.constant 0 : i32
      %dma_wait3A_129 = tpu.memref_slice %arg15[%add3A_70, %dma_wait3A_128] : memref<10016x80xf32, #tpu.memory_space<vmem_shared>> -> memref<128x80xf32, #tpu.memory_space<vmem_shared>>
      tpu.wait_dma2 semaphore(%run_scoped3A : memref<!tpu.dma_semaphore, #tpu.memory_space<semaphore_mem>>) src(%arg13 : memref<128x80xf32, #tpu.memory_space<vmem>>) dst(%dma_wait3A_129 : memref<128x80xf32, #tpu.memory_space<vmem_shared>>)
      tpu.yield
    }) : () -> ()
    %add3A_71 = arith.constant 512 : i32
    %add3A_72 = arith.addi %mul3A_62, %add3A_71 : i32
    "tpu.region"() ({
      %run_scoped3A = tpu.sem_alloc : memref<!tpu.dma_semaphore, #tpu.memory_space<semaphore_mem>>
      %dma_start3A_122 = arith.constant 0 : i32
      %dma_start3A_123 = arith.constant 0 : i32
      %dma_start3A_124 = tpu.memref_slice %arg13[%dma_start3A_122, %dma_start3A_123] : memref<128x80xf32, #tpu.memory_space<vmem>> -> memref<114x80xf32, #tpu.memory_space<vmem>>
      %dma_start3A_125 = arith.constant 0 : i32
      %dma_start3A_126 = tpu.memref_slice %arg15[%add3A_72, %dma_start3A_125] : memref<10016x80xf32, #tpu.memory_space<vmem_shared>> -> memref<114x80xf32, #tpu.memory_space<vmem_shared>>
      %dma_start3A_127 = arith.constant 0 : i32
      %dma_start3A_128 = tpu.memref_slice %arg15[%add3A_72, %dma_start3A_127] : memref<10016x80xf32, #tpu.memory_space<vmem_shared>> -> memref<114x80xf32, #tpu.memory_space<vmem_shared>>
      %dma_start3A_129 = arith.constant 0 : i32
      %dma_start3A_130 = arith.constant 0 : i32
      %dma_start3A_131 = tpu.memref_slice %arg13[%dma_start3A_129, %dma_start3A_130] : memref<128x80xf32, #tpu.memory_space<vmem>> -> memref<114x80xf32, #tpu.memory_space<vmem>>
      tpu.enqueue_dma source(%dma_start3A_131 : memref<114x80xf32, #tpu.memory_space<vmem>>) target(%dma_start3A_128 : memref<114x80xf32, #tpu.memory_space<vmem_shared>>) target_semaphore(%run_scoped3A : memref<!tpu.dma_semaphore, #tpu.memory_space<semaphore_mem>>)
      %dma_wait3A_132 = arith.constant 0 : i32
      %dma_wait3A_133 = arith.constant 0 : i32
      %dma_wait3A_134 = tpu.memref_slice %arg13[%dma_wait3A_132, %dma_wait3A_133] : memref<128x80xf32, #tpu.memory_space<vmem>> -> memref<114x80xf32, #tpu.memory_space<vmem>>
      %dma_wait3A_135 = arith.constant 0 : i32
      %dma_wait3A_136 = tpu.memref_slice %arg15[%add3A_72, %dma_wait3A_135] : memref<10016x80xf32, #tpu.memory_space<vmem_shared>> -> memref<114x80xf32, #tpu.memory_space<vmem_shared>>
      %dma_wait3A_137 = arith.constant 0 : i32
      %dma_wait3A_138 = tpu.memref_slice %arg15[%add3A_72, %dma_wait3A_137] : memref<10016x80xf32, #tpu.memory_space<vmem_shared>> -> memref<114x80xf32, #tpu.memory_space<vmem_shared>>
      %dma_wait3A_139 = arith.constant 0 : i32
      %dma_wait3A_140 = arith.constant 0 : i32
      %dma_wait3A_141 = tpu.memref_slice %arg13[%dma_wait3A_139, %dma_wait3A_140] : memref<128x80xf32, #tpu.memory_space<vmem>> -> memref<114x80xf32, #tpu.memory_space<vmem>>
      tpu.wait_dma2 semaphore(%run_scoped3A : memref<!tpu.dma_semaphore, #tpu.memory_space<semaphore_mem>>) src(%dma_wait3A_141 : memref<114x80xf32, #tpu.memory_space<vmem>>) dst(%dma_wait3A_138 : memref<114x80xf32, #tpu.memory_space<vmem_shared>>)
      tpu.yield
    }) : () -> ()
    %barrier3A = arith.constant 0 : index
    tpu.barrier barrier_id(%barrier3A)
    %dma_start3A = arith.constant 0 : i32
    %dma_start3A_73 = arith.constant 0 : i32
    %dma_start3A_74 = tpu.memref_slice %arg7[%dma_start3A, %dma_start3A_73] : memref<168x128xi32, #tpu.memory_space<vmem>> -> memref<1x128xi32, #tpu.memory_space<vmem>>
    %dma_start3A_75 = tpu.memref_squeeze %dma_start3A_74 : memref<1x128xi32, #tpu.memory_space<vmem>> -> memref<128xi32, #tpu.memory_space<vmem>>
    %dma_start3A_76 = arith.constant 0 : i32
    %dma_start3A_77 = arith.constant 0 : i32
    %dma_start3A_78 = tpu.memref_slice %arg4[%dma_start3A_76, %dma_start3A_77] : memref<20032x48xi32, #tpu.memory_space<hbm>> -> memref<20032x48xi32, #tpu.memory_space<hbm>>
    tpu.enqueue_indirect_dma source(%dma_start3A_78 : memref<20032x48xi32, #tpu.memory_space<hbm>>) target(%arg9 : memref<128x48xi32, #tpu.memory_space<vmem>>) offsets(%dma_start3A_75 : memref<128xi32, #tpu.memory_space<vmem>>) semaphore(%arg16 : memref<!tpu.dma_semaphore, #tpu.memory_space<semaphore_mem>>)
    %dma_start3A_79 = arith.constant 0 : i32
    %dma_start3A_80 = arith.constant 0 : i32
    %dma_start3A_81 = tpu.memref_slice %arg8[%dma_start3A_79, %dma_start3A_80] : memref<168x128xi32, #tpu.memory_space<vmem>> -> memref<1x128xi32, #tpu.memory_space<vmem>>
    %dma_start3A_82 = tpu.memref_squeeze %dma_start3A_81 : memref<1x128xi32, #tpu.memory_space<vmem>> -> memref<128xi32, #tpu.memory_space<vmem>>
    %dma_start3A_83 = arith.constant 0 : i32
    %dma_start3A_84 = arith.constant 0 : i32
    %dma_start3A_85 = tpu.memref_slice %arg5[%dma_start3A_83, %dma_start3A_84] : memref<10016x16xf32, #tpu.memory_space<hbm>> -> memref<10016x16xf32, #tpu.memory_space<hbm>>
    tpu.enqueue_indirect_dma source(%dma_start3A_85 : memref<10016x16xf32, #tpu.memory_space<hbm>>) target(%arg11 : memref<128x16xf32, #tpu.memory_space<vmem>>) offsets(%dma_start3A_82 : memref<128xi32, #tpu.memory_space<vmem>>) semaphore(%arg17 : memref<!tpu.dma_semaphore, #tpu.memory_space<semaphore_mem>>)
    %dma_start3A_86 = arith.constant 1 : i32
    %dma_start3A_87 = arith.constant 0 : i32
    %dma_start3A_88 = tpu.memref_slice %arg7[%dma_start3A_86, %dma_start3A_87] : memref<168x128xi32, #tpu.memory_space<vmem>> -> memref<1x128xi32, #tpu.memory_space<vmem>>
    %dma_start3A_89 = tpu.memref_squeeze %dma_start3A_88 : memref<1x128xi32, #tpu.memory_space<vmem>> -> memref<128xi32, #tpu.memory_space<vmem>>
    %dma_start3A_90 = arith.constant 0 : i32
    %dma_start3A_91 = arith.constant 0 : i32
    %dma_start3A_92 = tpu.memref_slice %arg4[%dma_start3A_90, %dma_start3A_91] : memref<20032x48xi32, #tpu.memory_space<hbm>> -> memref<20032x48xi32, #tpu.memory_space<hbm>>
    tpu.enqueue_indirect_dma source(%dma_start3A_92 : memref<20032x48xi32, #tpu.memory_space<hbm>>) target(%arg10 : memref<128x48xi32, #tpu.memory_space<vmem>>) offsets(%dma_start3A_89 : memref<128xi32, #tpu.memory_space<vmem>>) semaphore(%arg19 : memref<!tpu.dma_semaphore, #tpu.memory_space<semaphore_mem>>)
    %dma_start3A_93 = arith.constant 1 : i32
    %dma_start3A_94 = arith.constant 0 : i32
    %dma_start3A_95 = tpu.memref_slice %arg8[%dma_start3A_93, %dma_start3A_94] : memref<168x128xi32, #tpu.memory_space<vmem>> -> memref<1x128xi32, #tpu.memory_space<vmem>>
    %dma_start3A_96 = tpu.memref_squeeze %dma_start3A_95 : memref<1x128xi32, #tpu.memory_space<vmem>> -> memref<128xi32, #tpu.memory_space<vmem>>
    %dma_start3A_97 = arith.constant 0 : i32
    %dma_start3A_98 = arith.constant 0 : i32
    %dma_start3A_99 = tpu.memref_slice %arg5[%dma_start3A_97, %dma_start3A_98] : memref<10016x16xf32, #tpu.memory_space<hbm>> -> memref<10016x16xf32, #tpu.memory_space<hbm>>
    tpu.enqueue_indirect_dma source(%dma_start3A_99 : memref<10016x16xf32, #tpu.memory_space<hbm>>) target(%arg12 : memref<128x16xf32, #tpu.memory_space<vmem>>) offsets(%dma_start3A_96 : memref<128xi32, #tpu.memory_space<vmem>>) semaphore(%arg20 : memref<!tpu.dma_semaphore, #tpu.memory_space<semaphore_mem>>)
    %scan3A_100 = arith.constant 0 : i32
    %scan3A_101 = arith.constant 0 : i32
    %scan3A_102 = arith.constant 84 : i32
    %scan3A_103 = arith.addi %scan3A_101, %scan3A_102 : i32
    %scan3A_104 = arith.constant 1 : i32
    scf.for %scan3A_122 = %scan3A_101 to %scan3A_103 step %scan3A_104  : i32 {
      %mul3A_123 = arith.constant 2 : i32
      %mul3A_124 = arith.muli %mul3A_123, %scan3A_122 : i32
      %add3A_125 = arith.constant 0 : i32
      %add3A_126 = arith.addi %mul3A_124, %add3A_125 : i32
      %dma_wait3A_127 = arith.constant 0 : i32
      %dma_wait3A_128 = tpu.memref_slice %arg7[%add3A_126, %dma_wait3A_127] : memref<168x128xi32, #tpu.memory_space<vmem>> -> memref<1x128xi32, #tpu.memory_space<vmem>>
      %dma_wait3A_129 = tpu.memref_squeeze %dma_wait3A_128 : memref<1x128xi32, #tpu.memory_space<vmem>> -> memref<128xi32, #tpu.memory_space<vmem>>
      %dma_wait3A_130 = arith.constant 0 : i32
      %dma_wait3A_131 = arith.constant 0 : i32
      %dma_wait3A_132 = tpu.memref_slice %arg4[%dma_wait3A_130, %dma_wait3A_131] : memref<20032x48xi32, #tpu.memory_space<hbm>> -> memref<20032x48xi32, #tpu.memory_space<hbm>>
      tpu.wait_indirect_dma semaphore(%arg16 : memref<!tpu.dma_semaphore, #tpu.memory_space<semaphore_mem>>) src(%dma_wait3A_132 : memref<20032x48xi32, #tpu.memory_space<hbm>>) dst(%arg9 : memref<128x48xi32, #tpu.memory_space<vmem>>)
      %dma_wait3A_133 = arith.constant 0 : i32
      %dma_wait3A_134 = tpu.memref_slice %arg8[%add3A_126, %dma_wait3A_133] : memref<168x128xi32, #tpu.memory_space<vmem>> -> memref<1x128xi32, #tpu.memory_space<vmem>>
      %dma_wait3A_135 = tpu.memref_squeeze %dma_wait3A_134 : memref<1x128xi32, #tpu.memory_space<vmem>> -> memref<128xi32, #tpu.memory_space<vmem>>
      %dma_wait3A_136 = arith.constant 0 : i32
      %dma_wait3A_137 = arith.constant 0 : i32
      %dma_wait3A_138 = tpu.memref_slice %arg5[%dma_wait3A_136, %dma_wait3A_137] : memref<10016x16xf32, #tpu.memory_space<hbm>> -> memref<10016x16xf32, #tpu.memory_space<hbm>>
      tpu.wait_indirect_dma semaphore(%arg17 : memref<!tpu.dma_semaphore, #tpu.memory_space<semaphore_mem>>) src(%dma_wait3A_138 : memref<10016x16xf32, #tpu.memory_space<hbm>>) dst(%arg11 : memref<128x16xf32, #tpu.memory_space<vmem>>)
      %gt3A = arith.constant 0 : i32
      %gt3A_139 = arith.cmpi sgt, %scan3A_122, %gt3A : i32
      %convert_element_type3A = arith.extui %gt3A_139 : i1 to i32
      %cond3A = arith.constant 0 : i32
      %cond3A_140 = arith.cmpi ne, %convert_element_type3A, %cond3A : i32
      scf.if %cond3A_140 {
        %dma_wait3A_196 = arith.constant 0 : i32
        %dma_wait3A_197 = tpu.memref_slice %arg8[%add3A_126, %dma_wait3A_196] : memref<168x128xi32, #tpu.memory_space<vmem>> -> memref<1x128xi32, #tpu.memory_space<vmem>>
        %dma_wait3A_198 = tpu.memref_squeeze %dma_wait3A_197 : memref<1x128xi32, #tpu.memory_space<vmem>> -> memref<128xi32, #tpu.memory_space<vmem>>
        %dma_wait3A_199 = arith.constant 0 : i32
        %dma_wait3A_200 = arith.constant 0 : i32
        %dma_wait3A_201 = tpu.memref_slice %arg15[%dma_wait3A_199, %dma_wait3A_200] : memref<10016x80xf32, #tpu.memory_space<vmem_shared>> -> memref<10016x80xf32, #tpu.memory_space<vmem_shared>>
        tpu.wait_indirect_dma semaphore(%arg18 : memref<!tpu.dma_semaphore, #tpu.memory_space<semaphore_mem>>) src(%arg13 : memref<128x80xf32, #tpu.memory_space<vmem>>) dst(%dma_wait3A_201 : memref<10016x80xf32, #tpu.memory_space<vmem_shared>>)
      } else {
      }
      %scan3A_141 = arith.constant 0 : i32
      %scan3A_142 = arith.constant 0 : i32
      %scan3A_143 = arith.constant 128 : i32
      %scan3A_144 = arith.addi %scan3A_142, %scan3A_143 : i32
      %scan3A_145 = arith.constant 4 : i32
      scf.for %scan3A_196 = %scan3A_142 to %scan3A_144 step %scan3A_145  : i32 {
        %get3A = arith.index_cast %scan3A_196 : i32 to index
        %get3A_197 = arith.constant 0 : index
        %get3A_198 = tpu.vector_load %arg9[%get3A, %get3A_197] {strides = array<i32>} : memref<128x48xi32, #tpu.memory_space<vmem>>, vector<1x16xi32>,
        %get3A_199 = vector.shape_cast %get3A_198 : vector<1x16xi32> to vector<16xi32>
        %shift_left3A = arith.constant 16 : i32
        %shift_left3A_200 = vector.broadcast %shift_left3A : i32 to vector<16xi32>
        %shift_left3A_201 = arith.shli %get3A_199, %shift_left3A_200 : vector<16xi32>
        %bitcast_convert_type3A = tpu.bitcast %shift_left3A_201 : vector<16xi32> -> vector<16xf32>
        %and3A_202 = arith.constant -65536 : i32
        %and3A_203 = vector.broadcast %and3A_202 : i32 to vector<16xi32>
        %and3A_204 = arith.andi %get3A_199, %and3A_203 : vector<16xi32>
        %bitcast_convert_type3A_205 = tpu.bitcast %and3A_204 : vector<16xi32> -> vector<16xf32>
        %get3A_206 = arith.index_cast %scan3A_196 : i32 to index
        %get3A_207 = arith.constant 16 : index
        %get3A_208 = tpu.vector_load %arg9[%get3A_206, %get3A_207] {strides = array<i32>} : memref<128x48xi32, #tpu.memory_space<vmem>>, vector<1x16xi32>,
        %get3A_209 = vector.shape_cast %get3A_208 : vector<1x16xi32> to vector<16xi32>
        %shift_left3A_210 = arith.constant 16 : i32
        %shift_left3A_211 = vector.broadcast %shift_left3A_210 : i32 to vector<16xi32>
        %shift_left3A_212 = arith.shli %get3A_209, %shift_left3A_211 : vector<16xi32>
        %bitcast_convert_type3A_213 = tpu.bitcast %shift_left3A_212 : vector<16xi32> -> vector<16xf32>
        %and3A_214 = arith.constant -65536 : i32
        %and3A_215 = vector.broadcast %and3A_214 : i32 to vector<16xi32>
        %and3A_216 = arith.andi %get3A_209, %and3A_215 : vector<16xi32>
        %bitcast_convert_type3A_217 = tpu.bitcast %and3A_216 : vector<16xi32> -> vector<16xf32>
        %get3A_218 = arith.index_cast %scan3A_196 : i32 to index
        %get3A_219 = arith.constant 32 : index
        %get3A_220 = tpu.vector_load %arg9[%get3A_218, %get3A_219] {strides = array<i32>} : memref<128x48xi32, #tpu.memory_space<vmem>>, vector<1x16xi32>,
        %get3A_221 = vector.shape_cast %get3A_220 : vector<1x16xi32> to vector<16xi32>
        %shift_left3A_222 = arith.constant 16 : i32
        %shift_left3A_223 = vector.broadcast %shift_left3A_222 : i32 to vector<16xi32>
        %shift_left3A_224 = arith.shli %get3A_221, %shift_left3A_223 : vector<16xi32>
        %bitcast_convert_type3A_225 = tpu.bitcast %shift_left3A_224 : vector<16xi32> -> vector<16xf32>
        %and3A_226 = arith.constant -65536 : i32
        %and3A_227 = vector.broadcast %and3A_226 : i32 to vector<16xi32>
        %and3A_228 = arith.andi %get3A_221, %and3A_227 : vector<16xi32>
        %bitcast_convert_type3A_229 = tpu.bitcast %and3A_228 : vector<16xi32> -> vector<16xf32>
        %get3A_230 = arith.index_cast %scan3A_196 : i32 to index
        %get3A_231 = arith.constant 0 : index
        %get3A_232 = tpu.vector_load %arg11[%get3A_230, %get3A_231] {strides = array<i32>} : memref<128x16xf32, #tpu.memory_space<vmem>>, vector<1x16xf32>,
        %get3A_233 = vector.shape_cast %get3A_232 : vector<1x16xf32> to vector<16xf32>
        %add3A_234 = arith.addf %bitcast_convert_type3A_225, %get3A_233 : vector<16xf32>
        %gt3A_235 = arith.constant 0.000000e+00 : f32
        %gt3A_236 = vector.broadcast %gt3A_235 : f32 to vector<16xf32>
        %gt3A_237 = arith.cmpf ogt, %add3A_234, %gt3A_236 : vector<16xf32>
        %mul3A_238 = arith.constant 2.000000e-01 : f32
        %mul3A_239 = vector.broadcast %mul3A_238 : f32 to vector<16xf32>
        %mul3A_240 = arith.mulf %add3A_234, %mul3A_239 : vector<16xf32>
        %select_n3A_241 = arith.select %gt3A_237, %add3A_234, %mul3A_240 : vector<16xi1>, vector<16xf32>
        %exp3A = math.exp %select_n3A_241 : vector<16xf32>
        %lt3A_242 = arith.constant 0 : i32
        %lt3A_243 = vector.broadcast %lt3A_242 : i32 to vector<16xi32>
        %lt3A_244 = arith.cmpi slt, %add3A_28, %lt3A_243 : vector<16xi32>
        %add3A_245 = arith.constant 16 : i32
        %add3A_246 = vector.broadcast %add3A_245 : i32 to vector<16xi32>
        %add3A_247 = arith.addi %add3A_28, %add3A_246 : vector<16xi32>
        %select_n3A_248 = arith.select %lt3A_244, %add3A_247, %add3A_28 : vector<16xi1>, vector<16xi32>
        %broadcast_in_dim3A_249 = vector.shape_cast %select_n3A_248 : vector<16xi32> to vector<16x1xi32>
        %gather3A = vector.shape_cast %broadcast_in_dim3A_249 : vector<16x1xi32> to vector<16xi32>
        %gather3A_250 = tpu.dynamic_gather %exp3A[%gather3A] in [0] : vector<16xf32>, vector<16xi32> -> vector<16xf32>
        %mul3A_251 = arith.mulf %bitcast_convert_type3A_225, %gather3A_250 : vector<16xf32>
        %swap3A = arith.index_cast %scan3A_196 : i32 to index
        %swap3A_252 = arith.constant 64 : index
        %swap3A_253 = tpu.vector_load %arg13[%swap3A, %swap3A_252] {strides = array<i32>} : memref<128x80xf32, #tpu.memory_space<vmem>>, vector<1x16xf32>,
        %swap3A_254 = vector.shape_cast %swap3A_253 : vector<1x16xf32> to vector<16xf32>
        %swap3A_255 = vector.shape_cast %mul3A_251 : vector<16xf32> to vector<1x16xf32>
        tpu.vector_store %arg13[%swap3A, %swap3A_252], %swap3A_255 {strides = array<i32>} : memref<128x80xf32, #tpu.memory_space<vmem>>, vector<1x16xf32>,
        %lt3A_256 = arith.constant 0 : i32
        %lt3A_257 = vector.broadcast %lt3A_256 : i32 to vector<16xi32>
        %lt3A_258 = arith.cmpi slt, %add3A_34, %lt3A_257 : vector<16xi32>
        %add3A_259 = arith.constant 16 : i32
        %add3A_260 = vector.broadcast %add3A_259 : i32 to vector<16xi32>
        %add3A_261 = arith.addi %add3A_34, %add3A_260 : vector<16xi32>
        %select_n3A_262 = arith.select %lt3A_258, %add3A_261, %add3A_34 : vector<16xi1>, vector<16xi32>
        %broadcast_in_dim3A_263 = vector.shape_cast %select_n3A_262 : vector<16xi32> to vector<16x1xi32>
        %gather3A_264 = vector.shape_cast %broadcast_in_dim3A_263 : vector<16x1xi32> to vector<16xi32>
        %gather3A_265 = tpu.dynamic_gather %exp3A[%gather3A_264] in [0] : vector<16xf32>, vector<16xi32> -> vector<16xf32>
        %mul3A_266 = arith.mulf %bitcast_convert_type3A, %gather3A_265 : vector<16xf32>
        %swap3A_267 = arith.index_cast %scan3A_196 : i32 to index
        %swap3A_268 = arith.constant 0 : index
        %swap3A_269 = tpu.vector_load %arg13[%swap3A_267, %swap3A_268] {strides = array<i32>} : memref<128x80xf32, #tpu.memory_space<vmem>>, vector<1x16xf32>,
        %swap3A_270 = vector.shape_cast %swap3A_269 : vector<1x16xf32> to vector<16xf32>
        %swap3A_271 = vector.shape_cast %mul3A_266 : vector<16xf32> to vector<1x16xf32>
        tpu.vector_store %arg13[%swap3A_267, %swap3A_268], %swap3A_271 {strides = array<i32>} : memref<128x80xf32, #tpu.memory_space<vmem>>, vector<1x16xf32>,
        %lt3A_272 = arith.constant 0 : i32
        %lt3A_273 = vector.broadcast %lt3A_272 : i32 to vector<16xi32>
        %lt3A_274 = arith.cmpi slt, %add3A_40, %lt3A_273 : vector<16xi32>
        %add3A_275 = arith.constant 16 : i32
        %add3A_276 = vector.broadcast %add3A_275 : i32 to vector<16xi32>
        %add3A_277 = arith.addi %add3A_40, %add3A_276 : vector<16xi32>
        %select_n3A_278 = arith.select %lt3A_274, %add3A_277, %add3A_40 : vector<16xi1>, vector<16xi32>
        %broadcast_in_dim3A_279 = vector.shape_cast %select_n3A_278 : vector<16xi32> to vector<16x1xi32>
        %gather3A_280 = vector.shape_cast %broadcast_in_dim3A_279 : vector<16x1xi32> to vector<16xi32>
        %gather3A_281 = tpu.dynamic_gather %exp3A[%gather3A_280] in [0] : vector<16xf32>, vector<16xi32> -> vector<16xf32>
        %mul3A_282 = arith.mulf %bitcast_convert_type3A_205, %gather3A_281 : vector<16xf32>
        %swap3A_283 = arith.index_cast %scan3A_196 : i32 to index
        %swap3A_284 = arith.constant 16 : index
        %swap3A_285 = tpu.vector_load %arg13[%swap3A_283, %swap3A_284] {strides = array<i32>} : memref<128x80xf32, #tpu.memory_space<vmem>>, vector<1x16xf32>,
        %swap3A_286 = vector.shape_cast %swap3A_285 : vector<1x16xf32> to vector<16xf32>
        %swap3A_287 = vector.shape_cast %mul3A_282 : vector<16xf32> to vector<1x16xf32>
        tpu.vector_store %arg13[%swap3A_283, %swap3A_284], %swap3A_287 {strides = array<i32>} : memref<128x80xf32, #tpu.memory_space<vmem>>, vector<1x16xf32>,
        %lt3A_288 = arith.constant 0 : i32
        %lt3A_289 = vector.broadcast %lt3A_288 : i32 to vector<16xi32>
        %lt3A_290 = arith.cmpi slt, %add3A_46, %lt3A_289 : vector<16xi32>
        %add3A_291 = arith.constant 16 : i32
        %add3A_292 = vector.broadcast %add3A_291 : i32 to vector<16xi32>
        %add3A_293 = arith.addi %add3A_46, %add3A_292 : vector<16xi32>
        %select_n3A_294 = arith.select %lt3A_290, %add3A_293, %add3A_46 : vector<16xi1>, vector<16xi32>
        %broadcast_in_dim3A_295 = vector.shape_cast %select_n3A_294 : vector<16xi32> to vector<16x1xi32>
        %gather3A_296 = vector.shape_cast %broadcast_in_dim3A_295 : vector<16x1xi32> to vector<16xi32>
        %gather3A_297 = tpu.dynamic_gather %exp3A[%gather3A_296] in [0] : vector<16xf32>, vector<16xi32> -> vector<16xf32>
        %mul3A_298 = arith.mulf %bitcast_convert_type3A_213, %gather3A_297 : vector<16xf32>
        %swap3A_299 = arith.index_cast %scan3A_196 : i32 to index
        %swap3A_300 = arith.constant 32 : index
        %swap3A_301 = tpu.vector_load %arg13[%swap3A_299, %swap3A_300] {strides = array<i32>} : memref<128x80xf32, #tpu.memory_space<vmem>>, vector<1x16xf32>,
        %swap3A_302 = vector.shape_cast %swap3A_301 : vector<1x16xf32> to vector<16xf32>
        %swap3A_303 = vector.shape_cast %mul3A_298 : vector<16xf32> to vector<1x16xf32>
        tpu.vector_store %arg13[%swap3A_299, %swap3A_300], %swap3A_303 {strides = array<i32>} : memref<128x80xf32, #tpu.memory_space<vmem>>, vector<1x16xf32>,
        %lt3A_304 = arith.constant 0 : i32
        %lt3A_305 = vector.broadcast %lt3A_304 : i32 to vector<16xi32>
        %lt3A_306 = arith.cmpi slt, %add3A_52, %lt3A_305 : vector<16xi32>
        %add3A_307 = arith.constant 16 : i32
        %add3A_308 = vector.broadcast %add3A_307 : i32 to vector<16xi32>
        %add3A_309 = arith.addi %add3A_52, %add3A_308 : vector<16xi32>
        %select_n3A_310 = arith.select %lt3A_306, %add3A_309, %add3A_52 : vector<16xi1>, vector<16xi32>
        %broadcast_in_dim3A_311 = vector.shape_cast %select_n3A_310 : vector<16xi32> to vector<16x1xi32>
        %gather3A_312 = vector.shape_cast %broadcast_in_dim3A_311 : vector<16x1xi32> to vector<16xi32>
        %gather3A_313 = tpu.dynamic_gather %exp3A[%gather3A_312] in [0] : vector<16xf32>, vector<16xi32> -> vector<16xf32>
        %mul3A_314 = arith.mulf %bitcast_convert_type3A_217, %gather3A_313 : vector<16xf32>
        %swap3A_315 = arith.index_cast %scan3A_196 : i32 to index
        %swap3A_316 = arith.constant 48 : index
        %swap3A_317 = tpu.vector_load %arg13[%swap3A_315, %swap3A_316] {strides = array<i32>} : memref<128x80xf32, #tpu.memory_space<vmem>>, vector<1x16xf32>,
        %swap3A_318 = vector.shape_cast %swap3A_317 : vector<1x16xf32> to vector<16xf32>
        %swap3A_319 = vector.shape_cast %mul3A_314 : vector<16xf32> to vector<1x16xf32>
        tpu.vector_store %arg13[%swap3A_315, %swap3A_316], %swap3A_319 {strides = array<i32>} : memref<128x80xf32, #tpu.memory_space<vmem>>, vector<1x16xf32>,
        %scan3A_320 = arith.constant 1 : i32
        %scan3A_321 = arith.addi %scan3A_196, %scan3A_320 : i32
        %get3A_322 = arith.index_cast %scan3A_321 : i32 to index
        %get3A_323 = arith.constant 0 : index
        %get3A_324 = tpu.vector_load %arg9[%get3A_322, %get3A_323] {strides = array<i32>} : memref<128x48xi32, #tpu.memory_space<vmem>>, vector<1x16xi32>,
        %get3A_325 = vector.shape_cast %get3A_324 : vector<1x16xi32> to vector<16xi32>
        %shift_left3A_326 = arith.constant 16 : i32
        %shift_left3A_327 = vector.broadcast %shift_left3A_326 : i32 to vector<16xi32>
        %shift_left3A_328 = arith.shli %get3A_325, %shift_left3A_327 : vector<16xi32>
        %bitcast_convert_type3A_329 = tpu.bitcast %shift_left3A_328 : vector<16xi32> -> vector<16xf32>
        %and3A_330 = arith.constant -65536 : i32
        %and3A_331 = vector.broadcast %and3A_330 : i32 to vector<16xi32>
        %and3A_332 = arith.andi %get3A_325, %and3A_331 : vector<16xi32>
        %bitcast_convert_type3A_333 = tpu.bitcast %and3A_332 : vector<16xi32> -> vector<16xf32>
        %get3A_334 = arith.index_cast %scan3A_321 : i32 to index
        %get3A_335 = arith.constant 16 : index
        %get3A_336 = tpu.vector_load %arg9[%get3A_334, %get3A_335] {strides = array<i32>} : memref<128x48xi32, #tpu.memory_space<vmem>>, vector<1x16xi32>,
        %get3A_337 = vector.shape_cast %get3A_336 : vector<1x16xi32> to vector<16xi32>
        %shift_left3A_338 = arith.constant 16 : i32
        %shift_left3A_339 = vector.broadcast %shift_left3A_338 : i32 to vector<16xi32>
        %shift_left3A_340 = arith.shli %get3A_337, %shift_left3A_339 : vector<16xi32>
        %bitcast_convert_type3A_341 = tpu.bitcast %shift_left3A_340 : vector<16xi32> -> vector<16xf32>
        %and3A_342 = arith.constant -65536 : i32
        %and3A_343 = vector.broadcast %and3A_342 : i32 to vector<16xi32>
        %and3A_344 = arith.andi %get3A_337, %and3A_343 : vector<16xi32>
        %bitcast_convert_type3A_345 = tpu.bitcast %and3A_344 : vector<16xi32> -> vector<16xf32>
        %get3A_346 = arith.index_cast %scan3A_321 : i32 to index
        %get3A_347 = arith.constant 32 : index
        %get3A_348 = tpu.vector_load %arg9[%get3A_346, %get3A_347] {strides = array<i32>} : memref<128x48xi32, #tpu.memory_space<vmem>>, vector<1x16xi32>,
        %get3A_349 = vector.shape_cast %get3A_348 : vector<1x16xi32> to vector<16xi32>
        %shift_left3A_350 = arith.constant 16 : i32
        %shift_left3A_351 = vector.broadcast %shift_left3A_350 : i32 to vector<16xi32>
        %shift_left3A_352 = arith.shli %get3A_349, %shift_left3A_351 : vector<16xi32>
        %bitcast_convert_type3A_353 = tpu.bitcast %shift_left3A_352 : vector<16xi32> -> vector<16xf32>
        %and3A_354 = arith.constant -65536 : i32
        %and3A_355 = vector.broadcast %and3A_354 : i32 to vector<16xi32>
        %and3A_356 = arith.andi %get3A_349, %and3A_355 : vector<16xi32>
        %bitcast_convert_type3A_357 = tpu.bitcast %and3A_356 : vector<16xi32> -> vector<16xf32>
        %get3A_358 = arith.index_cast %scan3A_321 : i32 to index
        %get3A_359 = arith.constant 0 : index
        %get3A_360 = tpu.vector_load %arg11[%get3A_358, %get3A_359] {strides = array<i32>} : memref<128x16xf32, #tpu.memory_space<vmem>>, vector<1x16xf32>,
        %get3A_361 = vector.shape_cast %get3A_360 : vector<1x16xf32> to vector<16xf32>
        %add3A_362 = arith.addf %bitcast_convert_type3A_353, %get3A_361 : vector<16xf32>
        %gt3A_363 = arith.constant 0.000000e+00 : f32
        %gt3A_364 = vector.broadcast %gt3A_363 : f32 to vector<16xf32>
        %gt3A_365 = arith.cmpf ogt, %add3A_362, %gt3A_364 : vector<16xf32>
        %mul3A_366 = arith.constant 2.000000e-01 : f32
        %mul3A_367 = vector.broadcast %mul3A_366 : f32 to vector<16xf32>
        %mul3A_368 = arith.mulf %add3A_362, %mul3A_367 : vector<16xf32>
        %select_n3A_369 = arith.select %gt3A_365, %add3A_362, %mul3A_368 : vector<16xi1>, vector<16xf32>
        %exp3A_370 = math.exp %select_n3A_369 : vector<16xf32>
        %lt3A_371 = arith.constant 0 : i32
        %lt3A_372 = vector.broadcast %lt3A_371 : i32 to vector<16xi32>
        %lt3A_373 = arith.cmpi slt, %add3A_28, %lt3A_372 : vector<16xi32>
        %add3A_374 = arith.constant 16 : i32
        %add3A_375 = vector.broadcast %add3A_374 : i32 to vector<16xi32>
        %add3A_376 = arith.addi %add3A_28, %add3A_375 : vector<16xi32>
        %select_n3A_377 = arith.select %lt3A_373, %add3A_376, %add3A_28 : vector<16xi1>, vector<16xi32>
        %broadcast_in_dim3A_378 = vector.shape_cast %select_n3A_377 : vector<16xi32> to vector<16x1xi32>
        %gather3A_379 = vector.shape_cast %broadcast_in_dim3A_378 : vector<16x1xi32> to vector<16xi32>
        %gather3A_380 = tpu.dynamic_gather %exp3A_370[%gather3A_379] in [0] : vector<16xf32>, vector<16xi32> -> vector<16xf32>
        %mul3A_381 = arith.mulf %bitcast_convert_type3A_353, %gather3A_380 : vector<16xf32>
        %swap3A_382 = arith.index_cast %scan3A_321 : i32 to index
        %swap3A_383 = arith.constant 64 : index
        %swap3A_384 = tpu.vector_load %arg13[%swap3A_382, %swap3A_383] {strides = array<i32>} : memref<128x80xf32, #tpu.memory_space<vmem>>, vector<1x16xf32>,
        %swap3A_385 = vector.shape_cast %swap3A_384 : vector<1x16xf32> to vector<16xf32>
        %swap3A_386 = vector.shape_cast %mul3A_381 : vector<16xf32> to vector<1x16xf32>
        tpu.vector_store %arg13[%swap3A_382, %swap3A_383], %swap3A_386 {strides = array<i32>} : memref<128x80xf32, #tpu.memory_space<vmem>>, vector<1x16xf32>,
        %lt3A_387 = arith.constant 0 : i32
        %lt3A_388 = vector.broadcast %lt3A_387 : i32 to vector<16xi32>
        %lt3A_389 = arith.cmpi slt, %add3A_34, %lt3A_388 : vector<16xi32>
        %add3A_390 = arith.constant 16 : i32
        %add3A_391 = vector.broadcast %add3A_390 : i32 to vector<16xi32>
        %add3A_392 = arith.addi %add3A_34, %add3A_391 : vector<16xi32>
        %select_n3A_393 = arith.select %lt3A_389, %add3A_392, %add3A_34 : vector<16xi1>, vector<16xi32>
        %broadcast_in_dim3A_394 = vector.shape_cast %select_n3A_393 : vector<16xi32> to vector<16x1xi32>
        %gather3A_395 = vector.shape_cast %broadcast_in_dim3A_394 : vector<16x1xi32> to vector<16xi32>
        %gather3A_396 = tpu.dynamic_gather %exp3A_370[%gather3A_395] in [0] : vector<16xf32>, vector<16xi32> -> vector<16xf32>
        %mul3A_397 = arith.mulf %bitcast_convert_type3A_329, %gather3A_396 : vector<16xf32>
        %swap3A_398 = arith.index_cast %scan3A_321 : i32 to index
        %swap3A_399 = arith.constant 0 : index
        %swap3A_400 = tpu.vector_load %arg13[%swap3A_398, %swap3A_399] {strides = array<i32>} : memref<128x80xf32, #tpu.memory_space<vmem>>, vector<1x16xf32>,
        %swap3A_401 = vector.shape_cast %swap3A_400 : vector<1x16xf32> to vector<16xf32>
        %swap3A_402 = vector.shape_cast %mul3A_397 : vector<16xf32> to vector<1x16xf32>
        tpu.vector_store %arg13[%swap3A_398, %swap3A_399], %swap3A_402 {strides = array<i32>} : memref<128x80xf32, #tpu.memory_space<vmem>>, vector<1x16xf32>,
        %lt3A_403 = arith.constant 0 : i32
        %lt3A_404 = vector.broadcast %lt3A_403 : i32 to vector<16xi32>
        %lt3A_405 = arith.cmpi slt, %add3A_40, %lt3A_404 : vector<16xi32>
        %add3A_406 = arith.constant 16 : i32
        %add3A_407 = vector.broadcast %add3A_406 : i32 to vector<16xi32>
        %add3A_408 = arith.addi %add3A_40, %add3A_407 : vector<16xi32>
        %select_n3A_409 = arith.select %lt3A_405, %add3A_408, %add3A_40 : vector<16xi1>, vector<16xi32>
        %broadcast_in_dim3A_410 = vector.shape_cast %select_n3A_409 : vector<16xi32> to vector<16x1xi32>
        %gather3A_411 = vector.shape_cast %broadcast_in_dim3A_410 : vector<16x1xi32> to vector<16xi32>
        %gather3A_412 = tpu.dynamic_gather %exp3A_370[%gather3A_411] in [0] : vector<16xf32>, vector<16xi32> -> vector<16xf32>
        %mul3A_413 = arith.mulf %bitcast_convert_type3A_333, %gather3A_412 : vector<16xf32>
        %swap3A_414 = arith.index_cast %scan3A_321 : i32 to index
        %swap3A_415 = arith.constant 16 : index
        %swap3A_416 = tpu.vector_load %arg13[%swap3A_414, %swap3A_415] {strides = array<i32>} : memref<128x80xf32, #tpu.memory_space<vmem>>, vector<1x16xf32>,
        %swap3A_417 = vector.shape_cast %swap3A_416 : vector<1x16xf32> to vector<16xf32>
        %swap3A_418 = vector.shape_cast %mul3A_413 : vector<16xf32> to vector<1x16xf32>
        tpu.vector_store %arg13[%swap3A_414, %swap3A_415], %swap3A_418 {strides = array<i32>} : memref<128x80xf32, #tpu.memory_space<vmem>>, vector<1x16xf32>,
        %lt3A_419 = arith.constant 0 : i32
        %lt3A_420 = vector.broadcast %lt3A_419 : i32 to vector<16xi32>
        %lt3A_421 = arith.cmpi slt, %add3A_46, %lt3A_420 : vector<16xi32>
        %add3A_422 = arith.constant 16 : i32
        %add3A_423 = vector.broadcast %add3A_422 : i32 to vector<16xi32>
        %add3A_424 = arith.addi %add3A_46, %add3A_423 : vector<16xi32>
        %select_n3A_425 = arith.select %lt3A_421, %add3A_424, %add3A_46 : vector<16xi1>, vector<16xi32>
        %broadcast_in_dim3A_426 = vector.shape_cast %select_n3A_425 : vector<16xi32> to vector<16x1xi32>
        %gather3A_427 = vector.shape_cast %broadcast_in_dim3A_426 : vector<16x1xi32> to vector<16xi32>
        %gather3A_428 = tpu.dynamic_gather %exp3A_370[%gather3A_427] in [0] : vector<16xf32>, vector<16xi32> -> vector<16xf32>
        %mul3A_429 = arith.mulf %bitcast_convert_type3A_341, %gather3A_428 : vector<16xf32>
        %swap3A_430 = arith.index_cast %scan3A_321 : i32 to index
        %swap3A_431 = arith.constant 32 : index
        %swap3A_432 = tpu.vector_load %arg13[%swap3A_430, %swap3A_431] {strides = array<i32>} : memref<128x80xf32, #tpu.memory_space<vmem>>, vector<1x16xf32>,
        %swap3A_433 = vector.shape_cast %swap3A_432 : vector<1x16xf32> to vector<16xf32>
        %swap3A_434 = vector.shape_cast %mul3A_429 : vector<16xf32> to vector<1x16xf32>
        tpu.vector_store %arg13[%swap3A_430, %swap3A_431], %swap3A_434 {strides = array<i32>} : memref<128x80xf32, #tpu.memory_space<vmem>>, vector<1x16xf32>,
        %lt3A_435 = arith.constant 0 : i32
        %lt3A_436 = vector.broadcast %lt3A_435 : i32 to vector<16xi32>
        %lt3A_437 = arith.cmpi slt, %add3A_52, %lt3A_436 : vector<16xi32>
        %add3A_438 = arith.constant 16 : i32
        %add3A_439 = vector.broadcast %add3A_438 : i32 to vector<16xi32>
        %add3A_440 = arith.addi %add3A_52, %add3A_439 : vector<16xi32>
        %select_n3A_441 = arith.select %lt3A_437, %add3A_440, %add3A_52 : vector<16xi1>, vector<16xi32>
        %broadcast_in_dim3A_442 = vector.shape_cast %select_n3A_441 : vector<16xi32> to vector<16x1xi32>
        %gather3A_443 = vector.shape_cast %broadcast_in_dim3A_442 : vector<16x1xi32> to vector<16xi32>
        %gather3A_444 = tpu.dynamic_gather %exp3A_370[%gather3A_443] in [0] : vector<16xf32>, vector<16xi32> -> vector<16xf32>
        %mul3A_445 = arith.mulf %bitcast_convert_type3A_345, %gather3A_444 : vector<16xf32>
        %swap3A_446 = arith.index_cast %scan3A_321 : i32 to index
        %swap3A_447 = arith.constant 48 : index
        %swap3A_448 = tpu.vector_load %arg13[%swap3A_446, %swap3A_447] {strides = array<i32>} : memref<128x80xf32, #tpu.memory_space<vmem>>, vector<1x16xf32>,
        %swap3A_449 = vector.shape_cast %swap3A_448 : vector<1x16xf32> to vector<16xf32>
        %swap3A_450 = vector.shape_cast %mul3A_445 : vector<16xf32> to vector<1x16xf32>
        tpu.vector_store %arg13[%swap3A_446, %swap3A_447], %swap3A_450 {strides = array<i32>} : memref<128x80xf32, #tpu.memory_space<vmem>>, vector<1x16xf32>,
        %scan3A_451 = arith.constant 2 : i32
        %scan3A_452 = arith.addi %scan3A_196, %scan3A_451 : i32
        %get3A_453 = arith.index_cast %scan3A_452 : i32 to index
        %get3A_454 = arith.constant 0 : index
        %get3A_455 = tpu.vector_load %arg9[%get3A_453, %get3A_454] {strides = array<i32>} : memref<128x48xi32, #tpu.memory_space<vmem>>, vector<1x16xi32>,
        %get3A_456 = vector.shape_cast %get3A_455 : vector<1x16xi32> to vector<16xi32>
        %shift_left3A_457 = arith.constant 16 : i32
        %shift_left3A_458 = vector.broadcast %shift_left3A_457 : i32 to vector<16xi32>
        %shift_left3A_459 = arith.shli %get3A_456, %shift_left3A_458 : vector<16xi32>
        %bitcast_convert_type3A_460 = tpu.bitcast %shift_left3A_459 : vector<16xi32> -> vector<16xf32>
        %and3A_461 = arith.constant -65536 : i32
        %and3A_462 = vector.broadcast %and3A_461 : i32 to vector<16xi32>
        %and3A_463 = arith.andi %get3A_456, %and3A_462 : vector<16xi32>
        %bitcast_convert_type3A_464 = tpu.bitcast %and3A_463 : vector<16xi32> -> vector<16xf32>
        %get3A_465 = arith.index_cast %scan3A_452 : i32 to index
        %get3A_466 = arith.constant 16 : index
        %get3A_467 = tpu.vector_load %arg9[%get3A_465, %get3A_466] {strides = array<i32>} : memref<128x48xi32, #tpu.memory_space<vmem>>, vector<1x16xi32>,
        %get3A_468 = vector.shape_cast %get3A_467 : vector<1x16xi32> to vector<16xi32>
        %shift_left3A_469 = arith.constant 16 : i32
        %shift_left3A_470 = vector.broadcast %shift_left3A_469 : i32 to vector<16xi32>
        %shift_left3A_471 = arith.shli %get3A_468, %shift_left3A_470 : vector<16xi32>
        %bitcast_convert_type3A_472 = tpu.bitcast %shift_left3A_471 : vector<16xi32> -> vector<16xf32>
        %and3A_473 = arith.constant -65536 : i32
        %and3A_474 = vector.broadcast %and3A_473 : i32 to vector<16xi32>
        %and3A_475 = arith.andi %get3A_468, %and3A_474 : vector<16xi32>
        %bitcast_convert_type3A_476 = tpu.bitcast %and3A_475 : vector<16xi32> -> vector<16xf32>
        %get3A_477 = arith.index_cast %scan3A_452 : i32 to index
        %get3A_478 = arith.constant 32 : index
        %get3A_479 = tpu.vector_load %arg9[%get3A_477, %get3A_478] {strides = array<i32>} : memref<128x48xi32, #tpu.memory_space<vmem>>, vector<1x16xi32>,
        %get3A_480 = vector.shape_cast %get3A_479 : vector<1x16xi32> to vector<16xi32>
        %shift_left3A_481 = arith.constant 16 : i32
        %shift_left3A_482 = vector.broadcast %shift_left3A_481 : i32 to vector<16xi32>
        %shift_left3A_483 = arith.shli %get3A_480, %shift_left3A_482 : vector<16xi32>
        %bitcast_convert_type3A_484 = tpu.bitcast %shift_left3A_483 : vector<16xi32> -> vector<16xf32>
        %and3A_485 = arith.constant -65536 : i32
        %and3A_486 = vector.broadcast %and3A_485 : i32 to vector<16xi32>
        %and3A_487 = arith.andi %get3A_480, %and3A_486 : vector<16xi32>
        %bitcast_convert_type3A_488 = tpu.bitcast %and3A_487 : vector<16xi32> -> vector<16xf32>
        %get3A_489 = arith.index_cast %scan3A_452 : i32 to index
        %get3A_490 = arith.constant 0 : index
        %get3A_491 = tpu.vector_load %arg11[%get3A_489, %get3A_490] {strides = array<i32>} : memref<128x16xf32, #tpu.memory_space<vmem>>, vector<1x16xf32>,
        %get3A_492 = vector.shape_cast %get3A_491 : vector<1x16xf32> to vector<16xf32>
        %add3A_493 = arith.addf %bitcast_convert_type3A_484, %get3A_492 : vector<16xf32>
        %gt3A_494 = arith.constant 0.000000e+00 : f32
        %gt3A_495 = vector.broadcast %gt3A_494 : f32 to vector<16xf32>
        %gt3A_496 = arith.cmpf ogt, %add3A_493, %gt3A_495 : vector<16xf32>
        %mul3A_497 = arith.constant 2.000000e-01 : f32
        %mul3A_498 = vector.broadcast %mul3A_497 : f32 to vector<16xf32>
        %mul3A_499 = arith.mulf %add3A_493, %mul3A_498 : vector<16xf32>
        %select_n3A_500 = arith.select %gt3A_496, %add3A_493, %mul3A_499 : vector<16xi1>, vector<16xf32>
        %exp3A_501 = math.exp %select_n3A_500 : vector<16xf32>
        %lt3A_502 = arith.constant 0 : i32
        %lt3A_503 = vector.broadcast %lt3A_502 : i32 to vector<16xi32>
        %lt3A_504 = arith.cmpi slt, %add3A_28, %lt3A_503 : vector<16xi32>
        %add3A_505 = arith.constant 16 : i32
        %add3A_506 = vector.broadcast %add3A_505 : i32 to vector<16xi32>
        %add3A_507 = arith.addi %add3A_28, %add3A_506 : vector<16xi32>
        %select_n3A_508 = arith.select %lt3A_504, %add3A_507, %add3A_28 : vector<16xi1>, vector<16xi32>
        %broadcast_in_dim3A_509 = vector.shape_cast %select_n3A_508 : vector<16xi32> to vector<16x1xi32>
        %gather3A_510 = vector.shape_cast %broadcast_in_dim3A_509 : vector<16x1xi32> to vector<16xi32>
        %gather3A_511 = tpu.dynamic_gather %exp3A_501[%gather3A_510] in [0] : vector<16xf32>, vector<16xi32> -> vector<16xf32>
        %mul3A_512 = arith.mulf %bitcast_convert_type3A_484, %gather3A_511 : vector<16xf32>
        %swap3A_513 = arith.index_cast %scan3A_452 : i32 to index
        %swap3A_514 = arith.constant 64 : index
        %swap3A_515 = tpu.vector_load %arg13[%swap3A_513, %swap3A_514] {strides = array<i32>} : memref<128x80xf32, #tpu.memory_space<vmem>>, vector<1x16xf32>,
        %swap3A_516 = vector.shape_cast %swap3A_515 : vector<1x16xf32> to vector<16xf32>
        %swap3A_517 = vector.shape_cast %mul3A_512 : vector<16xf32> to vector<1x16xf32>
        tpu.vector_store %arg13[%swap3A_513, %swap3A_514], %swap3A_517 {strides = array<i32>} : memref<128x80xf32, #tpu.memory_space<vmem>>, vector<1x16xf32>,
        %lt3A_518 = arith.constant 0 : i32
        %lt3A_519 = vector.broadcast %lt3A_518 : i32 to vector<16xi32>
        %lt3A_520 = arith.cmpi slt, %add3A_34, %lt3A_519 : vector<16xi32>
        %add3A_521 = arith.constant 16 : i32
        %add3A_522 = vector.broadcast %add3A_521 : i32 to vector<16xi32>
        %add3A_523 = arith.addi %add3A_34, %add3A_522 : vector<16xi32>
        %select_n3A_524 = arith.select %lt3A_520, %add3A_523, %add3A_34 : vector<16xi1>, vector<16xi32>
        %broadcast_in_dim3A_525 = vector.shape_cast %select_n3A_524 : vector<16xi32> to vector<16x1xi32>
        %gather3A_526 = vector.shape_cast %broadcast_in_dim3A_525 : vector<16x1xi32> to vector<16xi32>
        %gather3A_527 = tpu.dynamic_gather %exp3A_501[%gather3A_526] in [0] : vector<16xf32>, vector<16xi32> -> vector<16xf32>
        %mul3A_528 = arith.mulf %bitcast_convert_type3A_460, %gather3A_527 : vector<16xf32>
        %swap3A_529 = arith.index_cast %scan3A_452 : i32 to index
        %swap3A_530 = arith.constant 0 : index
        %swap3A_531 = tpu.vector_load %arg13[%swap3A_529, %swap3A_530] {strides = array<i32>} : memref<128x80xf32, #tpu.memory_space<vmem>>, vector<1x16xf32>,
        %swap3A_532 = vector.shape_cast %swap3A_531 : vector<1x16xf32> to vector<16xf32>
        %swap3A_533 = vector.shape_cast %mul3A_528 : vector<16xf32> to vector<1x16xf32>
        tpu.vector_store %arg13[%swap3A_529, %swap3A_530], %swap3A_533 {strides = array<i32>} : memref<128x80xf32, #tpu.memory_space<vmem>>, vector<1x16xf32>,
        %lt3A_534 = arith.constant 0 : i32
        %lt3A_535 = vector.broadcast %lt3A_534 : i32 to vector<16xi32>
        %lt3A_536 = arith.cmpi slt, %add3A_40, %lt3A_535 : vector<16xi32>
        %add3A_537 = arith.constant 16 : i32
        %add3A_538 = vector.broadcast %add3A_537 : i32 to vector<16xi32>
        %add3A_539 = arith.addi %add3A_40, %add3A_538 : vector<16xi32>
        %select_n3A_540 = arith.select %lt3A_536, %add3A_539, %add3A_40 : vector<16xi1>, vector<16xi32>
        %broadcast_in_dim3A_541 = vector.shape_cast %select_n3A_540 : vector<16xi32> to vector<16x1xi32>
        %gather3A_542 = vector.shape_cast %broadcast_in_dim3A_541 : vector<16x1xi32> to vector<16xi32>
        %gather3A_543 = tpu.dynamic_gather %exp3A_501[%gather3A_542] in [0] : vector<16xf32>, vector<16xi32> -> vector<16xf32>
        %mul3A_544 = arith.mulf %bitcast_convert_type3A_464, %gather3A_543 : vector<16xf32>
        %swap3A_545 = arith.index_cast %scan3A_452 : i32 to index
        %swap3A_546 = arith.constant 16 : index
        %swap3A_547 = tpu.vector_load %arg13[%swap3A_545, %swap3A_546] {strides = array<i32>} : memref<128x80xf32, #tpu.memory_space<vmem>>, vector<1x16xf32>,
        %swap3A_548 = vector.shape_cast %swap3A_547 : vector<1x16xf32> to vector<16xf32>
        %swap3A_549 = vector.shape_cast %mul3A_544 : vector<16xf32> to vector<1x16xf32>
        tpu.vector_store %arg13[%swap3A_545, %swap3A_546], %swap3A_549 {strides = array<i32>} : memref<128x80xf32, #tpu.memory_space<vmem>>, vector<1x16xf32>,
        %lt3A_550 = arith.constant 0 : i32
        %lt3A_551 = vector.broadcast %lt3A_550 : i32 to vector<16xi32>
        %lt3A_552 = arith.cmpi slt, %add3A_46, %lt3A_551 : vector<16xi32>
        %add3A_553 = arith.constant 16 : i32
        %add3A_554 = vector.broadcast %add3A_553 : i32 to vector<16xi32>
        %add3A_555 = arith.addi %add3A_46, %add3A_554 : vector<16xi32>
        %select_n3A_556 = arith.select %lt3A_552, %add3A_555, %add3A_46 : vector<16xi1>, vector<16xi32>
        %broadcast_in_dim3A_557 = vector.shape_cast %select_n3A_556 : vector<16xi32> to vector<16x1xi32>
        %gather3A_558 = vector.shape_cast %broadcast_in_dim3A_557 : vector<16x1xi32> to vector<16xi32>
        %gather3A_559 = tpu.dynamic_gather %exp3A_501[%gather3A_558] in [0] : vector<16xf32>, vector<16xi32> -> vector<16xf32>
        %mul3A_560 = arith.mulf %bitcast_convert_type3A_472, %gather3A_559 : vector<16xf32>
        %swap3A_561 = arith.index_cast %scan3A_452 : i32 to index
        %swap3A_562 = arith.constant 32 : index
        %swap3A_563 = tpu.vector_load %arg13[%swap3A_561, %swap3A_562] {strides = array<i32>} : memref<128x80xf32, #tpu.memory_space<vmem>>, vector<1x16xf32>,
        %swap3A_564 = vector.shape_cast %swap3A_563 : vector<1x16xf32> to vector<16xf32>
        %swap3A_565 = vector.shape_cast %mul3A_560 : vector<16xf32> to vector<1x16xf32>
        tpu.vector_store %arg13[%swap3A_561, %swap3A_562], %swap3A_565 {strides = array<i32>} : memref<128x80xf32, #tpu.memory_space<vmem>>, vector<1x16xf32>,
        %lt3A_566 = arith.constant 0 : i32
        %lt3A_567 = vector.broadcast %lt3A_566 : i32 to vector<16xi32>
        %lt3A_568 = arith.cmpi slt, %add3A_52, %lt3A_567 : vector<16xi32>
        %add3A_569 = arith.constant 16 : i32
        %add3A_570 = vector.broadcast %add3A_569 : i32 to vector<16xi32>
        %add3A_571 = arith.addi %add3A_52, %add3A_570 : vector<16xi32>
        %select_n3A_572 = arith.select %lt3A_568, %add3A_571, %add3A_52 : vector<16xi1>, vector<16xi32>
        %broadcast_in_dim3A_573 = vector.shape_cast %select_n3A_572 : vector<16xi32> to vector<16x1xi32>
        %gather3A_574 = vector.shape_cast %broadcast_in_dim3A_573 : vector<16x1xi32> to vector<16xi32>
        %gather3A_575 = tpu.dynamic_gather %exp3A_501[%gather3A_574] in [0] : vector<16xf32>, vector<16xi32> -> vector<16xf32>
        %mul3A_576 = arith.mulf %bitcast_convert_type3A_476, %gather3A_575 : vector<16xf32>
        %swap3A_577 = arith.index_cast %scan3A_452 : i32 to index
        %swap3A_578 = arith.constant 48 : index
        %swap3A_579 = tpu.vector_load %arg13[%swap3A_577, %swap3A_578] {strides = array<i32>} : memref<128x80xf32, #tpu.memory_space<vmem>>, vector<1x16xf32>,
        %swap3A_580 = vector.shape_cast %swap3A_579 : vector<1x16xf32> to vector<16xf32>
        %swap3A_581 = vector.shape_cast %mul3A_576 : vector<16xf32> to vector<1x16xf32>
        tpu.vector_store %arg13[%swap3A_577, %swap3A_578], %swap3A_581 {strides = array<i32>} : memref<128x80xf32, #tpu.memory_space<vmem>>, vector<1x16xf32>,
        %scan3A_582 = arith.constant 3 : i32
        %scan3A_583 = arith.addi %scan3A_196, %scan3A_582 : i32
        %get3A_584 = arith.index_cast %scan3A_583 : i32 to index
        %get3A_585 = arith.constant 0 : index
        %get3A_586 = tpu.vector_load %arg9[%get3A_584, %get3A_585] {strides = array<i32>} : memref<128x48xi32, #tpu.memory_space<vmem>>, vector<1x16xi32>,
        %get3A_587 = vector.shape_cast %get3A_586 : vector<1x16xi32> to vector<16xi32>
        %shift_left3A_588 = arith.constant 16 : i32
        %shift_left3A_589 = vector.broadcast %shift_left3A_588 : i32 to vector<16xi32>
        %shift_left3A_590 = arith.shli %get3A_587, %shift_left3A_589 : vector<16xi32>
        %bitcast_convert_type3A_591 = tpu.bitcast %shift_left3A_590 : vector<16xi32> -> vector<16xf32>
        %and3A_592 = arith.constant -65536 : i32
        %and3A_593 = vector.broadcast %and3A_592 : i32 to vector<16xi32>
        %and3A_594 = arith.andi %get3A_587, %and3A_593 : vector<16xi32>
        %bitcast_convert_type3A_595 = tpu.bitcast %and3A_594 : vector<16xi32> -> vector<16xf32>
        %get3A_596 = arith.index_cast %scan3A_583 : i32 to index
        %get3A_597 = arith.constant 16 : index
        %get3A_598 = tpu.vector_load %arg9[%get3A_596, %get3A_597] {strides = array<i32>} : memref<128x48xi32, #tpu.memory_space<vmem>>, vector<1x16xi32>,
        %get3A_599 = vector.shape_cast %get3A_598 : vector<1x16xi32> to vector<16xi32>
        %shift_left3A_600 = arith.constant 16 : i32
        %shift_left3A_601 = vector.broadcast %shift_left3A_600 : i32 to vector<16xi32>
        %shift_left3A_602 = arith.shli %get3A_599, %shift_left3A_601 : vector<16xi32>
        %bitcast_convert_type3A_603 = tpu.bitcast %shift_left3A_602 : vector<16xi32> -> vector<16xf32>
        %and3A_604 = arith.constant -65536 : i32
        %and3A_605 = vector.broadcast %and3A_604 : i32 to vector<16xi32>
        %and3A_606 = arith.andi %get3A_599, %and3A_605 : vector<16xi32>
        %bitcast_convert_type3A_607 = tpu.bitcast %and3A_606 : vector<16xi32> -> vector<16xf32>
        %get3A_608 = arith.index_cast %scan3A_583 : i32 to index
        %get3A_609 = arith.constant 32 : index
        %get3A_610 = tpu.vector_load %arg9[%get3A_608, %get3A_609] {strides = array<i32>} : memref<128x48xi32, #tpu.memory_space<vmem>>, vector<1x16xi32>,
        %get3A_611 = vector.shape_cast %get3A_610 : vector<1x16xi32> to vector<16xi32>
        %shift_left3A_612 = arith.constant 16 : i32
        %shift_left3A_613 = vector.broadcast %shift_left3A_612 : i32 to vector<16xi32>
        %shift_left3A_614 = arith.shli %get3A_611, %shift_left3A_613 : vector<16xi32>
        %bitcast_convert_type3A_615 = tpu.bitcast %shift_left3A_614 : vector<16xi32> -> vector<16xf32>
        %and3A_616 = arith.constant -65536 : i32
        %and3A_617 = vector.broadcast %and3A_616 : i32 to vector<16xi32>
        %and3A_618 = arith.andi %get3A_611, %and3A_617 : vector<16xi32>
        %bitcast_convert_type3A_619 = tpu.bitcast %and3A_618 : vector<16xi32> -> vector<16xf32>
        %get3A_620 = arith.index_cast %scan3A_583 : i32 to index
        %get3A_621 = arith.constant 0 : index
        %get3A_622 = tpu.vector_load %arg11[%get3A_620, %get3A_621] {strides = array<i32>} : memref<128x16xf32, #tpu.memory_space<vmem>>, vector<1x16xf32>,
        %get3A_623 = vector.shape_cast %get3A_622 : vector<1x16xf32> to vector<16xf32>
        %add3A_624 = arith.addf %bitcast_convert_type3A_615, %get3A_623 : vector<16xf32>
        %gt3A_625 = arith.constant 0.000000e+00 : f32
        %gt3A_626 = vector.broadcast %gt3A_625 : f32 to vector<16xf32>
        %gt3A_627 = arith.cmpf ogt, %add3A_624, %gt3A_626 : vector<16xf32>
        %mul3A_628 = arith.constant 2.000000e-01 : f32
        %mul3A_629 = vector.broadcast %mul3A_628 : f32 to vector<16xf32>
        %mul3A_630 = arith.mulf %add3A_624, %mul3A_629 : vector<16xf32>
        %select_n3A_631 = arith.select %gt3A_627, %add3A_624, %mul3A_630 : vector<16xi1>, vector<16xf32>
        %exp3A_632 = math.exp %select_n3A_631 : vector<16xf32>
        %lt3A_633 = arith.constant 0 : i32
        %lt3A_634 = vector.broadcast %lt3A_633 : i32 to vector<16xi32>
        %lt3A_635 = arith.cmpi slt, %add3A_28, %lt3A_634 : vector<16xi32>
        %add3A_636 = arith.constant 16 : i32
        %add3A_637 = vector.broadcast %add3A_636 : i32 to vector<16xi32>
        %add3A_638 = arith.addi %add3A_28, %add3A_637 : vector<16xi32>
        %select_n3A_639 = arith.select %lt3A_635, %add3A_638, %add3A_28 : vector<16xi1>, vector<16xi32>
        %broadcast_in_dim3A_640 = vector.shape_cast %select_n3A_639 : vector<16xi32> to vector<16x1xi32>
        %gather3A_641 = vector.shape_cast %broadcast_in_dim3A_640 : vector<16x1xi32> to vector<16xi32>
        %gather3A_642 = tpu.dynamic_gather %exp3A_632[%gather3A_641] in [0] : vector<16xf32>, vector<16xi32> -> vector<16xf32>
        %mul3A_643 = arith.mulf %bitcast_convert_type3A_615, %gather3A_642 : vector<16xf32>
        %swap3A_644 = arith.index_cast %scan3A_583 : i32 to index
        %swap3A_645 = arith.constant 64 : index
        %swap3A_646 = tpu.vector_load %arg13[%swap3A_644, %swap3A_645] {strides = array<i32>} : memref<128x80xf32, #tpu.memory_space<vmem>>, vector<1x16xf32>,
        %swap3A_647 = vector.shape_cast %swap3A_646 : vector<1x16xf32> to vector<16xf32>
        %swap3A_648 = vector.shape_cast %mul3A_643 : vector<16xf32> to vector<1x16xf32>
        tpu.vector_store %arg13[%swap3A_644, %swap3A_645], %swap3A_648 {strides = array<i32>} : memref<128x80xf32, #tpu.memory_space<vmem>>, vector<1x16xf32>,
        %lt3A_649 = arith.constant 0 : i32
        %lt3A_650 = vector.broadcast %lt3A_649 : i32 to vector<16xi32>
        %lt3A_651 = arith.cmpi slt, %add3A_34, %lt3A_650 : vector<16xi32>
        %add3A_652 = arith.constant 16 : i32
        %add3A_653 = vector.broadcast %add3A_652 : i32 to vector<16xi32>
        %add3A_654 = arith.addi %add3A_34, %add3A_653 : vector<16xi32>
        %select_n3A_655 = arith.select %lt3A_651, %add3A_654, %add3A_34 : vector<16xi1>, vector<16xi32>
        %broadcast_in_dim3A_656 = vector.shape_cast %select_n3A_655 : vector<16xi32> to vector<16x1xi32>
        %gather3A_657 = vector.shape_cast %broadcast_in_dim3A_656 : vector<16x1xi32> to vector<16xi32>
        %gather3A_658 = tpu.dynamic_gather %exp3A_632[%gather3A_657] in [0] : vector<16xf32>, vector<16xi32> -> vector<16xf32>
        %mul3A_659 = arith.mulf %bitcast_convert_type3A_591, %gather3A_658 : vector<16xf32>
        %swap3A_660 = arith.index_cast %scan3A_583 : i32 to index
        %swap3A_661 = arith.constant 0 : index
        %swap3A_662 = tpu.vector_load %arg13[%swap3A_660, %swap3A_661] {strides = array<i32>} : memref<128x80xf32, #tpu.memory_space<vmem>>, vector<1x16xf32>,
        %swap3A_663 = vector.shape_cast %swap3A_662 : vector<1x16xf32> to vector<16xf32>
        %swap3A_664 = vector.shape_cast %mul3A_659 : vector<16xf32> to vector<1x16xf32>
        tpu.vector_store %arg13[%swap3A_660, %swap3A_661], %swap3A_664 {strides = array<i32>} : memref<128x80xf32, #tpu.memory_space<vmem>>, vector<1x16xf32>,
        %lt3A_665 = arith.constant 0 : i32
        %lt3A_666 = vector.broadcast %lt3A_665 : i32 to vector<16xi32>
        %lt3A_667 = arith.cmpi slt, %add3A_40, %lt3A_666 : vector<16xi32>
        %add3A_668 = arith.constant 16 : i32
        %add3A_669 = vector.broadcast %add3A_668 : i32 to vector<16xi32>
        %add3A_670 = arith.addi %add3A_40, %add3A_669 : vector<16xi32>
        %select_n3A_671 = arith.select %lt3A_667, %add3A_670, %add3A_40 : vector<16xi1>, vector<16xi32>
        %broadcast_in_dim3A_672 = vector.shape_cast %select_n3A_671 : vector<16xi32> to vector<16x1xi32>
        %gather3A_673 = vector.shape_cast %broadcast_in_dim3A_672 : vector<16x1xi32> to vector<16xi32>
        %gather3A_674 = tpu.dynamic_gather %exp3A_632[%gather3A_673] in [0] : vector<16xf32>, vector<16xi32> -> vector<16xf32>
        %mul3A_675 = arith.mulf %bitcast_convert_type3A_595, %gather3A_674 : vector<16xf32>
        %swap3A_676 = arith.index_cast %scan3A_583 : i32 to index
        %swap3A_677 = arith.constant 16 : index
        %swap3A_678 = tpu.vector_load %arg13[%swap3A_676, %swap3A_677] {strides = array<i32>} : memref<128x80xf32, #tpu.memory_space<vmem>>, vector<1x16xf32>,
        %swap3A_679 = vector.shape_cast %swap3A_678 : vector<1x16xf32> to vector<16xf32>
        %swap3A_680 = vector.shape_cast %mul3A_675 : vector<16xf32> to vector<1x16xf32>
        tpu.vector_store %arg13[%swap3A_676, %swap3A_677], %swap3A_680 {strides = array<i32>} : memref<128x80xf32, #tpu.memory_space<vmem>>, vector<1x16xf32>,
        %lt3A_681 = arith.constant 0 : i32
        %lt3A_682 = vector.broadcast %lt3A_681 : i32 to vector<16xi32>
        %lt3A_683 = arith.cmpi slt, %add3A_46, %lt3A_682 : vector<16xi32>
        %add3A_684 = arith.constant 16 : i32
        %add3A_685 = vector.broadcast %add3A_684 : i32 to vector<16xi32>
        %add3A_686 = arith.addi %add3A_46, %add3A_685 : vector<16xi32>
        %select_n3A_687 = arith.select %lt3A_683, %add3A_686, %add3A_46 : vector<16xi1>, vector<16xi32>
        %broadcast_in_dim3A_688 = vector.shape_cast %select_n3A_687 : vector<16xi32> to vector<16x1xi32>
        %gather3A_689 = vector.shape_cast %broadcast_in_dim3A_688 : vector<16x1xi32> to vector<16xi32>
        %gather3A_690 = tpu.dynamic_gather %exp3A_632[%gather3A_689] in [0] : vector<16xf32>, vector<16xi32> -> vector<16xf32>
        %mul3A_691 = arith.mulf %bitcast_convert_type3A_603, %gather3A_690 : vector<16xf32>
        %swap3A_692 = arith.index_cast %scan3A_583 : i32 to index
        %swap3A_693 = arith.constant 32 : index
        %swap3A_694 = tpu.vector_load %arg13[%swap3A_692, %swap3A_693] {strides = array<i32>} : memref<128x80xf32, #tpu.memory_space<vmem>>, vector<1x16xf32>,
        %swap3A_695 = vector.shape_cast %swap3A_694 : vector<1x16xf32> to vector<16xf32>
        %swap3A_696 = vector.shape_cast %mul3A_691 : vector<16xf32> to vector<1x16xf32>
        tpu.vector_store %arg13[%swap3A_692, %swap3A_693], %swap3A_696 {strides = array<i32>} : memref<128x80xf32, #tpu.memory_space<vmem>>, vector<1x16xf32>,
        %lt3A_697 = arith.constant 0 : i32
        %lt3A_698 = vector.broadcast %lt3A_697 : i32 to vector<16xi32>
        %lt3A_699 = arith.cmpi slt, %add3A_52, %lt3A_698 : vector<16xi32>
        %add3A_700 = arith.constant 16 : i32
        %add3A_701 = vector.broadcast %add3A_700 : i32 to vector<16xi32>
        %add3A_702 = arith.addi %add3A_52, %add3A_701 : vector<16xi32>
        %select_n3A_703 = arith.select %lt3A_699, %add3A_702, %add3A_52 : vector<16xi1>, vector<16xi32>
        %broadcast_in_dim3A_704 = vector.shape_cast %select_n3A_703 : vector<16xi32> to vector<16x1xi32>
        %gather3A_705 = vector.shape_cast %broadcast_in_dim3A_704 : vector<16x1xi32> to vector<16xi32>
        %gather3A_706 = tpu.dynamic_gather %exp3A_632[%gather3A_705] in [0] : vector<16xf32>, vector<16xi32> -> vector<16xf32>
        %mul3A_707 = arith.mulf %bitcast_convert_type3A_607, %gather3A_706 : vector<16xf32>
        %swap3A_708 = arith.index_cast %scan3A_583 : i32 to index
        %swap3A_709 = arith.constant 48 : index
        %swap3A_710 = tpu.vector_load %arg13[%swap3A_708, %swap3A_709] {strides = array<i32>} : memref<128x80xf32, #tpu.memory_space<vmem>>, vector<1x16xf32>,
        %swap3A_711 = vector.shape_cast %swap3A_710 : vector<1x16xf32> to vector<16xf32>
        %swap3A_712 = vector.shape_cast %mul3A_707 : vector<16xf32> to vector<1x16xf32>
        tpu.vector_store %arg13[%swap3A_708, %swap3A_709], %swap3A_712 {strides = array<i32>} : memref<128x80xf32, #tpu.memory_space<vmem>>, vector<1x16xf32>,
      }
      %scan3A_146 = arith.constant 128 : i32
      %dma_start3A_147 = arith.constant 0 : i32
      %dma_start3A_148 = tpu.memref_slice %arg8[%add3A_126, %dma_start3A_147] : memref<168x128xi32, #tpu.memory_space<vmem>> -> memref<1x128xi32, #tpu.memory_space<vmem>>
      %dma_start3A_149 = tpu.memref_squeeze %dma_start3A_148 : memref<1x128xi32, #tpu.memory_space<vmem>> -> memref<128xi32, #tpu.memory_space<vmem>>
      %dma_start3A_150 = arith.constant 0 : i32
      %dma_start3A_151 = arith.constant 0 : i32
      %dma_start3A_152 = tpu.memref_slice %arg15[%dma_start3A_150, %dma_start3A_151] : memref<10016x80xf32, #tpu.memory_space<vmem_shared>> -> memref<10016x80xf32, #tpu.memory_space<vmem_shared>>
      tpu.enqueue_indirect_dma source(%arg13 : memref<128x80xf32, #tpu.memory_space<vmem>>) target(%dma_start3A_152 : memref<10016x80xf32, #tpu.memory_space<vmem_shared>>) offsets(%dma_start3A_149 : memref<128xi32, #tpu.memory_space<vmem>>) semaphore(%arg18 : memref<!tpu.dma_semaphore, #tpu.memory_space<semaphore_mem>>) {add = true}
      %lt3A_153 = arith.constant 83 : i32
      %lt3A_154 = arith.cmpi slt, %scan3A_122, %lt3A_153 : i32
      %convert_element_type3A_155 = arith.extui %lt3A_154 : i1 to i32
      %cond3A_156 = arith.constant 0 : i32
      %cond3A_157 = arith.cmpi ne, %convert_element_type3A_155, %cond3A_156 : i32
      scf.if %cond3A_157 {
        %add3A_196 = arith.constant 2 : i32
        %add3A_197 = arith.addi %add3A_126, %add3A_196 : i32
        %dma_start3A_198 = arith.constant 0 : i32
        %dma_start3A_199 = tpu.memref_slice %arg7[%add3A_197, %dma_start3A_198] : memref<168x128xi32, #tpu.memory_space<vmem>> -> memref<1x128xi32, #tpu.memory_space<vmem>>
        %dma_start3A_200 = tpu.memref_squeeze %dma_start3A_199 : memref<1x128xi32, #tpu.memory_space<vmem>> -> memref<128xi32, #tpu.memory_space<vmem>>
        %dma_start3A_201 = arith.constant 0 : i32
        %dma_start3A_202 = arith.constant 0 : i32
        %dma_start3A_203 = tpu.memref_slice %arg4[%dma_start3A_201, %dma_start3A_202] : memref<20032x48xi32, #tpu.memory_space<hbm>> -> memref<20032x48xi32, #tpu.memory_space<hbm>>
        tpu.enqueue_indirect_dma source(%dma_start3A_203 : memref<20032x48xi32, #tpu.memory_space<hbm>>) target(%arg9 : memref<128x48xi32, #tpu.memory_space<vmem>>) offsets(%dma_start3A_200 : memref<128xi32, #tpu.memory_space<vmem>>) semaphore(%arg16 : memref<!tpu.dma_semaphore, #tpu.memory_space<semaphore_mem>>)
        %dma_start3A_204 = arith.constant 0 : i32
        %dma_start3A_205 = tpu.memref_slice %arg8[%add3A_197, %dma_start3A_204] : memref<168x128xi32, #tpu.memory_space<vmem>> -> memref<1x128xi32, #tpu.memory_space<vmem>>
        %dma_start3A_206 = tpu.memref_squeeze %dma_start3A_205 : memref<1x128xi32, #tpu.memory_space<vmem>> -> memref<128xi32, #tpu.memory_space<vmem>>
        %dma_start3A_207 = arith.constant 0 : i32
        %dma_start3A_208 = arith.constant 0 : i32
        %dma_start3A_209 = tpu.memref_slice %arg5[%dma_start3A_207, %dma_start3A_208] : memref<10016x16xf32, #tpu.memory_space<hbm>> -> memref<10016x16xf32, #tpu.memory_space<hbm>>
        tpu.enqueue_indirect_dma source(%dma_start3A_209 : memref<10016x16xf32, #tpu.memory_space<hbm>>) target(%arg11 : memref<128x16xf32, #tpu.memory_space<vmem>>) offsets(%dma_start3A_206 : memref<128xi32, #tpu.memory_space<vmem>>) semaphore(%arg17 : memref<!tpu.dma_semaphore, #tpu.memory_space<semaphore_mem>>)
      } else {
      }
      %mul3A_158 = arith.constant 2 : i32
      %mul3A_159 = arith.muli %mul3A_158, %scan3A_122 : i32
      %add3A_160 = arith.constant 1 : i32
      %add3A_161 = arith.addi %mul3A_159, %add3A_160 : i32
      %dma_wait3A_162 = arith.constant 0 : i32
      %dma_wait3A_163 = tpu.memref_slice %arg7[%add3A_161, %dma_wait3A_162] : memref<168x128xi32, #tpu.memory_space<vmem>> -> memref<1x128xi32, #tpu.memory_space<vmem>>
      %dma_wait3A_164 = tpu.memref_squeeze %dma_wait3A_163 : memref<1x128xi32, #tpu.memory_space<vmem>> -> memref<128xi32, #tpu.memory_space<vmem>>
      %dma_wait3A_165 = arith.constant 0 : i32
      %dma_wait3A_166 = arith.constant 0 : i32
      %dma_wait3A_167 = tpu.memref_slice %arg4[%dma_wait3A_165, %dma_wait3A_166] : memref<20032x48xi32, #tpu.memory_space<hbm>> -> memref<20032x48xi32, #tpu.memory_space<hbm>>
      tpu.wait_indirect_dma semaphore(%arg19 : memref<!tpu.dma_semaphore, #tpu.memory_space<semaphore_mem>>) src(%dma_wait3A_167 : memref<20032x48xi32, #tpu.memory_space<hbm>>) dst(%arg10 : memref<128x48xi32, #tpu.memory_space<vmem>>)
      %dma_wait3A_168 = arith.constant 0 : i32
      %dma_wait3A_169 = tpu.memref_slice %arg8[%add3A_161, %dma_wait3A_168] : memref<168x128xi32, #tpu.memory_space<vmem>> -> memref<1x128xi32, #tpu.memory_space<vmem>>
      %dma_wait3A_170 = tpu.memref_squeeze %dma_wait3A_169 : memref<1x128xi32, #tpu.memory_space<vmem>> -> memref<128xi32, #tpu.memory_space<vmem>>
      %dma_wait3A_171 = arith.constant 0 : i32
      %dma_wait3A_172 = arith.constant 0 : i32
      %dma_wait3A_173 = tpu.memref_slice %arg5[%dma_wait3A_171, %dma_wait3A_172] : memref<10016x16xf32, #tpu.memory_space<hbm>> -> memref<10016x16xf32, #tpu.memory_space<hbm>>
      tpu.wait_indirect_dma semaphore(%arg20 : memref<!tpu.dma_semaphore, #tpu.memory_space<semaphore_mem>>) src(%dma_wait3A_173 : memref<10016x16xf32, #tpu.memory_space<hbm>>) dst(%arg12 : memref<128x16xf32, #tpu.memory_space<vmem>>)
      %gt3A_174 = arith.constant 0 : i32
      %gt3A_175 = arith.cmpi sgt, %scan3A_122, %gt3A_174 : i32
      %convert_element_type3A_176 = arith.extui %gt3A_175 : i1 to i32
      %cond3A_177 = arith.constant 0 : i32
      %cond3A_178 = arith.cmpi ne, %convert_element_type3A_176, %cond3A_177 : i32
      scf.if %cond3A_178 {
        %dma_wait3A_196 = arith.constant 0 : i32
        %dma_wait3A_197 = tpu.memref_slice %arg8[%add3A_161, %dma_wait3A_196] : memref<168x128xi32, #tpu.memory_space<vmem>> -> memref<1x128xi32, #tpu.memory_space<vmem>>
        %dma_wait3A_198 = tpu.memref_squeeze %dma_wait3A_197 : memref<1x128xi32, #tpu.memory_space<vmem>> -> memref<128xi32, #tpu.memory_space<vmem>>
        %dma_wait3A_199 = arith.constant 0 : i32
        %dma_wait3A_200 = arith.constant 0 : i32
        %dma_wait3A_201 = tpu.memref_slice %arg15[%dma_wait3A_199, %dma_wait3A_200] : memref<10016x80xf32, #tpu.memory_space<vmem_shared>> -> memref<10016x80xf32, #tpu.memory_space<vmem_shared>>
        tpu.wait_indirect_dma semaphore(%arg21 : memref<!tpu.dma_semaphore, #tpu.memory_space<semaphore_mem>>) src(%arg14 : memref<128x80xf32, #tpu.memory_space<vmem>>) dst(%dma_wait3A_201 : memref<10016x80xf32, #tpu.memory_space<vmem_shared>>)
      } else {
      }
      %scan3A_179 = arith.constant 0 : i32
      %scan3A_180 = arith.constant 0 : i32
      %scan3A_181 = arith.constant 128 : i32
      %scan3A_182 = arith.addi %scan3A_180, %scan3A_181 : i32
      %scan3A_183 = arith.constant 4 : i32
      scf.for %scan3A_196 = %scan3A_180 to %scan3A_182 step %scan3A_183  : i32 {
        %get3A = arith.index_cast %scan3A_196 : i32 to index
        %get3A_197 = arith.constant 0 : index
        %get3A_198 = tpu.vector_load %arg10[%get3A, %get3A_197] {strides = array<i32>} : memref<128x48xi32, #tpu.memory_space<vmem>>, vector<1x16xi32>,
        %get3A_199 = vector.shape_cast %get3A_198 : vector<1x16xi32> to vector<16xi32>
        %shift_left3A = arith.constant 16 : i32
        %shift_left3A_200 = vector.broadcast %shift_left3A : i32 to vector<16xi32>
        %shift_left3A_201 = arith.shli %get3A_199, %shift_left3A_200 : vector<16xi32>
        %bitcast_convert_type3A = tpu.bitcast %shift_left3A_201 : vector<16xi32> -> vector<16xf32>
        %and3A_202 = arith.constant -65536 : i32
        %and3A_203 = vector.broadcast %and3A_202 : i32 to vector<16xi32>
        %and3A_204 = arith.andi %get3A_199, %and3A_203 : vector<16xi32>
        %bitcast_convert_type3A_205 = tpu.bitcast %and3A_204 : vector<16xi32> -> vector<16xf32>
        %get3A_206 = arith.index_cast %scan3A_196 : i32 to index
        %get3A_207 = arith.constant 16 : index
        %get3A_208 = tpu.vector_load %arg10[%get3A_206, %get3A_207] {strides = array<i32>} : memref<128x48xi32, #tpu.memory_space<vmem>>, vector<1x16xi32>,
        %get3A_209 = vector.shape_cast %get3A_208 : vector<1x16xi32> to vector<16xi32>
        %shift_left3A_210 = arith.constant 16 : i32
        %shift_left3A_211 = vector.broadcast %shift_left3A_210 : i32 to vector<16xi32>
        %shift_left3A_212 = arith.shli %get3A_209, %shift_left3A_211 : vector<16xi32>
        %bitcast_convert_type3A_213 = tpu.bitcast %shift_left3A_212 : vector<16xi32> -> vector<16xf32>
        %and3A_214 = arith.constant -65536 : i32
        %and3A_215 = vector.broadcast %and3A_214 : i32 to vector<16xi32>
        %and3A_216 = arith.andi %get3A_209, %and3A_215 : vector<16xi32>
        %bitcast_convert_type3A_217 = tpu.bitcast %and3A_216 : vector<16xi32> -> vector<16xf32>
        %get3A_218 = arith.index_cast %scan3A_196 : i32 to index
        %get3A_219 = arith.constant 32 : index
        %get3A_220 = tpu.vector_load %arg10[%get3A_218, %get3A_219] {strides = array<i32>} : memref<128x48xi32, #tpu.memory_space<vmem>>, vector<1x16xi32>,
        %get3A_221 = vector.shape_cast %get3A_220 : vector<1x16xi32> to vector<16xi32>
        %shift_left3A_222 = arith.constant 16 : i32
        %shift_left3A_223 = vector.broadcast %shift_left3A_222 : i32 to vector<16xi32>
        %shift_left3A_224 = arith.shli %get3A_221, %shift_left3A_223 : vector<16xi32>
        %bitcast_convert_type3A_225 = tpu.bitcast %shift_left3A_224 : vector<16xi32> -> vector<16xf32>
        %and3A_226 = arith.constant -65536 : i32
        %and3A_227 = vector.broadcast %and3A_226 : i32 to vector<16xi32>
        %and3A_228 = arith.andi %get3A_221, %and3A_227 : vector<16xi32>
        %bitcast_convert_type3A_229 = tpu.bitcast %and3A_228 : vector<16xi32> -> vector<16xf32>
        %get3A_230 = arith.index_cast %scan3A_196 : i32 to index
        %get3A_231 = arith.constant 0 : index
        %get3A_232 = tpu.vector_load %arg12[%get3A_230, %get3A_231] {strides = array<i32>} : memref<128x16xf32, #tpu.memory_space<vmem>>, vector<1x16xf32>,
        %get3A_233 = vector.shape_cast %get3A_232 : vector<1x16xf32> to vector<16xf32>
        %add3A_234 = arith.addf %bitcast_convert_type3A_225, %get3A_233 : vector<16xf32>
        %gt3A_235 = arith.constant 0.000000e+00 : f32
        %gt3A_236 = vector.broadcast %gt3A_235 : f32 to vector<16xf32>
        %gt3A_237 = arith.cmpf ogt, %add3A_234, %gt3A_236 : vector<16xf32>
        %mul3A_238 = arith.constant 2.000000e-01 : f32
        %mul3A_239 = vector.broadcast %mul3A_238 : f32 to vector<16xf32>
        %mul3A_240 = arith.mulf %add3A_234, %mul3A_239 : vector<16xf32>
        %select_n3A_241 = arith.select %gt3A_237, %add3A_234, %mul3A_240 : vector<16xi1>, vector<16xf32>
        %exp3A = math.exp %select_n3A_241 : vector<16xf32>
        %lt3A_242 = arith.constant 0 : i32
        %lt3A_243 = vector.broadcast %lt3A_242 : i32 to vector<16xi32>
        %lt3A_244 = arith.cmpi slt, %add3A_28, %lt3A_243 : vector<16xi32>
        %add3A_245 = arith.constant 16 : i32
        %add3A_246 = vector.broadcast %add3A_245 : i32 to vector<16xi32>
        %add3A_247 = arith.addi %add3A_28, %add3A_246 : vector<16xi32>
        %select_n3A_248 = arith.select %lt3A_244, %add3A_247, %add3A_28 : vector<16xi1>, vector<16xi32>
        %broadcast_in_dim3A_249 = vector.shape_cast %select_n3A_248 : vector<16xi32> to vector<16x1xi32>
        %gather3A = vector.shape_cast %broadcast_in_dim3A_249 : vector<16x1xi32> to vector<16xi32>
        %gather3A_250 = tpu.dynamic_gather %exp3A[%gather3A] in [0] : vector<16xf32>, vector<16xi32> -> vector<16xf32>
        %mul3A_251 = arith.mulf %bitcast_convert_type3A_225, %gather3A_250 : vector<16xf32>
        %swap3A = arith.index_cast %scan3A_196 : i32 to index
        %swap3A_252 = arith.constant 64 : index
        %swap3A_253 = tpu.vector_load %arg14[%swap3A, %swap3A_252] {strides = array<i32>} : memref<128x80xf32, #tpu.memory_space<vmem>>, vector<1x16xf32>,
        %swap3A_254 = vector.shape_cast %swap3A_253 : vector<1x16xf32> to vector<16xf32>
        %swap3A_255 = vector.shape_cast %mul3A_251 : vector<16xf32> to vector<1x16xf32>
        tpu.vector_store %arg14[%swap3A, %swap3A_252], %swap3A_255 {strides = array<i32>} : memref<128x80xf32, #tpu.memory_space<vmem>>, vector<1x16xf32>,
        %lt3A_256 = arith.constant 0 : i32
        %lt3A_257 = vector.broadcast %lt3A_256 : i32 to vector<16xi32>
        %lt3A_258 = arith.cmpi slt, %add3A_34, %lt3A_257 : vector<16xi32>
        %add3A_259 = arith.constant 16 : i32
        %add3A_260 = vector.broadcast %add3A_259 : i32 to vector<16xi32>
        %add3A_261 = arith.addi %add3A_34, %add3A_260 : vector<16xi32>
        %select_n3A_262 = arith.select %lt3A_258, %add3A_261, %add3A_34 : vector<16xi1>, vector<16xi32>
        %broadcast_in_dim3A_263 = vector.shape_cast %select_n3A_262 : vector<16xi32> to vector<16x1xi32>
        %gather3A_264 = vector.shape_cast %broadcast_in_dim3A_263 : vector<16x1xi32> to vector<16xi32>
        %gather3A_265 = tpu.dynamic_gather %exp3A[%gather3A_264] in [0] : vector<16xf32>, vector<16xi32> -> vector<16xf32>
        %mul3A_266 = arith.mulf %bitcast_convert_type3A, %gather3A_265 : vector<16xf32>
        %swap3A_267 = arith.index_cast %scan3A_196 : i32 to index
        %swap3A_268 = arith.constant 0 : index
        %swap3A_269 = tpu.vector_load %arg14[%swap3A_267, %swap3A_268] {strides = array<i32>} : memref<128x80xf32, #tpu.memory_space<vmem>>, vector<1x16xf32>,
        %swap3A_270 = vector.shape_cast %swap3A_269 : vector<1x16xf32> to vector<16xf32>
        %swap3A_271 = vector.shape_cast %mul3A_266 : vector<16xf32> to vector<1x16xf32>
        tpu.vector_store %arg14[%swap3A_267, %swap3A_268], %swap3A_271 {strides = array<i32>} : memref<128x80xf32, #tpu.memory_space<vmem>>, vector<1x16xf32>,
        %lt3A_272 = arith.constant 0 : i32
        %lt3A_273 = vector.broadcast %lt3A_272 : i32 to vector<16xi32>
        %lt3A_274 = arith.cmpi slt, %add3A_40, %lt3A_273 : vector<16xi32>
        %add3A_275 = arith.constant 16 : i32
        %add3A_276 = vector.broadcast %add3A_275 : i32 to vector<16xi32>
        %add3A_277 = arith.addi %add3A_40, %add3A_276 : vector<16xi32>
        %select_n3A_278 = arith.select %lt3A_274, %add3A_277, %add3A_40 : vector<16xi1>, vector<16xi32>
        %broadcast_in_dim3A_279 = vector.shape_cast %select_n3A_278 : vector<16xi32> to vector<16x1xi32>
        %gather3A_280 = vector.shape_cast %broadcast_in_dim3A_279 : vector<16x1xi32> to vector<16xi32>
        %gather3A_281 = tpu.dynamic_gather %exp3A[%gather3A_280] in [0] : vector<16xf32>, vector<16xi32> -> vector<16xf32>
        %mul3A_282 = arith.mulf %bitcast_convert_type3A_205, %gather3A_281 : vector<16xf32>
        %swap3A_283 = arith.index_cast %scan3A_196 : i32 to index
        %swap3A_284 = arith.constant 16 : index
        %swap3A_285 = tpu.vector_load %arg14[%swap3A_283, %swap3A_284] {strides = array<i32>} : memref<128x80xf32, #tpu.memory_space<vmem>>, vector<1x16xf32>,
        %swap3A_286 = vector.shape_cast %swap3A_285 : vector<1x16xf32> to vector<16xf32>
        %swap3A_287 = vector.shape_cast %mul3A_282 : vector<16xf32> to vector<1x16xf32>
        tpu.vector_store %arg14[%swap3A_283, %swap3A_284], %swap3A_287 {strides = array<i32>} : memref<128x80xf32, #tpu.memory_space<vmem>>, vector<1x16xf32>,
        %lt3A_288 = arith.constant 0 : i32
        %lt3A_289 = vector.broadcast %lt3A_288 : i32 to vector<16xi32>
        %lt3A_290 = arith.cmpi slt, %add3A_46, %lt3A_289 : vector<16xi32>
        %add3A_291 = arith.constant 16 : i32
        %add3A_292 = vector.broadcast %add3A_291 : i32 to vector<16xi32>
        %add3A_293 = arith.addi %add3A_46, %add3A_292 : vector<16xi32>
        %select_n3A_294 = arith.select %lt3A_290, %add3A_293, %add3A_46 : vector<16xi1>, vector<16xi32>
        %broadcast_in_dim3A_295 = vector.shape_cast %select_n3A_294 : vector<16xi32> to vector<16x1xi32>
        %gather3A_296 = vector.shape_cast %broadcast_in_dim3A_295 : vector<16x1xi32> to vector<16xi32>
        %gather3A_297 = tpu.dynamic_gather %exp3A[%gather3A_296] in [0] : vector<16xf32>, vector<16xi32> -> vector<16xf32>
        %mul3A_298 = arith.mulf %bitcast_convert_type3A_213, %gather3A_297 : vector<16xf32>
        %swap3A_299 = arith.index_cast %scan3A_196 : i32 to index
        %swap3A_300 = arith.constant 32 : index
        %swap3A_301 = tpu.vector_load %arg14[%swap3A_299, %swap3A_300] {strides = array<i32>} : memref<128x80xf32, #tpu.memory_space<vmem>>, vector<1x16xf32>,
        %swap3A_302 = vector.shape_cast %swap3A_301 : vector<1x16xf32> to vector<16xf32>
        %swap3A_303 = vector.shape_cast %mul3A_298 : vector<16xf32> to vector<1x16xf32>
        tpu.vector_store %arg14[%swap3A_299, %swap3A_300], %swap3A_303 {strides = array<i32>} : memref<128x80xf32, #tpu.memory_space<vmem>>, vector<1x16xf32>,
        %lt3A_304 = arith.constant 0 : i32
        %lt3A_305 = vector.broadcast %lt3A_304 : i32 to vector<16xi32>
        %lt3A_306 = arith.cmpi slt, %add3A_52, %lt3A_305 : vector<16xi32>
        %add3A_307 = arith.constant 16 : i32
        %add3A_308 = vector.broadcast %add3A_307 : i32 to vector<16xi32>
        %add3A_309 = arith.addi %add3A_52, %add3A_308 : vector<16xi32>
        %select_n3A_310 = arith.select %lt3A_306, %add3A_309, %add3A_52 : vector<16xi1>, vector<16xi32>
        %broadcast_in_dim3A_311 = vector.shape_cast %select_n3A_310 : vector<16xi32> to vector<16x1xi32>
        %gather3A_312 = vector.shape_cast %broadcast_in_dim3A_311 : vector<16x1xi32> to vector<16xi32>
        %gather3A_313 = tpu.dynamic_gather %exp3A[%gather3A_312] in [0] : vector<16xf32>, vector<16xi32> -> vector<16xf32>
        %mul3A_314 = arith.mulf %bitcast_convert_type3A_217, %gather3A_313 : vector<16xf32>
        %swap3A_315 = arith.index_cast %scan3A_196 : i32 to index
        %swap3A_316 = arith.constant 48 : index
        %swap3A_317 = tpu.vector_load %arg14[%swap3A_315, %swap3A_316] {strides = array<i32>} : memref<128x80xf32, #tpu.memory_space<vmem>>, vector<1x16xf32>,
        %swap3A_318 = vector.shape_cast %swap3A_317 : vector<1x16xf32> to vector<16xf32>
        %swap3A_319 = vector.shape_cast %mul3A_314 : vector<16xf32> to vector<1x16xf32>
        tpu.vector_store %arg14[%swap3A_315, %swap3A_316], %swap3A_319 {strides = array<i32>} : memref<128x80xf32, #tpu.memory_space<vmem>>, vector<1x16xf32>,
        %scan3A_320 = arith.constant 1 : i32
        %scan3A_321 = arith.addi %scan3A_196, %scan3A_320 : i32
        %get3A_322 = arith.index_cast %scan3A_321 : i32 to index
        %get3A_323 = arith.constant 0 : index
        %get3A_324 = tpu.vector_load %arg10[%get3A_322, %get3A_323] {strides = array<i32>} : memref<128x48xi32, #tpu.memory_space<vmem>>, vector<1x16xi32>,
        %get3A_325 = vector.shape_cast %get3A_324 : vector<1x16xi32> to vector<16xi32>
        %shift_left3A_326 = arith.constant 16 : i32
        %shift_left3A_327 = vector.broadcast %shift_left3A_326 : i32 to vector<16xi32>
        %shift_left3A_328 = arith.shli %get3A_325, %shift_left3A_327 : vector<16xi32>
        %bitcast_convert_type3A_329 = tpu.bitcast %shift_left3A_328 : vector<16xi32> -> vector<16xf32>
        %and3A_330 = arith.constant -65536 : i32
        %and3A_331 = vector.broadcast %and3A_330 : i32 to vector<16xi32>
        %and3A_332 = arith.andi %get3A_325, %and3A_331 : vector<16xi32>
        %bitcast_convert_type3A_333 = tpu.bitcast %and3A_332 : vector<16xi32> -> vector<16xf32>
        %get3A_334 = arith.index_cast %scan3A_321 : i32 to index
        %get3A_335 = arith.constant 16 : index
        %get3A_336 = tpu.vector_load %arg10[%get3A_334, %get3A_335] {strides = array<i32>} : memref<128x48xi32, #tpu.memory_space<vmem>>, vector<1x16xi32>,
        %get3A_337 = vector.shape_cast %get3A_336 : vector<1x16xi32> to vector<16xi32>
        %shift_left3A_338 = arith.constant 16 : i32
        %shift_left3A_339 = vector.broadcast %shift_left3A_338 : i32 to vector<16xi32>
        %shift_left3A_340 = arith.shli %get3A_337, %shift_left3A_339 : vector<16xi32>
        %bitcast_convert_type3A_341 = tpu.bitcast %shift_left3A_340 : vector<16xi32> -> vector<16xf32>
        %and3A_342 = arith.constant -65536 : i32
        %and3A_343 = vector.broadcast %and3A_342 : i32 to vector<16xi32>
        %and3A_344 = arith.andi %get3A_337, %and3A_343 : vector<16xi32>
        %bitcast_convert_type3A_345 = tpu.bitcast %and3A_344 : vector<16xi32> -> vector<16xf32>
        %get3A_346 = arith.index_cast %scan3A_321 : i32 to index
        %get3A_347 = arith.constant 32 : index
        %get3A_348 = tpu.vector_load %arg10[%get3A_346, %get3A_347] {strides = array<i32>} : memref<128x48xi32, #tpu.memory_space<vmem>>, vector<1x16xi32>,
        %get3A_349 = vector.shape_cast %get3A_348 : vector<1x16xi32> to vector<16xi32>
        %shift_left3A_350 = arith.constant 16 : i32
        %shift_left3A_351 = vector.broadcast %shift_left3A_350 : i32 to vector<16xi32>
        %shift_left3A_352 = arith.shli %get3A_349, %shift_left3A_351 : vector<16xi32>
        %bitcast_convert_type3A_353 = tpu.bitcast %shift_left3A_352 : vector<16xi32> -> vector<16xf32>
        %and3A_354 = arith.constant -65536 : i32
        %and3A_355 = vector.broadcast %and3A_354 : i32 to vector<16xi32>
        %and3A_356 = arith.andi %get3A_349, %and3A_355 : vector<16xi32>
        %bitcast_convert_type3A_357 = tpu.bitcast %and3A_356 : vector<16xi32> -> vector<16xf32>
        %get3A_358 = arith.index_cast %scan3A_321 : i32 to index
        %get3A_359 = arith.constant 0 : index
        %get3A_360 = tpu.vector_load %arg12[%get3A_358, %get3A_359] {strides = array<i32>} : memref<128x16xf32, #tpu.memory_space<vmem>>, vector<1x16xf32>,
        %get3A_361 = vector.shape_cast %get3A_360 : vector<1x16xf32> to vector<16xf32>
        %add3A_362 = arith.addf %bitcast_convert_type3A_353, %get3A_361 : vector<16xf32>
        %gt3A_363 = arith.constant 0.000000e+00 : f32
        %gt3A_364 = vector.broadcast %gt3A_363 : f32 to vector<16xf32>
        %gt3A_365 = arith.cmpf ogt, %add3A_362, %gt3A_364 : vector<16xf32>
        %mul3A_366 = arith.constant 2.000000e-01 : f32
        %mul3A_367 = vector.broadcast %mul3A_366 : f32 to vector<16xf32>
        %mul3A_368 = arith.mulf %add3A_362, %mul3A_367 : vector<16xf32>
        %select_n3A_369 = arith.select %gt3A_365, %add3A_362, %mul3A_368 : vector<16xi1>, vector<16xf32>
        %exp3A_370 = math.exp %select_n3A_369 : vector<16xf32>
        %lt3A_371 = arith.constant 0 : i32
        %lt3A_372 = vector.broadcast %lt3A_371 : i32 to vector<16xi32>
        %lt3A_373 = arith.cmpi slt, %add3A_28, %lt3A_372 : vector<16xi32>
        %add3A_374 = arith.constant 16 : i32
        %add3A_375 = vector.broadcast %add3A_374 : i32 to vector<16xi32>
        %add3A_376 = arith.addi %add3A_28, %add3A_375 : vector<16xi32>
        %select_n3A_377 = arith.select %lt3A_373, %add3A_376, %add3A_28 : vector<16xi1>, vector<16xi32>
        %broadcast_in_dim3A_378 = vector.shape_cast %select_n3A_377 : vector<16xi32> to vector<16x1xi32>
        %gather3A_379 = vector.shape_cast %broadcast_in_dim3A_378 : vector<16x1xi32> to vector<16xi32>
        %gather3A_380 = tpu.dynamic_gather %exp3A_370[%gather3A_379] in [0] : vector<16xf32>, vector<16xi32> -> vector<16xf32>
        %mul3A_381 = arith.mulf %bitcast_convert_type3A_353, %gather3A_380 : vector<16xf32>
        %swap3A_382 = arith.index_cast %scan3A_321 : i32 to index
        %swap3A_383 = arith.constant 64 : index
        %swap3A_384 = tpu.vector_load %arg14[%swap3A_382, %swap3A_383] {strides = array<i32>} : memref<128x80xf32, #tpu.memory_space<vmem>>, vector<1x16xf32>,
        %swap3A_385 = vector.shape_cast %swap3A_384 : vector<1x16xf32> to vector<16xf32>
        %swap3A_386 = vector.shape_cast %mul3A_381 : vector<16xf32> to vector<1x16xf32>
        tpu.vector_store %arg14[%swap3A_382, %swap3A_383], %swap3A_386 {strides = array<i32>} : memref<128x80xf32, #tpu.memory_space<vmem>>, vector<1x16xf32>,
        %lt3A_387 = arith.constant 0 : i32
        %lt3A_388 = vector.broadcast %lt3A_387 : i32 to vector<16xi32>
        %lt3A_389 = arith.cmpi slt, %add3A_34, %lt3A_388 : vector<16xi32>
        %add3A_390 = arith.constant 16 : i32
        %add3A_391 = vector.broadcast %add3A_390 : i32 to vector<16xi32>
        %add3A_392 = arith.addi %add3A_34, %add3A_391 : vector<16xi32>
        %select_n3A_393 = arith.select %lt3A_389, %add3A_392, %add3A_34 : vector<16xi1>, vector<16xi32>
        %broadcast_in_dim3A_394 = vector.shape_cast %select_n3A_393 : vector<16xi32> to vector<16x1xi32>
        %gather3A_395 = vector.shape_cast %broadcast_in_dim3A_394 : vector<16x1xi32> to vector<16xi32>
        %gather3A_396 = tpu.dynamic_gather %exp3A_370[%gather3A_395] in [0] : vector<16xf32>, vector<16xi32> -> vector<16xf32>
        %mul3A_397 = arith.mulf %bitcast_convert_type3A_329, %gather3A_396 : vector<16xf32>
        %swap3A_398 = arith.index_cast %scan3A_321 : i32 to index
        %swap3A_399 = arith.constant 0 : index
        %swap3A_400 = tpu.vector_load %arg14[%swap3A_398, %swap3A_399] {strides = array<i32>} : memref<128x80xf32, #tpu.memory_space<vmem>>, vector<1x16xf32>,
        %swap3A_401 = vector.shape_cast %swap3A_400 : vector<1x16xf32> to vector<16xf32>
        %swap3A_402 = vector.shape_cast %mul3A_397 : vector<16xf32> to vector<1x16xf32>
        tpu.vector_store %arg14[%swap3A_398, %swap3A_399], %swap3A_402 {strides = array<i32>} : memref<128x80xf32, #tpu.memory_space<vmem>>, vector<1x16xf32>,
        %lt3A_403 = arith.constant 0 : i32
        %lt3A_404 = vector.broadcast %lt3A_403 : i32 to vector<16xi32>
        %lt3A_405 = arith.cmpi slt, %add3A_40, %lt3A_404 : vector<16xi32>
        %add3A_406 = arith.constant 16 : i32
        %add3A_407 = vector.broadcast %add3A_406 : i32 to vector<16xi32>
        %add3A_408 = arith.addi %add3A_40, %add3A_407 : vector<16xi32>
        %select_n3A_409 = arith.select %lt3A_405, %add3A_408, %add3A_40 : vector<16xi1>, vector<16xi32>
        %broadcast_in_dim3A_410 = vector.shape_cast %select_n3A_409 : vector<16xi32> to vector<16x1xi32>
        %gather3A_411 = vector.shape_cast %broadcast_in_dim3A_410 : vector<16x1xi32> to vector<16xi32>
        %gather3A_412 = tpu.dynamic_gather %exp3A_370[%gather3A_411] in [0] : vector<16xf32>, vector<16xi32> -> vector<16xf32>
        %mul3A_413 = arith.mulf %bitcast_convert_type3A_333, %gather3A_412 : vector<16xf32>
        %swap3A_414 = arith.index_cast %scan3A_321 : i32 to index
        %swap3A_415 = arith.constant 16 : index
        %swap3A_416 = tpu.vector_load %arg14[%swap3A_414, %swap3A_415] {strides = array<i32>} : memref<128x80xf32, #tpu.memory_space<vmem>>, vector<1x16xf32>,
        %swap3A_417 = vector.shape_cast %swap3A_416 : vector<1x16xf32> to vector<16xf32>
        %swap3A_418 = vector.shape_cast %mul3A_413 : vector<16xf32> to vector<1x16xf32>
        tpu.vector_store %arg14[%swap3A_414, %swap3A_415], %swap3A_418 {strides = array<i32>} : memref<128x80xf32, #tpu.memory_space<vmem>>, vector<1x16xf32>,
        %lt3A_419 = arith.constant 0 : i32
        %lt3A_420 = vector.broadcast %lt3A_419 : i32 to vector<16xi32>
        %lt3A_421 = arith.cmpi slt, %add3A_46, %lt3A_420 : vector<16xi32>
        %add3A_422 = arith.constant 16 : i32
        %add3A_423 = vector.broadcast %add3A_422 : i32 to vector<16xi32>
        %add3A_424 = arith.addi %add3A_46, %add3A_423 : vector<16xi32>
        %select_n3A_425 = arith.select %lt3A_421, %add3A_424, %add3A_46 : vector<16xi1>, vector<16xi32>
        %broadcast_in_dim3A_426 = vector.shape_cast %select_n3A_425 : vector<16xi32> to vector<16x1xi32>
        %gather3A_427 = vector.shape_cast %broadcast_in_dim3A_426 : vector<16x1xi32> to vector<16xi32>
        %gather3A_428 = tpu.dynamic_gather %exp3A_370[%gather3A_427] in [0] : vector<16xf32>, vector<16xi32> -> vector<16xf32>
        %mul3A_429 = arith.mulf %bitcast_convert_type3A_341, %gather3A_428 : vector<16xf32>
        %swap3A_430 = arith.index_cast %scan3A_321 : i32 to index
        %swap3A_431 = arith.constant 32 : index
        %swap3A_432 = tpu.vector_load %arg14[%swap3A_430, %swap3A_431] {strides = array<i32>} : memref<128x80xf32, #tpu.memory_space<vmem>>, vector<1x16xf32>,
        %swap3A_433 = vector.shape_cast %swap3A_432 : vector<1x16xf32> to vector<16xf32>
        %swap3A_434 = vector.shape_cast %mul3A_429 : vector<16xf32> to vector<1x16xf32>
        tpu.vector_store %arg14[%swap3A_430, %swap3A_431], %swap3A_434 {strides = array<i32>} : memref<128x80xf32, #tpu.memory_space<vmem>>, vector<1x16xf32>,
        %lt3A_435 = arith.constant 0 : i32
        %lt3A_436 = vector.broadcast %lt3A_435 : i32 to vector<16xi32>
        %lt3A_437 = arith.cmpi slt, %add3A_52, %lt3A_436 : vector<16xi32>
        %add3A_438 = arith.constant 16 : i32
        %add3A_439 = vector.broadcast %add3A_438 : i32 to vector<16xi32>
        %add3A_440 = arith.addi %add3A_52, %add3A_439 : vector<16xi32>
        %select_n3A_441 = arith.select %lt3A_437, %add3A_440, %add3A_52 : vector<16xi1>, vector<16xi32>
        %broadcast_in_dim3A_442 = vector.shape_cast %select_n3A_441 : vector<16xi32> to vector<16x1xi32>
        %gather3A_443 = vector.shape_cast %broadcast_in_dim3A_442 : vector<16x1xi32> to vector<16xi32>
        %gather3A_444 = tpu.dynamic_gather %exp3A_370[%gather3A_443] in [0] : vector<16xf32>, vector<16xi32> -> vector<16xf32>
        %mul3A_445 = arith.mulf %bitcast_convert_type3A_345, %gather3A_444 : vector<16xf32>
        %swap3A_446 = arith.index_cast %scan3A_321 : i32 to index
        %swap3A_447 = arith.constant 48 : index
        %swap3A_448 = tpu.vector_load %arg14[%swap3A_446, %swap3A_447] {strides = array<i32>} : memref<128x80xf32, #tpu.memory_space<vmem>>, vector<1x16xf32>,
        %swap3A_449 = vector.shape_cast %swap3A_448 : vector<1x16xf32> to vector<16xf32>
        %swap3A_450 = vector.shape_cast %mul3A_445 : vector<16xf32> to vector<1x16xf32>
        tpu.vector_store %arg14[%swap3A_446, %swap3A_447], %swap3A_450 {strides = array<i32>} : memref<128x80xf32, #tpu.memory_space<vmem>>, vector<1x16xf32>,
        %scan3A_451 = arith.constant 2 : i32
        %scan3A_452 = arith.addi %scan3A_196, %scan3A_451 : i32
        %get3A_453 = arith.index_cast %scan3A_452 : i32 to index
        %get3A_454 = arith.constant 0 : index
        %get3A_455 = tpu.vector_load %arg10[%get3A_453, %get3A_454] {strides = array<i32>} : memref<128x48xi32, #tpu.memory_space<vmem>>, vector<1x16xi32>,
        %get3A_456 = vector.shape_cast %get3A_455 : vector<1x16xi32> to vector<16xi32>
        %shift_left3A_457 = arith.constant 16 : i32
        %shift_left3A_458 = vector.broadcast %shift_left3A_457 : i32 to vector<16xi32>
        %shift_left3A_459 = arith.shli %get3A_456, %shift_left3A_458 : vector<16xi32>
        %bitcast_convert_type3A_460 = tpu.bitcast %shift_left3A_459 : vector<16xi32> -> vector<16xf32>
        %and3A_461 = arith.constant -65536 : i32
        %and3A_462 = vector.broadcast %and3A_461 : i32 to vector<16xi32>
        %and3A_463 = arith.andi %get3A_456, %and3A_462 : vector<16xi32>
        %bitcast_convert_type3A_464 = tpu.bitcast %and3A_463 : vector<16xi32> -> vector<16xf32>
        %get3A_465 = arith.index_cast %scan3A_452 : i32 to index
        %get3A_466 = arith.constant 16 : index
        %get3A_467 = tpu.vector_load %arg10[%get3A_465, %get3A_466] {strides = array<i32>} : memref<128x48xi32, #tpu.memory_space<vmem>>, vector<1x16xi32>,
        %get3A_468 = vector.shape_cast %get3A_467 : vector<1x16xi32> to vector<16xi32>
        %shift_left3A_469 = arith.constant 16 : i32
        %shift_left3A_470 = vector.broadcast %shift_left3A_469 : i32 to vector<16xi32>
        %shift_left3A_471 = arith.shli %get3A_468, %shift_left3A_470 : vector<16xi32>
        %bitcast_convert_type3A_472 = tpu.bitcast %shift_left3A_471 : vector<16xi32> -> vector<16xf32>
        %and3A_473 = arith.constant -65536 : i32
        %and3A_474 = vector.broadcast %and3A_473 : i32 to vector<16xi32>
        %and3A_475 = arith.andi %get3A_468, %and3A_474 : vector<16xi32>
        %bitcast_convert_type3A_476 = tpu.bitcast %and3A_475 : vector<16xi32> -> vector<16xf32>
        %get3A_477 = arith.index_cast %scan3A_452 : i32 to index
        %get3A_478 = arith.constant 32 : index
        %get3A_479 = tpu.vector_load %arg10[%get3A_477, %get3A_478] {strides = array<i32>} : memref<128x48xi32, #tpu.memory_space<vmem>>, vector<1x16xi32>,
        %get3A_480 = vector.shape_cast %get3A_479 : vector<1x16xi32> to vector<16xi32>
        %shift_left3A_481 = arith.constant 16 : i32
        %shift_left3A_482 = vector.broadcast %shift_left3A_481 : i32 to vector<16xi32>
        %shift_left3A_483 = arith.shli %get3A_480, %shift_left3A_482 : vector<16xi32>
        %bitcast_convert_type3A_484 = tpu.bitcast %shift_left3A_483 : vector<16xi32> -> vector<16xf32>
        %and3A_485 = arith.constant -65536 : i32
        %and3A_486 = vector.broadcast %and3A_485 : i32 to vector<16xi32>
        %and3A_487 = arith.andi %get3A_480, %and3A_486 : vector<16xi32>
        %bitcast_convert_type3A_488 = tpu.bitcast %and3A_487 : vector<16xi32> -> vector<16xf32>
        %get3A_489 = arith.index_cast %scan3A_452 : i32 to index
        %get3A_490 = arith.constant 0 : index
        %get3A_491 = tpu.vector_load %arg12[%get3A_489, %get3A_490] {strides = array<i32>} : memref<128x16xf32, #tpu.memory_space<vmem>>, vector<1x16xf32>,
        %get3A_492 = vector.shape_cast %get3A_491 : vector<1x16xf32> to vector<16xf32>
        %add3A_493 = arith.addf %bitcast_convert_type3A_484, %get3A_492 : vector<16xf32>
        %gt3A_494 = arith.constant 0.000000e+00 : f32
        %gt3A_495 = vector.broadcast %gt3A_494 : f32 to vector<16xf32>
        %gt3A_496 = arith.cmpf ogt, %add3A_493, %gt3A_495 : vector<16xf32>
        %mul3A_497 = arith.constant 2.000000e-01 : f32
        %mul3A_498 = vector.broadcast %mul3A_497 : f32 to vector<16xf32>
        %mul3A_499 = arith.mulf %add3A_493, %mul3A_498 : vector<16xf32>
        %select_n3A_500 = arith.select %gt3A_496, %add3A_493, %mul3A_499 : vector<16xi1>, vector<16xf32>
        %exp3A_501 = math.exp %select_n3A_500 : vector<16xf32>
        %lt3A_502 = arith.constant 0 : i32
        %lt3A_503 = vector.broadcast %lt3A_502 : i32 to vector<16xi32>
        %lt3A_504 = arith.cmpi slt, %add3A_28, %lt3A_503 : vector<16xi32>
        %add3A_505 = arith.constant 16 : i32
        %add3A_506 = vector.broadcast %add3A_505 : i32 to vector<16xi32>
        %add3A_507 = arith.addi %add3A_28, %add3A_506 : vector<16xi32>
        %select_n3A_508 = arith.select %lt3A_504, %add3A_507, %add3A_28 : vector<16xi1>, vector<16xi32>
        %broadcast_in_dim3A_509 = vector.shape_cast %select_n3A_508 : vector<16xi32> to vector<16x1xi32>
        %gather3A_510 = vector.shape_cast %broadcast_in_dim3A_509 : vector<16x1xi32> to vector<16xi32>
        %gather3A_511 = tpu.dynamic_gather %exp3A_501[%gather3A_510] in [0] : vector<16xf32>, vector<16xi32> -> vector<16xf32>
        %mul3A_512 = arith.mulf %bitcast_convert_type3A_484, %gather3A_511 : vector<16xf32>
        %swap3A_513 = arith.index_cast %scan3A_452 : i32 to index
        %swap3A_514 = arith.constant 64 : index
        %swap3A_515 = tpu.vector_load %arg14[%swap3A_513, %swap3A_514] {strides = array<i32>} : memref<128x80xf32, #tpu.memory_space<vmem>>, vector<1x16xf32>,
        %swap3A_516 = vector.shape_cast %swap3A_515 : vector<1x16xf32> to vector<16xf32>
        %swap3A_517 = vector.shape_cast %mul3A_512 : vector<16xf32> to vector<1x16xf32>
        tpu.vector_store %arg14[%swap3A_513, %swap3A_514], %swap3A_517 {strides = array<i32>} : memref<128x80xf32, #tpu.memory_space<vmem>>, vector<1x16xf32>,
        %lt3A_518 = arith.constant 0 : i32
        %lt3A_519 = vector.broadcast %lt3A_518 : i32 to vector<16xi32>
        %lt3A_520 = arith.cmpi slt, %add3A_34, %lt3A_519 : vector<16xi32>
        %add3A_521 = arith.constant 16 : i32
        %add3A_522 = vector.broadcast %add3A_521 : i32 to vector<16xi32>
        %add3A_523 = arith.addi %add3A_34, %add3A_522 : vector<16xi32>
        %select_n3A_524 = arith.select %lt3A_520, %add3A_523, %add3A_34 : vector<16xi1>, vector<16xi32>
        %broadcast_in_dim3A_525 = vector.shape_cast %select_n3A_524 : vector<16xi32> to vector<16x1xi32>
        %gather3A_526 = vector.shape_cast %broadcast_in_dim3A_525 : vector<16x1xi32> to vector<16xi32>
        %gather3A_527 = tpu.dynamic_gather %exp3A_501[%gather3A_526] in [0] : vector<16xf32>, vector<16xi32> -> vector<16xf32>
        %mul3A_528 = arith.mulf %bitcast_convert_type3A_460, %gather3A_527 : vector<16xf32>
        %swap3A_529 = arith.index_cast %scan3A_452 : i32 to index
        %swap3A_530 = arith.constant 0 : index
        %swap3A_531 = tpu.vector_load %arg14[%swap3A_529, %swap3A_530] {strides = array<i32>} : memref<128x80xf32, #tpu.memory_space<vmem>>, vector<1x16xf32>,
        %swap3A_532 = vector.shape_cast %swap3A_531 : vector<1x16xf32> to vector<16xf32>
        %swap3A_533 = vector.shape_cast %mul3A_528 : vector<16xf32> to vector<1x16xf32>
        tpu.vector_store %arg14[%swap3A_529, %swap3A_530], %swap3A_533 {strides = array<i32>} : memref<128x80xf32, #tpu.memory_space<vmem>>, vector<1x16xf32>,
        %lt3A_534 = arith.constant 0 : i32
        %lt3A_535 = vector.broadcast %lt3A_534 : i32 to vector<16xi32>
        %lt3A_536 = arith.cmpi slt, %add3A_40, %lt3A_535 : vector<16xi32>
        %add3A_537 = arith.constant 16 : i32
        %add3A_538 = vector.broadcast %add3A_537 : i32 to vector<16xi32>
        %add3A_539 = arith.addi %add3A_40, %add3A_538 : vector<16xi32>
        %select_n3A_540 = arith.select %lt3A_536, %add3A_539, %add3A_40 : vector<16xi1>, vector<16xi32>
        %broadcast_in_dim3A_541 = vector.shape_cast %select_n3A_540 : vector<16xi32> to vector<16x1xi32>
        %gather3A_542 = vector.shape_cast %broadcast_in_dim3A_541 : vector<16x1xi32> to vector<16xi32>
        %gather3A_543 = tpu.dynamic_gather %exp3A_501[%gather3A_542] in [0] : vector<16xf32>, vector<16xi32> -> vector<16xf32>
        %mul3A_544 = arith.mulf %bitcast_convert_type3A_464, %gather3A_543 : vector<16xf32>
        %swap3A_545 = arith.index_cast %scan3A_452 : i32 to index
        %swap3A_546 = arith.constant 16 : index
        %swap3A_547 = tpu.vector_load %arg14[%swap3A_545, %swap3A_546] {strides = array<i32>} : memref<128x80xf32, #tpu.memory_space<vmem>>, vector<1x16xf32>,
        %swap3A_548 = vector.shape_cast %swap3A_547 : vector<1x16xf32> to vector<16xf32>
        %swap3A_549 = vector.shape_cast %mul3A_544 : vector<16xf32> to vector<1x16xf32>
        tpu.vector_store %arg14[%swap3A_545, %swap3A_546], %swap3A_549 {strides = array<i32>} : memref<128x80xf32, #tpu.memory_space<vmem>>, vector<1x16xf32>,
        %lt3A_550 = arith.constant 0 : i32
        %lt3A_551 = vector.broadcast %lt3A_550 : i32 to vector<16xi32>
        %lt3A_552 = arith.cmpi slt, %add3A_46, %lt3A_551 : vector<16xi32>
        %add3A_553 = arith.constant 16 : i32
        %add3A_554 = vector.broadcast %add3A_553 : i32 to vector<16xi32>
        %add3A_555 = arith.addi %add3A_46, %add3A_554 : vector<16xi32>
        %select_n3A_556 = arith.select %lt3A_552, %add3A_555, %add3A_46 : vector<16xi1>, vector<16xi32>
        %broadcast_in_dim3A_557 = vector.shape_cast %select_n3A_556 : vector<16xi32> to vector<16x1xi32>
        %gather3A_558 = vector.shape_cast %broadcast_in_dim3A_557 : vector<16x1xi32> to vector<16xi32>
        %gather3A_559 = tpu.dynamic_gather %exp3A_501[%gather3A_558] in [0] : vector<16xf32>, vector<16xi32> -> vector<16xf32>
        %mul3A_560 = arith.mulf %bitcast_convert_type3A_472, %gather3A_559 : vector<16xf32>
        %swap3A_561 = arith.index_cast %scan3A_452 : i32 to index
        %swap3A_562 = arith.constant 32 : index
        %swap3A_563 = tpu.vector_load %arg14[%swap3A_561, %swap3A_562] {strides = array<i32>} : memref<128x80xf32, #tpu.memory_space<vmem>>, vector<1x16xf32>,
        %swap3A_564 = vector.shape_cast %swap3A_563 : vector<1x16xf32> to vector<16xf32>
        %swap3A_565 = vector.shape_cast %mul3A_560 : vector<16xf32> to vector<1x16xf32>
        tpu.vector_store %arg14[%swap3A_561, %swap3A_562], %swap3A_565 {strides = array<i32>} : memref<128x80xf32, #tpu.memory_space<vmem>>, vector<1x16xf32>,
        %lt3A_566 = arith.constant 0 : i32
        %lt3A_567 = vector.broadcast %lt3A_566 : i32 to vector<16xi32>
        %lt3A_568 = arith.cmpi slt, %add3A_52, %lt3A_567 : vector<16xi32>
        %add3A_569 = arith.constant 16 : i32
        %add3A_570 = vector.broadcast %add3A_569 : i32 to vector<16xi32>
        %add3A_571 = arith.addi %add3A_52, %add3A_570 : vector<16xi32>
        %select_n3A_572 = arith.select %lt3A_568, %add3A_571, %add3A_52 : vector<16xi1>, vector<16xi32>
        %broadcast_in_dim3A_573 = vector.shape_cast %select_n3A_572 : vector<16xi32> to vector<16x1xi32>
        %gather3A_574 = vector.shape_cast %broadcast_in_dim3A_573 : vector<16x1xi32> to vector<16xi32>
        %gather3A_575 = tpu.dynamic_gather %exp3A_501[%gather3A_574] in [0] : vector<16xf32>, vector<16xi32> -> vector<16xf32>
        %mul3A_576 = arith.mulf %bitcast_convert_type3A_476, %gather3A_575 : vector<16xf32>
        %swap3A_577 = arith.index_cast %scan3A_452 : i32 to index
        %swap3A_578 = arith.constant 48 : index
        %swap3A_579 = tpu.vector_load %arg14[%swap3A_577, %swap3A_578] {strides = array<i32>} : memref<128x80xf32, #tpu.memory_space<vmem>>, vector<1x16xf32>,
        %swap3A_580 = vector.shape_cast %swap3A_579 : vector<1x16xf32> to vector<16xf32>
        %swap3A_581 = vector.shape_cast %mul3A_576 : vector<16xf32> to vector<1x16xf32>
        tpu.vector_store %arg14[%swap3A_577, %swap3A_578], %swap3A_581 {strides = array<i32>} : memref<128x80xf32, #tpu.memory_space<vmem>>, vector<1x16xf32>,
        %scan3A_582 = arith.constant 3 : i32
        %scan3A_583 = arith.addi %scan3A_196, %scan3A_582 : i32
        %get3A_584 = arith.index_cast %scan3A_583 : i32 to index
        %get3A_585 = arith.constant 0 : index
        %get3A_586 = tpu.vector_load %arg10[%get3A_584, %get3A_585] {strides = array<i32>} : memref<128x48xi32, #tpu.memory_space<vmem>>, vector<1x16xi32>,
        %get3A_587 = vector.shape_cast %get3A_586 : vector<1x16xi32> to vector<16xi32>
        %shift_left3A_588 = arith.constant 16 : i32
        %shift_left3A_589 = vector.broadcast %shift_left3A_588 : i32 to vector<16xi32>
        %shift_left3A_590 = arith.shli %get3A_587, %shift_left3A_589 : vector<16xi32>
        %bitcast_convert_type3A_591 = tpu.bitcast %shift_left3A_590 : vector<16xi32> -> vector<16xf32>
        %and3A_592 = arith.constant -65536 : i32
        %and3A_593 = vector.broadcast %and3A_592 : i32 to vector<16xi32>
        %and3A_594 = arith.andi %get3A_587, %and3A_593 : vector<16xi32>
        %bitcast_convert_type3A_595 = tpu.bitcast %and3A_594 : vector<16xi32> -> vector<16xf32>
        %get3A_596 = arith.index_cast %scan3A_583 : i32 to index
        %get3A_597 = arith.constant 16 : index
        %get3A_598 = tpu.vector_load %arg10[%get3A_596, %get3A_597] {strides = array<i32>} : memref<128x48xi32, #tpu.memory_space<vmem>>, vector<1x16xi32>,
        %get3A_599 = vector.shape_cast %get3A_598 : vector<1x16xi32> to vector<16xi32>
        %shift_left3A_600 = arith.constant 16 : i32
        %shift_left3A_601 = vector.broadcast %shift_left3A_600 : i32 to vector<16xi32>
        %shift_left3A_602 = arith.shli %get3A_599, %shift_left3A_601 : vector<16xi32>
        %bitcast_convert_type3A_603 = tpu.bitcast %shift_left3A_602 : vector<16xi32> -> vector<16xf32>
        %and3A_604 = arith.constant -65536 : i32
        %and3A_605 = vector.broadcast %and3A_604 : i32 to vector<16xi32>
        %and3A_606 = arith.andi %get3A_599, %and3A_605 : vector<16xi32>
        %bitcast_convert_type3A_607 = tpu.bitcast %and3A_606 : vector<16xi32> -> vector<16xf32>
        %get3A_608 = arith.index_cast %scan3A_583 : i32 to index
        %get3A_609 = arith.constant 32 : index
        %get3A_610 = tpu.vector_load %arg10[%get3A_608, %get3A_609] {strides = array<i32>} : memref<128x48xi32, #tpu.memory_space<vmem>>, vector<1x16xi32>,
        %get3A_611 = vector.shape_cast %get3A_610 : vector<1x16xi32> to vector<16xi32>
        %shift_left3A_612 = arith.constant 16 : i32
        %shift_left3A_613 = vector.broadcast %shift_left3A_612 : i32 to vector<16xi32>
        %shift_left3A_614 = arith.shli %get3A_611, %shift_left3A_613 : vector<16xi32>
        %bitcast_convert_type3A_615 = tpu.bitcast %shift_left3A_614 : vector<16xi32> -> vector<16xf32>
        %and3A_616 = arith.constant -65536 : i32
        %and3A_617 = vector.broadcast %and3A_616 : i32 to vector<16xi32>
        %and3A_618 = arith.andi %get3A_611, %and3A_617 : vector<16xi32>
        %bitcast_convert_type3A_619 = tpu.bitcast %and3A_618 : vector<16xi32> -> vector<16xf32>
        %get3A_620 = arith.index_cast %scan3A_583 : i32 to index
        %get3A_621 = arith.constant 0 : index
        %get3A_622 = tpu.vector_load %arg12[%get3A_620, %get3A_621] {strides = array<i32>} : memref<128x16xf32, #tpu.memory_space<vmem>>, vector<1x16xf32>,
        %get3A_623 = vector.shape_cast %get3A_622 : vector<1x16xf32> to vector<16xf32>
        %add3A_624 = arith.addf %bitcast_convert_type3A_615, %get3A_623 : vector<16xf32>
        %gt3A_625 = arith.constant 0.000000e+00 : f32
        %gt3A_626 = vector.broadcast %gt3A_625 : f32 to vector<16xf32>
        %gt3A_627 = arith.cmpf ogt, %add3A_624, %gt3A_626 : vector<16xf32>
        %mul3A_628 = arith.constant 2.000000e-01 : f32
        %mul3A_629 = vector.broadcast %mul3A_628 : f32 to vector<16xf32>
        %mul3A_630 = arith.mulf %add3A_624, %mul3A_629 : vector<16xf32>
        %select_n3A_631 = arith.select %gt3A_627, %add3A_624, %mul3A_630 : vector<16xi1>, vector<16xf32>
        %exp3A_632 = math.exp %select_n3A_631 : vector<16xf32>
        %lt3A_633 = arith.constant 0 : i32
        %lt3A_634 = vector.broadcast %lt3A_633 : i32 to vector<16xi32>
        %lt3A_635 = arith.cmpi slt, %add3A_28, %lt3A_634 : vector<16xi32>
        %add3A_636 = arith.constant 16 : i32
        %add3A_637 = vector.broadcast %add3A_636 : i32 to vector<16xi32>
        %add3A_638 = arith.addi %add3A_28, %add3A_637 : vector<16xi32>
        %select_n3A_639 = arith.select %lt3A_635, %add3A_638, %add3A_28 : vector<16xi1>, vector<16xi32>
        %broadcast_in_dim3A_640 = vector.shape_cast %select_n3A_639 : vector<16xi32> to vector<16x1xi32>
        %gather3A_641 = vector.shape_cast %broadcast_in_dim3A_640 : vector<16x1xi32> to vector<16xi32>
        %gather3A_642 = tpu.dynamic_gather %exp3A_632[%gather3A_641] in [0] : vector<16xf32>, vector<16xi32> -> vector<16xf32>
        %mul3A_643 = arith.mulf %bitcast_convert_type3A_615, %gather3A_642 : vector<16xf32>
        %swap3A_644 = arith.index_cast %scan3A_583 : i32 to index
        %swap3A_645 = arith.constant 64 : index
        %swap3A_646 = tpu.vector_load %arg14[%swap3A_644, %swap3A_645] {strides = array<i32>} : memref<128x80xf32, #tpu.memory_space<vmem>>, vector<1x16xf32>,
        %swap3A_647 = vector.shape_cast %swap3A_646 : vector<1x16xf32> to vector<16xf32>
        %swap3A_648 = vector.shape_cast %mul3A_643 : vector<16xf32> to vector<1x16xf32>
        tpu.vector_store %arg14[%swap3A_644, %swap3A_645], %swap3A_648 {strides = array<i32>} : memref<128x80xf32, #tpu.memory_space<vmem>>, vector<1x16xf32>,
        %lt3A_649 = arith.constant 0 : i32
        %lt3A_650 = vector.broadcast %lt3A_649 : i32 to vector<16xi32>
        %lt3A_651 = arith.cmpi slt, %add3A_34, %lt3A_650 : vector<16xi32>
        %add3A_652 = arith.constant 16 : i32
        %add3A_653 = vector.broadcast %add3A_652 : i32 to vector<16xi32>
        %add3A_654 = arith.addi %add3A_34, %add3A_653 : vector<16xi32>
        %select_n3A_655 = arith.select %lt3A_651, %add3A_654, %add3A_34 : vector<16xi1>, vector<16xi32>
        %broadcast_in_dim3A_656 = vector.shape_cast %select_n3A_655 : vector<16xi32> to vector<16x1xi32>
        %gather3A_657 = vector.shape_cast %broadcast_in_dim3A_656 : vector<16x1xi32> to vector<16xi32>
        %gather3A_658 = tpu.dynamic_gather %exp3A_632[%gather3A_657] in [0] : vector<16xf32>, vector<16xi32> -> vector<16xf32>
        %mul3A_659 = arith.mulf %bitcast_convert_type3A_591, %gather3A_658 : vector<16xf32>
        %swap3A_660 = arith.index_cast %scan3A_583 : i32 to index
        %swap3A_661 = arith.constant 0 : index
        %swap3A_662 = tpu.vector_load %arg14[%swap3A_660, %swap3A_661] {strides = array<i32>} : memref<128x80xf32, #tpu.memory_space<vmem>>, vector<1x16xf32>,
        %swap3A_663 = vector.shape_cast %swap3A_662 : vector<1x16xf32> to vector<16xf32>
        %swap3A_664 = vector.shape_cast %mul3A_659 : vector<16xf32> to vector<1x16xf32>
        tpu.vector_store %arg14[%swap3A_660, %swap3A_661], %swap3A_664 {strides = array<i32>} : memref<128x80xf32, #tpu.memory_space<vmem>>, vector<1x16xf32>,
        %lt3A_665 = arith.constant 0 : i32
        %lt3A_666 = vector.broadcast %lt3A_665 : i32 to vector<16xi32>
        %lt3A_667 = arith.cmpi slt, %add3A_40, %lt3A_666 : vector<16xi32>
        %add3A_668 = arith.constant 16 : i32
        %add3A_669 = vector.broadcast %add3A_668 : i32 to vector<16xi32>
        %add3A_670 = arith.addi %add3A_40, %add3A_669 : vector<16xi32>
        %select_n3A_671 = arith.select %lt3A_667, %add3A_670, %add3A_40 : vector<16xi1>, vector<16xi32>
        %broadcast_in_dim3A_672 = vector.shape_cast %select_n3A_671 : vector<16xi32> to vector<16x1xi32>
        %gather3A_673 = vector.shape_cast %broadcast_in_dim3A_672 : vector<16x1xi32> to vector<16xi32>
        %gather3A_674 = tpu.dynamic_gather %exp3A_632[%gather3A_673] in [0] : vector<16xf32>, vector<16xi32> -> vector<16xf32>
        %mul3A_675 = arith.mulf %bitcast_convert_type3A_595, %gather3A_674 : vector<16xf32>
        %swap3A_676 = arith.index_cast %scan3A_583 : i32 to index
        %swap3A_677 = arith.constant 16 : index
        %swap3A_678 = tpu.vector_load %arg14[%swap3A_676, %swap3A_677] {strides = array<i32>} : memref<128x80xf32, #tpu.memory_space<vmem>>, vector<1x16xf32>,
        %swap3A_679 = vector.shape_cast %swap3A_678 : vector<1x16xf32> to vector<16xf32>
        %swap3A_680 = vector.shape_cast %mul3A_675 : vector<16xf32> to vector<1x16xf32>
        tpu.vector_store %arg14[%swap3A_676, %swap3A_677], %swap3A_680 {strides = array<i32>} : memref<128x80xf32, #tpu.memory_space<vmem>>, vector<1x16xf32>,
        %lt3A_681 = arith.constant 0 : i32
        %lt3A_682 = vector.broadcast %lt3A_681 : i32 to vector<16xi32>
        %lt3A_683 = arith.cmpi slt, %add3A_46, %lt3A_682 : vector<16xi32>
        %add3A_684 = arith.constant 16 : i32
        %add3A_685 = vector.broadcast %add3A_684 : i32 to vector<16xi32>
        %add3A_686 = arith.addi %add3A_46, %add3A_685 : vector<16xi32>
        %select_n3A_687 = arith.select %lt3A_683, %add3A_686, %add3A_46 : vector<16xi1>, vector<16xi32>
        %broadcast_in_dim3A_688 = vector.shape_cast %select_n3A_687 : vector<16xi32> to vector<16x1xi32>
        %gather3A_689 = vector.shape_cast %broadcast_in_dim3A_688 : vector<16x1xi32> to vector<16xi32>
        %gather3A_690 = tpu.dynamic_gather %exp3A_632[%gather3A_689] in [0] : vector<16xf32>, vector<16xi32> -> vector<16xf32>
        %mul3A_691 = arith.mulf %bitcast_convert_type3A_603, %gather3A_690 : vector<16xf32>
        %swap3A_692 = arith.index_cast %scan3A_583 : i32 to index
        %swap3A_693 = arith.constant 32 : index
        %swap3A_694 = tpu.vector_load %arg14[%swap3A_692, %swap3A_693] {strides = array<i32>} : memref<128x80xf32, #tpu.memory_space<vmem>>, vector<1x16xf32>,
        %swap3A_695 = vector.shape_cast %swap3A_694 : vector<1x16xf32> to vector<16xf32>
        %swap3A_696 = vector.shape_cast %mul3A_691 : vector<16xf32> to vector<1x16xf32>
        tpu.vector_store %arg14[%swap3A_692, %swap3A_693], %swap3A_696 {strides = array<i32>} : memref<128x80xf32, #tpu.memory_space<vmem>>, vector<1x16xf32>,
        %lt3A_697 = arith.constant 0 : i32
        %lt3A_698 = vector.broadcast %lt3A_697 : i32 to vector<16xi32>
        %lt3A_699 = arith.cmpi slt, %add3A_52, %lt3A_698 : vector<16xi32>
        %add3A_700 = arith.constant 16 : i32
        %add3A_701 = vector.broadcast %add3A_700 : i32 to vector<16xi32>
        %add3A_702 = arith.addi %add3A_52, %add3A_701 : vector<16xi32>
        %select_n3A_703 = arith.select %lt3A_699, %add3A_702, %add3A_52 : vector<16xi1>, vector<16xi32>
        %broadcast_in_dim3A_704 = vector.shape_cast %select_n3A_703 : vector<16xi32> to vector<16x1xi32>
        %gather3A_705 = vector.shape_cast %broadcast_in_dim3A_704 : vector<16x1xi32> to vector<16xi32>
        %gather3A_706 = tpu.dynamic_gather %exp3A_632[%gather3A_705] in [0] : vector<16xf32>, vector<16xi32> -> vector<16xf32>
        %mul3A_707 = arith.mulf %bitcast_convert_type3A_607, %gather3A_706 : vector<16xf32>
        %swap3A_708 = arith.index_cast %scan3A_583 : i32 to index
        %swap3A_709 = arith.constant 48 : index
        %swap3A_710 = tpu.vector_load %arg14[%swap3A_708, %swap3A_709] {strides = array<i32>} : memref<128x80xf32, #tpu.memory_space<vmem>>, vector<1x16xf32>,
        %swap3A_711 = vector.shape_cast %swap3A_710 : vector<1x16xf32> to vector<16xf32>
        %swap3A_712 = vector.shape_cast %mul3A_707 : vector<16xf32> to vector<1x16xf32>
        tpu.vector_store %arg14[%swap3A_708, %swap3A_709], %swap3A_712 {strides = array<i32>} : memref<128x80xf32, #tpu.memory_space<vmem>>, vector<1x16xf32>,
      }
      %scan3A_184 = arith.constant 128 : i32
      %dma_start3A_185 = arith.constant 0 : i32
      %dma_start3A_186 = tpu.memref_slice %arg8[%add3A_161, %dma_start3A_185] : memref<168x128xi32, #tpu.memory_space<vmem>> -> memref<1x128xi32, #tpu.memory_space<vmem>>
      %dma_start3A_187 = tpu.memref_squeeze %dma_start3A_186 : memref<1x128xi32, #tpu.memory_space<vmem>> -> memref<128xi32, #tpu.memory_space<vmem>>
      %dma_start3A_188 = arith.constant 0 : i32
      %dma_start3A_189 = arith.constant 0 : i32
      %dma_start3A_190 = tpu.memref_slice %arg15[%dma_start3A_188, %dma_start3A_189] : memref<10016x80xf32, #tpu.memory_space<vmem_shared>> -> memref<10016x80xf32, #tpu.memory_space<vmem_shared>>
      tpu.enqueue_indirect_dma source(%arg14 : memref<128x80xf32, #tpu.memory_space<vmem>>) target(%dma_start3A_190 : memref<10016x80xf32, #tpu.memory_space<vmem_shared>>) offsets(%dma_start3A_187 : memref<128xi32, #tpu.memory_space<vmem>>) semaphore(%arg21 : memref<!tpu.dma_semaphore, #tpu.memory_space<semaphore_mem>>) {add = true}
      %lt3A_191 = arith.constant 83 : i32
      %lt3A_192 = arith.cmpi slt, %scan3A_122, %lt3A_191 : i32
      %convert_element_type3A_193 = arith.extui %lt3A_192 : i1 to i32
      %cond3A_194 = arith.constant 0 : i32
      %cond3A_195 = arith.cmpi ne, %convert_element_type3A_193, %cond3A_194 : i32
      scf.if %cond3A_195 {
        %add3A_196 = arith.constant 2 : i32
        %add3A_197 = arith.addi %add3A_161, %add3A_196 : i32
        %dma_start3A_198 = arith.constant 0 : i32
        %dma_start3A_199 = tpu.memref_slice %arg7[%add3A_197, %dma_start3A_198] : memref<168x128xi32, #tpu.memory_space<vmem>> -> memref<1x128xi32, #tpu.memory_space<vmem>>
        %dma_start3A_200 = tpu.memref_squeeze %dma_start3A_199 : memref<1x128xi32, #tpu.memory_space<vmem>> -> memref<128xi32, #tpu.memory_space<vmem>>
        %dma_start3A_201 = arith.constant 0 : i32
        %dma_start3A_202 = arith.constant 0 : i32
        %dma_start3A_203 = tpu.memref_slice %arg4[%dma_start3A_201, %dma_start3A_202] : memref<20032x48xi32, #tpu.memory_space<hbm>> -> memref<20032x48xi32, #tpu.memory_space<hbm>>
        tpu.enqueue_indirect_dma source(%dma_start3A_203 : memref<20032x48xi32, #tpu.memory_space<hbm>>) target(%arg10 : memref<128x48xi32, #tpu.memory_space<vmem>>) offsets(%dma_start3A_200 : memref<128xi32, #tpu.memory_space<vmem>>) semaphore(%arg19 : memref<!tpu.dma_semaphore, #tpu.memory_space<semaphore_mem>>)
        %dma_start3A_204 = arith.constant 0 : i32
        %dma_start3A_205 = tpu.memref_slice %arg8[%add3A_197, %dma_start3A_204] : memref<168x128xi32, #tpu.memory_space<vmem>> -> memref<1x128xi32, #tpu.memory_space<vmem>>
        %dma_start3A_206 = tpu.memref_squeeze %dma_start3A_205 : memref<1x128xi32, #tpu.memory_space<vmem>> -> memref<128xi32, #tpu.memory_space<vmem>>
        %dma_start3A_207 = arith.constant 0 : i32
        %dma_start3A_208 = arith.constant 0 : i32
        %dma_start3A_209 = tpu.memref_slice %arg5[%dma_start3A_207, %dma_start3A_208] : memref<10016x16xf32, #tpu.memory_space<hbm>> -> memref<10016x16xf32, #tpu.memory_space<hbm>>
        tpu.enqueue_indirect_dma source(%dma_start3A_209 : memref<10016x16xf32, #tpu.memory_space<hbm>>) target(%arg12 : memref<128x16xf32, #tpu.memory_space<vmem>>) offsets(%dma_start3A_206 : memref<128xi32, #tpu.memory_space<vmem>>) semaphore(%arg20 : memref<!tpu.dma_semaphore, #tpu.memory_space<semaphore_mem>>)
      } else {
      }
    }
    %scan3A_105 = arith.constant 84 : i32
    %dma_wait3A = arith.constant 166 : i32
    %dma_wait3A_106 = arith.constant 0 : i32
    %dma_wait3A_107 = tpu.memref_slice %arg8[%dma_wait3A, %dma_wait3A_106] : memref<168x128xi32, #tpu.memory_space<vmem>> -> memref<1x128xi32, #tpu.memory_space<vmem>>
    %dma_wait3A_108 = tpu.memref_squeeze %dma_wait3A_107 : memref<1x128xi32, #tpu.memory_space<vmem>> -> memref<128xi32, #tpu.memory_space<vmem>>
    %dma_wait3A_109 = arith.constant 0 : i32
    %dma_wait3A_110 = arith.constant 0 : i32
    %dma_wait3A_111 = tpu.memref_slice %arg15[%dma_wait3A_109, %dma_wait3A_110] : memref<10016x80xf32, #tpu.memory_space<vmem_shared>> -> memref<10016x80xf32, #tpu.memory_space<vmem_shared>>
    tpu.wait_indirect_dma semaphore(%arg18 : memref<!tpu.dma_semaphore, #tpu.memory_space<semaphore_mem>>) src(%arg13 : memref<128x80xf32, #tpu.memory_space<vmem>>) dst(%dma_wait3A_111 : memref<10016x80xf32, #tpu.memory_space<vmem_shared>>)
    %dma_wait3A_112 = arith.constant 167 : i32
    %dma_wait3A_113 = arith.constant 0 : i32
    %dma_wait3A_114 = tpu.memref_slice %arg8[%dma_wait3A_112, %dma_wait3A_113] : memref<168x128xi32, #tpu.memory_space<vmem>> -> memref<1x128xi32, #tpu.memory_space<vmem>>
    %dma_wait3A_115 = tpu.memref_squeeze %dma_wait3A_114 : memref<1x128xi32, #tpu.memory_space<vmem>> -> memref<128xi32, #tpu.memory_space<vmem>>
    %dma_wait3A_116 = arith.constant 0 : i32
    %dma_wait3A_117 = arith.constant 0 : i32
    %dma_wait3A_118 = tpu.memref_slice %arg15[%dma_wait3A_116, %dma_wait3A_117] : memref<10016x80xf32, #tpu.memory_space<vmem_shared>> -> memref<10016x80xf32, #tpu.memory_space<vmem_shared>>
    tpu.wait_indirect_dma semaphore(%arg21 : memref<!tpu.dma_semaphore, #tpu.memory_space<semaphore_mem>>) src(%arg14 : memref<128x80xf32, #tpu.memory_space<vmem>>) dst(%dma_wait3A_118 : memref<10016x80xf32, #tpu.memory_space<vmem_shared>>)
    %barrier3A_119 = arith.constant 0 : index
    tpu.barrier barrier_id(%barrier3A_119)
    %mul3A_120 = arith.constant 626 : i32
    %mul3A_121 = arith.muli %arg1, %mul3A_120 : i32
    "tpu.region"() ({
      %run_scoped3A = tpu.sem_alloc : memref<!tpu.dma_semaphore, #tpu.memory_space<semaphore_mem>>
      %dma_start3A_122 = arith.constant 0 : i32
      %dma_start3A_123 = tpu.memref_slice %arg6[%arg0, %mul3A_121, %dma_start3A_122] : memref<2x10016x80xf32, #tpu.memory_space<hbm>> -> memref<1x626x80xf32, #tpu.memory_space<hbm>>
      %dma_start3A_124 = tpu.memref_squeeze %dma_start3A_123 : memref<1x626x80xf32, #tpu.memory_space<hbm>> -> memref<626x80xf32, #tpu.memory_space<hbm>>
      %dma_start3A_125 = arith.constant 0 : i32
      %dma_start3A_126 = tpu.memref_slice %arg15[%mul3A_121, %dma_start3A_125] : memref<10016x80xf32, #tpu.memory_space<vmem_shared>> -> memref<626x80xf32, #tpu.memory_space<vmem_shared>>
      tpu.enqueue_dma source(%dma_start3A_126 : memref<626x80xf32, #tpu.memory_space<vmem_shared>>) target(%dma_start3A_124 : memref<626x80xf32, #tpu.memory_space<hbm>>) target_semaphore(%run_scoped3A : memref<!tpu.dma_semaphore, #tpu.memory_space<semaphore_mem>>)
      %dma_wait3A_127 = arith.constant 0 : i32
      %dma_wait3A_128 = tpu.memref_slice %arg6[%arg0, %mul3A_121, %dma_wait3A_127] : memref<2x10016x80xf32, #tpu.memory_space<hbm>> -> memref<1x626x80xf32, #tpu.memory_space<hbm>>
      %dma_wait3A_129 = tpu.memref_squeeze %dma_wait3A_128 : memref<1x626x80xf32, #tpu.memory_space<hbm>> -> memref<626x80xf32, #tpu.memory_space<hbm>>
      %dma_wait3A_130 = arith.constant 0 : i32
      %dma_wait3A_131 = tpu.memref_slice %arg15[%mul3A_121, %dma_wait3A_130] : memref<10016x80xf32, #tpu.memory_space<vmem_shared>> -> memref<626x80xf32, #tpu.memory_space<vmem_shared>>
      tpu.wait_dma2 semaphore(%run_scoped3A : memref<!tpu.dma_semaphore, #tpu.memory_space<semaphore_mem>>) src(%dma_wait3A_131 : memref<626x80xf32, #tpu.memory_space<vmem_shared>>) dst(%dma_wait3A_129 : memref<626x80xf32, #tpu.memory_space<hbm>>)
      tpu.yield
    }) : () -> ()
    return
  }
}

module attributes {stable_mosaic.version = 14 : i64} {
  func.func @body(%arg0: i32, %arg1: i32, %arg2: memref<1000x128xf32, #tpu.memory_space<vmem>>, %arg3: memref<1x128x48xf32, #tpu.memory_space<vmem>>, %arg4: memref<1x128x48xf32, #tpu.memory_space<vmem>>, %arg5: memref<1x48xf32, #tpu.memory_space<vmem>>, %arg6: memref<1x48xf32, #tpu.memory_space<vmem>>, %arg7: memref<128x16xf32, #tpu.memory_space<vmem>>, %arg8: memref<1x1000x48xi32, #tpu.memory_space<vmem>>, %arg9: memref<1000x16xf32, #tpu.memory_space<vmem>>) attributes {dimension_semantics = [#tpu.dimension_semantics<arbitrary>, #tpu.dimension_semantics<arbitrary>], iteration_bounds = array<i64: 2, 10>, scalar_prefetch = 0 : i64, scratch_operands = 0 : i64, tpu.core_type = #tpu.core_type<tc>, window_params = [{transform_indices = @transform_0, window_bounds = array<i64: 1000, 128>}, {transform_indices = @transform_1, window_bounds = array<i64: 1, 128, 48>}, {transform_indices = @transform_2, window_bounds = array<i64: 1, 128, 48>}, {pipeline_mode = #tpu.pipeline_mode<synchronous>, transform_indices = @transform_3, window_bounds = array<i64: 1, 48>}, {pipeline_mode = #tpu.pipeline_mode<synchronous>, transform_indices = @transform_4, window_bounds = array<i64: 1, 48>}, {pipeline_mode = #tpu.pipeline_mode<synchronous>, transform_indices = @transform_5, window_bounds = array<i64: 128, 16>}, {transform_indices = @transform_6, window_bounds = array<i64: 1, 1000, 48>}, {transform_indices = @transform_7, window_bounds = array<i64: 1000, 16>}]} {
    %get3A = arith.constant 0 : index
    %get3A_0 = arith.constant 0 : index
    %get3A_1 = vector.load %arg2[%get3A, %get3A_0] : memref<1000x128xf32, #tpu.memory_space<vmem>>, vector<1000x128xf32>
    %get3A_2 = arith.constant 0 : index
    %get3A_3 = arith.constant 0 : index
    %get3A_4 = arith.constant 0 : index
    %get3A_5 = vector.load %arg3[%get3A_2, %get3A_3, %get3A_4] : memref<1x128x48xf32, #tpu.memory_space<vmem>>, vector<1x128x48xf32>
    %get3A_6 = vector.shape_cast %get3A_5 : vector<1x128x48xf32> to vector<128x48xf32>
    %dot_general3A = arith.constant dense<0.000000e+00> : vector<1000x48xf32>
    %dot_general3A_7 = tpu.matmul %get3A_1, %get3A_6, %dot_general3A {dimension_numbers = #tpu.dot_dimension_numbers<[1], [0], [0], [1], [0, 0, 1, 1], [], []>, transpose_lhs_hint = false} : vector<1000x128xf32>, vector<128x48xf32>, vector<1000x48xf32> -> vector<1000x48xf32>
    %get3A_8 = arith.constant 0 : index
    %get3A_9 = arith.constant 0 : index
    %get3A_10 = arith.constant 0 : index
    %get3A_11 = vector.load %arg4[%get3A_8, %get3A_9, %get3A_10] : memref<1x128x48xf32, #tpu.memory_space<vmem>>, vector<1x128x48xf32>
    %get3A_12 = vector.shape_cast %get3A_11 : vector<1x128x48xf32> to vector<128x48xf32>
    %dot_general3A_13 = arith.constant dense<0.000000e+00> : vector<1000x48xf32>
    %dot_general3A_14 = tpu.matmul %get3A_1, %get3A_12, %dot_general3A_13 {dimension_numbers = #tpu.dot_dimension_numbers<[1], [0], [0], [1], [0, 0, 1, 1], [], []>, transpose_lhs_hint = false} : vector<1000x128xf32>, vector<128x48xf32>, vector<1000x48xf32> -> vector<1000x48xf32>
    %get3A_15 = arith.constant 0 : index
    %get3A_16 = arith.constant 0 : index
    %get3A_17 = vector.load %arg5[%get3A_15, %get3A_16] : memref<1x48xf32, #tpu.memory_space<vmem>>, vector<1x48xf32>
    %add3A = vector.broadcast %get3A_17 : vector<1x48xf32> to vector<1000x48xf32>
    %add3A_18 = arith.addf %dot_general3A_7, %add3A : vector<1000x48xf32>
    %get3A_19 = arith.constant 0 : index
    %get3A_20 = arith.constant 0 : index
    %get3A_21 = vector.load %arg6[%get3A_19, %get3A_20] : memref<1x48xf32, #tpu.memory_space<vmem>>, vector<1x48xf32>
    %add3A_22 = vector.broadcast %get3A_21 : vector<1x48xf32> to vector<1000x48xf32>
    %add3A_23 = arith.addf %dot_general3A_14, %add3A_22 : vector<1000x48xf32>
    %bitcast_convert_type3A = tpu.bitcast %add3A_18 : vector<1000x48xf32> -> vector<1000x48xi32>
    %bitcast_convert_type3A_24 = tpu.bitcast %add3A_23 : vector<1000x48xf32> -> vector<1000x48xi32>
    %add3A_25 = arith.constant 32768 : i32
    %add3A_26 = vector.broadcast %add3A_25 : i32 to vector<1000x48xi32>
    %add3A_27 = arith.addi %bitcast_convert_type3A, %add3A_26 : vector<1000x48xi32>
    %shift_right_logical3A = arith.constant 16 : i32
    %shift_right_logical3A_28 = vector.broadcast %shift_right_logical3A : i32 to vector<1000x48xi32>
    %shift_right_logical3A_29 = arith.shrui %add3A_27, %shift_right_logical3A_28 : vector<1000x48xi32>
    %add3A_30 = arith.constant 32768 : i32
    %add3A_31 = vector.broadcast %add3A_30 : i32 to vector<1000x48xi32>
    %add3A_32 = arith.addi %bitcast_convert_type3A_24, %add3A_31 : vector<1000x48xi32>
    %and3A = arith.constant -65536 : i32
    %and3A_33 = vector.broadcast %and3A : i32 to vector<1000x48xi32>
    %and3A_34 = arith.andi %add3A_32, %and3A_33 : vector<1000x48xi32>
    %or3A = arith.ori %shift_right_logical3A_29, %and3A_34 : vector<1000x48xi32>
    %bitcast_convert_type3A_35 = tpu.bitcast %or3A : vector<1000x48xi32> -> vector<1000x48xi32>
    %swap3A = arith.constant 0 : index
    %swap3A_36 = arith.constant 0 : index
    %swap3A_37 = arith.constant 0 : index
    %swap3A_38 = vector.load %arg8[%swap3A, %swap3A_36, %swap3A_37] : memref<1x1000x48xi32, #tpu.memory_space<vmem>>, vector<1x1000x48xi32>
    %swap3A_39 = vector.shape_cast %swap3A_38 : vector<1x1000x48xi32> to vector<1000x48xi32>
    %swap3A_40 = vector.shape_cast %bitcast_convert_type3A_35 : vector<1000x48xi32> to vector<1x1000x48xi32>
    tpu.vector_store %arg8[%swap3A, %swap3A_36, %swap3A_37], %swap3A_40 {strides = array<i32>} : memref<1x1000x48xi32, #tpu.memory_space<vmem>>, vector<1x1000x48xi32>,
    %get3A_41 = arith.constant 0 : index
    %get3A_42 = arith.constant 0 : index
    %get3A_43 = vector.load %arg7[%get3A_41, %get3A_42] : memref<128x16xf32, #tpu.memory_space<vmem>>, vector<128x16xf32>
    %dot_general3A_44 = arith.constant dense<0.000000e+00> : vector<1000x16xf32>
    %dot_general3A_45 = tpu.matmul %get3A_1, %get3A_43, %dot_general3A_44 {dimension_numbers = #tpu.dot_dimension_numbers<[1], [0], [0], [1], [0, 0, 1, 1], [], []>, transpose_lhs_hint = false} : vector<1000x128xf32>, vector<128x16xf32>, vector<1000x16xf32> -> vector<1000x16xf32>
    %swap3A_46 = arith.constant 0 : index
    %swap3A_47 = arith.constant 0 : index
    %swap3A_48 = vector.load %arg9[%swap3A_46, %swap3A_47] : memref<1000x16xf32, #tpu.memory_space<vmem>>, vector<1000x16xf32>
    tpu.vector_store %arg9[%swap3A_46, %swap3A_47], %dot_general3A_45 {strides = array<i32>} : memref<1000x16xf32, #tpu.memory_space<vmem>>, vector<1000x16xf32>,
    return
  }
  func.func @transform_0(%arg0: i32, %arg1: i32) -> (i32, i32) {
    %c0_i32 = arith.constant 0 : i32
    %c0_i32_0 = arith.constant 0 : i32
    return %arg1, %c0_i32 : i32, i32
  }
  func.func @transform_1(%arg0: i32, %arg1: i32) -> (i32, i32, i32) {
    %c0_i32 = arith.constant 0 : i32
    %c0_i32_0 = arith.constant 0 : i32
    %c0_i32_1 = arith.constant 0 : i32
    return %arg0, %c0_i32, %c0_i32_0 : i32, i32, i32
  }
  func.func @transform_2(%arg0: i32, %arg1: i32) -> (i32, i32, i32) {
    %c0_i32 = arith.constant 0 : i32
    %c0_i32_0 = arith.constant 0 : i32
    %c0_i32_1 = arith.constant 0 : i32
    return %arg0, %c0_i32, %c0_i32_0 : i32, i32, i32
  }
  func.func @transform_3(%arg0: i32, %arg1: i32) -> (i32, i32) {
    %c0_i32 = arith.constant 0 : i32
    %c0_i32_0 = arith.constant 0 : i32
    %c0_i32_1 = arith.constant 0 : i32
    return %c0_i32, %c0_i32_0 : i32, i32
  }
  func.func @transform_4(%arg0: i32, %arg1: i32) -> (i32, i32) {
    %c0_i32 = arith.constant 0 : i32
    %c0_i32_0 = arith.constant 0 : i32
    %c0_i32_1 = arith.constant 0 : i32
    return %c0_i32, %c0_i32_0 : i32, i32
  }
  func.func @transform_5(%arg0: i32, %arg1: i32) -> (i32, i32) {
    %c0_i32 = arith.constant 0 : i32
    %c0_i32_0 = arith.constant 0 : i32
    %c0_i32_1 = arith.constant 0 : i32
    return %c0_i32, %c0_i32_0 : i32, i32
  }
  func.func @transform_6(%arg0: i32, %arg1: i32) -> (i32, i32, i32) {
    %c0_i32 = arith.constant 0 : i32
    %c0_i32_0 = arith.constant 0 : i32
    return %arg0, %arg1, %c0_i32 : i32, i32, i32
  }
  func.func @transform_7(%arg0: i32, %arg1: i32) -> (i32, i32) {
    %c0_i32 = arith.constant 0 : i32
    %c0_i32_0 = arith.constant 0 : i32
    return %arg1, %c0_i32 : i32, i32
  }
}

module attributes {stable_mosaic.version = 14 : i64} {
  func.func @body(%arg0: i32, %arg1: memref<2x5008x80xf32, #tpu.memory_space<vmem>>, %arg2: memref<1x128xf32, #tpu.memory_space<vmem>>, %arg3: memref<128x48xf32, #tpu.memory_space<vmem>>, %arg4: memref<128x48xf32, #tpu.memory_space<vmem>>, %arg5: memref<1x48xf32, #tpu.memory_space<vmem>>, %arg6: memref<1x48xf32, #tpu.memory_space<vmem>>, %arg7: memref<128x16xf32, #tpu.memory_space<vmem>>, %arg8: memref<8x128xf32, #tpu.memory_space<vmem>>, %arg9: memref<5008x48xi32, #tpu.memory_space<vmem>>, %arg10: memref<5008x16xf32, #tpu.memory_space<vmem>>) attributes {dimension_semantics = [#tpu.dimension_semantics<arbitrary>], iteration_bounds = array<i64: 2>, scalar_prefetch = 0 : i64, scratch_operands = 0 : i64, tpu.core_type = #tpu.core_type<tc>, window_params = [{transform_indices = @transform_0, window_bounds = array<i64: 2, 5008, 80>}, {pipeline_mode = #tpu.pipeline_mode<synchronous>, transform_indices = @transform_1, window_bounds = array<i64: 1, 128>}, {pipeline_mode = #tpu.pipeline_mode<synchronous>, transform_indices = @transform_2, window_bounds = array<i64: 128, 48>}, {pipeline_mode = #tpu.pipeline_mode<synchronous>, transform_indices = @transform_3, window_bounds = array<i64: 128, 48>}, {pipeline_mode = #tpu.pipeline_mode<synchronous>, transform_indices = @transform_4, window_bounds = array<i64: 1, 48>}, {pipeline_mode = #tpu.pipeline_mode<synchronous>, transform_indices = @transform_5, window_bounds = array<i64: 1, 48>}, {pipeline_mode = #tpu.pipeline_mode<synchronous>, transform_indices = @transform_6, window_bounds = array<i64: 128, 16>}, {pipeline_mode = #tpu.pipeline_mode<synchronous>, transform_indices = @transform_7, window_bounds = array<i64: 8, 128>}, {transform_indices = @transform_8, window_bounds = array<i64: 5008, 48>}, {transform_indices = @transform_9, window_bounds = array<i64: 5008, 16>}]} {
    %get3A = arith.constant 0 : index
    %get3A_0 = arith.constant 0 : index
    %get3A_1 = arith.constant 0 : index
    %get3A_2 = vector.load %arg1[%get3A, %get3A_0, %get3A_1] : memref<2x5008x80xf32, #tpu.memory_space<vmem>>, vector<1x5008x80xf32>
    %get3A_3 = vector.shape_cast %get3A_2 : vector<1x5008x80xf32> to vector<5008x80xf32>
    %get3A_4 = arith.constant 1 : index
    %get3A_5 = arith.constant 0 : index
    %get3A_6 = arith.constant 0 : index
    %get3A_7 = vector.load %arg1[%get3A_4, %get3A_5, %get3A_6] : memref<2x5008x80xf32, #tpu.memory_space<vmem>>, vector<1x5008x80xf32>
    %get3A_8 = vector.shape_cast %get3A_7 : vector<1x5008x80xf32> to vector<5008x80xf32>
    %slice3A = vector.extract_strided_slice %get3A_3 {offsets = [0, 0], sizes = [5008, 64], strides = [1, 1]} : vector<5008x80xf32> to vector<5008x64xf32>
    %slice3A_9 = vector.extract_strided_slice %get3A_8 {offsets = [0, 0], sizes = [5008, 64], strides = [1, 1]} : vector<5008x80xf32> to vector<5008x64xf32>
    %concatenate3A = tpu.concatenate %slice3A, %slice3A_9 in 1 : vector<5008x64xf32>, vector<5008x64xf32> -> vector<5008x128xf32>
    %slice3A_10 = vector.extract_strided_slice %get3A_3 {offsets = [0, 64], sizes = [5008, 4], strides = [1, 1]} : vector<5008x80xf32> to vector<5008x4xf32>
    %slice3A_11 = vector.extract_strided_slice %get3A_8 {offsets = [0, 64], sizes = [5008, 4], strides = [1, 1]} : vector<5008x80xf32> to vector<5008x4xf32>
    %concatenate3A_12 = tpu.concatenate %slice3A_10, %slice3A_11 in 1 : vector<5008x4xf32>, vector<5008x4xf32> -> vector<5008x8xf32>
    %get3A_13 = arith.constant 0 : index
    %get3A_14 = arith.constant 0 : index
    %get3A_15 = vector.load %arg8[%get3A_13, %get3A_14] : memref<8x128xf32, #tpu.memory_space<vmem>>, vector<8x128xf32>
    %dot_general3A = arith.constant dense<0.000000e+00> : vector<5008x128xf32>
    %dot_general3A_16 = tpu.matmul %concatenate3A_12, %get3A_15, %dot_general3A {dimension_numbers = #tpu.dot_dimension_numbers<[1], [0], [0], [1], [0, 0, 1, 1], [], []>, transpose_lhs_hint = false} : vector<5008x8xf32>, vector<8x128xf32>, vector<5008x128xf32> -> vector<5008x128xf32>
    %div3A = arith.divf %concatenate3A, %dot_general3A_16 : vector<5008x128xf32>
    %get3A_17 = arith.constant 0 : index
    %get3A_18 = arith.constant 0 : index
    %get3A_19 = vector.load %arg2[%get3A_17, %get3A_18] : memref<1x128xf32, #tpu.memory_space<vmem>>, vector<1x128xf32>
    %add3A = vector.broadcast %get3A_19 : vector<1x128xf32> to vector<5008x128xf32>
    %add3A_20 = arith.addf %div3A, %add3A : vector<5008x128xf32>
    %gt3A = arith.constant 0.000000e+00 : f32
    %gt3A_21 = vector.broadcast %gt3A : f32 to vector<5008x128xf32>
    %gt3A_22 = arith.cmpf ogt, %add3A_20, %gt3A_21 : vector<5008x128xf32>
    %min3A = arith.constant 0.000000e+00 : f32
    %min3A_23 = vector.broadcast %min3A : f32 to vector<5008x128xf32>
    %min3A_24 = arith.minimumf %add3A_20, %min3A_23 : vector<5008x128xf32>
    %exp3A = math.exp %min3A_24 : vector<5008x128xf32>
    %sub3A = arith.constant 1.000000e+00 : f32
    %sub3A_25 = vector.broadcast %sub3A : f32 to vector<5008x128xf32>
    %sub3A_26 = arith.subf %exp3A, %sub3A_25 : vector<5008x128xf32>
    %select_n3A = arith.select %gt3A_22, %add3A_20, %sub3A_26 : vector<5008x128xi1>, vector<5008x128xf32>
    %get3A_27 = arith.constant 0 : index
    %get3A_28 = arith.constant 0 : index
    %get3A_29 = vector.load %arg3[%get3A_27, %get3A_28] : memref<128x48xf32, #tpu.memory_space<vmem>>, vector<128x48xf32>
    %dot_general3A_30 = arith.constant dense<0.000000e+00> : vector<5008x48xf32>
    %dot_general3A_31 = tpu.matmul %select_n3A, %get3A_29, %dot_general3A_30 {dimension_numbers = #tpu.dot_dimension_numbers<[1], [0], [0], [1], [0, 0, 1, 1], [], []>, transpose_lhs_hint = false} : vector<5008x128xf32>, vector<128x48xf32>, vector<5008x48xf32> -> vector<5008x48xf32>
    %get3A_32 = arith.constant 0 : index
    %get3A_33 = arith.constant 0 : index
    %get3A_34 = vector.load %arg4[%get3A_32, %get3A_33] : memref<128x48xf32, #tpu.memory_space<vmem>>, vector<128x48xf32>
    %dot_general3A_35 = arith.constant dense<0.000000e+00> : vector<5008x48xf32>
    %dot_general3A_36 = tpu.matmul %select_n3A, %get3A_34, %dot_general3A_35 {dimension_numbers = #tpu.dot_dimension_numbers<[1], [0], [0], [1], [0, 0, 1, 1], [], []>, transpose_lhs_hint = false} : vector<5008x128xf32>, vector<128x48xf32>, vector<5008x48xf32> -> vector<5008x48xf32>
    %get3A_37 = arith.constant 0 : index
    %get3A_38 = arith.constant 0 : index
    %get3A_39 = vector.load %arg5[%get3A_37, %get3A_38] : memref<1x48xf32, #tpu.memory_space<vmem>>, vector<1x48xf32>
    %add3A_40 = vector.broadcast %get3A_39 : vector<1x48xf32> to vector<5008x48xf32>
    %add3A_41 = arith.addf %dot_general3A_31, %add3A_40 : vector<5008x48xf32>
    %get3A_42 = arith.constant 0 : index
    %get3A_43 = arith.constant 0 : index
    %get3A_44 = vector.load %arg6[%get3A_42, %get3A_43] : memref<1x48xf32, #tpu.memory_space<vmem>>, vector<1x48xf32>
    %add3A_45 = vector.broadcast %get3A_44 : vector<1x48xf32> to vector<5008x48xf32>
    %add3A_46 = arith.addf %dot_general3A_36, %add3A_45 : vector<5008x48xf32>
    %bitcast_convert_type3A = tpu.bitcast %add3A_41 : vector<5008x48xf32> -> vector<5008x48xi32>
    %bitcast_convert_type3A_47 = tpu.bitcast %add3A_46 : vector<5008x48xf32> -> vector<5008x48xi32>
    %add3A_48 = arith.constant 32768 : i32
    %add3A_49 = vector.broadcast %add3A_48 : i32 to vector<5008x48xi32>
    %add3A_50 = arith.addi %bitcast_convert_type3A, %add3A_49 : vector<5008x48xi32>
    %shift_right_logical3A = arith.constant 16 : i32
    %shift_right_logical3A_51 = vector.broadcast %shift_right_logical3A : i32 to vector<5008x48xi32>
    %shift_right_logical3A_52 = arith.shrui %add3A_50, %shift_right_logical3A_51 : vector<5008x48xi32>
    %add3A_53 = arith.constant 32768 : i32
    %add3A_54 = vector.broadcast %add3A_53 : i32 to vector<5008x48xi32>
    %add3A_55 = arith.addi %bitcast_convert_type3A_47, %add3A_54 : vector<5008x48xi32>
    %and3A = arith.constant -65536 : i32
    %and3A_56 = vector.broadcast %and3A : i32 to vector<5008x48xi32>
    %and3A_57 = arith.andi %add3A_55, %and3A_56 : vector<5008x48xi32>
    %or3A = arith.ori %shift_right_logical3A_52, %and3A_57 : vector<5008x48xi32>
    %bitcast_convert_type3A_58 = tpu.bitcast %or3A : vector<5008x48xi32> -> vector<5008x48xi32>
    %swap3A = arith.constant 0 : index
    %swap3A_59 = arith.constant 0 : index
    %swap3A_60 = vector.load %arg9[%swap3A, %swap3A_59] : memref<5008x48xi32, #tpu.memory_space<vmem>>, vector<5008x48xi32>
    tpu.vector_store %arg9[%swap3A, %swap3A_59], %bitcast_convert_type3A_58 {strides = array<i32>} : memref<5008x48xi32, #tpu.memory_space<vmem>>, vector<5008x48xi32>,
    %get3A_61 = arith.constant 0 : index
    %get3A_62 = arith.constant 0 : index
    %get3A_63 = vector.load %arg7[%get3A_61, %get3A_62] : memref<128x16xf32, #tpu.memory_space<vmem>>, vector<128x16xf32>
    %dot_general3A_64 = arith.constant dense<0.000000e+00> : vector<5008x16xf32>
    %dot_general3A_65 = tpu.matmul %select_n3A, %get3A_63, %dot_general3A_64 {dimension_numbers = #tpu.dot_dimension_numbers<[1], [0], [0], [1], [0, 0, 1, 1], [], []>, transpose_lhs_hint = false} : vector<5008x128xf32>, vector<128x16xf32>, vector<5008x16xf32> -> vector<5008x16xf32>
    %swap3A_66 = arith.constant 0 : index
    %swap3A_67 = arith.constant 0 : index
    %swap3A_68 = vector.load %arg10[%swap3A_66, %swap3A_67] : memref<5008x16xf32, #tpu.memory_space<vmem>>, vector<5008x16xf32>
    tpu.vector_store %arg10[%swap3A_66, %swap3A_67], %dot_general3A_65 {strides = array<i32>} : memref<5008x16xf32, #tpu.memory_space<vmem>>, vector<5008x16xf32>,
    return
  }
  func.func @transform_0(%arg0: i32) -> (i32, i32, i32) {
    %c0_i32 = arith.constant 0 : i32
    %c0_i32_0 = arith.constant 0 : i32
    %c0_i32_1 = arith.constant 0 : i32
    return %c0_i32, %arg0, %c0_i32_0 : i32, i32, i32
  }
  func.func @transform_1(%arg0: i32) -> (i32, i32) {
    %c0_i32 = arith.constant 0 : i32
    %c0_i32_0 = arith.constant 0 : i32
    %c0_i32_1 = arith.constant 0 : i32
    return %c0_i32, %c0_i32_0 : i32, i32
  }
  func.func @transform_2(%arg0: i32) -> (i32, i32) {
    %c0_i32 = arith.constant 0 : i32
    %c0_i32_0 = arith.constant 0 : i32
    %c0_i32_1 = arith.constant 0 : i32
    return %c0_i32, %c0_i32_0 : i32, i32
  }
  func.func @transform_3(%arg0: i32) -> (i32, i32) {
    %c0_i32 = arith.constant 0 : i32
    %c0_i32_0 = arith.constant 0 : i32
    %c0_i32_1 = arith.constant 0 : i32
    return %c0_i32, %c0_i32_0 : i32, i32
  }
  func.func @transform_4(%arg0: i32) -> (i32, i32) {
    %c0_i32 = arith.constant 0 : i32
    %c0_i32_0 = arith.constant 0 : i32
    %c0_i32_1 = arith.constant 0 : i32
    return %c0_i32, %c0_i32_0 : i32, i32
  }
  func.func @transform_5(%arg0: i32) -> (i32, i32) {
    %c0_i32 = arith.constant 0 : i32
    %c0_i32_0 = arith.constant 0 : i32
    %c0_i32_1 = arith.constant 0 : i32
    return %c0_i32, %c0_i32_0 : i32, i32
  }
  func.func @transform_6(%arg0: i32) -> (i32, i32) {
    %c0_i32 = arith.constant 0 : i32
    %c0_i32_0 = arith.constant 0 : i32
    %c0_i32_1 = arith.constant 0 : i32
    return %c0_i32, %c0_i32_0 : i32, i32
  }
  func.func @transform_7(%arg0: i32) -> (i32, i32) {
    %c0_i32 = arith.constant 0 : i32
    %c0_i32_0 = arith.constant 0 : i32
    %c0_i32_1 = arith.constant 0 : i32
    return %c0_i32, %c0_i32_0 : i32, i32
  }
  func.func @transform_8(%arg0: i32) -> (i32, i32) {
    %c0_i32 = arith.constant 0 : i32
    %c0_i32_0 = arith.constant 0 : i32
    return %arg0, %c0_i32 : i32, i32
  }
  func.func @transform_9(%arg0: i32) -> (i32, i32) {
    %c0_i32 = arith.constant 0 : i32
    %c0_i32_0 = arith.constant 0 : i32
    return %arg0, %c0_i32 : i32, i32
  }
}

module attributes {stable_mosaic.version = 14 : i64} {
  func.func @body(%arg0: i32, %arg1: memref<2x1000x80xf32, #tpu.memory_space<vmem>>, %arg2: memref<1x64xf32, #tpu.memory_space<vmem>>, %arg3: memref<64x128xf32, #tpu.memory_space<vmem>>, %arg4: memref<1x128xf32, #tpu.memory_space<vmem>>, %arg5: memref<128x16xf32, #tpu.memory_space<vmem>>, %arg6: memref<1x16xf32, #tpu.memory_space<vmem>>, %arg7: memref<1000x16xf32, #tpu.memory_space<vmem>>, %arg8: memref<1000x64xf32, #tpu.memory_space<vmem>>) attributes {dimension_semantics = [#tpu.dimension_semantics<arbitrary>], iteration_bounds = array<i64: 10>, scalar_prefetch = 0 : i64, scratch_operands = 0 : i64, tpu.core_type = #tpu.core_type<tc>, window_params = [{transform_indices = @transform_0, window_bounds = array<i64: 2, 1000, 80>}, {pipeline_mode = #tpu.pipeline_mode<synchronous>, transform_indices = @transform_1, window_bounds = array<i64: 1, 64>}, {pipeline_mode = #tpu.pipeline_mode<synchronous>, transform_indices = @transform_2, window_bounds = array<i64: 64, 128>}, {pipeline_mode = #tpu.pipeline_mode<synchronous>, transform_indices = @transform_3, window_bounds = array<i64: 1, 128>}, {pipeline_mode = #tpu.pipeline_mode<synchronous>, transform_indices = @transform_4, window_bounds = array<i64: 128, 16>}, {pipeline_mode = #tpu.pipeline_mode<synchronous>, transform_indices = @transform_5, window_bounds = array<i64: 1, 16>}, {transform_indices = @transform_6, window_bounds = array<i64: 1000, 16>}, {transform_indices = @transform_7, window_bounds = array<i64: 1000, 64>}]} {
    %get3A = arith.constant 0 : index
    %get3A_0 = arith.constant 0 : index
    %get3A_1 = arith.constant 0 : index
    %get3A_2 = vector.load %arg1[%get3A, %get3A_0, %get3A_1] : memref<2x1000x80xf32, #tpu.memory_space<vmem>>, vector<1x1000x80xf32>
    %get3A_3 = vector.shape_cast %get3A_2 : vector<1x1000x80xf32> to vector<1000x80xf32>
    %get3A_4 = arith.constant 1 : index
    %get3A_5 = arith.constant 0 : index
    %get3A_6 = arith.constant 0 : index
    %get3A_7 = vector.load %arg1[%get3A_4, %get3A_5, %get3A_6] : memref<2x1000x80xf32, #tpu.memory_space<vmem>>, vector<1x1000x80xf32>
    %get3A_8 = vector.shape_cast %get3A_7 : vector<1x1000x80xf32> to vector<1000x80xf32>
    %add3A = arith.addf %get3A_3, %get3A_8 : vector<1000x80xf32>
    %slice3A = vector.extract_strided_slice %add3A {offsets = [0, 0], sizes = [1000, 64], strides = [1, 1]} : vector<1000x80xf32> to vector<1000x64xf32>
    %slice3A_9 = vector.extract_strided_slice %add3A {offsets = [0, 64], sizes = [1000, 1], strides = [1, 1]} : vector<1000x80xf32> to vector<1000x1xf32>
    %div3A = vector.broadcast %slice3A_9 : vector<1000x1xf32> to vector<1000x64xf32>
    %div3A_10 = arith.divf %slice3A, %div3A : vector<1000x64xf32>
    %get3A_11 = arith.constant 0 : index
    %get3A_12 = arith.constant 0 : index
    %get3A_13 = vector.load %arg2[%get3A_11, %get3A_12] : memref<1x64xf32, #tpu.memory_space<vmem>>, vector<1x64xf32>
    %add3A_14 = vector.broadcast %get3A_13 : vector<1x64xf32> to vector<1000x64xf32>
    %add3A_15 = arith.addf %div3A_10, %add3A_14 : vector<1000x64xf32>
    %get3A_16 = arith.constant 0 : index
    %get3A_17 = arith.constant 0 : index
    %get3A_18 = vector.load %arg3[%get3A_16, %get3A_17] : memref<64x128xf32, #tpu.memory_space<vmem>>, vector<64x128xf32>
    %dot_general3A = arith.constant dense<0.000000e+00> : vector<1000x128xf32>
    %dot_general3A_19 = tpu.matmul %add3A_15, %get3A_18, %dot_general3A {dimension_numbers = #tpu.dot_dimension_numbers<[1], [0], [0], [1], [0, 0, 1, 1], [], []>, transpose_lhs_hint = false} : vector<1000x64xf32>, vector<64x128xf32>, vector<1000x128xf32> -> vector<1000x128xf32>
    %get3A_20 = arith.constant 0 : index
    %get3A_21 = arith.constant 0 : index
    %get3A_22 = vector.load %arg4[%get3A_20, %get3A_21] : memref<1x128xf32, #tpu.memory_space<vmem>>, vector<1x128xf32>
    %add3A_23 = vector.broadcast %get3A_22 : vector<1x128xf32> to vector<1000x128xf32>
    %add3A_24 = arith.addf %dot_general3A_19, %add3A_23 : vector<1000x128xf32>
    %max3A = arith.constant 0.000000e+00 : f32
    %max3A_25 = vector.broadcast %max3A : f32 to vector<1000x128xf32>
    %max3A_26 = arith.maximumf %add3A_24, %max3A_25 : vector<1000x128xf32>
    %get3A_27 = arith.constant 0 : index
    %get3A_28 = arith.constant 0 : index
    %get3A_29 = vector.load %arg5[%get3A_27, %get3A_28] : memref<128x16xf32, #tpu.memory_space<vmem>>, vector<128x16xf32>
    %dot_general3A_30 = arith.constant dense<0.000000e+00> : vector<1000x16xf32>
    %dot_general3A_31 = tpu.matmul %max3A_26, %get3A_29, %dot_general3A_30 {dimension_numbers = #tpu.dot_dimension_numbers<[1], [0], [0], [1], [0, 0, 1, 1], [], []>, transpose_lhs_hint = false} : vector<1000x128xf32>, vector<128x16xf32>, vector<1000x16xf32> -> vector<1000x16xf32>
    %get3A_32 = arith.constant 0 : index
    %get3A_33 = arith.constant 0 : index
    %get3A_34 = vector.load %arg6[%get3A_32, %get3A_33] : memref<1x16xf32, #tpu.memory_space<vmem>>, vector<1x16xf32>
    %add3A_35 = vector.broadcast %get3A_34 : vector<1x16xf32> to vector<1000x16xf32>
    %add3A_36 = arith.addf %dot_general3A_31, %add3A_35 : vector<1000x16xf32>
    %reduce_max3A = arith.constant dense<0xFF800000> : vector<1000xf32>
    %reduce_max3A_37 = vector.multi_reduction <maximumf>, %add3A_36, %reduce_max3A [1] : vector<1000x16xf32> to vector<1000xf32>
    %broadcast_in_dim3A = vector.shape_cast %reduce_max3A_37 : vector<1000xf32> to vector<1000x1xf32>
    %sub3A = vector.broadcast %broadcast_in_dim3A : vector<1000x1xf32> to vector<1000x16xf32>
    %sub3A_38 = arith.subf %add3A_36, %sub3A : vector<1000x16xf32>
    %exp3A = math.exp %sub3A_38 : vector<1000x16xf32>
    %reduce_sum3A = arith.constant dense<0.000000e+00> : vector<1000xf32>
    %reduce_sum3A_39 = vector.multi_reduction <add>, %exp3A, %reduce_sum3A [1] : vector<1000x16xf32> to vector<1000xf32>
    %broadcast_in_dim3A_40 = vector.shape_cast %reduce_sum3A_39 : vector<1000xf32> to vector<1000x1xf32>
    %div3A_41 = vector.broadcast %broadcast_in_dim3A_40 : vector<1000x1xf32> to vector<1000x16xf32>
    %div3A_42 = arith.divf %exp3A, %div3A_41 : vector<1000x16xf32>
    %swap3A = arith.constant 0 : index
    %swap3A_43 = arith.constant 0 : index
    %swap3A_44 = vector.load %arg7[%swap3A, %swap3A_43] : memref<1000x16xf32, #tpu.memory_space<vmem>>, vector<1000x16xf32>
    tpu.vector_store %arg7[%swap3A, %swap3A_43], %div3A_42 {strides = array<i32>} : memref<1000x16xf32, #tpu.memory_space<vmem>>, vector<1000x16xf32>,
    %swap3A_45 = arith.constant 0 : index
    %swap3A_46 = arith.constant 0 : index
    %swap3A_47 = vector.load %arg8[%swap3A_45, %swap3A_46] : memref<1000x64xf32, #tpu.memory_space<vmem>>, vector<1000x64xf32>
    tpu.vector_store %arg8[%swap3A_45, %swap3A_46], %add3A_15 {strides = array<i32>} : memref<1000x64xf32, #tpu.memory_space<vmem>>, vector<1000x64xf32>,
    return
  }
  func.func @transform_0(%arg0: i32) -> (i32, i32, i32) {
    %c0_i32 = arith.constant 0 : i32
    %c0_i32_0 = arith.constant 0 : i32
    %c0_i32_1 = arith.constant 0 : i32
    return %c0_i32, %arg0, %c0_i32_0 : i32, i32, i32
  }
  func.func @transform_1(%arg0: i32) -> (i32, i32) {
    %c0_i32 = arith.constant 0 : i32
    %c0_i32_0 = arith.constant 0 : i32
    %c0_i32_1 = arith.constant 0 : i32
    return %c0_i32, %c0_i32_0 : i32, i32
  }
  func.func @transform_2(%arg0: i32) -> (i32, i32) {
    %c0_i32 = arith.constant 0 : i32
    %c0_i32_0 = arith.constant 0 : i32
    %c0_i32_1 = arith.constant 0 : i32
    return %c0_i32, %c0_i32_0 : i32, i32
  }
  func.func @transform_3(%arg0: i32) -> (i32, i32) {
    %c0_i32 = arith.constant 0 : i32
    %c0_i32_0 = arith.constant 0 : i32
    %c0_i32_1 = arith.constant 0 : i32
    return %c0_i32, %c0_i32_0 : i32, i32
  }
  func.func @transform_4(%arg0: i32) -> (i32, i32) {
    %c0_i32 = arith.constant 0 : i32
    %c0_i32_0 = arith.constant 0 : i32
    %c0_i32_1 = arith.constant 0 : i32
    return %c0_i32, %c0_i32_0 : i32, i32
  }
  func.func @transform_5(%arg0: i32) -> (i32, i32) {
    %c0_i32 = arith.constant 0 : i32
    %c0_i32_0 = arith.constant 0 : i32
    %c0_i32_1 = arith.constant 0 : i32
    return %c0_i32, %c0_i32_0 : i32, i32
  }
  func.func @transform_6(%arg0: i32) -> (i32, i32) {
    %c0_i32 = arith.constant 0 : i32
    %c0_i32_0 = arith.constant 0 : i32
    return %arg0, %c0_i32 : i32, i32
  }
  func.func @transform_7(%arg0: i32) -> (i32, i32) {
    %c0_i32 = arith.constant 0 : i32
    %c0_i32_0 = arith.constant 0 : i32
    return %arg0, %c0_i32 : i32, i32
  }
}

</mosaic_0001>

<sc_bundles>
// kernel: kernel.10.cloned.1.call-start
scs
__scs_entry_jumppad:
0x0: {  	(pc) =	sbr.rel $0x88, $3  }
0x1: {  	(tag) =	ssettag $0x0;
	lr =	simm.s32 $0x1  }
0x2: {  	[smem:$0x3F93] =	sst lr;
	_ =	strace $0xD0000000  }
0x3: {  	_ = 	snop  }
0x4: {  	_ = 	snop  }
0x5: {  	_ = 	snop  }
0x6: {  	_ = 	snop  }
0x7: {  	_ = 	snop  }
__scs_overlays_trampoline_lowered:
0x8: {  	[smem:$0x3FA2] =	sst s0  }
0x9: {  	[smem:$0x3FA3] =	sst s1  }
0xa: {  	[smem:$0x3FA4] =	sst s2  }
0xb: {  	[smem:$0x3FA5] =	sst s3  }
0xc: {  	[smem:$0x3FA6] =	sst s4  }
0xd: {  	[smem:$0x3FA7] =	sst s5  }
0xe: {  	[smem:$0x3FA8] =	sst s6  }
0xf: {  	[smem:$0x3FA9] =	sst s7  }
0x10: {  	[smem:$0x3FAA] =	sst s8  }
0x11: {  	[smem:$0x3FAB] =	sst s9;
	s0 =	simm.s32 @!p0 $0x0  }
0x12: {  	s1 =	sld [smem:$0x3F91];
	s0 =	simm.s32 @p0 $0x1  }
0x13: {  	[smem:$0x3FAC] =	sst s0;
	s0 =	simm.s32 @!p1 $0x0  }
0x14: {  	s2 =	sld [smem:$0x3F90];
	s0 =	simm.s32 @p1 $0x1  }
0x15: {  	[smem:$0x3FAD] =	sst s0;
	s0 =	simm.s32 @!p2 $0x0  }
0x16: {  	s3 =	sld [smem:$0x3FDB];
	s0 =	simm.s32 @p2 $0x1  }
0x17: {  	s4 =	simm.s32 $0x1BF5;
	[smem:$0x3FAF] =	sst s0  }
0x18: {  	s0 =	sld [smem:$0x3F92];
	_ =	swait.ge [sflag:s4], $0x0  }
0x19: {  	s7 =	sld [smem:$0x3F93]  }
0x1a: {  	s8 =	sadd.s32 $0xFFFFE003, lr  }
0x1b: {  	s9 =	sadd.s32 $0xFFFFFEF7, lr;
	s5 =	simm.s32 $0xFFFFFFFF;
	p2 =	slt.u32 s8, $0xFFFFF086  }
0x1c: {  	p1 =	slt.u32 s9, $0xF7A;
	s5 =	simm.s32 @!p2 $0x0  }
0x1d: {  	s5 =	simm.s32 @p1 $0x1;
	p0 =	seq.s32 s7, s2  }
0x1e: {  	s7 =	smul.u32 @!p0 $0xF7A, s2;
	p2 =	seq.s32 @!p0 s5, $0x0  }
0x1f: {  	s9 =	smul.u32 $0xF7A, s1;
	s8 =	simm.s32 @!p0 $0x1BF5;
	p2 =	por !p2, p0  }
0x20: {  	[sflag:s8] =	ssyncset.s32 @!p0 $0xFFFFF086;
	s6 =	sadd.s32 @!p0 s3, s7;
	s7 =	simm.s32 @!p0 $0x108  }
0x21: {  	s3 =	sadd.s32 s3, s9;
	s6 =	sadd.s32 @!p0 $0x88, s6;
	s7 =	simm.s32 @p2 $0x1082  }
0x22: {  	[simem:s7], [sflag:s8] =	dma.local @!p0 [hbm:s6], $0xF7A  }
0x23: {  	s9 =	sor.u32 $0xD0000000, s2;
	s6 =	simm.s32 $0x108;
	_ =	swait.ge @!p0 [sflag:s8], $0x0  }
0x24: {  	s3 =	sadd.s32 $0x88, s3;
	s6 =	simm.s32 @!p1 $0x1082;
	[sflag:s4] =	ssyncset.s32 $0xFFFFF086  }
0x25: {  	[simem:s6], [sflag:s4] =	dma.local [hbm:s3], $0xF7A  }
0x26: {  	[smem:$0x3F93] =	sst s1;
	(tag) =	ssettag s2;
	_ =	strace s9  }
0x27: {  	s1 =	sld [smem:$0x3FA3]  }
0x28: {  	s2 =	sld [smem:$0x3FA4]  }
0x29: {  	s4 =	sld [smem:$0x3FA6]  }
0x2a: {  	p0 =	seq.s32 s5, $0x0;
	s5 =	sld [smem:$0x3FA7]  }
0x2b: {  	s6 =	sld [smem:$0x3FA8]  }
0x2c: {  	s7 =	sld [smem:$0x3FA9]  }
0x2d: {  	s3 =	simm.s32 $0x108;
	s8 =	sld [smem:$0x3FAA]  }
0x2e: {  	s3 =	simm.s32 @!p0 $0x1082;
	s9 =	sld [smem:$0x3FAB]  }
0x2f: {  	lr =	sadd.s32 s0, s3;
	s0 =	sld [smem:$0x3FA2]  }
0x30: {  	s3 =	sld [smem:$0x3FA5]  }
0x31: {  	[smem:$0x3FAE] =	sst s10  }
0x32: {  	s10 =	sld [smem:$0x3FAC];
	_ =	sdelay $0x3  }
0x33: {  	p0 =	seq.s32 s10, $0x1;
	s10 =	sld [smem:$0x3FAE];
	_ =	sdelay $0x3  }
0x34: {  	[smem:$0x3FAE] =	sst s10  }
0x35: {  	s10 =	sld [smem:$0x3FAD];
	_ =	sdelay $0x3  }
0x36: {  	p1 =	seq.s32 s10, $0x1;
	s10 =	sld [smem:$0x3FAE];
	_ =	sdelay $0x3  }
0x37: {  	[smem:$0x3FAE] =	sst s10  }
0x38: {  	s10 =	sld [smem:$0x3FAF]  }
0x39: {  	_ = 	snop;
	(pc) =	sbr.ind lr, $3  }
0x3a: {  	_ = 	snop  }
0x3b: {  	_ = 	snop  }
0x3c: {  	p2 =	seq.s32 s10, $0x1;
	s10 =	sld [smem:$0x3FAE]  }
0x3d: {  	_ =	shalt  }
0x3e: {  	_ =	shalt  }
0x3f: {  	_ =	shalt  }
0x40: {  	_ =	shalt  }
0x41: {  	_ =	shalt  }
0x42: {  	_ =	shalt  }
0x43: {  	_ =	shalt  }
0x44: {  	_ =	shalt  }
0x45: {  	_ =	shalt  }
0x46: {  	_ =	shalt  }
0x47: {  	_ =	shalt  }
0x48: {  	_ =	shalt  }
0x49: {  	_ =	shalt  }
0x4a: {  	_ =	shalt  }
0x4b: {  	_ =	shalt  }
0x4c: {  	_ =	shalt  }
0x4d: {  	_ =	shalt  }
0x4e: {  	_ =	shalt  }
0x4f: {  	_ =	shalt  }
0x50: {  	_ =	shalt  }
0x51: {  	_ =	shalt  }
0x52: {  	_ =	shalt  }
0x53: {  	_ =	shalt  }
0x54: {  	_ =	shalt  }
0x55: {  	_ =	shalt  }
0x56: {  	_ =	shalt  }
0x57: {  	_ =	shalt  }
0x58: {  	_ =	shalt  }
0x59: {  	_ =	shalt  }
0x5a: {  	_ =	shalt  }
0x5b: {  	_ =	shalt  }
0x5c: {  	_ =	shalt  }
0x5d: {  	_ =	shalt  }
0x5e: {  	_ =	shalt  }
0x5f: {  	_ =	shalt  }
0x60: {  	_ =	shalt  }
0x61: {  	_ =	shalt  }
0x62: {  	_ =	shalt  }
0x63: {  	_ =	shalt  }
0x64: {  	_ =	shalt  }
0x65: {  	_ =	shalt  }
0x66: {  	_ =	shalt  }
0x67: {  	_ =	shalt  }
0x68: {  	_ =	shalt  }
0x69: {  	_ =	shalt  }
0x6a: {  	_ =	shalt  }
0x6b: {  	_ =	shalt  }
0x6c: {  	_ =	shalt  }
0x6d: {  	_ =	shalt  }
0x6e: {  	_ =	shalt  }
0x6f: {  	_ =	shalt  }
0x70: {  	_ =	shalt  }
0x71: {  	_ =	shalt  }
0x72: {  	_ =	shalt  }
0x73: {  	_ =	shalt  }
0x74: {  	_ =	shalt  }
0x75: {  	_ =	shalt  }
0x76: {  	_ =	shalt  }
0x77: {  	_ =	shalt  }
0x78: {  	_ =	shalt  }
0x79: {  	_ =	shalt  }
0x7a: {  	_ =	shalt  }
0x7b: {  	_ =	shalt  }
0x7c: {  	_ =	shalt  }
0x7d: {  	_ =	shalt  }
0x7e: {  	_ =	shalt  }
0x7f: {  	_ =	shalt  }
0x80: {  	_ =	shalt  }
0x81: {  	_ =	shalt  }
0x82: {  	_ =	shalt  }
0x83: {  	_ =	shalt  }
0x84: {  	_ =	shalt  }
0x85: {  	_ =	shalt  }
0x86: {  	_ =	shalt  }
0x87: {  	_ =	shalt  }
.Lfunc_end0:
.L_simem_size_0:
called_computation.1_lowered:
.L_overlay_start_0:
0x88: {  	s2 =	sld [smem:$0x3FD9]  }
0x89: {  	s3 =	sld [smem:$0x3FFE];
	_ =	sdelay $0x1  }
0x8a: {  	s1 =	srdreg.scid  }
0x8b: {  	s0 =	sand.u32 $0x1, s1  }
0x8c: {  	s14 =	sshll.u32 s0, $0xA;
	s2 =	sadd.s32 s3, s2  }
0x8d: {  	s2 =	sadd.s32 s2, s14  }
0x8e: {  	[smem:$0x3FBA] =	sst s2  }
0x8f: {  	_ = 	snop  }
0x90: {  	s2 =	sld [smem:$0x3FD0];
	_ =	sdelay $0x2  }
0x91: {  	s15 =	simm.s32 $0xA;
	s4 =	simm.s32 $0x10  }
0x92: {  	[smem:s4], [sflag:s15] =	dma.local [hbm:s2], $0x1  }
0x93: {  	_ =	swait.eq [sflag:s15], $0x1  }
0x94: {  	[sflag:s15] =	ssyncset.done $0x0  }
0x95: {  	s16 =	sld [smem:$0x10];
	[sflag:s15] =	ssyncadd.s32 $0xFFFFFFFF  }
0x96: {  	s17 =	sld [smem:$0x11];
	(tm) =	ssettm $0x1  }
0x97: {  	s18 =	sld [smem:$0x3FFB];
	_ =	sdelay $0x3  }
0x98: {  	_ =	strace s18  }
0x99: {  	s4 =	sld [smem:$0x3FFC];
	_ =	sdelay $0x3  }
0x9a: {  	_ =	strace s4  }
0x9b: {  	s4 =	sld [smem:$0x3FFD];
	_ =	sdelay $0x3  }
0x9c: {  	_ =	strace s4  }
0x9d: {  	_ =	strace $0x8FFFFFFF  }
0x9e: {  	s19 =	sld [smem:$0x3FDB];
	_ =	sdelay $0x1  }
0x9f: {  	s5 =	simm.s32 $_scs_section_size  }
0xa0: {  	s6 =	simm.s32 $_size__tile_overlayer_lowered;
	s7 =	simm.s32 $_tile_overlayer_lowered  }
0xa1: {  	s22 =	simm.s32 $0x1BFF;
	s21 =	sshll.u32 s7, $0x1;
	s4 =	sadd.s32 s5, s19  }
0xa2: {  	s8 =	simm.s32 $0x0;
	s20 =	sshll.u32 s6, $0x1;
	s6 =	sadd.s32 s21, s4  }
0xa3: {  	[timem:s8], [sflag:s22] =	dma.local [hbm:s6], s20  }
0xa4: {  	_ =	swait.ge [sflag:s22], s20  }
0xa5: {  	s5 =	ssub.s32 $0x0, s20;
	[sflag:s22] =	ssyncset.done $0x0  }
0xa6: {  	[sflag:s22] =	ssyncadd.s32 s5;
	_ =	sdelay $0x1  }
0xa7: {  	s23 =	simm.s32 $0x1B8B  }
0xa8: {  	_ =	swait.ge [sflag:s23], $0x1  }
0xa9: {  	[sflag:s23] =	ssyncset.done $0x0  }
0xaa: {  	s25 =	simm.s32 $0x1B8E;
	s24 =	sld [smem:$0x3FFE];
	[sflag:s23] =	ssyncadd.s32 $0xFFFFFFFF  }
0xab: {  	s26 =	simm.s32 $execute0_lowered;
	[smem:$0x3FD2] =	sst s25  }
0xac: {  	s6 =	sshll.u32 s26, $0x1;
	_ =	strace $0x80000049;
	[dreg:$0x1] =	wrdreg $0xFFFFFFFF  }
0xad: {  	s28 =	simm.s32 $_size_execute0_lowered;
	s4 =	sadd.s32 s4, s6;
	[dreg:$0x0] =	wrdreg $0x0  }
0xae: {  	s6 =	sshll.u32 s28, $0x1;
	[dreg:$0x2] =	wrdreg s4  }
0xaf: {  	[dreg:$0x3] =	wrdreg s6  }
0xb0: {  	[dreg:$0x4] =	wrdreg $0xC0  }
0xb1: {  	_ =	task [dreg:s8], $0x5FFFF  }
0xb2: {  	[dreg:$0x1] =	wrdreg $0xFFFFFFFF  }
0xb3: {  	[dreg:$0x0] =	wrdreg $0x60  }
0xb4: {  	[dreg:$0x2] =	wrdreg s24  }
0xb5: {  	[dreg:$0x3] =	wrdreg s17  }
0xb6: {  	[dreg:$0x4] =	wrdreg s16  }
0xb7: {  	[dreg:$0x5] =	wrdreg $0xE4000  }
0xb8: {  	[dreg:$0x6] =	wrdreg $0x9  }
0xb9: {  	_ =	task.clear_ibuf [dreg:s8], $0x7FFFF;
	_ =	strace $0x90000049  }
0xba: {  	s29 =	simm.s32 $0x9;
	_ =	strace $0x8000004B  }
0xbb: {  	_ =	swait.ge [sflag:s29], $0x1  }
0xbc: {  	[sflag:s29] =	ssyncadd.s32 $0xFFFFFFFF  }
0xbd: {  	_ =	strace $0x9000004B  }
0xbe: {  	_ =	sfence  }
0xbf: {  	s30 =	sld [smem:$0x0];
	_ =	sdelay $0x2  }
0xc0: {  	s31 =	sshll.u32 s1, $0xD;
	s1 =	sshrl.u32 s1, $0x2  }
0xc1: {  	s3 =	sand.u32 $0x4000, s31;
	s1 =	sadd.s32 s1, s30  }
0xc2: {  	s0 =	sor.u32 s3, s0;
	s1 =	sshll.u32 s1, $0x11  }
0xc3: {  	s0 =	sor.u32 s1, s0  }
0xc4: {  	s0 =	sadd.s32 $0x8F2B, s0  }
0xc5: {  	[sflag:s0] =	ssyncadd.remote.s32 $0x1  }
0xc6: {  	_ =	sfence.sel $0xFFFF  }
0xc7: {  	[dreg:$0x0] =	wrdreg $0xFFFFFFFF;
	(pc) =	sbr.abs _section_cstart, $3  }
0xc8: {  	[dreg:$0x1] =	wrdreg $0xFFFFFFFF  }
0xc9: {  	_ =	task.clear_ibuf [dreg:s8], $0x2FFFF;
	_ =	strace $0x9FFFFFFF  }
0xca: {  	(tm) =	ssettm $0x7FFFFFFF  }
0xcb: {  	_ =	shalt  }
tec
execute0_lowered:
.L_overlay_start_1:
0x0: {  	(tag) =	ssettag $0x1  }
0x1: {  	s0 =	rddreg [dreg:$0x0]  }
0x2: {  	s1 =	rddreg [dreg:$0x1]  }
0x3: {  	s2 =	rddreg [dreg:$0x2]  }
0x4: {  	s4 =	rddreg [dreg:$0x3];
	s7 =	simm.s32 $0x0;
	s3 =	srdreg.scid  }
0x5: {  	s8 =	stileid.u32;
	s15 =	simm.s32 $0x7;
	s17 =	simm.s32 $0x9400  }
0x6: {  	s18 =	simm.s32 $0x80;
	s21 =	simm.s32 $0x6C00;
	s28 =	simm.s32 $0x5  }
0x7: {  	s29 =	simm.s32 $0xBC00;
	s30 =	simm.s32 $0x3;
	s31 =	simm.s32 $0x6  }
0x8: {  	s3 =	sand.u32 $0x1, s3;
	s5 =	sshll.u32 s8, $0x1;
	s6 =	smul.u32 $0xC3A0, s8  }
0x9: {  	[smem:$0x7FF] =	sst s7;
	s8 =	smul.u32 $0x30E80, s8;
	s5 =	sor.u32 s3, s5  }
0xa: {  	s23 =	smul.u32 $0xC3A00, s3;
	_ =	strace $0x8000004A;
	s3 =	ssub.s32 $0x2, s3  }
0xb: {  	s5 =	smul.u32 $0x540, s5;
	s9 =	sshrl.u32 s3, $0x1;
	s24 =	sshrl.u32 s8, $0x2  }
0xc: {  	s8 =	sadd.s32 s6, s4;
	s7 =	sadd.s32 s6, s23;
	s3 =	ssub.s32 s3, s9  }
0xd: {  	s26 =	sadd.s32 s24, s4;
	s23 =	simm.s32 $0x8C00;
	s24 =	simm.s32 $0x1  }
0xe: {  	s5 =	sadd.s32 s5, s0;
	s7 =	sshrl.u32 s7, $0x3;
	s9 =	sadd.s32 $0x2800, s26  }
.Ltmp0:
0xf: {  	s10 =	sadd.s32 $0x5000, s26;
	s11 =	sadd.s32 $0x7800, s26;
	(pc) =	sbr.rel .LBB2_1-.Ltmp0, $4  }
0x10: {  	s12 =	sadd.s32 $0xA000, s26;
	s14 =	smax.u32 s3, $0x1;
	s25 =	sadd.s32 $0x29E00, s5  }
0x11: {  	s26 =	simm.s32 $0x4;
	s5 =	sadd.s32 $0x1F600, s5;
	[dreg:$0x5] =	wrdreg s25  }
0x12: {  	s0 =	sadd.s32 s7, s0;
	s7 =	simm.s32 $0x2A00;
	[dreg:$0x6] =	wrdreg s5  }
0x13: {  	v0 =	vimm.f32 $0.0e+00;
	v1 =	vimm.s32 $0x1;
	s13 =	sadd.s32 $0x34600, s0;
	s25 =	simm.s32 $0x2;
	s0 =	simm.s32 $0x0  }
.LBB2_10:
0x14: {  	_ =	swait.ge [sflag:s30], $0x2800  }
0x15: {  	[sflag:s30] =	ssyncset.done $0x0  }
0x16: {  	[sflag:s30] =	ssyncadd.s32 $0xFFFFD800  }
0x17: {  	s3 =	stileid.u32;
	_ =	swait.ge [sflag:s31], $0x2800  }
0x18: {  	s5 =	sshrl.u32 s8, $0x3;
	s0 =	sadd.s32 $0x1, s0;
	[sflag:s31] =	ssyncset.done $0x0  }
0x19: {  	s3 =	sshll.u32 s3, $0x6;
	p0 =	sne.s32 s0, s14;
	[sflag:s31] =	ssyncadd.s32 $0xFFFFD800  }
.Ltmp1:
0x1a: {  	s3 =	sor.u32 $0x1C07, s3;
	[bflag:$0x0] =	sbarrier.arrive $0xFFFF;
	(pc) =	sbr.rel @!p0 .LBB2_11-.Ltmp1, $4  }
0x1b: {  	[hbm:s13], [sflag:s3] =	dma.local [spmem:s5], $0x1874  }
0x1c: {  	_ =	swait.ge [sflag:s15], $0x1874  }
0x1d: {  	[sflag:s15] =	ssyncset.done $0x0  }
0x1e: {  	s7 =	simm.s32 $0x2A00;
	[sflag:s15] =	ssyncadd.s32 $0xFFFFE78C  }
.LBB2_1:
0x1f: {  	s3 =	simm.s32 $0x0;
	s5 =	rddreg [dreg:$0x5]  }
0x20: {  	[tilespmem:s3], [sflag:$0x7] =	stream.linear.gather [hbm4b:s5+s3], $0x2A00, $0x38;
	[tilespmem:$0x1A7A0] =	vst v63  }
0x21: {  	_ =	swait.ge [sflag:s15], $0x2A00  }
0x22: {  	[sflag:s15] =	ssyncset.done $0x0  }
0x23: {  	s22 =	rddreg [dreg:$0x6];
	[sflag:s15] =	ssyncadd.s32 $0xFFFFD600  }
0x24: {  	[tilespmem:s7], [sflag:$0x7] =	stream.linear.gather [hbm4b:s22+s3], $0x2A00, $0x38;
	[tilespmem:$0x1A7A0] =	vst v63  }
0x25: {  	_ =	swait.ge [sflag:s15], $0x2A00  }
0x26: {  	[sflag:s15] =	ssyncset.done $0x0  }
0x27: {  	s5 =	simm.s32 $0x140;
	s3 =	simm.s32 $0x0;
	[sflag:s15] =	ssyncadd.s32 $0xFFFFD600  }
.LBB2_2:
0x28: {  	p0 =	sne.s32 s5, $0x9EC0;
	[tilespmem:s3+$0x9440] =	vst v0;
	s6 =	smov.u32 s5;
	s5 =	sadd.s32 $0x140, s5  }
.Ltmp2:
0x29: {  	[tilespmem:s3+$0x9430] =	vst v0;
	(pc) =	sbr.rel @p0 .LBB2_2-.Ltmp2, $4  }
0x2a: {  	[tilespmem:s3+$0x9420] =	vst v0  }
0x2b: {  	[tilespmem:s3+$0x9400] =	vst v0  }
0x2c: {  	[tilespmem:s3+$0x9410] =	vst v0  }
0x2d: {  	s3 =	sshra.s32 s6, $0x2  }
0x2e: {  	[tilespmem:s3+$0x9440] =	vst v0  }
0x2f: {  	[tilespmem:s3+$0x9430] =	vst v0  }
0x30: {  	[tilespmem:s3+$0x9420] =	vst v0  }
0x31: {  	[tilespmem:s3+$0x9400] =	vst v0  }
0x32: {  	[tilespmem:s3+$0x9410] =	vst v0  }
0x33: {  	[spmem:s8] =	stream.linear.scatter [tilespmem:s17], [sflag:$0x7], $0x2800, $0x38;
	[tilespmem:$0x1A7A0] =	vst v63  }
0x34: {  	_ =	swait.ge [sflag:s15], $0x2800  }
0x35: {  	[sflag:s15] =	ssyncset.done $0x0  }
0x36: {  	[sflag:s15] =	ssyncadd.s32 $0xFFFFD800  }
0x37: {  	[spmem:s9] =	stream.linear.scatter [tilespmem:s17], [sflag:$0x7], $0x2800, $0x38;
	[tilespmem:$0x1A7A0] =	vst v63  }
0x38: {  	_ =	swait.ge [sflag:s15], $0x2800  }
0x39: {  	[sflag:s15] =	ssyncset.done $0x0  }
0x3a: {  	[sflag:s15] =	ssyncadd.s32 $0xFFFFD800  }
0x3b: {  	[spmem:s10] =	stream.linear.scatter [tilespmem:s17], [sflag:$0x7], $0x2800, $0x38;
	[tilespmem:$0x1A7A0] =	vst v63  }
0x3c: {  	_ =	swait.ge [sflag:s15], $0x2800  }
0x3d: {  	[sflag:s15] =	ssyncset.done $0x0  }
0x3e: {  	[sflag:s15] =	ssyncadd.s32 $0xFFFFD800  }
0x3f: {  	[spmem:s11] =	stream.linear.scatter [tilespmem:s17], [sflag:$0x7], $0x2800, $0x38;
	[tilespmem:$0x1A7A0] =	vst v63  }
0x40: {  	_ =	swait.ge [sflag:s15], $0x2800  }
0x41: {  	[sflag:s15] =	ssyncset.done $0x0  }
0x42: {  	[sflag:s15] =	ssyncadd.s32 $0xFFFFD800  }
0x43: {  	[spmem:s12] =	stream.linear.scatter [tilespmem:s17], [sflag:$0x7], $0x23A0, $0x38;
	[tilespmem:$0x1A7A0] =	vst v63  }
0x44: {  	_ =	swait.ge [sflag:s15], $0x23A0  }
0x45: {  	[sflag:s15] =	ssyncset.done $0x0  }
0x46: {  	[sflag:s15] =	ssyncadd.s32 $0xFFFFDC60  }
0x47: {  	s19 =	simm.s32 $0x0;
	s16 =	simm.s32 $0x5400;
	[bflag:$0x0] =	sbarrier.arrive $0xFFFF  }
0x48: {  	[tilespmem:s16], [sflag:$0x1] =	stream.indirect.gather [hbm4b:s1+s18], $0x30, s19, s18, $0xb8;
	[tilespmem:$0x1A7A0] =	vst v63  }
0x49: {  	s20 =	simm.s32 $0x8400  }
0x4a: {  	[tilespmem:s20], [sflag:$0x2] =	stream.indirect.gather [hbm4b:s2+s18], $0x10, s7, s18, $0xb8;
	[tilespmem:$0x1A7A0] =	vst v63  }
0x4b: {  	_ = 	snop  }
0x4c: {  	[tilespmem:s21], [sflag:$0x4] =	stream.indirect.gather [hbm4b:s1+s18], $0x30, s18, s18, $0xb8;
	[tilespmem:$0x1A7A0] =	vst v63  }
0x4d: {  	s22 =	simm.s32 $0x2A80  }
0x4e: {  	[tilespmem:s23], [sflag:$0x5] =	stream.indirect.gather [hbm4b:s2+s18], $0x10, s22, s18, $0xb8;
	[tilespmem:$0x1A7A0] =	vst v63  }
.LBB2_4:
0x4f: {  	_ =	swait.ge [sflag:s24], $0x1800  }
0x50: {  	[sflag:s24] =	ssyncset.done $0x0  }
0x51: {  	[sflag:s24] =	ssyncadd.s32 $0xFFFFE800  }
0x52: {  	_ =	swait.ge [sflag:s25], $0x800  }
0x53: {  	p0 =	seq.s32 s19, $0x0;
	[sflag:s25] =	ssyncset.done $0x0  }
0x54: {  	s3 =	simm.s32 @!p0 $0x3;
	[sflag:s25] =	ssyncadd.s32 $0xFFFFF800  }
0x55: {  	_ =	swait.ge @!p0 [sflag:s3], $0x2800  }
0x56: {  	[sflag:s3] =	ssyncset.done @!p0 $0x0  }
0x57: {  	s5 =	simm.s32 $0x5460;
	[sflag:s3] =	ssyncadd.s32 @!p0 $0xFFFFD800  }
0x58: {  	s22 =	simm.s32 $0x8420;
	v2 =	vld [tilespmem:s5+$0xFFFFFFC0]  }
0x59: {  	v3 =	vld [tilespmem:s22+$0xFFFFFFE0];
	_ =	sdelay $0x3  }
0x5a: {  	v2 =	vshll.u32 v2, $0x10  }
0x5b: {  	v3 =	vadd.f32 v2, v3;
	_ =	sdelay $0x1  }
0x5c: {  	v4 =	vmul.f32 $2.000000030e-01, v3  }
0x5d: {  	vm0 =	vgt.f32 v3, $0.0e+00  }
0x5e: {  	v3 =	vsel vm0, v3, v4  }
0x5f: {  	v3 =	vmul.f32 $1.442695020e+00, v3;
	_ =	sdelay $0x1  }
0x60: {  	(erf) = vpow2.f32 v3;
	_ =	sdelay $0x6  }
0x61: {  	v3 =	vld [tilespmem:s5+$0xFFFFFFB0]  }
0x62: {  	v4 =	vld [tilespmem:s5+$0xFFFFFFA0]  }
0x63: {  	v5 =	vpop (erf)  }
0x64: {  	v5 =	vperm.xlane v5, v1;
	_ =	sdelay $0x1  }
0x65: {  	v6 =	vand.u32 $0xFFFF0000, v3;
	v2 =	vmul.f32 v2, v5  }
0x66: {  	s3 =	simm.s32 $0x94A0;
	v7 =	vshll.u32 v4, $0x10;
	v6 =	vmul.f32 v6, v5  }
0x67: {  	v3 =	vshll.u32 v3, $0x10;
	v7 =	vmul.f32 v7, v5;
	[tilespmem:s3+$0xFFFFFFA0] =	vst v2  }
0x68: {  	v3 =	vmul.f32 v3, v5;
	v2 =	vand.u32 $0xFFFF0000, v4;
	[tilespmem:s3+$0xFFFFFF90] =	vst v6  }
0x69: {  	[tilespmem:s3+$0xFFFFFF60] =	vst v7;
	v2 =	vmul.f32 v2, v5  }
0x6a: {  	[tilespmem:s3+$0xFFFFFF80] =	vst v3  }
0x6b: {  	[tilespmem:s3+$0xFFFFFF70] =	vst v2  }
0x6c: {  	v2 =	vld [tilespmem:s5+$0xFFFFFFF0]  }
0x6d: {  	v3 =	vld [tilespmem:s22+$0xFFFFFFF0];
	_ =	sdelay $0x3  }
0x6e: {  	v2 =	vshll.u32 v2, $0x10  }
0x6f: {  	v3 =	vadd.f32 v2, v3;
	_ =	sdelay $0x1  }
0x70: {  	v4 =	vmul.f32 $2.000000030e-01, v3  }
0x71: {  	vm13 =	vgt.f32 v3, $0.0e+00  }
0x72: {  	v3 =	vsel vm13, v3, v4  }
0x73: {  	v3 =	vmul.f32 $1.442695020e+00, v3;
	_ =	sdelay $0x1  }
0x74: {  	(erf) = vpow2.f32 v3;
	_ =	sdelay $0x6  }
0x75: {  	v3 =	vld [tilespmem:s5+$0xFFFFFFD0]  }
0x76: {  	v4 =	vld [tilespmem:s5+$0xFFFFFFE0]  }
0x77: {  	v5 =	vpop (erf)  }
0x78: {  	v5 =	vperm.xlane v5, v1;
	_ =	sdelay $0x1  }
0x79: {  	v6 =	vshll.u32 v3, $0x10;
	v2 =	vmul.f32 v2, v5  }
0x7a: {  	v7 =	vand.u32 $0xFFFF0000, v4;
	v4 =	vshll.u32 v4, $0x10;
	v6 =	vmul.f32 v6, v5  }
0x7b: {  	v3 =	vand.u32 $0xFFFF0000, v3;
	v4 =	vmul.f32 v4, v5;
	[tilespmem:s3+$0xFFFFFFF0] =	vst v2  }
0x7c: {  	v3 =	vmul.f32 v3, v5;
	[tilespmem:s3+$0xFFFFFFB0] =	vst v6  }
0x7d: {  	v2 =	vmul.f32 v7, v5;
	[tilespmem:s3+$0xFFFFFFD0] =	vst v4  }
0x7e: {  	[tilespmem:s3+$0xFFFFFFC0] =	vst v3  }
0x7f: {  	[tilespmem:s3+$0xFFFFFFE0] =	vst v2  }
0x80: {  	v2 =	vld [tilespmem:s5+$0x20]  }
0x81: {  	v3 =	vld [tilespmem:s22+$0x0];
	_ =	sdelay $0x3  }
0x82: {  	v2 =	vshll.u32 v2, $0x10  }
0x83: {  	v3 =	vadd.f32 v2, v3;
	_ =	sdelay $0x1  }
0x84: {  	v4 =	vmul.f32 $2.000000030e-01, v3  }
0x85: {  	vm14 =	vgt.f32 v3, $0.0e+00  }
0x86: {  	v3 =	vsel vm14, v3, v4  }
0x87: {  	v3 =	vmul.f32 $1.442695020e+00, v3;
	_ =	sdelay $0x1  }
0x88: {  	(erf) = vpow2.f32 v3;
	_ =	sdelay $0x6  }
0x89: {  	v3 =	vld [tilespmem:s5+$0x0];
	_ =	sdelay $0x1  }
0x8a: {  	v4 =	vld [tilespmem:s5+$0x10];
	v5 =	vpop (erf)  }
0x8b: {  	v5 =	vperm.xlane v5, v1;
	_ =	sdelay $0x1  }
0x8c: {  	v6 =	vand.u32 $0xFFFF0000, v3;
	v2 =	vmul.f32 v2, v5  }
0x8d: {  	v3 =	vshll.u32 v3, $0x10;
	v6 =	vmul.f32 v6, v5  }
0x8e: {  	v7 =	vand.u32 $0xFFFF0000, v4;
	[tilespmem:s3+$0x40] =	vst v2;
	v2 =	vmul.f32 v3, v5  }
0x8f: {  	v3 =	vshll.u32 v4, $0x10;
	v4 =	vmul.f32 v7, v5;
	[tilespmem:s3+$0x10] =	vst v6  }
0x90: {  	v3 =	vmul.f32 v3, v5;
	[tilespmem:s3+$0x0] =	vst v2  }
0x91: {  	[tilespmem:s3+$0x30] =	vst v4  }
0x92: {  	[tilespmem:s3+$0x20] =	vst v3  }
0x93: {  	v2 =	vld [tilespmem:s5+$0x50]  }
0x94: {  	v3 =	vld [tilespmem:s22+$0x10];
	_ =	sdelay $0x3  }
0x95: {  	v4 =	vshll.u32 v2, $0x10  }
0x96: {  	v2 =	vadd.f32 v4, v3;
	_ =	sdelay $0x1  }
0x97: {  	v3 =	vmul.f32 $2.000000030e-01, v2  }
0x98: {  	vm15 =	vgt.f32 v2, $0.0e+00  }
0x99: {  	v2 =	vsel vm15, v2, v3  }
0x9a: {  	v5 =	vmul.f32 $1.442695020e+00, v2;
	_ =	sdelay $0x1  }
0x9b: {  	s20 =	sshll.u32 s19, $0x8;
	v3 =	vld [tilespmem:s5+$0x30];
	(erf) = vpow2.f32 v5  }
0x9c: {  	s16 =	simm.s32 $0x0;
	s6 =	simm.s32 $0x5520;
	v2 =	vld [tilespmem:s5+$0x40];
	s5 =	simm.s32 $0x94A0  }
.LBB2_5:
0x9d: {  	s16 =	sadd.s32 $0x4, s16;
	s3 =	sadd.s32 $0x140, s3;
	s22 =	sadd.s32 $0x40, s22  }
0x9e: {  	p1 =	slt.u32 s16, $0x7C;
	_ =	sdelay $0x5  }
0x9f: {  	v5 =	vpop (erf)  }
0xa0: {  	v5 =	vperm.xlane v5, v1  }
0xa1: {  	v6 =	vshll.u32 v3, $0x10;
	v7 =	vshll.u32 v2, $0x10  }
0xa2: {  	v3 =	vand.u32 $0xFFFF0000, v3;
	v4 =	vmul.f32 v4, v5;
	v6 =	vmul.f32 v6, v5  }
0xa3: {  	v2 =	vand.u32 $0xFFFF0000, v2;
	v3 =	vmul.f32 v3, v5;
	v7 =	vmul.f32 v7, v5  }
0xa4: {  	v2 =	vmul.f32 v2, v5;
	[tilespmem:s5+$0x90] =	vst v4  }
0xa5: {  	[tilespmem:s5+$0x50] =	vst v6  }
0xa6: {  	[tilespmem:s5+$0x80] =	vst v2  }
0xa7: {  	[tilespmem:s5+$0x60] =	vst v3  }
0xa8: {  	[tilespmem:s5+$0x70] =	vst v7;
	s5 =	smov.u32 s3  }
0xa9: {  	v2 =	vld [tilespmem:s6+$0xFFFFFFC0]  }
0xaa: {  	v3 =	vld [tilespmem:s22+$0xFFFFFFE0];
	_ =	sdelay $0x3  }
0xab: {  	v2 =	vshll.u32 v2, $0x10  }
0xac: {  	v3 =	vadd.f32 v2, v3;
	_ =	sdelay $0x1  }
0xad: {  	v4 =	vmul.f32 $2.000000030e-01, v3  }
0xae: {  	vm0 =	vgt.f32 v3, $0.0e+00  }
0xaf: {  	v3 =	vsel vm0, v3, v4  }
0xb0: {  	v3 =	vmul.f32 $1.442695020e+00, v3;
	_ =	sdelay $0x1  }
0xb1: {  	(erf) = vpow2.f32 v3;
	_ =	sdelay $0x4  }
0xb2: {  	v3 =	vld [tilespmem:s6+$0xFFFFFFA0]  }
0xb3: {  	v4 =	vld [tilespmem:s6+$0xFFFFFFB0];
	_ =	sdelay $0x2  }
0xb4: {  	v5 =	vpop (erf)  }
0xb5: {  	v5 =	vperm.xlane v5, v1  }
0xb6: {  	v6 =	vand.u32 $0xFFFF0000, v3;
	v7 =	vand.u32 $0xFFFF0000, v4  }
0xb7: {  	v3 =	vshll.u32 v3, $0x10;
	v2 =	vmul.f32 v2, v5;
	v7 =	vmul.f32 v7, v5  }
0xb8: {  	v4 =	vshll.u32 v4, $0x10;
	v3 =	vmul.f32 v3, v5;
	v6 =	vmul.f32 v6, v5  }
0xb9: {  	[tilespmem:s3+$0xFFFFFFA0] =	vst v2;
	v2 =	vmul.f32 v4, v5  }
0xba: {  	[tilespmem:s3+$0xFFFFFF90] =	vst v7  }
0xbb: {  	[tilespmem:s3+$0xFFFFFF60] =	vst v3  }
0xbc: {  	[tilespmem:s3+$0xFFFFFF80] =	vst v2  }
0xbd: {  	[tilespmem:s3+$0xFFFFFF70] =	vst v6  }
0xbe: {  	v2 =	vld [tilespmem:s6+$0xFFFFFFF0]  }
0xbf: {  	v3 =	vld [tilespmem:s22+$0xFFFFFFF0];
	_ =	sdelay $0x3  }
0xc0: {  	v2 =	vshll.u32 v2, $0x10  }
0xc1: {  	v3 =	vadd.f32 v2, v3;
	_ =	sdelay $0x1  }
0xc2: {  	v4 =	vmul.f32 $2.000000030e-01, v3  }
0xc3: {  	vm0 =	vgt.f32 v3, $0.0e+00  }
0xc4: {  	v3 =	vsel vm0, v3, v4  }
0xc5: {  	v3 =	vmul.f32 $1.442695020e+00, v3;
	_ =	sdelay $0x1  }
0xc6: {  	(erf) = vpow2.f32 v3;
	_ =	sdelay $0x5  }
0xc7: {  	v3 =	vld [tilespmem:s6+$0xFFFFFFD0]  }
0xc8: {  	v4 =	vld [tilespmem:s6+$0xFFFFFFE0];
	_ =	sdelay $0x1  }
0xc9: {  	v5 =	vpop (erf)  }
0xca: {  	v5 =	vperm.xlane v5, v1  }
0xcb: {  	v6 =	vshll.u32 v3, $0x10;
	v3 =	vand.u32 $0xFFFF0000, v3  }
0xcc: {  	v7 =	vshll.u32 v4, $0x10;
	v2 =	vmul.f32 v2, v5;
	v6 =	vmul.f32 v6, v5  }
0xcd: {  	v4 =	vand.u32 $0xFFFF0000, v4;
	v3 =	vmul.f32 v3, v5;
	v7 =	vmul.f32 v7, v5  }
0xce: {  	[tilespmem:s3+$0xFFFFFFF0] =	vst v2;
	v2 =	vmul.f32 v4, v5  }
0xcf: {  	[tilespmem:s3+$0xFFFFFFB0] =	vst v6  }
0xd0: {  	[tilespmem:s3+$0xFFFFFFE0] =	vst v2  }
0xd1: {  	[tilespmem:s3+$0xFFFFFFD0] =	vst v7  }
0xd2: {  	[tilespmem:s3+$0xFFFFFFC0] =	vst v3  }
0xd3: {  	v2 =	vld [tilespmem:s6+$0x20]  }
0xd4: {  	v3 =	vld [tilespmem:s22+$0x0];
	_ =	sdelay $0x3  }
0xd5: {  	v2 =	vshll.u32 v2, $0x10  }
0xd6: {  	v3 =	vadd.f32 v2, v3;
	_ =	sdelay $0x1  }
0xd7: {  	v4 =	vmul.f32 $2.000000030e-01, v3  }
0xd8: {  	vm0 =	vgt.f32 v3, $0.0e+00  }
0xd9: {  	v3 =	vsel vm0, v3, v4  }
0xda: {  	v3 =	vmul.f32 $1.442695020e+00, v3;
	_ =	sdelay $0x1  }
0xdb: {  	(erf) = vpow2.f32 v3;
	_ =	sdelay $0x5  }
0xdc: {  	v3 =	vld [tilespmem:s6+$0x10]  }
0xdd: {  	v4 =	vld [tilespmem:s6+$0x0];
	_ =	sdelay $0x1  }
0xde: {  	v5 =	vpop (erf)  }
0xdf: {  	v5 =	vperm.xlane v5, v1  }
0xe0: {  	v6 =	vshll.u32 v3, $0x10;
	v3 =	vand.u32 $0xFFFF0000, v3  }
0xe1: {  	v7 =	vand.u32 $0xFFFF0000, v4;
	v2 =	vmul.f32 v2, v5;
	v3 =	vmul.f32 v3, v5  }
0xe2: {  	v4 =	vshll.u32 v4, $0x10;
	v6 =	vmul.f32 v6, v5;
	v7 =	vmul.f32 v7, v5  }
0xe3: {  	[tilespmem:s3+$0x40] =	vst v2;
	v2 =	vmul.f32 v4, v5  }
0xe4: {  	[tilespmem:s3+$0x10] =	vst v7  }
0xe5: {  	[tilespmem:s3+$0x0] =	vst v2  }
0xe6: {  	[tilespmem:s3+$0x30] =	vst v3  }
0xe7: {  	[tilespmem:s3+$0x20] =	vst v6  }
0xe8: {  	v4 =	vld [tilespmem:s6+$0x50]  }
0xe9: {  	v5 =	vld [tilespmem:s22+$0x10]  }
0xea: {  	v3 =	vld [tilespmem:s6+$0x30]  }
0xeb: {  	v2 =	vld [tilespmem:s6+$0x40];
	_ =	sdelay $0x1  }
0xec: {  	v4 =	vshll.u32 v4, $0x10  }
0xed: {  	v5 =	vadd.f32 v4, v5;
	_ =	sdelay $0x1  }
0xee: {  	v6 =	vmul.f32 $2.000000030e-01, v5  }
0xef: {  	vm0 =	vgt.f32 v5, $0.0e+00  }
.Ltmp3:
0xf0: {  	v5 =	vsel vm0, v5, v6;
	(pc) =	sbr.rel @p1 .LBB2_5-.Ltmp3, $3  }
0xf1: {  	v5 =	vmul.f32 $1.442695020e+00, v5;
	_ =	sdelay $0x1  }
0xf2: {  	(erf) = vpow2.f32 v5  }
0xf3: {  	s6 =	sadd.s32 $0xC0, s6  }
0xf4: {  	_ =	sdelay $0x6  }
0xf5: {  	v5 =	vpop (erf)  }
0xf6: {  	v5 =	vperm.xlane v5, v1;
	_ =	sdelay $0x1  }
0xf7: {  	v6 =	vshll.u32 v3, $0x10;
	v4 =	vmul.f32 v4, v5  }
0xf8: {  	v3 =	vand.u32 $0xFFFF0000, v3;
	v6 =	vmul.f32 v6, v5  }
0xf9: {  	v7 =	vand.u32 $0xFFFF0000, v2;
	v2 =	vshll.u32 v2, $0x10;
	v3 =	vmul.f32 v3, v5;
	[tilespmem:s5+$0x90] =	vst v4  }
0xfa: {  	v2 =	vmul.f32 v2, v5;
	[tilespmem:s5+$0x50] =	vst v6  }
0xfb: {  	v4 =	vmul.f32 v7, v5;
	[tilespmem:s5+$0x60] =	vst v3  }
0xfc: {  	s22 =	sand.u32 $0x3FFFFF00, s20;
	[tilespmem:s5+$0x70] =	vst v2  }
0xfd: {  	p1 =	seq.s32 s19, $0x29;
	s3 =	sadd.s32 $0x2A00, s22;
	[tilespmem:s5+$0x80] =	vst v4  }
0xfe: {  	[spmem:s4] =	stream.indirect.scatter.add.f32 [tilespmem:s17], [sflag:$0x3], $0x50, s3, s18, $0xb8;
	[tilespmem:$0x1A7A0] =	vst v63  }
0xff: {  	s6 =	simm.s32 @!p1 $0x5400;
	s5 =	simm.s32 @!p1 $0x80;
	s3 =	sadd.s32 @!p1 $0x100, s20  }
0x100: {  	[tilespmem:s6], [sflag:$0x1] =	stream.indirect.gather @!p1 [hbm4b:s1+s5], $0x30, s3, s5, $0xb8;
	[tilespmem:$0x1A7A0] =	vst v63  }
0x101: {  	s3 =	sadd.s32 @!p1 $0x2B00, s20;
	s6 =	simm.s32 @!p1 $0x8400  }
0x102: {  	[tilespmem:s6], [sflag:$0x2] =	stream.indirect.gather @!p1 [hbm4b:s2+s5], $0x10, s3, s5, $0xb8;
	[tilespmem:$0x1A7A0] =	vst v63  }
0x103: {  	_ =	swait.ge [sflag:s26], $0x1800  }
0x104: {  	[sflag:s26] =	ssyncset.done $0x0  }
0x105: {  	[sflag:s26] =	ssyncadd.s32 $0xFFFFE800  }
0x106: {  	_ =	swait.ge [sflag:s28], $0x800  }
0x107: {  	[sflag:s28] =	ssyncset.done $0x0  }
0x108: {  	s3 =	simm.s32 @!p0 $0x6;
	[sflag:s28] =	ssyncadd.s32 $0xFFFFF800  }
0x109: {  	_ =	swait.ge @!p0 [sflag:s3], $0x2800  }
0x10a: {  	[sflag:s3] =	ssyncset.done @!p0 $0x0  }
0x10b: {  	s7 =	simm.s32 $0x6C60;
	[sflag:s3] =	ssyncadd.s32 @!p0 $0xFFFFD800  }
0x10c: {  	s3 =	simm.s32 $0x8C20;
	v2 =	vld [tilespmem:s7+$0xFFFFFFC0]  }
0x10d: {  	v3 =	vld [tilespmem:s3+$0xFFFFFFE0];
	_ =	sdelay $0x3  }
0x10e: {  	v2 =	vshll.u32 v2, $0x10  }
0x10f: {  	v3 =	vadd.f32 v2, v3;
	_ =	sdelay $0x1  }
0x110: {  	v4 =	vmul.f32 $2.000000030e-01, v3  }
0x111: {  	vm0 =	vgt.f32 v3, $0.0e+00  }
0x112: {  	v3 =	vsel vm0, v3, v4  }
0x113: {  	v3 =	vmul.f32 $1.442695020e+00, v3;
	_ =	sdelay $0x1  }
0x114: {  	(erf) = vpow2.f32 v3;
	_ =	sdelay $0x6  }
0x115: {  	v3 =	vld [tilespmem:s7+$0xFFFFFFB0]  }
0x116: {  	v4 =	vld [tilespmem:s7+$0xFFFFFFA0]  }
0x117: {  	v5 =	vpop (erf)  }
0x118: {  	v5 =	vperm.xlane v5, v1;
	_ =	sdelay $0x1  }
0x119: {  	v6 =	vand.u32 $0xFFFF0000, v3;
	v2 =	vmul.f32 v2, v5  }
0x11a: {  	s5 =	simm.s32 $0xBCA0;
	v7 =	vshll.u32 v4, $0x10;
	v6 =	vmul.f32 v6, v5  }
0x11b: {  	v3 =	vshll.u32 v3, $0x10;
	v7 =	vmul.f32 v7, v5;
	[tilespmem:s5+$0xFFFFFFA0] =	vst v2  }
0x11c: {  	v3 =	vmul.f32 v3, v5;
	v2 =	vand.u32 $0xFFFF0000, v4;
	[tilespmem:s5+$0xFFFFFF90] =	vst v6  }
0x11d: {  	[tilespmem:s5+$0xFFFFFF60] =	vst v7;
	v2 =	vmul.f32 v2, v5  }
0x11e: {  	[tilespmem:s5+$0xFFFFFF80] =	vst v3  }
0x11f: {  	[tilespmem:s5+$0xFFFFFF70] =	vst v2  }
0x120: {  	v2 =	vld [tilespmem:s7+$0xFFFFFFF0]  }
0x121: {  	v3 =	vld [tilespmem:s3+$0xFFFFFFF0];
	_ =	sdelay $0x3  }
0x122: {  	v2 =	vshll.u32 v2, $0x10  }
0x123: {  	v3 =	vadd.f32 v2, v3;
	_ =	sdelay $0x1  }
0x124: {  	v4 =	vmul.f32 $2.000000030e-01, v3  }
0x125: {  	vm13 =	vgt.f32 v3, $0.0e+00  }
0x126: {  	v3 =	vsel vm13, v3, v4  }
0x127: {  	v3 =	vmul.f32 $1.442695020e+00, v3;
	_ =	sdelay $0x1  }
0x128: {  	(erf) = vpow2.f32 v3;
	_ =	sdelay $0x6  }
0x129: {  	v3 =	vld [tilespmem:s7+$0xFFFFFFD0]  }
0x12a: {  	v4 =	vld [tilespmem:s7+$0xFFFFFFE0]  }
0x12b: {  	v5 =	vpop (erf)  }
0x12c: {  	v5 =	vperm.xlane v5, v1;
	_ =	sdelay $0x1  }
0x12d: {  	v6 =	vshll.u32 v3, $0x10;
	v2 =	vmul.f32 v2, v5  }
0x12e: {  	v7 =	vand.u32 $0xFFFF0000, v4;
	v4 =	vshll.u32 v4, $0x10;
	v6 =	vmul.f32 v6, v5  }
0x12f: {  	v3 =	vand.u32 $0xFFFF0000, v3;
	v4 =	vmul.f32 v4, v5;
	[tilespmem:s5+$0xFFFFFFF0] =	vst v2  }
0x130: {  	v3 =	vmul.f32 v3, v5;
	[tilespmem:s5+$0xFFFFFFB0] =	vst v6  }
0x131: {  	v2 =	vmul.f32 v7, v5;
	[tilespmem:s5+$0xFFFFFFD0] =	vst v4  }
0x132: {  	[tilespmem:s5+$0xFFFFFFC0] =	vst v3  }
0x133: {  	[tilespmem:s5+$0xFFFFFFE0] =	vst v2  }
0x134: {  	v2 =	vld [tilespmem:s7+$0x20]  }
0x135: {  	v3 =	vld [tilespmem:s3+$0x0];
	_ =	sdelay $0x3  }
0x136: {  	v2 =	vshll.u32 v2, $0x10  }
0x137: {  	v3 =	vadd.f32 v2, v3;
	_ =	sdelay $0x1  }
0x138: {  	v4 =	vmul.f32 $2.000000030e-01, v3  }
0x139: {  	vm14 =	vgt.f32 v3, $0.0e+00  }
0x13a: {  	v3 =	vsel vm14, v3, v4  }
0x13b: {  	v3 =	vmul.f32 $1.442695020e+00, v3;
	_ =	sdelay $0x1  }
0x13c: {  	(erf) = vpow2.f32 v3;
	_ =	sdelay $0x6  }
0x13d: {  	v3 =	vld [tilespmem:s7+$0x0];
	_ =	sdelay $0x1  }
0x13e: {  	v4 =	vld [tilespmem:s7+$0x10];
	v5 =	vpop (erf)  }
0x13f: {  	v5 =	vperm.xlane v5, v1;
	_ =	sdelay $0x1  }
0x140: {  	v6 =	vand.u32 $0xFFFF0000, v3;
	v2 =	vmul.f32 v2, v5  }
0x141: {  	v3 =	vshll.u32 v3, $0x10;
	v6 =	vmul.f32 v6, v5  }
0x142: {  	v7 =	vand.u32 $0xFFFF0000, v4;
	[tilespmem:s5+$0x40] =	vst v2;
	v2 =	vmul.f32 v3, v5  }
0x143: {  	v3 =	vshll.u32 v4, $0x10;
	v4 =	vmul.f32 v7, v5;
	[tilespmem:s5+$0x10] =	vst v6  }
0x144: {  	v3 =	vmul.f32 v3, v5;
	[tilespmem:s5+$0x0] =	vst v2  }
0x145: {  	[tilespmem:s5+$0x30] =	vst v4  }
0x146: {  	[tilespmem:s5+$0x20] =	vst v3  }
0x147: {  	v2 =	vld [tilespmem:s7+$0x50]  }
0x148: {  	v3 =	vld [tilespmem:s3+$0x10];
	_ =	sdelay $0x3  }
0x149: {  	v4 =	vshll.u32 v2, $0x10  }
0x14a: {  	v2 =	vadd.f32 v4, v3;
	_ =	sdelay $0x1  }
0x14b: {  	v3 =	vmul.f32 $2.000000030e-01, v2  }
0x14c: {  	vm15 =	vgt.f32 v2, $0.0e+00  }
0x14d: {  	v2 =	vsel vm15, v2, v3  }
0x14e: {  	v5 =	vmul.f32 $1.442695020e+00, v2;
	_ =	sdelay $0x1  }
0x14f: {  	v3 =	vld [tilespmem:s7+$0x30];
	(erf) = vpow2.f32 v5  }
0x150: {  	s16 =	simm.s32 $0xBCA0;
	s6 =	simm.s32 $0x0;
	v2 =	vld [tilespmem:s7+$0x40];
	s7 =	simm.s32 $0x6D20  }
.LBB2_7:
0x151: {  	s6 =	sadd.s32 $0x4, s6;
	s5 =	sadd.s32 $0x140, s5;
	s3 =	sadd.s32 $0x40, s3  }
0x152: {  	p0 =	slt.u32 s6, $0x7C;
	_ =	sdelay $0x5  }
0x153: {  	v5 =	vpop (erf)  }
0x154: {  	v5 =	vperm.xlane v5, v1  }
0x155: {  	v6 =	vshll.u32 v3, $0x10;
	v7 =	vshll.u32 v2, $0x10  }
0x156: {  	v3 =	vand.u32 $0xFFFF0000, v3;
	v4 =	vmul.f32 v4, v5;
	v6 =	vmul.f32 v6, v5  }
0x157: {  	v2 =	vand.u32 $0xFFFF0000, v2;
	v3 =	vmul.f32 v3, v5;
	v7 =	vmul.f32 v7, v5  }
0x158: {  	v2 =	vmul.f32 v2, v5;
	[tilespmem:s16+$0x90] =	vst v4  }
0x159: {  	[tilespmem:s16+$0x50] =	vst v6  }
0x15a: {  	[tilespmem:s16+$0x80] =	vst v2  }
0x15b: {  	[tilespmem:s16+$0x60] =	vst v3  }
0x15c: {  	[tilespmem:s16+$0x70] =	vst v7;
	s16 =	smov.u32 s5  }
0x15d: {  	v2 =	vld [tilespmem:s7+$0xFFFFFFC0]  }
0x15e: {  	v3 =	vld [tilespmem:s3+$0xFFFFFFE0];
	_ =	sdelay $0x3  }
0x15f: {  	v2 =	vshll.u32 v2, $0x10  }
0x160: {  	v3 =	vadd.f32 v2, v3;
	_ =	sdelay $0x1  }
0x161: {  	v4 =	vmul.f32 $2.000000030e-01, v3  }
0x162: {  	vm0 =	vgt.f32 v3, $0.0e+00  }
0x163: {  	v3 =	vsel vm0, v3, v4  }
0x164: {  	v3 =	vmul.f32 $1.442695020e+00, v3;
	_ =	sdelay $0x1  }
0x165: {  	(erf) = vpow2.f32 v3;
	_ =	sdelay $0x4  }
0x166: {  	v3 =	vld [tilespmem:s7+$0xFFFFFFA0]  }
0x167: {  	v4 =	vld [tilespmem:s7+$0xFFFFFFB0];
	_ =	sdelay $0x2  }
0x168: {  	v5 =	vpop (erf)  }
0x169: {  	v5 =	vperm.xlane v5, v1  }
0x16a: {  	v6 =	vand.u32 $0xFFFF0000, v3;
	v7 =	vand.u32 $0xFFFF0000, v4  }
0x16b: {  	v3 =	vshll.u32 v3, $0x10;
	v2 =	vmul.f32 v2, v5;
	v7 =	vmul.f32 v7, v5  }
0x16c: {  	v4 =	vshll.u32 v4, $0x10;
	v3 =	vmul.f32 v3, v5;
	v6 =	vmul.f32 v6, v5  }
0x16d: {  	[tilespmem:s5+$0xFFFFFFA0] =	vst v2;
	v2 =	vmul.f32 v4, v5  }
0x16e: {  	[tilespmem:s5+$0xFFFFFF90] =	vst v7  }
0x16f: {  	[tilespmem:s5+$0xFFFFFF60] =	vst v3  }
0x170: {  	[tilespmem:s5+$0xFFFFFF80] =	vst v2  }
0x171: {  	[tilespmem:s5+$0xFFFFFF70] =	vst v6  }
0x172: {  	v2 =	vld [tilespmem:s7+$0xFFFFFFF0]  }
0x173: {  	v3 =	vld [tilespmem:s3+$0xFFFFFFF0];
	_ =	sdelay $0x3  }
0x174: {  	v2 =	vshll.u32 v2, $0x10  }
0x175: {  	v3 =	vadd.f32 v2, v3;
	_ =	sdelay $0x1  }
0x176: {  	v4 =	vmul.f32 $2.000000030e-01, v3  }
0x177: {  	vm0 =	vgt.f32 v3, $0.0e+00  }
0x178: {  	v3 =	vsel vm0, v3, v4  }
0x179: {  	v3 =	vmul.f32 $1.442695020e+00, v3;
	_ =	sdelay $0x1  }
0x17a: {  	(erf) = vpow2.f32 v3;
	_ =	sdelay $0x5  }
0x17b: {  	v3 =	vld [tilespmem:s7+$0xFFFFFFD0]  }
0x17c: {  	v4 =	vld [tilespmem:s7+$0xFFFFFFE0];
	_ =	sdelay $0x1  }
0x17d: {  	v5 =	vpop (erf)  }
0x17e: {  	v5 =	vperm.xlane v5, v1  }
0x17f: {  	v6 =	vshll.u32 v3, $0x10;
	v3 =	vand.u32 $0xFFFF0000, v3  }
0x180: {  	v7 =	vshll.u32 v4, $0x10;
	v2 =	vmul.f32 v2, v5;
	v6 =	vmul.f32 v6, v5  }
0x181: {  	v4 =	vand.u32 $0xFFFF0000, v4;
	v3 =	vmul.f32 v3, v5;
	v7 =	vmul.f32 v7, v5  }
0x182: {  	[tilespmem:s5+$0xFFFFFFF0] =	vst v2;
	v2 =	vmul.f32 v4, v5  }
0x183: {  	[tilespmem:s5+$0xFFFFFFB0] =	vst v6  }
0x184: {  	[tilespmem:s5+$0xFFFFFFE0] =	vst v2  }
0x185: {  	[tilespmem:s5+$0xFFFFFFD0] =	vst v7  }
0x186: {  	[tilespmem:s5+$0xFFFFFFC0] =	vst v3  }
0x187: {  	v2 =	vld [tilespmem:s7+$0x20]  }
0x188: {  	v3 =	vld [tilespmem:s3+$0x0];
	_ =	sdelay $0x3  }
0x189: {  	v2 =	vshll.u32 v2, $0x10  }
0x18a: {  	v3 =	vadd.f32 v2, v3;
	_ =	sdelay $0x1  }
0x18b: {  	v4 =	vmul.f32 $2.000000030e-01, v3  }
0x18c: {  	vm0 =	vgt.f32 v3, $0.0e+00  }
0x18d: {  	v3 =	vsel vm0, v3, v4  }
0x18e: {  	v3 =	vmul.f32 $1.442695020e+00, v3;
	_ =	sdelay $0x1  }
0x18f: {  	(erf) = vpow2.f32 v3;
	_ =	sdelay $0x5  }
0x190: {  	v3 =	vld [tilespmem:s7+$0x10]  }
0x191: {  	v4 =	vld [tilespmem:s7+$0x0];
	_ =	sdelay $0x1  }
0x192: {  	v5 =	vpop (erf)  }
0x193: {  	v5 =	vperm.xlane v5, v1  }
0x194: {  	v6 =	vshll.u32 v3, $0x10;
	v3 =	vand.u32 $0xFFFF0000, v3  }
0x195: {  	v7 =	vand.u32 $0xFFFF0000, v4;
	v2 =	vmul.f32 v2, v5;
	v3 =	vmul.f32 v3, v5  }
0x196: {  	v4 =	vshll.u32 v4, $0x10;
	v6 =	vmul.f32 v6, v5;
	v7 =	vmul.f32 v7, v5  }
0x197: {  	[tilespmem:s5+$0x40] =	vst v2;
	v2 =	vmul.f32 v4, v5  }
0x198: {  	[tilespmem:s5+$0x10] =	vst v7  }
0x199: {  	[tilespmem:s5+$0x0] =	vst v2  }
0x19a: {  	[tilespmem:s5+$0x30] =	vst v3  }
0x19b: {  	[tilespmem:s5+$0x20] =	vst v6  }
0x19c: {  	v4 =	vld [tilespmem:s7+$0x50]  }
0x19d: {  	v5 =	vld [tilespmem:s3+$0x10]  }
0x19e: {  	v3 =	vld [tilespmem:s7+$0x30]  }
0x19f: {  	v2 =	vld [tilespmem:s7+$0x40];
	_ =	sdelay $0x1  }
0x1a0: {  	v4 =	vshll.u32 v4, $0x10  }
0x1a1: {  	v5 =	vadd.f32 v4, v5;
	_ =	sdelay $0x1  }
0x1a2: {  	v6 =	vmul.f32 $2.000000030e-01, v5  }
0x1a3: {  	vm0 =	vgt.f32 v5, $0.0e+00  }
.Ltmp4:
0x1a4: {  	v5 =	vsel vm0, v5, v6;
	(pc) =	sbr.rel @p0 .LBB2_7-.Ltmp4, $3  }
0x1a5: {  	v5 =	vmul.f32 $1.442695020e+00, v5;
	_ =	sdelay $0x1  }
0x1a6: {  	(erf) = vpow2.f32 v5  }
0x1a7: {  	s7 =	sadd.s32 $0xC0, s7  }
0x1a8: {  	_ =	sdelay $0x6  }
0x1a9: {  	v5 =	vpop (erf)  }
0x1aa: {  	v5 =	vperm.xlane v5, v1;
	_ =	sdelay $0x1  }
0x1ab: {  	v6 =	vshll.u32 v3, $0x10;
	v4 =	vmul.f32 v4, v5  }
0x1ac: {  	v7 =	vand.u32 $0xFFFF0000, v2;
	v6 =	vmul.f32 v6, v5  }
0x1ad: {  	v3 =	vand.u32 $0xFFFF0000, v3;
	v63 =	vmul.f32 v7, v5;
	[tilespmem:s16+$0x90] =	vst v4  }
.Ltmp5:
0x1ae: {  	v2 =	vshll.u32 v2, $0x10;
	v3 =	vmul.f32 v3, v5;
	[tilespmem:s16+$0x50] =	vst v6;
	(pc) =	sbr.rel @p1 .LBB2_10-.Ltmp5, $4  }
0x1af: {  	v2 =	vmul.f32 v2, v5;
	[tilespmem:s16+$0x80] =	vst v63  }
0x1b0: {  	[tilespmem:s16+$0x60] =	vst v3  }
0x1b1: {  	s3 =	sadd.s32 $0x2A80, s22;
	[tilespmem:s16+$0x70] =	vst v2  }
0x1b2: {  	[spmem:s4] =	stream.indirect.scatter.add.f32 [tilespmem:s29], [sflag:$0x6], $0x50, s3, s18, $0xb8;
	[tilespmem:$0x1A7A0] =	vst v63  }
.Ltmp6:
0x1b3: {  	(pc) =	sbr.rel .LBB2_4-.Ltmp6, $4  }
0x1b4: {  	s3 =	sadd.s32 $0x180, s20  }
0x1b5: {  	[tilespmem:s21], [sflag:$0x4] =	stream.indirect.gather [hbm4b:s1+s18], $0x30, s3, s18, $0xb8;
	[tilespmem:$0x1A7A0] =	vst v63  }
0x1b6: {  	s22 =	sadd.s32 $0x2B80, s20;
	s19 =	sadd.s32 $0x1, s19  }
0x1b7: {  	[tilespmem:s23], [sflag:$0x5] =	stream.indirect.gather [hbm4b:s2+s18], $0x10, s22, s18, $0xb8;
	[tilespmem:$0x1A7A0] =	vst v63  }
.LBB2_11:
0x1b8: {  	_ =	sfence.sel $0x180000  }
0x1b9: {  	[bflag:$0x0] =	sbarrier.arrive $0xFFFF  }
0x1ba: {  	_ =	strace $0x9000004A  }
0x1bb: {  	s0 =	stileid.u32;
	[bflag:$0x2] =	sbarrier.arrive $0xFFFF  }
0x1bc: {  	p0 =	sne.s32 s0, $0x0;
	s0 =	rddreg [dreg:$0x4]  }
0x1bd: {  	s0 =	sadd.s32 @!p0 $0x100000, s0  }
0x1be: {  	[sflag:s0] =	ssyncadd.tile.s32 @!p0 $0x1;
	_ =	shalt  }
.Lfunc_end2:
_tile_overlayer_lowered:
.L_overlay_start_2:
0x1bf: {  	(tag) =	ssettag $0x2  }
0x1c0: {  	s0 =	rddreg [dreg:$0x0];
	s2 =	stileid.u32  }
0x1c1: {  	s1 =	rddreg [dreg:$0x1];
	p0 =	sne.s32 s2, $0x0  }
0x1c2: {  	s3 =	rddreg [dreg:$0x2];
	[bflag:$0x3] =	sbarrier.arrive $0xFFFF;
	s2 =	simm.s32 @!p0 $0x1C07  }
0x1c3: {  	[timem:s3], [sflag:s2] =	dma.local @!p0 [hbm:s0], s1  }
0x1c4: {  	s0 =	simm.s32 @!p0 $0x7  }
0x1c5: {  	_ =	swait.ge @!p0 [sflag:s0], s1  }
0x1c6: {  	s1 =	ssub.s32 @!p0 $0x0, s1;
	[sflag:s0] =	ssyncset.done @!p0 $0x0  }
0x1c7: {  	[sflag:s0] =	ssyncadd.s32 @!p0 s1  }
0x1c8: {  	[bflag:$0x3] =	sbarrier.arrive $0xFFFF  }
0x1c9: {  	_ =	shalt  }

// kernel: kernel.7.cloned.1.call-start
scs
__scs_entry_jumppad:
0x0: {  	(pc) =	sbr.rel $0x88, $3  }
0x1: {  	(tag) =	ssettag $0x0;
	lr =	simm.s32 $0x1  }
0x2: {  	[smem:$0x3F93] =	sst lr;
	_ =	strace $0xD0000000  }
0x3: {  	_ = 	snop  }
0x4: {  	_ = 	snop  }
0x5: {  	_ = 	snop  }
0x6: {  	_ = 	snop  }
0x7: {  	_ = 	snop  }
__scs_overlays_trampoline_lowered:
0x8: {  	[smem:$0x3FA2] =	sst s0  }
0x9: {  	[smem:$0x3FA3] =	sst s1  }
0xa: {  	[smem:$0x3FA4] =	sst s2  }
0xb: {  	[smem:$0x3FA5] =	sst s3  }
0xc: {  	[smem:$0x3FA6] =	sst s4  }
0xd: {  	[smem:$0x3FA7] =	sst s5  }
0xe: {  	[smem:$0x3FA8] =	sst s6  }
0xf: {  	[smem:$0x3FA9] =	sst s7  }
0x10: {  	[smem:$0x3FAA] =	sst s8  }
0x11: {  	[smem:$0x3FAB] =	sst s9;
	s0 =	simm.s32 @!p0 $0x0  }
0x12: {  	s1 =	sld [smem:$0x3F91];
	s0 =	simm.s32 @p0 $0x1  }
0x13: {  	[smem:$0x3FAC] =	sst s0;
	s0 =	simm.s32 @!p1 $0x0  }
0x14: {  	s2 =	sld [smem:$0x3F90];
	s0 =	simm.s32 @p1 $0x1  }
0x15: {  	[smem:$0x3FAD] =	sst s0;
	s0 =	simm.s32 @!p2 $0x0  }
0x16: {  	s3 =	sld [smem:$0x3FDB];
	s0 =	simm.s32 @p2 $0x1  }
0x17: {  	s4 =	simm.s32 $0x1BF5;
	[smem:$0x3FAF] =	sst s0  }
0x18: {  	s0 =	sld [smem:$0x3F92];
	_ =	swait.ge [sflag:s4], $0x0  }
0x19: {  	s7 =	sld [smem:$0x3F93]  }
0x1a: {  	s8 =	sadd.s32 $0xFFFFE003, lr  }
0x1b: {  	s9 =	sadd.s32 $0xFFFFFEF7, lr;
	s5 =	simm.s32 $0xFFFFFFFF;
	p2 =	slt.u32 s8, $0xFFFFF086  }
0x1c: {  	p1 =	slt.u32 s9, $0xF7A;
	s5 =	simm.s32 @!p2 $0x0  }
0x1d: {  	s5 =	simm.s32 @p1 $0x1;
	p0 =	seq.s32 s7, s2  }
0x1e: {  	s7 =	smul.u32 @!p0 $0xF7A, s2;
	p2 =	seq.s32 @!p0 s5, $0x0  }
0x1f: {  	s9 =	smul.u32 $0xF7A, s1;
	s8 =	simm.s32 @!p0 $0x1BF5;
	p2 =	por !p2, p0  }
0x20: {  	[sflag:s8] =	ssyncset.s32 @!p0 $0xFFFFF086;
	s6 =	sadd.s32 @!p0 s3, s7;
	s7 =	simm.s32 @!p0 $0x108  }
0x21: {  	s3 =	sadd.s32 s3, s9;
	s6 =	sadd.s32 @!p0 $0x88, s6;
	s7 =	simm.s32 @p2 $0x1082  }
0x22: {  	[simem:s7], [sflag:s8] =	dma.local @!p0 [hbm:s6], $0xF7A  }
0x23: {  	s9 =	sor.u32 $0xD0000000, s2;
	s6 =	simm.s32 $0x108;
	_ =	swait.ge @!p0 [sflag:s8], $0x0  }
0x24: {  	s3 =	sadd.s32 $0x88, s3;
	s6 =	simm.s32 @!p1 $0x1082;
	[sflag:s4] =	ssyncset.s32 $0xFFFFF086  }
0x25: {  	[simem:s6], [sflag:s4] =	dma.local [hbm:s3], $0xF7A  }
0x26: {  	[smem:$0x3F93] =	sst s1;
	(tag) =	ssettag s2;
	_ =	strace s9  }
0x27: {  	s1 =	sld [smem:$0x3FA3]  }
0x28: {  	s2 =	sld [smem:$0x3FA4]  }
0x29: {  	s4 =	sld [smem:$0x3FA6]  }
0x2a: {  	p0 =	seq.s32 s5, $0x0;
	s5 =	sld [smem:$0x3FA7]  }
0x2b: {  	s6 =	sld [smem:$0x3FA8]  }
0x2c: {  	s7 =	sld [smem:$0x3FA9]  }
0x2d: {  	s3 =	simm.s32 $0x108;
	s8 =	sld [smem:$0x3FAA]  }
0x2e: {  	s3 =	simm.s32 @!p0 $0x1082;
	s9 =	sld [smem:$0x3FAB]  }
0x2f: {  	lr =	sadd.s32 s0, s3;
	s0 =	sld [smem:$0x3FA2]  }
0x30: {  	s3 =	sld [smem:$0x3FA5]  }
0x31: {  	[smem:$0x3FAE] =	sst s10  }
0x32: {  	s10 =	sld [smem:$0x3FAC];
	_ =	sdelay $0x3  }
0x33: {  	p0 =	seq.s32 s10, $0x1;
	s10 =	sld [smem:$0x3FAE];
	_ =	sdelay $0x3  }
0x34: {  	[smem:$0x3FAE] =	sst s10  }
0x35: {  	s10 =	sld [smem:$0x3FAD];
	_ =	sdelay $0x3  }
0x36: {  	p1 =	seq.s32 s10, $0x1;
	s10 =	sld [smem:$0x3FAE];
	_ =	sdelay $0x3  }
0x37: {  	[smem:$0x3FAE] =	sst s10  }
0x38: {  	s10 =	sld [smem:$0x3FAF]  }
0x39: {  	_ = 	snop;
	(pc) =	sbr.ind lr, $3  }
0x3a: {  	_ = 	snop  }
0x3b: {  	_ = 	snop  }
0x3c: {  	p2 =	seq.s32 s10, $0x1;
	s10 =	sld [smem:$0x3FAE]  }
0x3d: {  	_ =	shalt  }
0x3e: {  	_ =	shalt  }
0x3f: {  	_ =	shalt  }
0x40: {  	_ =	shalt  }
0x41: {  	_ =	shalt  }
0x42: {  	_ =	shalt  }
0x43: {  	_ =	shalt  }
0x44: {  	_ =	shalt  }
0x45: {  	_ =	shalt  }
0x46: {  	_ =	shalt  }
0x47: {  	_ =	shalt  }
0x48: {  	_ =	shalt  }
0x49: {  	_ =	shalt  }
0x4a: {  	_ =	shalt  }
0x4b: {  	_ =	shalt  }
0x4c: {  	_ =	shalt  }
0x4d: {  	_ =	shalt  }
0x4e: {  	_ =	shalt  }
0x4f: {  	_ =	shalt  }
0x50: {  	_ =	shalt  }
0x51: {  	_ =	shalt  }
0x52: {  	_ =	shalt  }
0x53: {  	_ =	shalt  }
0x54: {  	_ =	shalt  }
0x55: {  	_ =	shalt  }
0x56: {  	_ =	shalt  }
0x57: {  	_ =	shalt  }
0x58: {  	_ =	shalt  }
0x59: {  	_ =	shalt  }
0x5a: {  	_ =	shalt  }
0x5b: {  	_ =	shalt  }
0x5c: {  	_ =	shalt  }
0x5d: {  	_ =	shalt  }
0x5e: {  	_ =	shalt  }
0x5f: {  	_ =	shalt  }
0x60: {  	_ =	shalt  }
0x61: {  	_ =	shalt  }
0x62: {  	_ =	shalt  }
0x63: {  	_ =	shalt  }
0x64: {  	_ =	shalt  }
0x65: {  	_ =	shalt  }
0x66: {  	_ =	shalt  }
0x67: {  	_ =	shalt  }
0x68: {  	_ =	shalt  }
0x69: {  	_ =	shalt  }
0x6a: {  	_ =	shalt  }
0x6b: {  	_ =	shalt  }
0x6c: {  	_ =	shalt  }
0x6d: {  	_ =	shalt  }
0x6e: {  	_ =	shalt  }
0x6f: {  	_ =	shalt  }
0x70: {  	_ =	shalt  }
0x71: {  	_ =	shalt  }
0x72: {  	_ =	shalt  }
0x73: {  	_ =	shalt  }
0x74: {  	_ =	shalt  }
0x75: {  	_ =	shalt  }
0x76: {  	_ =	shalt  }
0x77: {  	_ =	shalt  }
0x78: {  	_ =	shalt  }
0x79: {  	_ =	shalt  }
0x7a: {  	_ =	shalt  }
0x7b: {  	_ =	shalt  }
0x7c: {  	_ =	shalt  }
0x7d: {  	_ =	shalt  }
0x7e: {  	_ =	shalt  }
0x7f: {  	_ =	shalt  }
0x80: {  	_ =	shalt  }
0x81: {  	_ =	shalt  }
0x82: {  	_ =	shalt  }
0x83: {  	_ =	shalt  }
0x84: {  	_ =	shalt  }
0x85: {  	_ =	shalt  }
0x86: {  	_ =	shalt  }
0x87: {  	_ =	shalt  }
.Lfunc_end0:
.L_simem_size_0:
called_computation_lowered:
.L_overlay_start_0:
0x88: {  	s2 =	sld [smem:$0x3FD9]  }
0x89: {  	s3 =	sld [smem:$0x3FFE];
	_ =	sdelay $0x1  }
0x8a: {  	s1 =	srdreg.scid  }
0x8b: {  	s0 =	sand.u32 $0x1, s1  }
0x8c: {  	s14 =	sshll.u32 s0, $0xA;
	s2 =	sadd.s32 s3, s2  }
0x8d: {  	s2 =	sadd.s32 s2, s14  }
0x8e: {  	[smem:$0x3FBA] =	sst s2  }
0x8f: {  	_ = 	snop  }
0x90: {  	s2 =	sld [smem:$0x3FD0];
	_ =	sdelay $0x2  }
0x91: {  	s15 =	simm.s32 $0xA;
	s4 =	simm.s32 $0x10  }
0x92: {  	[smem:s4], [sflag:s15] =	dma.local [hbm:s2], $0x1  }
0x93: {  	_ =	swait.eq [sflag:s15], $0x1  }
0x94: {  	[sflag:s15] =	ssyncset.done $0x0  }
0x95: {  	[sflag:s15] =	ssyncadd.s32 $0xFFFFFFFF  }
0x96: {  	s16 =	sld [smem:$0x10];
	(tm) =	ssettm $0x1  }
0x97: {  	s17 =	sld [smem:$0x3FFB];
	_ =	sdelay $0x3  }
0x98: {  	_ =	strace s17  }
0x99: {  	s3 =	sld [smem:$0x3FFC];
	_ =	sdelay $0x3  }
0x9a: {  	_ =	strace s3  }
0x9b: {  	s3 =	sld [smem:$0x3FFD];
	_ =	sdelay $0x3  }
0x9c: {  	_ =	strace s3  }
0x9d: {  	_ =	strace $0x8FFFFFFF  }
0x9e: {  	s18 =	sld [smem:$0x3FDB];
	_ =	sdelay $0x1  }
0x9f: {  	s19 =	simm.s32 $_scs_section_size  }
0xa0: {  	s5 =	simm.s32 $_size__tile_overlayer_lowered;
	s6 =	simm.s32 $_tile_overlayer_lowered  }
0xa1: {  	s22 =	simm.s32 $0x1BFF;
	s21 =	sshll.u32 s6, $0x1;
	s3 =	sadd.s32 s19, s18  }
0xa2: {  	s7 =	simm.s32 $0x0;
	s20 =	sshll.u32 s5, $0x1;
	s5 =	sadd.s32 s21, s3  }
0xa3: {  	[timem:s7], [sflag:s22] =	dma.local [hbm:s5], s20  }
0xa4: {  	_ =	swait.ge [sflag:s22], s20  }
0xa5: {  	s4 =	ssub.s32 $0x0, s20;
	[sflag:s22] =	ssyncset.done $0x0  }
0xa6: {  	[sflag:s22] =	ssyncadd.s32 s4;
	_ =	sdelay $0x1  }
0xa7: {  	s23 =	simm.s32 $0x1B8B  }
0xa8: {  	_ =	swait.ge [sflag:s23], $0x1  }
0xa9: {  	[sflag:s23] =	ssyncset.done $0x0  }
0xaa: {  	s25 =	simm.s32 $0x1B8E;
	s24 =	sld [smem:$0x3FFE];
	[sflag:s23] =	ssyncadd.s32 $0xFFFFFFFF  }
0xab: {  	s26 =	simm.s32 $execute0_lowered;
	[smem:$0x3FD2] =	sst s25  }
0xac: {  	s5 =	sshll.u32 s26, $0x1;
	_ =	strace $0x80000046;
	[dreg:$0x1] =	wrdreg $0xFFFFFFFF  }
0xad: {  	s28 =	simm.s32 $_size_execute0_lowered;
	s3 =	sadd.s32 s3, s5;
	[dreg:$0x0] =	wrdreg $0x0  }
0xae: {  	s5 =	sshll.u32 s28, $0x1;
	[dreg:$0x2] =	wrdreg s3  }
0xaf: {  	[dreg:$0x3] =	wrdreg s5  }
0xb0: {  	[dreg:$0x4] =	wrdreg $0xC0  }
0xb1: {  	_ =	task [dreg:s7], $0x5FFFF  }
0xb2: {  	[dreg:$0x1] =	wrdreg $0xFFFFFFFF  }
0xb3: {  	[dreg:$0x0] =	wrdreg $0x60  }
0xb4: {  	[dreg:$0x2] =	wrdreg s24  }
0xb5: {  	[dreg:$0x3] =	wrdreg s16  }
0xb6: {  	[dreg:$0x4] =	wrdreg $0x138000  }
0xb7: {  	[dreg:$0x5] =	wrdreg $0x9  }
0xb8: {  	_ =	task.clear_ibuf [dreg:s7], $0x6FFFF;
	_ =	strace $0x90000046  }
0xb9: {  	s29 =	simm.s32 $0x9;
	_ =	strace $0x80000048  }
0xba: {  	_ =	swait.ge [sflag:s29], $0x1  }
0xbb: {  	[sflag:s29] =	ssyncadd.s32 $0xFFFFFFFF  }
0xbc: {  	_ =	strace $0x90000048  }
0xbd: {  	_ =	sfence  }
0xbe: {  	s30 =	sld [smem:$0x0];
	_ =	sdelay $0x2  }
0xbf: {  	s31 =	sshll.u32 s1, $0xD;
	s1 =	sshrl.u32 s1, $0x2  }
0xc0: {  	s3 =	sand.u32 $0x4000, s31;
	s1 =	sadd.s32 s1, s30  }
0xc1: {  	s0 =	sor.u32 s3, s0;
	s1 =	sshll.u32 s1, $0x11  }
0xc2: {  	s0 =	sor.u32 s1, s0  }
0xc3: {  	s0 =	sadd.s32 $0x8F2B, s0  }
0xc4: {  	[sflag:s0] =	ssyncadd.remote.s32 $0x1  }
0xc5: {  	_ =	sfence.sel $0xFFFF  }
0xc6: {  	[dreg:$0x0] =	wrdreg $0xFFFFFFFF;
	(pc) =	sbr.abs _section_cstart, $3  }
0xc7: {  	[dreg:$0x1] =	wrdreg $0xFFFFFFFF  }
0xc8: {  	_ =	task.clear_ibuf [dreg:s7], $0x2FFFF;
	_ =	strace $0x9FFFFFFF  }
0xc9: {  	(tm) =	ssettm $0x7FFFFFFF  }
tec
execute0_lowered:
.L_overlay_start_1:
0x0: {  	(tag) =	ssettag $0x1  }
0x1: {  	s0 =	rddreg [dreg:$0x0]  }
0x2: {  	s2 =	rddreg [dreg:$0x1]  }
0x3: {  	s3 =	rddreg [dreg:$0x2];
	s10 =	stileid.u32  }
0x4: {  	s4 =	srdreg.scid;
	s5 =	simm.s32 $0x0;
	s15 =	simm.s32 $0x7  }
0x5: {  	s17 =	simm.s32 $0xE800;
	s18 =	simm.s32 $0x80;
	s21 =	simm.s32 $0xC000  }
0x6: {  	s28 =	simm.s32 $0x5;
	s29 =	simm.s32 $0x11000;
	s1 =	smul.u32 $0xA80, s10  }
0x7: {  	s30 =	simm.s32 $0x3;
	s31 =	simm.s32 $0x6;
	s6 =	smul.u32 $0xC3A0, s10  }
0x8: {  	s4 =	sand.u32 $0x1, s4;
	[smem:$0x7FF] =	sst s5;
	s10 =	smul.u32 $0x30E80, s10  }
0x9: {  	s5 =	sadd.s32 $0x2000, s0;
	s7 =	smul.u32 $0xC3A00, s4;
	_ =	strace $0x80000047  }
0xa: {  	s8 =	ssub.s32 $0x2, s4;
	s25 =	sshll.u32 s4, $0x2;
	s4 =	smul.u32 $0x2720, s4  }
0xb: {  	s1 =	sadd.s32 s1, s0;
	s9 =	sshrl.u32 s8, $0x1;
	s26 =	sshrl.u32 s10, $0x2  }
0xc: {  	s16 =	sor.u32 $0x8, s25;
	v5 =	vmov s25;
	s25 =	simm.s32 $0x2;
	s7 =	sadd.s32 s6, s7  }
0xd: {  	s23 =	ssub.s32 s8, s9;
	s24 =	sadd.s32 $0x29E00, s1;
	s1 =	sadd.s32 $0x1F600, s1  }
0xe: {  	s12 =	sadd.s32 s26, s3;
	s8 =	sadd.s32 s6, s3;
	s26 =	simm.s32 $0x4  }
.Ltmp0:
0xf: {  	s7 =	sshrl.u32 s7, $0x3;
	[dreg:$0x4] =	wrdreg s24;
	(pc) =	sbr.rel .LBB2_1-.Ltmp0, $4  }
0x10: {  	v1 =	vlaneseq.u32;
	[dreg:$0x5] =	wrdreg s1;
	s9 =	sadd.s32 $0x2800, s12;
	s10 =	sadd.s32 $0x5000, s12  }
0x11: {  	v6 =	vimm.f32 $0.0e+00;
	v1 =	vand.u32 $0x3, v1;
	s11 =	sadd.s32 $0x7800, s12;
	s12 =	sadd.s32 $0xA000, s12;
	s14 =	smax.u32 s23, $0x1  }
0x12: {  	v0 =	vmov s4;
	v1 =	vor.u32 s16, v1;
	v2 =	vor.u32 $0x8, v5;
	s23 =	simm.s32 $0xE000;
	s24 =	simm.s32 $0x1;
	s0 =	sadd.s32 s7, s0  }
0x13: {  	v3 =	vor.u32 $0x9, v5;
	v4 =	vor.u32 $0xA, v5;
	v5 =	vor.u32 $0xB, v5;
	s7 =	simm.s32 $0x5400;
	s13 =	sadd.s32 $0x34600, s0;
	s0 =	simm.s32 $0x0  }
.LBB2_12:
0x14: {  	_ =	swait.ge [sflag:s30], $0x2800  }
0x15: {  	[sflag:s30] =	ssyncset.done $0x0  }
0x16: {  	[sflag:s30] =	ssyncadd.s32 $0xFFFFD800  }
0x17: {  	s1 =	stileid.u32;
	_ =	swait.ge [sflag:s31], $0x2800  }
0x18: {  	s4 =	sshrl.u32 s8, $0x3;
	s0 =	sadd.s32 $0x1, s0;
	[sflag:s31] =	ssyncset.done $0x0  }
0x19: {  	s1 =	sshll.u32 s1, $0x6;
	p0 =	sne.s32 s0, s14;
	[sflag:s31] =	ssyncadd.s32 $0xFFFFD800  }
.Ltmp1:
0x1a: {  	s1 =	sor.u32 $0x1C07, s1;
	[bflag:$0x0] =	sbarrier.arrive $0xFFFF;
	(pc) =	sbr.rel @!p0 .LBB2_13-.Ltmp1, $4  }
0x1b: {  	[hbm:s13], [sflag:s1] =	dma.local [spmem:s4], $0x1874  }
0x1c: {  	_ =	swait.ge [sflag:s15], $0x1874  }
0x1d: {  	[sflag:s15] =	ssyncset.done $0x0  }
0x1e: {  	s7 =	simm.s32 $0x5400;
	[sflag:s15] =	ssyncadd.s32 $0xFFFFE78C  }
.LBB2_1:
0x1f: {  	s1 =	simm.s32 $0x0;
	s4 =	rddreg [dreg:$0x4]  }
0x20: {  	[tilespmem:s1], [sflag:$0x7] =	stream.linear.gather [hbm4b:s4+s1], $0x5400, $0x38;
	[tilespmem:$0x1FBA0] =	vst v63  }
0x21: {  	_ =	swait.ge [sflag:s15], $0x5400  }
0x22: {  	[sflag:s15] =	ssyncset.done $0x0  }
0x23: {  	s22 =	rddreg [dreg:$0x5];
	[sflag:s15] =	ssyncadd.s32 $0xFFFFAC00  }
0x24: {  	[tilespmem:s7], [sflag:$0x7] =	stream.linear.gather [hbm4b:s22+s1], $0x5400, $0x38;
	[tilespmem:$0x1FBA0] =	vst v63  }
0x25: {  	_ =	swait.ge [sflag:s15], $0x5400  }
0x26: {  	[sflag:s15] =	ssyncset.done $0x0  }
0x27: {  	s1 =	simm.s32 $0x0;
	[sflag:s15] =	ssyncadd.s32 $0xFFFFAC00  }
0x28: {  	v9 =	vld [tilespmem:s1+$0x0]  }
0x29: {  	v11 =	vld [tilespmem:s1+$0x10]  }
0x2a: {  	v10 =	vld [tilespmem:s1+$0x20]  }
0x2b: {  	v8 =	vld [tilespmem:s1+$0x30]  }
0x2c: {  	v7 =	vld [tilespmem:s1+$0x40]  }
0x2d: {  	v12 =	vadd.s32 v0, v9;
	v9 =	vld [tilespmem:s1+$0x50]  }
0x2e: {  	s4 =	simm.s32 $0x200;
	[tilespmem:s1+$0x0] =	vst v12;
	v12 =	vadd.s32 v0, v11;
	v11 =	vld [tilespmem:s1+$0x60]  }
.LBB2_2:
0x2f: {  	s6 =	sshra.s32 s4, $0x2;
	p0 =	sne.s32 s4, $0x14E00;
	[tilespmem:s1+$0x10] =	vst v12;
	v10 =	vadd.s32 v0, v10;
	v12 =	vld [tilespmem:s1+$0x70]  }
0x30: {  	v13 =	vld [tilespmem:s6+$0x0];
	[tilespmem:s1+$0x20] =	vst v10;
	v8 =	vadd.s32 v0, v8  }
0x31: {  	v14 =	vld [tilespmem:s6+$0x10];
	[tilespmem:s1+$0x30] =	vst v8;
	v7 =	vadd.s32 v0, v7  }
.Ltmp2:
0x32: {  	v10 =	vld [tilespmem:s6+$0x20];
	[tilespmem:s1+$0x40] =	vst v7;
	v7 =	vadd.s32 v0, v9;
	(pc) =	sbr.rel @p0 .LBB2_2-.Ltmp2, $4  }
0x33: {  	v8 =	vld [tilespmem:s6+$0x30];
	[tilespmem:s1+$0x50] =	vst v7;
	v9 =	vadd.s32 v0, v11  }
0x34: {  	v7 =	vld [tilespmem:s6+$0x40];
	[tilespmem:s1+$0x60] =	vst v9;
	v11 =	vadd.s32 v0, v12  }
0x35: {  	v12 =	vadd.s32 v0, v13;
	v9 =	vld [tilespmem:s6+$0x50];
	[tilespmem:s1+$0x70] =	vst v11;
	s1 =	smov.u32 s6  }
0x36: {  	s4 =	sadd.s32 $0x200, s4;
	[tilespmem:s1+$0x0] =	vst v12;
	v12 =	vadd.s32 v0, v14;
	v11 =	vld [tilespmem:s1+$0x60]  }
0x37: {  	[tilespmem:s1+$0x10] =	vst v12;
	v10 =	vadd.s32 v0, v10;
	v63 =	vld [tilespmem:s1+$0x70]  }
0x38: {  	[tilespmem:s1+$0x20] =	vst v10;
	v8 =	vadd.s32 v0, v8  }
0x39: {  	[tilespmem:s1+$0x30] =	vst v8;
	v7 =	vadd.s32 v0, v7  }
0x3a: {  	[tilespmem:s1+$0x40] =	vst v7;
	v7 =	vadd.s32 v0, v9  }
0x3b: {  	[tilespmem:s1+$0x50] =	vst v7;
	v7 =	vadd.s32 v0, v11  }
0x3c: {  	[tilespmem:s1+$0x60] =	vst v7;
	v7 =	vadd.s32 v0, v63  }
0x3d: {  	s4 =	simm.s32 $0x140;
	[tilespmem:s1+$0x70] =	vst v7;
	s1 =	simm.s32 $0x0  }
.LBB2_4:
0x3e: {  	p0 =	sne.s32 s4, $0x9EC0;
	[tilespmem:s1+$0xE840] =	vst v6;
	s6 =	smov.u32 s4;
	s4 =	sadd.s32 $0x140, s4  }
.Ltmp3:
0x3f: {  	[tilespmem:s1+$0xE830] =	vst v6;
	(pc) =	sbr.rel @p0 .LBB2_4-.Ltmp3, $4  }
0x40: {  	[tilespmem:s1+$0xE820] =	vst v6  }
0x41: {  	[tilespmem:s1+$0xE800] =	vst v6  }
0x42: {  	[tilespmem:s1+$0xE810] =	vst v6  }
0x43: {  	s1 =	sshra.s32 s6, $0x2  }
0x44: {  	[tilespmem:s1+$0xE840] =	vst v6  }
0x45: {  	[tilespmem:s1+$0xE830] =	vst v6  }
0x46: {  	[tilespmem:s1+$0xE820] =	vst v6  }
0x47: {  	[tilespmem:s1+$0xE800] =	vst v6  }
0x48: {  	[tilespmem:s1+$0xE810] =	vst v6  }
0x49: {  	[spmem:s8] =	stream.linear.scatter [tilespmem:s17], [sflag:$0x7], $0x2800, $0x38;
	[tilespmem:$0x1FBA0] =	vst v63  }
0x4a: {  	_ =	swait.ge [sflag:s15], $0x2800  }
0x4b: {  	[sflag:s15] =	ssyncset.done $0x0  }
0x4c: {  	[sflag:s15] =	ssyncadd.s32 $0xFFFFD800  }
0x4d: {  	[spmem:s9] =	stream.linear.scatter [tilespmem:s17], [sflag:$0x7], $0x2800, $0x38;
	[tilespmem:$0x1FBA0] =	vst v63  }
0x4e: {  	_ =	swait.ge [sflag:s15], $0x2800  }
0x4f: {  	[sflag:s15] =	ssyncset.done $0x0  }
0x50: {  	[sflag:s15] =	ssyncadd.s32 $0xFFFFD800  }
0x51: {  	[spmem:s10] =	stream.linear.scatter [tilespmem:s17], [sflag:$0x7], $0x2800, $0x38;
	[tilespmem:$0x1FBA0] =	vst v63  }
0x52: {  	_ =	swait.ge [sflag:s15], $0x2800  }
0x53: {  	[sflag:s15] =	ssyncset.done $0x0  }
0x54: {  	[sflag:s15] =	ssyncadd.s32 $0xFFFFD800  }
0x55: {  	[spmem:s11] =	stream.linear.scatter [tilespmem:s17], [sflag:$0x7], $0x2800, $0x38;
	[tilespmem:$0x1FBA0] =	vst v63  }
0x56: {  	_ =	swait.ge [sflag:s15], $0x2800  }
0x57: {  	[sflag:s15] =	ssyncset.done $0x0  }
0x58: {  	[sflag:s15] =	ssyncadd.s32 $0xFFFFD800  }
0x59: {  	[spmem:s12] =	stream.linear.scatter [tilespmem:s17], [sflag:$0x7], $0x23A0, $0x38;
	[tilespmem:$0x1FBA0] =	vst v63  }
0x5a: {  	_ =	swait.ge [sflag:s15], $0x23A0  }
0x5b: {  	[sflag:s15] =	ssyncset.done $0x0  }
0x5c: {  	[sflag:s15] =	ssyncadd.s32 $0xFFFFDC60  }
0x5d: {  	s19 =	simm.s32 $0x0;
	s16 =	simm.s32 $0xA800;
	[bflag:$0x0] =	sbarrier.arrive $0xFFFF  }
0x5e: {  	[tilespmem:s16], [sflag:$0x1] =	stream.indirect.gather [hbm4b:s5+s18], $0x30, s19, s18, $0xb8;
	[tilespmem:$0x1FBA0] =	vst v63  }
0x5f: {  	s20 =	simm.s32 $0xD800  }
0x60: {  	[tilespmem:s20], [sflag:$0x2] =	stream.indirect.gather [hbm4b:s2+s18], $0x10, s7, s18, $0xb8;
	[tilespmem:$0x1FBA0] =	vst v63  }
0x61: {  	_ = 	snop  }
0x62: {  	[tilespmem:s21], [sflag:$0x4] =	stream.indirect.gather [hbm4b:s5+s18], $0x30, s18, s18, $0xb8;
	[tilespmem:$0x1FBA0] =	vst v63  }
0x63: {  	s22 =	simm.s32 $0x5480  }
0x64: {  	[tilespmem:s23], [sflag:$0x5] =	stream.indirect.gather [hbm4b:s2+s18], $0x10, s22, s18, $0xb8;
	[tilespmem:$0x1FBA0] =	vst v63  }
.LBB2_6:
0x65: {  	_ =	swait.ge [sflag:s24], $0x1800  }
0x66: {  	[sflag:s24] =	ssyncset.done $0x0  }
0x67: {  	[sflag:s24] =	ssyncadd.s32 $0xFFFFE800  }
0x68: {  	_ =	swait.ge [sflag:s25], $0x800  }
0x69: {  	p0 =	seq.s32 s19, $0x0;
	[sflag:s25] =	ssyncset.done $0x0  }
0x6a: {  	s1 =	simm.s32 @!p0 $0x3;
	[sflag:s25] =	ssyncadd.s32 $0xFFFFF800  }
0x6b: {  	_ =	swait.ge @!p0 [sflag:s1], $0x2800  }
0x6c: {  	[sflag:s1] =	ssyncset.done @!p0 $0x0  }
0x6d: {  	s4 =	simm.s32 $0xA860;
	[sflag:s1] =	ssyncadd.s32 @!p0 $0xFFFFD800  }
0x6e: {  	s22 =	simm.s32 $0xD820;
	v7 =	vld [tilespmem:s4+$0xFFFFFFC0]  }
0x6f: {  	v8 =	vld [tilespmem:s22+$0xFFFFFFE0];
	_ =	sdelay $0x3  }
0x70: {  	v7 =	vshll.u32 v7, $0x10  }
0x71: {  	v8 =	vadd.f32 v7, v8;
	_ =	sdelay $0x1  }
0x72: {  	v9 =	vmul.f32 $2.000000030e-01, v8  }
0x73: {  	vm0 =	vgt.f32 v8, $0.0e+00  }
0x74: {  	v8 =	vsel vm0, v8, v9  }
0x75: {  	v8 =	vmul.f32 $1.442695020e+00, v8;
	_ =	sdelay $0x1  }
0x76: {  	(erf) = vpow2.f32 v8;
	_ =	sdelay $0x5  }
0x77: {  	v8 =	vld [tilespmem:s4+$0xFFFFFFB0];
	_ =	sdelay $0x1  }
0x78: {  	v9 =	vld [tilespmem:s4+$0xFFFFFFA0]  }
0x79: {  	v10 =	vpop (erf)  }
0x7a: {  	v11 =	vperm.xlane v10, v5  }
0x7b: {  	v13 =	vand.u32 $0xFFFF0000, v8;
	v12 =	vperm.xlane v10, v1  }
0x7c: {  	v14 =	vperm.xlane v10, v2;
	v11 =	vmul.f32 v13, v11  }
0x7d: {  	s1 =	simm.s32 $0xE8A0;
	v54 =	vshll.u32 v9, $0x10;
	v55 =	vperm.xlane v10, v4;
	v7 =	vmul.f32 v7, v12  }
0x7e: {  	v8 =	vshll.u32 v8, $0x10;
	v10 =	vperm.xlane v10, v3;
	v12 =	vmul.f32 v54, v14;
	[tilespmem:s1+$0xFFFFFF90] =	vst v11  }
0x7f: {  	v9 =	vand.u32 $0xFFFF0000, v9;
	[tilespmem:s1+$0xFFFFFFA0] =	vst v7;
	v7 =	vmul.f32 v8, v55  }
0x80: {  	v8 =	vmul.f32 v9, v10;
	[tilespmem:s1+$0xFFFFFF60] =	vst v12  }
0x81: {  	[tilespmem:s1+$0xFFFFFF80] =	vst v7  }
0x82: {  	[tilespmem:s1+$0xFFFFFF70] =	vst v8  }
0x83: {  	v7 =	vld [tilespmem:s4+$0xFFFFFFF0]  }
0x84: {  	v8 =	vld [tilespmem:s22+$0xFFFFFFF0];
	_ =	sdelay $0x3  }
0x85: {  	v7 =	vshll.u32 v7, $0x10  }
0x86: {  	v8 =	vadd.f32 v7, v8;
	_ =	sdelay $0x1  }
0x87: {  	v9 =	vmul.f32 $2.000000030e-01, v8  }
0x88: {  	vm13 =	vgt.f32 v8, $0.0e+00  }
0x89: {  	v8 =	vsel vm13, v8, v9  }
0x8a: {  	v8 =	vmul.f32 $1.442695020e+00, v8;
	_ =	sdelay $0x1  }
0x8b: {  	(erf) = vpow2.f32 v8;
	_ =	sdelay $0x5  }
0x8c: {  	v8 =	vld [tilespmem:s4+$0xFFFFFFD0];
	_ =	sdelay $0x2  }
0x8d: {  	v9 =	vld [tilespmem:s4+$0xFFFFFFE0];
	v10 =	vpop (erf)  }
0x8e: {  	v11 =	vperm.xlane v10, v2  }
0x8f: {  	v56 =	vshll.u32 v8, $0x10;
	v57 =	vperm.xlane v10, v3  }
0x90: {  	v8 =	vand.u32 $0xFFFF0000, v8;
	v59 =	vperm.xlane v10, v1;
	v11 =	vmul.f32 v56, v11  }
0x91: {  	v58 =	vperm.xlane v10, v4;
	v8 =	vmul.f32 v8, v57  }
0x92: {  	v15 =	vshll.u32 v9, $0x10;
	v10 =	vperm.xlane v10, v5;
	v7 =	vmul.f32 v7, v59;
	[tilespmem:s1+$0xFFFFFFB0] =	vst v11  }
0x93: {  	v9 =	vand.u32 $0xFFFF0000, v9;
	v11 =	vmul.f32 v15, v58;
	[tilespmem:s1+$0xFFFFFFC0] =	vst v8  }
0x94: {  	v8 =	vmul.f32 v9, v10;
	[tilespmem:s1+$0xFFFFFFF0] =	vst v7  }
0x95: {  	[tilespmem:s1+$0xFFFFFFD0] =	vst v11  }
0x96: {  	[tilespmem:s1+$0xFFFFFFE0] =	vst v8  }
0x97: {  	v7 =	vld [tilespmem:s4+$0x20]  }
0x98: {  	v8 =	vld [tilespmem:s22+$0x0];
	_ =	sdelay $0x3  }
0x99: {  	v7 =	vshll.u32 v7, $0x10  }
0x9a: {  	v8 =	vadd.f32 v7, v8;
	_ =	sdelay $0x1  }
0x9b: {  	v9 =	vmul.f32 $2.000000030e-01, v8  }
0x9c: {  	vm14 =	vgt.f32 v8, $0.0e+00  }
0x9d: {  	v8 =	vsel vm14, v8, v9  }
0x9e: {  	v8 =	vmul.f32 $1.442695020e+00, v8;
	_ =	sdelay $0x1  }
0x9f: {  	(erf) = vpow2.f32 v8;
	_ =	sdelay $0x6  }
0xa0: {  	v8 =	vld [tilespmem:s4+$0x0]  }
0xa1: {  	v9 =	vld [tilespmem:s4+$0x10]  }
0xa2: {  	v10 =	vpop (erf)  }
0xa3: {  	v11 =	vperm.xlane v10, v1  }
0xa4: {  	v60 =	vperm.xlane v10, v2  }
0xa5: {  	v62 =	vshll.u32 v8, $0x10;
	v61 =	vperm.xlane v10, v5;
	v7 =	vmul.f32 v7, v11  }
0xa6: {  	v63 =	vand.u32 $0xFFFF0000, v9;
	v11 =	vperm.xlane v10, v3;
	v12 =	vmul.f32 v62, v60  }
0xa7: {  	v8 =	vand.u32 $0xFFFF0000, v8;
	v10 =	vperm.xlane v10, v4;
	[tilespmem:s1+$0x40] =	vst v7;
	v7 =	vmul.f32 v63, v61  }
0xa8: {  	v9 =	vshll.u32 v9, $0x10;
	v8 =	vmul.f32 v8, v11;
	[tilespmem:s1+$0x0] =	vst v12  }
0xa9: {  	v9 =	vmul.f32 v9, v10;
	[tilespmem:s1+$0x30] =	vst v7  }
0xaa: {  	[tilespmem:s1+$0x10] =	vst v8  }
0xab: {  	[tilespmem:s1+$0x20] =	vst v9  }
0xac: {  	v7 =	vld [tilespmem:s4+$0x50]  }
0xad: {  	v9 =	vld [tilespmem:s22+$0x10];
	_ =	sdelay $0x3  }
0xae: {  	v8 =	vshll.u32 v7, $0x10  }
0xaf: {  	v7 =	vadd.f32 v8, v9;
	_ =	sdelay $0x1  }
0xb0: {  	v9 =	vmul.f32 $2.000000030e-01, v7  }
0xb1: {  	vm15 =	vgt.f32 v7, $0.0e+00  }
0xb2: {  	v7 =	vsel vm15, v7, v9  }
0xb3: {  	v10 =	vmul.f32 $1.442695020e+00, v7  }
0xb4: {  	s20 =	sshll.u32 s19, $0x8;
	v9 =	vld [tilespmem:s4+$0x40]  }
0xb5: {  	s16 =	simm.s32 $0x0;
	s6 =	simm.s32 $0xA920;
	v7 =	vld [tilespmem:s4+$0x30];
	s4 =	simm.s32 $0xE8A0;
	(erf) = vpow2.f32 v10  }
.LBB2_7:
0xb6: {  	s16 =	sadd.s32 $0x4, s16;
	s1 =	sadd.s32 $0x140, s1;
	s22 =	sadd.s32 $0x40, s22  }
0xb7: {  	p1 =	slt.u32 s16, $0x7C;
	_ =	sdelay $0x6  }
0xb8: {  	v10 =	vpop (erf)  }
0xb9: {  	v11 =	vand.u32 $0xFFFF0000, v9;
	v12 =	vperm.xlane v10, v1;
	v13 =	vperm.xlane v10, v2  }
0xba: {  	v9 =	vshll.u32 v9, $0x10;
	v14 =	vperm.xlane v10, v3;
	v15 =	vperm.xlane v10, v4  }
0xbb: {  	v16 =	vand.u32 $0xFFFF0000, v7;
	v10 =	vperm.xlane v10, v5;
	v8 =	vmul.f32 v8, v12  }
0xbc: {  	v7 =	vshll.u32 v7, $0x10;
	v12 =	vmul.f32 v16, v14;
	v9 =	vmul.f32 v9, v15  }
0xbd: {  	v7 =	vmul.f32 v7, v13;
	[tilespmem:s4+$0x90] =	vst v8;
	v8 =	vmul.f32 v11, v10  }
0xbe: {  	[tilespmem:s4+$0x60] =	vst v12  }
0xbf: {  	[tilespmem:s4+$0x70] =	vst v9  }
0xc0: {  	[tilespmem:s4+$0x80] =	vst v8  }
0xc1: {  	[tilespmem:s4+$0x50] =	vst v7;
	s4 =	smov.u32 s1  }
0xc2: {  	v7 =	vld [tilespmem:s6+$0xFFFFFFC0]  }
0xc3: {  	v8 =	vld [tilespmem:s22+$0xFFFFFFE0];
	_ =	sdelay $0x3  }
0xc4: {  	v7 =	vshll.u32 v7, $0x10  }
0xc5: {  	v8 =	vadd.f32 v7, v8;
	_ =	sdelay $0x1  }
0xc6: {  	v9 =	vmul.f32 $2.000000030e-01, v8  }
0xc7: {  	vm0 =	vgt.f32 v8, $0.0e+00  }
0xc8: {  	v8 =	vsel vm0, v8, v9  }
0xc9: {  	v8 =	vmul.f32 $1.442695020e+00, v8;
	_ =	sdelay $0x1  }
0xca: {  	(erf) = vpow2.f32 v8;
	_ =	sdelay $0x4  }
0xcb: {  	v8 =	vld [tilespmem:s6+$0xFFFFFFA0]  }
0xcc: {  	v9 =	vld [tilespmem:s6+$0xFFFFFFB0];
	_ =	sdelay $0x2  }
0xcd: {  	v10 =	vpop (erf)  }
0xce: {  	v11 =	vand.u32 $0xFFFF0000, v8;
	v12 =	vperm.xlane v10, v1;
	v13 =	vperm.xlane v10, v5  }
0xcf: {  	v15 =	vperm.xlane v10, v2;
	v16 =	vperm.xlane v10, v3;
	v14 =	vand.u32 $0xFFFF0000, v9  }
0xd0: {  	v7 =	vmul.f32 v7, v12;
	v12 =	vmul.f32 v14, v13  }
0xd1: {  	v8 =	vshll.u32 v8, $0x10;
	v10 =	vperm.xlane v10, v4;
	v11 =	vmul.f32 v11, v16  }
0xd2: {  	v9 =	vshll.u32 v9, $0x10;
	v8 =	vmul.f32 v8, v15;
	[tilespmem:s1+$0xFFFFFF90] =	vst v12  }
0xd3: {  	[tilespmem:s1+$0xFFFFFFA0] =	vst v7;
	v7 =	vmul.f32 v9, v10  }
0xd4: {  	[tilespmem:s1+$0xFFFFFF60] =	vst v8  }
0xd5: {  	[tilespmem:s1+$0xFFFFFF80] =	vst v7  }
0xd6: {  	[tilespmem:s1+$0xFFFFFF70] =	vst v11  }
0xd7: {  	v7 =	vld [tilespmem:s6+$0xFFFFFFF0]  }
0xd8: {  	v8 =	vld [tilespmem:s22+$0xFFFFFFF0];
	_ =	sdelay $0x3  }
0xd9: {  	v7 =	vshll.u32 v7, $0x10  }
0xda: {  	v8 =	vadd.f32 v7, v8;
	_ =	sdelay $0x1  }
0xdb: {  	v9 =	vmul.f32 $2.000000030e-01, v8  }
0xdc: {  	vm0 =	vgt.f32 v8, $0.0e+00  }
0xdd: {  	v8 =	vsel vm0, v8, v9  }
0xde: {  	v8 =	vmul.f32 $1.442695020e+00, v8;
	_ =	sdelay $0x1  }
0xdf: {  	(erf) = vpow2.f32 v8;
	_ =	sdelay $0x5  }
0xe0: {  	v8 =	vld [tilespmem:s6+$0xFFFFFFD0]  }
0xe1: {  	v9 =	vld [tilespmem:s6+$0xFFFFFFE0];
	_ =	sdelay $0x1  }
0xe2: {  	v10 =	vpop (erf)  }
0xe3: {  	v11 =	vperm.xlane v10, v1;
	v12 =	vperm.xlane v10, v2  }
0xe4: {  	v14 =	vperm.xlane v10, v3;
	v15 =	vperm.xlane v10, v4;
	v13 =	vshll.u32 v8, $0x10  }
0xe5: {  	v8 =	vand.u32 $0xFFFF0000, v8;
	v7 =	vmul.f32 v7, v11;
	v11 =	vmul.f32 v13, v12  }
0xe6: {  	v12 =	vshll.u32 v9, $0x10;
	v8 =	vmul.f32 v8, v14  }
0xe7: {  	v10 =	vperm.xlane v10, v5;
	[tilespmem:s1+$0xFFFFFFB0] =	vst v11;
	v11 =	vmul.f32 v12, v15  }
0xe8: {  	v9 =	vand.u32 $0xFFFF0000, v9;
	[tilespmem:s1+$0xFFFFFFC0] =	vst v8  }
0xe9: {  	v8 =	vmul.f32 v9, v10;
	[tilespmem:s1+$0xFFFFFFD0] =	vst v11  }
0xea: {  	[tilespmem:s1+$0xFFFFFFF0] =	vst v7  }
0xeb: {  	[tilespmem:s1+$0xFFFFFFE0] =	vst v8  }
0xec: {  	v7 =	vld [tilespmem:s6+$0x20]  }
0xed: {  	v8 =	vld [tilespmem:s22+$0x0];
	_ =	sdelay $0x3  }
0xee: {  	v7 =	vshll.u32 v7, $0x10  }
0xef: {  	v8 =	vadd.f32 v7, v8;
	_ =	sdelay $0x1  }
0xf0: {  	v9 =	vmul.f32 $2.000000030e-01, v8  }
0xf1: {  	vm0 =	vgt.f32 v8, $0.0e+00  }
0xf2: {  	v8 =	vsel vm0, v8, v9  }
0xf3: {  	v8 =	vmul.f32 $1.442695020e+00, v8;
	_ =	sdelay $0x1  }
0xf4: {  	(erf) = vpow2.f32 v8;
	_ =	sdelay $0x5  }
0xf5: {  	v8 =	vld [tilespmem:s6+$0x10]  }
0xf6: {  	v9 =	vld [tilespmem:s6+$0x0];
	_ =	sdelay $0x1  }
0xf7: {  	v10 =	vpop (erf)  }
0xf8: {  	v11 =	vperm.xlane v10, v1;
	v12 =	vperm.xlane v10, v5  }
0xf9: {  	v14 =	vperm.xlane v10, v3;
	v15 =	vperm.xlane v10, v4;
	v13 =	vshll.u32 v8, $0x10  }
0xfa: {  	v10 =	vperm.xlane v10, v2;
	v16 =	vshll.u32 v9, $0x10;
	v7 =	vmul.f32 v7, v11  }
0xfb: {  	v8 =	vand.u32 $0xFFFF0000, v8;
	v9 =	vand.u32 $0xFFFF0000, v9;
	v11 =	vmul.f32 v13, v15  }
0xfc: {  	v8 =	vmul.f32 v8, v12;
	[tilespmem:s1+$0x40] =	vst v7;
	v7 =	vmul.f32 v16, v10  }
0xfd: {  	v9 =	vmul.f32 v9, v14  }
0xfe: {  	[tilespmem:s1+$0x0] =	vst v7  }
0xff: {  	[tilespmem:s1+$0x30] =	vst v8  }
0x100: {  	[tilespmem:s1+$0x10] =	vst v9  }
0x101: {  	[tilespmem:s1+$0x20] =	vst v11  }
0x102: {  	v8 =	vld [tilespmem:s6+$0x50]  }
0x103: {  	v10 =	vld [tilespmem:s22+$0x10]  }
0x104: {  	v7 =	vld [tilespmem:s6+$0x30]  }
0x105: {  	v9 =	vld [tilespmem:s6+$0x40];
	_ =	sdelay $0x1  }
0x106: {  	v8 =	vshll.u32 v8, $0x10  }
0x107: {  	v10 =	vadd.f32 v8, v10;
	_ =	sdelay $0x1  }
0x108: {  	v11 =	vmul.f32 $2.000000030e-01, v10  }
.Ltmp4:
0x109: {  	vm0 =	vgt.f32 v10, $0.0e+00;
	(pc) =	sbr.rel @p1 .LBB2_7-.Ltmp4, $3  }
0x10a: {  	v10 =	vsel vm0, v10, v11  }
0x10b: {  	v10 =	vmul.f32 $1.442695020e+00, v10;
	_ =	sdelay $0x1  }
0x10c: {  	s6 =	sadd.s32 $0xC0, s6;
	(erf) = vpow2.f32 v10  }
0x10d: {  	_ =	sdelay $0x7  }
0x10e: {  	v10 =	vpop (erf)  }
0x10f: {  	v11 =	vperm.xlane v10, v1;
	v12 =	vperm.xlane v10, v3  }
0x110: {  	v13 =	vperm.xlane v10, v4;
	v15 =	vperm.xlane v10, v5  }
0x111: {  	v14 =	vand.u32 $0xFFFF0000, v7;
	v10 =	vperm.xlane v10, v2;
	v8 =	vmul.f32 v8, v11  }
0x112: {  	v7 =	vshll.u32 v7, $0x10;
	v12 =	vmul.f32 v14, v12  }
0x113: {  	v11 =	vshll.u32 v9, $0x10;
	v7 =	vmul.f32 v7, v10;
	[tilespmem:s4+$0x90] =	vst v8  }
0x114: {  	v9 =	vand.u32 $0xFFFF0000, v9;
	v11 =	vmul.f32 v11, v13;
	[tilespmem:s4+$0x60] =	vst v12  }
0x115: {  	v8 =	vmul.f32 v9, v15;
	[tilespmem:s4+$0x50] =	vst v7  }
0x116: {  	s22 =	sand.u32 $0x3FFFFF00, s20;
	[tilespmem:s4+$0x70] =	vst v11  }
0x117: {  	p1 =	seq.s32 s19, $0x53;
	s1 =	sadd.s32 $0x5400, s22;
	[tilespmem:s4+$0x80] =	vst v8  }
0x118: {  	[spmem:s3] =	stream.indirect.scatter.add.f32 [tilespmem:s17], [sflag:$0x3], $0x50, s1, s18, $0xb8;
	[tilespmem:$0x1FBA0] =	vst v63  }
0x119: {  	s6 =	simm.s32 @!p1 $0xA800;
	s4 =	simm.s32 @!p1 $0x80;
	s1 =	sadd.s32 @!p1 $0x100, s20  }
0x11a: {  	[tilespmem:s6], [sflag:$0x1] =	stream.indirect.gather @!p1 [hbm4b:s5+s4], $0x30, s1, s4, $0xb8;
	[tilespmem:$0x1FBA0] =	vst v63  }
0x11b: {  	s1 =	sadd.s32 @!p1 $0x5500, s20;
	s6 =	simm.s32 @!p1 $0xD800  }
0x11c: {  	[tilespmem:s6], [sflag:$0x2] =	stream.indirect.gather @!p1 [hbm4b:s2+s4], $0x10, s1, s4, $0xb8;
	[tilespmem:$0x1FBA0] =	vst v63  }
0x11d: {  	_ =	swait.ge [sflag:s26], $0x1800  }
0x11e: {  	[sflag:s26] =	ssyncset.done $0x0  }
0x11f: {  	[sflag:s26] =	ssyncadd.s32 $0xFFFFE800  }
0x120: {  	_ =	swait.ge [sflag:s28], $0x800  }
0x121: {  	[sflag:s28] =	ssyncset.done $0x0  }
0x122: {  	s1 =	simm.s32 @!p0 $0x6;
	[sflag:s28] =	ssyncadd.s32 $0xFFFFF800  }
0x123: {  	_ =	swait.ge @!p0 [sflag:s1], $0x2800  }
0x124: {  	[sflag:s1] =	ssyncset.done @!p0 $0x0  }
0x125: {  	s7 =	simm.s32 $0xC060;
	[sflag:s1] =	ssyncadd.s32 @!p0 $0xFFFFD800  }
0x126: {  	s1 =	simm.s32 $0xE020;
	v7 =	vld [tilespmem:s7+$0xFFFFFFC0]  }
0x127: {  	v8 =	vld [tilespmem:s1+$0xFFFFFFE0];
	_ =	sdelay $0x3  }
0x128: {  	v7 =	vshll.u32 v7, $0x10  }
0x129: {  	v8 =	vadd.f32 v7, v8;
	_ =	sdelay $0x1  }
0x12a: {  	v9 =	vmul.f32 $2.000000030e-01, v8  }
0x12b: {  	vm0 =	vgt.f32 v8, $0.0e+00  }
0x12c: {  	v8 =	vsel vm0, v8, v9  }
0x12d: {  	v8 =	vmul.f32 $1.442695020e+00, v8;
	_ =	sdelay $0x1  }
0x12e: {  	(erf) = vpow2.f32 v8;
	_ =	sdelay $0x5  }
0x12f: {  	v8 =	vld [tilespmem:s7+$0xFFFFFFB0];
	_ =	sdelay $0x1  }
0x130: {  	v9 =	vld [tilespmem:s7+$0xFFFFFFA0]  }
0x131: {  	v10 =	vpop (erf)  }
0x132: {  	v11 =	vperm.xlane v10, v5  }
0x133: {  	v51 =	vand.u32 $0xFFFF0000, v8;
	v50 =	vperm.xlane v10, v1  }
0x134: {  	v52 =	vperm.xlane v10, v2;
	v11 =	vmul.f32 v51, v11  }
0x135: {  	s4 =	simm.s32 $0x110A0;
	v53 =	vshll.u32 v9, $0x10;
	v54 =	vperm.xlane v10, v4;
	v7 =	vmul.f32 v7, v50  }
0x136: {  	v8 =	vshll.u32 v8, $0x10;
	v10 =	vperm.xlane v10, v3;
	v12 =	vmul.f32 v53, v52;
	[tilespmem:s4+$0xFFFFFF90] =	vst v11  }
0x137: {  	v9 =	vand.u32 $0xFFFF0000, v9;
	[tilespmem:s4+$0xFFFFFFA0] =	vst v7;
	v7 =	vmul.f32 v8, v54  }
0x138: {  	v8 =	vmul.f32 v9, v10;
	[tilespmem:s4+$0xFFFFFF60] =	vst v12  }
0x139: {  	[tilespmem:s4+$0xFFFFFF80] =	vst v7  }
0x13a: {  	[tilespmem:s4+$0xFFFFFF70] =	vst v8  }
0x13b: {  	v7 =	vld [tilespmem:s7+$0xFFFFFFF0]  }
0x13c: {  	v8 =	vld [tilespmem:s1+$0xFFFFFFF0];
	_ =	sdelay $0x3  }
0x13d: {  	v7 =	vshll.u32 v7, $0x10  }
0x13e: {  	v8 =	vadd.f32 v7, v8;
	_ =	sdelay $0x1  }
0x13f: {  	v9 =	vmul.f32 $2.000000030e-01, v8  }
0x140: {  	vm13 =	vgt.f32 v8, $0.0e+00  }
0x141: {  	v8 =	vsel vm13, v8, v9  }
0x142: {  	v8 =	vmul.f32 $1.442695020e+00, v8;
	_ =	sdelay $0x1  }
0x143: {  	(erf) = vpow2.f32 v8;
	_ =	sdelay $0x5  }
0x144: {  	v8 =	vld [tilespmem:s7+$0xFFFFFFD0];
	_ =	sdelay $0x2  }
0x145: {  	v9 =	vld [tilespmem:s7+$0xFFFFFFE0];
	v10 =	vpop (erf)  }
0x146: {  	v11 =	vperm.xlane v10, v2  }
0x147: {  	v55 =	vshll.u32 v8, $0x10;
	v56 =	vperm.xlane v10, v3  }
0x148: {  	v8 =	vand.u32 $0xFFFF0000, v8;
	v58 =	vperm.xlane v10, v1;
	v11 =	vmul.f32 v55, v11  }
0x149: {  	v57 =	vperm.xlane v10, v4;
	v8 =	vmul.f32 v8, v56  }
0x14a: {  	v59 =	vshll.u32 v9, $0x10;
	v10 =	vperm.xlane v10, v5;
	v7 =	vmul.f32 v7, v58;
	[tilespmem:s4+$0xFFFFFFB0] =	vst v11  }
0x14b: {  	v9 =	vand.u32 $0xFFFF0000, v9;
	v11 =	vmul.f32 v59, v57;
	[tilespmem:s4+$0xFFFFFFC0] =	vst v8  }
0x14c: {  	v8 =	vmul.f32 v9, v10;
	[tilespmem:s4+$0xFFFFFFF0] =	vst v7  }
0x14d: {  	[tilespmem:s4+$0xFFFFFFD0] =	vst v11  }
0x14e: {  	[tilespmem:s4+$0xFFFFFFE0] =	vst v8  }
0x14f: {  	v7 =	vld [tilespmem:s7+$0x20]  }
0x150: {  	v8 =	vld [tilespmem:s1+$0x0];
	_ =	sdelay $0x3  }
0x151: {  	v7 =	vshll.u32 v7, $0x10  }
0x152: {  	v8 =	vadd.f32 v7, v8;
	_ =	sdelay $0x1  }
0x153: {  	v9 =	vmul.f32 $2.000000030e-01, v8  }
0x154: {  	vm14 =	vgt.f32 v8, $0.0e+00  }
0x155: {  	v8 =	vsel vm14, v8, v9  }
0x156: {  	v8 =	vmul.f32 $1.442695020e+00, v8;
	_ =	sdelay $0x1  }
0x157: {  	(erf) = vpow2.f32 v8;
	_ =	sdelay $0x6  }
0x158: {  	v8 =	vld [tilespmem:s7+$0x0]  }
0x159: {  	v9 =	vld [tilespmem:s7+$0x10]  }
0x15a: {  	v10 =	vpop (erf)  }
0x15b: {  	v11 =	vperm.xlane v10, v1  }
0x15c: {  	v60 =	vperm.xlane v10, v2  }
0x15d: {  	v62 =	vshll.u32 v8, $0x10;
	v61 =	vperm.xlane v10, v5;
	v7 =	vmul.f32 v7, v11  }
0x15e: {  	v63 =	vand.u32 $0xFFFF0000, v9;
	v11 =	vperm.xlane v10, v3;
	v12 =	vmul.f32 v62, v60  }
0x15f: {  	v8 =	vand.u32 $0xFFFF0000, v8;
	v10 =	vperm.xlane v10, v4;
	[tilespmem:s4+$0x40] =	vst v7;
	v7 =	vmul.f32 v63, v61  }
0x160: {  	v9 =	vshll.u32 v9, $0x10;
	v8 =	vmul.f32 v8, v11;
	[tilespmem:s4+$0x0] =	vst v12  }
0x161: {  	v9 =	vmul.f32 v9, v10;
	[tilespmem:s4+$0x30] =	vst v7  }
0x162: {  	[tilespmem:s4+$0x10] =	vst v8  }
0x163: {  	[tilespmem:s4+$0x20] =	vst v9  }
0x164: {  	v7 =	vld [tilespmem:s7+$0x50]  }
0x165: {  	v9 =	vld [tilespmem:s1+$0x10];
	_ =	sdelay $0x3  }
0x166: {  	v8 =	vshll.u32 v7, $0x10  }
0x167: {  	v7 =	vadd.f32 v8, v9;
	_ =	sdelay $0x1  }
0x168: {  	v9 =	vmul.f32 $2.000000030e-01, v7  }
0x169: {  	vm15 =	vgt.f32 v7, $0.0e+00  }
0x16a: {  	v7 =	vsel vm15, v7, v9  }
0x16b: {  	v10 =	vmul.f32 $1.442695020e+00, v7  }
0x16c: {  	v9 =	vld [tilespmem:s7+$0x40]  }
0x16d: {  	s16 =	simm.s32 $0x110A0;
	s6 =	simm.s32 $0x0;
	v7 =	vld [tilespmem:s7+$0x30];
	s7 =	simm.s32 $0xC120;
	(erf) = vpow2.f32 v10  }
.LBB2_9:
0x16e: {  	s6 =	sadd.s32 $0x4, s6;
	s4 =	sadd.s32 $0x140, s4;
	s1 =	sadd.s32 $0x40, s1  }
0x16f: {  	p0 =	slt.u32 s6, $0x7C;
	_ =	sdelay $0x6  }
0x170: {  	v10 =	vpop (erf)  }
0x171: {  	v11 =	vand.u32 $0xFFFF0000, v9;
	v12 =	vperm.xlane v10, v1;
	v13 =	vperm.xlane v10, v2  }
0x172: {  	v9 =	vshll.u32 v9, $0x10;
	v14 =	vperm.xlane v10, v3;
	v15 =	vperm.xlane v10, v4  }
0x173: {  	v16 =	vand.u32 $0xFFFF0000, v7;
	v10 =	vperm.xlane v10, v5;
	v8 =	vmul.f32 v8, v12  }
0x174: {  	v7 =	vshll.u32 v7, $0x10;
	v12 =	vmul.f32 v16, v14;
	v9 =	vmul.f32 v9, v15  }
0x175: {  	v7 =	vmul.f32 v7, v13;
	[tilespmem:s16+$0x90] =	vst v8;
	v8 =	vmul.f32 v11, v10  }
0x176: {  	[tilespmem:s16+$0x60] =	vst v12  }
0x177: {  	[tilespmem:s16+$0x70] =	vst v9  }
0x178: {  	[tilespmem:s16+$0x80] =	vst v8  }
0x179: {  	[tilespmem:s16+$0x50] =	vst v7;
	s16 =	smov.u32 s4  }
0x17a: {  	v7 =	vld [tilespmem:s7+$0xFFFFFFC0]  }
0x17b: {  	v8 =	vld [tilespmem:s1+$0xFFFFFFE0];
	_ =	sdelay $0x3  }
0x17c: {  	v7 =	vshll.u32 v7, $0x10  }
0x17d: {  	v8 =	vadd.f32 v7, v8;
	_ =	sdelay $0x1  }
0x17e: {  	v9 =	vmul.f32 $2.000000030e-01, v8  }
0x17f: {  	vm0 =	vgt.f32 v8, $0.0e+00  }
0x180: {  	v8 =	vsel vm0, v8, v9  }
0x181: {  	v8 =	vmul.f32 $1.442695020e+00, v8;
	_ =	sdelay $0x1  }
0x182: {  	(erf) = vpow2.f32 v8;
	_ =	sdelay $0x4  }
0x183: {  	v8 =	vld [tilespmem:s7+$0xFFFFFFA0]  }
0x184: {  	v9 =	vld [tilespmem:s7+$0xFFFFFFB0];
	_ =	sdelay $0x2  }
0x185: {  	v10 =	vpop (erf)  }
0x186: {  	v11 =	vand.u32 $0xFFFF0000, v8;
	v12 =	vperm.xlane v10, v1;
	v13 =	vperm.xlane v10, v5  }
0x187: {  	v15 =	vperm.xlane v10, v2;
	v16 =	vperm.xlane v10, v3;
	v14 =	vand.u32 $0xFFFF0000, v9  }
0x188: {  	v7 =	vmul.f32 v7, v12;
	v12 =	vmul.f32 v14, v13  }
0x189: {  	v8 =	vshll.u32 v8, $0x10;
	v10 =	vperm.xlane v10, v4;
	v11 =	vmul.f32 v11, v16  }
0x18a: {  	v9 =	vshll.u32 v9, $0x10;
	v8 =	vmul.f32 v8, v15;
	[tilespmem:s4+$0xFFFFFF90] =	vst v12  }
0x18b: {  	[tilespmem:s4+$0xFFFFFFA0] =	vst v7;
	v7 =	vmul.f32 v9, v10  }
0x18c: {  	[tilespmem:s4+$0xFFFFFF60] =	vst v8  }
0x18d: {  	[tilespmem:s4+$0xFFFFFF80] =	vst v7  }
0x18e: {  	[tilespmem:s4+$0xFFFFFF70] =	vst v11  }
0x18f: {  	v7 =	vld [tilespmem:s7+$0xFFFFFFF0]  }
0x190: {  	v8 =	vld [tilespmem:s1+$0xFFFFFFF0];
	_ =	sdelay $0x3  }
0x191: {  	v7 =	vshll.u32 v7, $0x10  }
0x192: {  	v8 =	vadd.f32 v7, v8;
	_ =	sdelay $0x1  }
0x193: {  	v9 =	vmul.f32 $2.000000030e-01, v8  }
0x194: {  	vm0 =	vgt.f32 v8, $0.0e+00  }
0x195: {  	v8 =	vsel vm0, v8, v9  }
0x196: {  	v8 =	vmul.f32 $1.442695020e+00, v8;
	_ =	sdelay $0x1  }
0x197: {  	(erf) = vpow2.f32 v8;
	_ =	sdelay $0x5  }
0x198: {  	v8 =	vld [tilespmem:s7+$0xFFFFFFD0]  }
0x199: {  	v9 =	vld [tilespmem:s7+$0xFFFFFFE0];
	_ =	sdelay $0x1  }
0x19a: {  	v10 =	vpop (erf)  }
0x19b: {  	v11 =	vperm.xlane v10, v1;
	v12 =	vperm.xlane v10, v2  }
0x19c: {  	v14 =	vperm.xlane v10, v3;
	v15 =	vperm.xlane v10, v4;
	v13 =	vshll.u32 v8, $0x10  }
0x19d: {  	v8 =	vand.u32 $0xFFFF0000, v8;
	v7 =	vmul.f32 v7, v11;
	v11 =	vmul.f32 v13, v12  }
0x19e: {  	v12 =	vshll.u32 v9, $0x10;
	v8 =	vmul.f32 v8, v14  }
0x19f: {  	v10 =	vperm.xlane v10, v5;
	[tilespmem:s4+$0xFFFFFFB0] =	vst v11;
	v11 =	vmul.f32 v12, v15  }
0x1a0: {  	v9 =	vand.u32 $0xFFFF0000, v9;
	[tilespmem:s4+$0xFFFFFFC0] =	vst v8  }
0x1a1: {  	v8 =	vmul.f32 v9, v10;
	[tilespmem:s4+$0xFFFFFFD0] =	vst v11  }
0x1a2: {  	[tilespmem:s4+$0xFFFFFFF0] =	vst v7  }
0x1a3: {  	[tilespmem:s4+$0xFFFFFFE0] =	vst v8  }
0x1a4: {  	v7 =	vld [tilespmem:s7+$0x20]  }
0x1a5: {  	v8 =	vld [tilespmem:s1+$0x0];
	_ =	sdelay $0x3  }
0x1a6: {  	v7 =	vshll.u32 v7, $0x10  }
0x1a7: {  	v8 =	vadd.f32 v7, v8;
	_ =	sdelay $0x1  }
0x1a8: {  	v9 =	vmul.f32 $2.000000030e-01, v8  }
0x1a9: {  	vm0 =	vgt.f32 v8, $0.0e+00  }
0x1aa: {  	v8 =	vsel vm0, v8, v9  }
0x1ab: {  	v8 =	vmul.f32 $1.442695020e+00, v8;
	_ =	sdelay $0x1  }
0x1ac: {  	(erf) = vpow2.f32 v8;
	_ =	sdelay $0x5  }
0x1ad: {  	v8 =	vld [tilespmem:s7+$0x10]  }
0x1ae: {  	v9 =	vld [tilespmem:s7+$0x0];
	_ =	sdelay $0x1  }
0x1af: {  	v10 =	vpop (erf)  }
0x1b0: {  	v11 =	vperm.xlane v10, v1;
	v12 =	vperm.xlane v10, v5  }
0x1b1: {  	v14 =	vperm.xlane v10, v3;
	v15 =	vperm.xlane v10, v4;
	v13 =	vshll.u32 v8, $0x10  }
0x1b2: {  	v10 =	vperm.xlane v10, v2;
	v16 =	vshll.u32 v9, $0x10;
	v7 =	vmul.f32 v7, v11  }
0x1b3: {  	v8 =	vand.u32 $0xFFFF0000, v8;
	v9 =	vand.u32 $0xFFFF0000, v9;
	v11 =	vmul.f32 v13, v15  }
0x1b4: {  	v8 =	vmul.f32 v8, v12;
	[tilespmem:s4+$0x40] =	vst v7;
	v7 =	vmul.f32 v16, v10  }
0x1b5: {  	v9 =	vmul.f32 v9, v14  }
0x1b6: {  	[tilespmem:s4+$0x0] =	vst v7  }
0x1b7: {  	[tilespmem:s4+$0x30] =	vst v8  }
0x1b8: {  	[tilespmem:s4+$0x10] =	vst v9  }
0x1b9: {  	[tilespmem:s4+$0x20] =	vst v11  }
0x1ba: {  	v8 =	vld [tilespmem:s7+$0x50]  }
0x1bb: {  	v10 =	vld [tilespmem:s1+$0x10]  }
0x1bc: {  	v7 =	vld [tilespmem:s7+$0x30]  }
0x1bd: {  	v9 =	vld [tilespmem:s7+$0x40];
	_ =	sdelay $0x1  }
0x1be: {  	v8 =	vshll.u32 v8, $0x10  }
0x1bf: {  	v10 =	vadd.f32 v8, v10;
	_ =	sdelay $0x1  }
0x1c0: {  	v11 =	vmul.f32 $2.000000030e-01, v10  }
.Ltmp5:
0x1c1: {  	vm0 =	vgt.f32 v10, $0.0e+00;
	(pc) =	sbr.rel @p0 .LBB2_9-.Ltmp5, $3  }
0x1c2: {  	v10 =	vsel vm0, v10, v11  }
0x1c3: {  	v10 =	vmul.f32 $1.442695020e+00, v10;
	_ =	sdelay $0x1  }
0x1c4: {  	s7 =	sadd.s32 $0xC0, s7;
	(erf) = vpow2.f32 v10  }
0x1c5: {  	_ =	sdelay $0x7  }
0x1c6: {  	v10 =	vpop (erf)  }
0x1c7: {  	v11 =	vperm.xlane v10, v1  }
0x1c8: {  	v12 =	vperm.xlane v10, v3;
	v13 =	vperm.xlane v10, v4  }
0x1c9: {  	v14 =	vand.u32 $0xFFFF0000, v7;
	v15 =	vperm.xlane v10, v5;
	v8 =	vmul.f32 v8, v11  }
0x1ca: {  	v62 =	vshll.u32 v9, $0x10;
	v10 =	vperm.xlane v10, v2;
	v12 =	vmul.f32 v14, v12  }
0x1cb: {  	v7 =	vshll.u32 v7, $0x10;
	v11 =	vmul.f32 v62, v13;
	[tilespmem:s16+$0x90] =	vst v8  }
.Ltmp6:
0x1cc: {  	v63 =	vand.u32 $0xFFFF0000, v9;
	v7 =	vmul.f32 v7, v10;
	[tilespmem:s16+$0x60] =	vst v12;
	(pc) =	sbr.rel @p1 .LBB2_12-.Ltmp6, $4  }
0x1cd: {  	v8 =	vmul.f32 v63, v15;
	[tilespmem:s16+$0x70] =	vst v11  }
0x1ce: {  	[tilespmem:s16+$0x50] =	vst v7  }
0x1cf: {  	s1 =	sadd.s32 $0x5480, s22;
	[tilespmem:s16+$0x80] =	vst v8  }
0x1d0: {  	[spmem:s3] =	stream.indirect.scatter.add.f32 [tilespmem:s29], [sflag:$0x6], $0x50, s1, s18, $0xb8;
	[tilespmem:$0x1FBA0] =	vst v63  }
.Ltmp7:
0x1d1: {  	(pc) =	sbr.rel .LBB2_6-.Ltmp7, $4  }
0x1d2: {  	s1 =	sadd.s32 $0x180, s20  }
0x1d3: {  	[tilespmem:s21], [sflag:$0x4] =	stream.indirect.gather [hbm4b:s5+s18], $0x30, s1, s18, $0xb8;
	[tilespmem:$0x1FBA0] =	vst v63  }
0x1d4: {  	s22 =	sadd.s32 $0x5580, s20;
	s19 =	sadd.s32 $0x1, s19  }
0x1d5: {  	[tilespmem:s23], [sflag:$0x5] =	stream.indirect.gather [hbm4b:s2+s18], $0x10, s22, s18, $0xb8;
	[tilespmem:$0x1FBA0] =	vst v63  }
.LBB2_13:
0x1d6: {  	_ =	sfence.sel $0x180000  }
0x1d7: {  	[bflag:$0x0] =	sbarrier.arrive $0xFFFF  }
0x1d8: {  	_ =	strace $0x90000047  }
0x1d9: {  	s0 =	stileid.u32;
	[bflag:$0x2] =	sbarrier.arrive $0xFFFF  }
0x1da: {  	p0 =	sne.s32 s0, $0x0;
	s0 =	rddreg [dreg:$0x3]  }
0x1db: {  	s0 =	sadd.s32 @!p0 $0x100000, s0  }
0x1dc: {  	[sflag:s0] =	ssyncadd.tile.s32 @!p0 $0x1;
	_ =	shalt  }
.Lfunc_end2:
_tile_overlayer_lowered:
.L_overlay_start_2:
0x1dd: {  	(tag) =	ssettag $0x2  }
0x1de: {  	s0 =	rddreg [dreg:$0x0];
	s2 =	stileid.u32  }
0x1df: {  	s1 =	rddreg [dreg:$0x1];
	p0 =	sne.s32 s2, $0x0  }
0x1e0: {  	s3 =	rddreg [dreg:$0x2];
	[bflag:$0x3] =	sbarrier.arrive $0xFFFF;
	s2 =	simm.s32 @!p0 $0x1C07  }
0x1e1: {  	[timem:s3], [sflag:s2] =	dma.local @!p0 [hbm:s0], s1  }
0x1e2: {  	s0 =	simm.s32 @!p0 $0x7  }
0x1e3: {  	_ =	swait.ge @!p0 [sflag:s0], s1  }
0x1e4: {  	s1 =	ssub.s32 @!p0 $0x0, s1;
	[sflag:s0] =	ssyncset.done @!p0 $0x0  }
0x1e5: {  	[sflag:s0] =	ssyncadd.s32 @!p0 s1  }
0x1e6: {  	[bflag:$0x3] =	sbarrier.arrive $0xFFFF  }
0x1e7: {  	_ =	shalt  }

</sc_bundles>
